<compile_context>
chip_gen: v7x
topology: tpu7x:2x2x1
jax: 0.10.2.dev20260603
libtpu: 0.0.44.dev20260713+nightly
codegen_flags: <defaults>
</compile_context>

<pallas_src>
import jax
import jax.numpy as jnp
from jax import lax
from jax.experimental import pallas as pl
from jax.experimental.pallas import tpu as pltpu
from jax.experimental.pallas import tpu_sc as plsc

_V0 = 1.0
_W0 = 1.0
_N = 100000
_E = 6400000

_LANE = 128
_ROWS = 782
_NP = _ROWS * _LANE

_NC = 2
_NS = 16
_K = 10
_CE = _K * _LANE

_CH_TILES = 8
_CH_EDGES = _E // _CH_TILES
_CH_CHUNKS = _CH_EDGES // _CE


def _al(v):
    return pl.multiple_of(v, 8)


def _pre_body(x0_ref, x1_ref, f_ref):
    x0 = x0_ref[...]
    x1 = x1_ref[...]
    f_ref[0] = jnp.cos(x0)
    f_ref[1] = jnp.cos(x1)
    f_ref[2] = jnp.sin(x0)
    f_ref[3] = jnp.sin(x1)


_pre_call = pl.pallas_call(
    _pre_body,
    out_shape=jax.ShapeDtypeStruct((4, _ROWS, _LANE), jnp.float32),
)


def _epi_body(p_ref, t_ref, v0_ref, v1_ref, w_ref):
    tv = t_ref[...]
    ct = jnp.cos(tv)
    st = jnp.sin(tv)
    sc0 = p_ref[0, 0]
    sc1 = p_ref[0, 1]
    ss0 = p_ref[1, 0]
    ss1 = p_ref[1, 1]
    m0 = ct * sc0 + st * ss0
    m1 = ct * sc1 + st * ss1
    m2 = ct * ss0 - st * sc0
    m3 = ct * ss1 - st * sc1
    norm = jnp.sqrt(m0 * m0 + m1 * m1 + m2 * m2 + m3 * m3)
    w_ref[...] = _W0 * (m1 / jnp.maximum(norm, 1e-12))
    v0_ref[...] = _V0 * ct
    v1_ref[...] = _V0 * st


_epi_call = pl.pallas_call(
    _epi_body,
    out_shape=(
        jax.ShapeDtypeStruct((_ROWS, _LANE), jnp.float32),
        jax.ShapeDtypeStruct((_ROWS, _LANE), jnp.float32),
        jax.ShapeDtypeStruct((_ROWS, _LANE), jnp.float32),
    ),
)


def _sc_body(ftab_hbm, edges_hbm, zero_hbm, out_hbm,
             ftab_v, src_v, dst_v, idx_v, val_v, acc,
             sem_a, sem_b, sem_add):
    c = lax.axis_index("c")
    s = lax.axis_index("s")
    wid = c * _NS + s
    ch = 2 * c + s // _CH_TILES
    slot = s // _CH_TILES
    rank = s % _CH_TILES
    sems = (sem_a, sem_b)

    pltpu.sync_copy(ftab_hbm.at[pl.ds(_al(ch * _NP), _NP)], ftab_v)

    @pl.when(s == 0)
    def _():
        pltpu.sync_copy(zero_hbm, acc)

    plsc.subcore_barrier()

    choff = slot * _NP

    def process_rows(b, off):
        for j in range(_K):
            for l in range(_LANE // 16):
                sl = pl.ds(j * _LANE + l * 16, 16)
                sl2 = pl.ds(l * 16, 16)
                idx_v[j, sl2] = dst_v[b, sl] + off
                val_v[j, sl2] = plsc.load_gather(ftab_v, [src_v[b, sl]])
            pltpu.async_copy(val_v.at[j], acc.at[idx_v.at[j]],
                             sem_add, add=True)

    def drain_rows():
        for j in range(_K):
            pltpu.make_async_copy(val_v.at[j], acc.at[idx_v.at[j]],
                                  sem_add).wait()

    e0 = rank * _CH_EDGES
    for b in range(2):
        pltpu.async_copy(edges_hbm.at[pl.ds(e0 + b * _CE, _CE)],
                         src_v.at[b], sems[b])
        pltpu.async_copy(edges_hbm.at[pl.ds(_E + e0 + b * _CE, _CE)],
                         dst_v.at[b], sems[b])

    last_ch = _CH_CHUNKS - 1

    @pl.loop(0, _CH_CHUNKS, step=2)
    def _ch_chunks(g):
        for b in range(2):
            gb = g + b

            @pl.when(gb <= last_ch)
            def _():
                rb = _al(e0 + gb * _CE)
                pltpu.make_async_copy(edges_hbm.at[pl.ds(rb, _CE)],
                                      src_v.at[b], sems[b]).wait()
                pltpu.make_async_copy(edges_hbm.at[pl.ds(_E + rb, _CE)],
                                      dst_v.at[b], sems[b]).wait()

                @pl.when(gb > 0)
                def _():
                    drain_rows()

                process_rows(b, choff)

                @pl.when(gb + 2 <= last_ch)
                def _():
                    nb = _al(e0 + (gb + 2) * _CE)
                    pltpu.async_copy(edges_hbm.at[pl.ds(nb, _CE)],
                                     src_v.at[b], sems[b])
                    pltpu.async_copy(edges_hbm.at[pl.ds(_E + nb, _CE)],
                                     dst_v.at[b], sems[b])

    drain_rows()
    plsc.subcore_barrier()

    @pl.when(s == 0)
    def _():
        pltpu.sync_copy(acc, out_hbm.at[pl.ds(_al(c * 2 * _NP), 2 * _NP)])


_sc_call = pl.kernel(
    _sc_body,
    out_type=jax.ShapeDtypeStruct((_NC * 2 * _NP,), jnp.float32),
    mesh=plsc.VectorSubcoreMesh(core_axis_name="c", subcore_axis_name="s"),
    compiler_params=pltpu.CompilerParams(needs_layout_passes=False),
    scratch_types=[
        pltpu.VMEM((_NP,), jnp.float32),
        pltpu.VMEM((2, _CE), jnp.int32),
        pltpu.VMEM((2, _CE), jnp.int32),
        pltpu.VMEM((_K, _LANE), jnp.int32),
        pltpu.VMEM((_K, _LANE), jnp.float32),
        pltpu.VMEM_SHARED((2 * _NP,), jnp.float32),
        pltpu.SemaphoreType.DMA,
        pltpu.SemaphoreType.DMA,
        pltpu.SemaphoreType.DMA,
    ],
)


@jax.jit
def kernel(x, theta, edge_index):
    x = x.astype(jnp.float32)
    theta = theta.astype(jnp.float32)
    pad = _NP - _N
    x0 = jnp.pad(x[:, 0], (0, pad)).reshape(_ROWS, _LANE)
    x1 = jnp.pad(x[:, 1], (0, pad)).reshape(_ROWS, _LANE)
    tp = jnp.pad(theta[:, 0], (0, pad)).reshape(_ROWS, _LANE)

    ftab = _pre_call(x0, x1).reshape(4 * _NP)
    edges = edge_index.reshape(2 * _E)
    zeros = jnp.zeros((2 * _NP,), jnp.float32)

    part = _sc_call(ftab, edges, zeros)
    pp = part.reshape(_NC, 2, _ROWS, _LANE)

    v0, v1, w = _epi_call(pp, tp)
    v = jnp.stack([v0.reshape(-1)[:_N], v1.reshape(-1)[:_N]], axis=-1)
    wq = w.reshape(-1)[:_N][:, None]
    return (v, wq)

# --- scband reference (transcript-rebuilt; emitter-appended) ---
"""Pipeline reference for scband-interaction-module-15015205666999 (READ-ONLY COPY).

The authoritative reference and input builder live on the scoring server;
editing this copy changes nothing except your own understanding.
"""

import jax, jax.numpy as jnp
import numpy as np

V0 = 1.0
W0 = 1.0
SIGMA = 0.1
N = 100000
E = 6400000


def setup_inputs(seed: int = 0) -> dict:
    key = jax.random.key(seed)
    k1, k2, k3 = jax.random.split(key, 3)
    x = jax.random.normal(k1, (N, 2), dtype=jnp.float32)
    theta = jax.random.normal(k2, (N, 1), dtype=jnp.float32)
    edge_index = jax.random.randint(k3, (2, E), 0, N, dtype=jnp.int32)
    return {"x": x, "theta": theta, "edge_index": edge_index}


def reference(x, theta, edge_index):
    src = edge_index[0]
    dst = edge_index[1]
    # node velocity: v0 * [cos(theta), sin(theta)]
    v = V0 * jnp.concatenate([jnp.cos(theta), jnp.sin(theta)], axis=-1)  # [N, 2]
    # calc_message: dtheta = src position - dst polarity (broadcast [E,2]-[E,1])
    dtheta = jnp.take(x, src, axis=0) - jnp.take(theta, dst, axis=0)  # [E, 2]
    m = jnp.concatenate([jnp.cos(dtheta), jnp.sin(dtheta)], axis=-1)  # [E, 4]
    # aggregate_message: mean over mailbox (incoming edges per dst node)
    sum_m = jax.ops.segment_sum(m, dst, num_segments=N)  # [N, 4]
    cnt = jax.ops.segment_sum(jnp.ones((E, 1), dtype=jnp.float32), dst, num_segments=N)  # [N, 1]
    mean_cs = sum_m / jnp.maximum(cnt, 1.0)
    # F.normalize(mean_cs, dim=-1) with eps 1e-12, then take component 1
    norm = jnp.linalg.norm(mean_cs, axis=-1, keepdims=True)
    normalized = mean_cs / jnp.maximum(norm, 1e-12)
    w = W0 * normalized[..., 1:2]  # [N, 1] torque
    return (v, w)

if __name__ == "__main__":
    import jax
    _d = setup_inputs()
    print(jax.jit(kernel)(*tuple(_d.values())))

</pallas_src>

<mosaic_0001>
#map = affine_map<(d0, d1) -> (0)>
module attributes {stable_mosaic.version = 14 : i64} {
  func.func @_sc_body(%arg0: i32, %arg1: i32, %arg2: memref<400384xf32, #tpu.memory_space<hbm>>, %arg3: memref<12800000xi32, #tpu.memory_space<hbm>>, %arg4: memref<200192xf32, #tpu.memory_space<hbm>>, %arg5: memref<400384xf32, #tpu.memory_space<hbm>>, %arg6: memref<100096xf32, #tpu.memory_space<vmem>>, %arg7: memref<2x1280xi32, #tpu.memory_space<vmem>>, %arg8: memref<2x1280xi32, #tpu.memory_space<vmem>>, %arg9: memref<10x128xi32, #tpu.memory_space<vmem>>, %arg10: memref<10x128xf32, #tpu.memory_space<vmem>>, %arg11: memref<200192xf32, #tpu.memory_space<vmem_shared>>, %arg12: memref<!tpu.dma_semaphore, #tpu.memory_space<semaphore_mem>>, %arg13: memref<!tpu.dma_semaphore, #tpu.memory_space<semaphore_mem>>, %arg14: memref<!tpu.dma_semaphore, #tpu.memory_space<semaphore_mem>>) attributes {dimension_semantics = [#tpu.dimension_semantics<core_parallel>, #tpu.dimension_semantics<subcore_parallel>], iteration_bounds = array<i64: 2, 16>, scalar_prefetch = 0 : i64, scratch_operands = 9 : i64, tpu.core_type = #tpu.core_type<sc_vector_subcore>, window_params = [{transform_indices = #map}, {transform_indices = #map}, {transform_indices = #map}, {transform_indices = #map}]} {
    %mul3A = arith.constant 16 : i32
    %mul3A_0 = arith.muli %arg0, %mul3A : i32
    %add3A = arith.addi %mul3A_0, %arg1 : i32
    %mul3A_1 = arith.constant 2 : i32
    %mul3A_2 = arith.muli %mul3A_1, %arg0 : i32
    %jit3A = arith.constant 8 : i32
    %div3A = arith.divsi %arg1, %jit3A : i32
    %sign3A = arith.constant 0 : i32
    %sign3A_3 = arith.cmpi sgt, %arg1, %sign3A : i32
    %sign3A_4 = arith.extui %sign3A_3 : i1 to i32
    %sign3A_5 = arith.constant 0 : i32
    %sign3A_6 = arith.cmpi slt, %arg1, %sign3A_5 : i32
    %sign3A_7 = arith.extui %sign3A_6 : i1 to i32
    %sign3A_8 = arith.subi %sign3A_4, %sign3A_7 : i32
    %sign3A_9 = arith.constant 0 : i32
    %sign3A_10 = arith.cmpi sgt, %jit3A, %sign3A_9 : i32
    %sign3A_11 = arith.extui %sign3A_10 : i1 to i32
    %sign3A_12 = arith.constant 0 : i32
    %sign3A_13 = arith.cmpi slt, %jit3A, %sign3A_12 : i32
    %sign3A_14 = arith.extui %sign3A_13 : i1 to i32
    %sign3A_15 = arith.subi %sign3A_11, %sign3A_14 : i32
    %ne3A = arith.cmpi ne, %sign3A_8, %sign3A_15 : i32
    %rem3A = arith.remsi %arg1, %jit3A : i32
    %ne3A_16 = arith.constant 0 : i32
    %ne3A_17 = arith.cmpi ne, %rem3A, %ne3A_16 : i32
    %and3A = arith.andi %ne3A, %ne3A_17 : i1
    %sub3A = arith.constant 1 : i32
    %sub3A_18 = arith.subi %div3A, %sub3A : i32
    %select_n3A = arith.select %and3A, %sub3A_18, %div3A : i32
    %add3A_19 = arith.addi %mul3A_2, %select_n3A : i32
    %jit3A_20 = arith.constant 8 : i32
    %div3A_21 = arith.divsi %arg1, %jit3A_20 : i32
    %sign3A_22 = arith.constant 0 : i32
    %sign3A_23 = arith.cmpi sgt, %arg1, %sign3A_22 : i32
    %sign3A_24 = arith.extui %sign3A_23 : i1 to i32
    %sign3A_25 = arith.constant 0 : i32
    %sign3A_26 = arith.cmpi slt, %arg1, %sign3A_25 : i32
    %sign3A_27 = arith.extui %sign3A_26 : i1 to i32
    %sign3A_28 = arith.subi %sign3A_24, %sign3A_27 : i32
    %sign3A_29 = arith.constant 0 : i32
    %sign3A_30 = arith.cmpi sgt, %jit3A_20, %sign3A_29 : i32
    %sign3A_31 = arith.extui %sign3A_30 : i1 to i32
    %sign3A_32 = arith.constant 0 : i32
    %sign3A_33 = arith.cmpi slt, %jit3A_20, %sign3A_32 : i32
    %sign3A_34 = arith.extui %sign3A_33 : i1 to i32
    %sign3A_35 = arith.subi %sign3A_31, %sign3A_34 : i32
    %ne3A_36 = arith.cmpi ne, %sign3A_28, %sign3A_35 : i32
    %rem3A_37 = arith.remsi %arg1, %jit3A_20 : i32
    %ne3A_38 = arith.constant 0 : i32
    %ne3A_39 = arith.cmpi ne, %rem3A_37, %ne3A_38 : i32
    %and3A_40 = arith.andi %ne3A_36, %ne3A_39 : i1
    %sub3A_41 = arith.constant 1 : i32
    %sub3A_42 = arith.subi %div3A_21, %sub3A_41 : i32
    %select_n3A_43 = arith.select %and3A_40, %sub3A_42, %div3A_21 : i32
    %jit3A_44 = arith.constant 8 : i32
    %eq3A = arith.constant 0 : i32
    %eq3A_45 = arith.cmpi eq, %jit3A_44, %eq3A : i32
    %jit3A_46 = arith.constant 1 : i32
    %select_n3A_47 = arith.select %eq3A_45, %jit3A_46, %jit3A_44 : i32
    %rem3A_48 = arith.remsi %arg1, %select_n3A_47 : i32
    %ne3A_49 = arith.constant 0 : i32
    %ne3A_50 = arith.cmpi ne, %rem3A_48, %ne3A_49 : i32
    %lt3A = arith.constant 0 : i32
    %lt3A_51 = arith.cmpi slt, %rem3A_48, %lt3A : i32
    %lt3A_52 = arith.constant 0 : i32
    %lt3A_53 = arith.cmpi slt, %select_n3A_47, %lt3A_52 : i32
    %ne3A_54 = arith.xori %lt3A_51, %lt3A_53 : i1
    %and3A_55 = arith.andi %ne3A_54, %ne3A_50 : i1
    %add3A_56 = arith.addi %rem3A_48, %select_n3A_47 : i32
    %select_n3A_57 = arith.select %and3A_55, %add3A_56, %rem3A_48 : i32
    %mul3A_58 = arith.constant 100096 : i32
    %mul3A_59 = arith.muli %add3A_19, %mul3A_58 : i32
    %multiple_of3A = tpu.assume_multiple %mul3A_59, 8 : i32
    "tpu.region"() ({
      %run_scoped3A = tpu.sem_alloc : memref<!tpu.dma_semaphore, #tpu.memory_space<semaphore_mem>>
      %dma_start3A_223 = tpu.memref_slice %arg2[%multiple_of3A] : memref<400384xf32, #tpu.memory_space<hbm>> -> memref<100096xf32, #tpu.memory_space<hbm>>
      %dma_start3A_224 = tpu.memref_slice %arg2[%multiple_of3A] : memref<400384xf32, #tpu.memory_space<hbm>> -> memref<100096xf32, #tpu.memory_space<hbm>>
      tpu.enqueue_dma source(%dma_start3A_224 : memref<100096xf32, #tpu.memory_space<hbm>>) target(%arg6 : memref<100096xf32, #tpu.memory_space<vmem>>) target_semaphore(%run_scoped3A : memref<!tpu.dma_semaphore, #tpu.memory_space<semaphore_mem>>)
      %dma_wait3A_225 = tpu.memref_slice %arg2[%multiple_of3A] : memref<400384xf32, #tpu.memory_space<hbm>> -> memref<100096xf32, #tpu.memory_space<hbm>>
      %dma_wait3A_226 = tpu.memref_slice %arg2[%multiple_of3A] : memref<400384xf32, #tpu.memory_space<hbm>> -> memref<100096xf32, #tpu.memory_space<hbm>>
      tpu.wait_dma2 semaphore(%run_scoped3A : memref<!tpu.dma_semaphore, #tpu.memory_space<semaphore_mem>>) src(%dma_wait3A_226 : memref<100096xf32, #tpu.memory_space<hbm>>) dst(%arg6 : memref<100096xf32, #tpu.memory_space<vmem>>)
      tpu.yield
    }) : () -> ()
    %eq3A_60 = arith.constant 0 : i32
    %eq3A_61 = arith.cmpi eq, %arg1, %eq3A_60 : i32
    %convert_element_type3A = arith.extui %eq3A_61 : i1 to i32
    %cond3A = arith.constant 0 : i32
    %cond3A_62 = arith.cmpi ne, %convert_element_type3A, %cond3A : i32
    scf.if %cond3A_62 {
      "tpu.region"() ({
        %run_scoped3A = tpu.sem_alloc : memref<!tpu.dma_semaphore, #tpu.memory_space<semaphore_mem>>
        tpu.enqueue_dma source(%arg4 : memref<200192xf32, #tpu.memory_space<hbm>>) target(%arg11 : memref<200192xf32, #tpu.memory_space<vmem_shared>>) target_semaphore(%run_scoped3A : memref<!tpu.dma_semaphore, #tpu.memory_space<semaphore_mem>>)
        tpu.wait_dma2 semaphore(%run_scoped3A : memref<!tpu.dma_semaphore, #tpu.memory_space<semaphore_mem>>) src(%arg4 : memref<200192xf32, #tpu.memory_space<hbm>>) dst(%arg11 : memref<200192xf32, #tpu.memory_space<vmem_shared>>)
        tpu.yield
      }) : () -> ()
    } else {
    }
    %barrier3A = arith.constant 0 : index
    tpu.barrier barrier_id(%barrier3A)
    %mul3A_63 = arith.constant 100096 : i32
    %mul3A_64 = arith.muli %select_n3A_43, %mul3A_63 : i32
    %mul3A_65 = arith.constant 800000 : i32
    %mul3A_66 = arith.muli %select_n3A_57, %mul3A_65 : i32
    %add3A_67 = arith.constant 0 : i32
    %add3A_68 = arith.addi %mul3A_66, %add3A_67 : i32
    %dma_start3A = arith.constant 0 : i32
    %dma_start3A_69 = arith.constant 0 : i32
    %dma_start3A_70 = tpu.memref_slice %arg7[%dma_start3A, %dma_start3A_69] : memref<2x1280xi32, #tpu.memory_space<vmem>> -> memref<1x1280xi32, #tpu.memory_space<vmem>>
    %dma_start3A_71 = tpu.memref_squeeze %dma_start3A_70 : memref<1x1280xi32, #tpu.memory_space<vmem>> -> memref<1280xi32, #tpu.memory_space<vmem>>
    %dma_start3A_72 = tpu.memref_slice %arg3[%add3A_68] : memref<12800000xi32, #tpu.memory_space<hbm>> -> memref<1280xi32, #tpu.memory_space<hbm>>
    %dma_start3A_73 = arith.constant 0 : i32
    %dma_start3A_74 = tpu.memref_slice %arg7[%dma_start3A, %dma_start3A_73] : memref<2x1280xi32, #tpu.memory_space<vmem>> -> memref<1x1280xi32, #tpu.memory_space<vmem>>
    %dma_start3A_75 = tpu.memref_squeeze %dma_start3A_74 : memref<1x1280xi32, #tpu.memory_space<vmem>> -> memref<1280xi32, #tpu.memory_space<vmem>>
    %dma_start3A_76 = tpu.memref_slice %arg3[%add3A_68] : memref<12800000xi32, #tpu.memory_space<hbm>> -> memref<1280xi32, #tpu.memory_space<hbm>>
    tpu.enqueue_dma source(%dma_start3A_76 : memref<1280xi32, #tpu.memory_space<hbm>>) target(%dma_start3A_75 : memref<1280xi32, #tpu.memory_space<vmem>>) target_semaphore(%arg12 : memref<!tpu.dma_semaphore, #tpu.memory_space<semaphore_mem>>)
    %add3A_77 = arith.constant 6400000 : i32
    %add3A_78 = arith.addi %add3A_77, %mul3A_66 : i32
    %add3A_79 = arith.constant 0 : i32
    %add3A_80 = arith.addi %add3A_78, %add3A_79 : i32
    %dma_start3A_81 = arith.constant 0 : i32
    %dma_start3A_82 = arith.constant 0 : i32
    %dma_start3A_83 = tpu.memref_slice %arg8[%dma_start3A_81, %dma_start3A_82] : memref<2x1280xi32, #tpu.memory_space<vmem>> -> memref<1x1280xi32, #tpu.memory_space<vmem>>
    %dma_start3A_84 = tpu.memref_squeeze %dma_start3A_83 : memref<1x1280xi32, #tpu.memory_space<vmem>> -> memref<1280xi32, #tpu.memory_space<vmem>>
    %dma_start3A_85 = tpu.memref_slice %arg3[%add3A_80] : memref<12800000xi32, #tpu.memory_space<hbm>> -> memref<1280xi32, #tpu.memory_space<hbm>>
    %dma_start3A_86 = arith.constant 0 : i32
    %dma_start3A_87 = tpu.memref_slice %arg8[%dma_start3A_81, %dma_start3A_86] : memref<2x1280xi32, #tpu.memory_space<vmem>> -> memref<1x1280xi32, #tpu.memory_space<vmem>>
    %dma_start3A_88 = tpu.memref_squeeze %dma_start3A_87 : memref<1x1280xi32, #tpu.memory_space<vmem>> -> memref<1280xi32, #tpu.memory_space<vmem>>
    %dma_start3A_89 = tpu.memref_slice %arg3[%add3A_80] : memref<12800000xi32, #tpu.memory_space<hbm>> -> memref<1280xi32, #tpu.memory_space<hbm>>
    tpu.enqueue_dma source(%dma_start3A_89 : memref<1280xi32, #tpu.memory_space<hbm>>) target(%dma_start3A_88 : memref<1280xi32, #tpu.memory_space<vmem>>) target_semaphore(%arg12 : memref<!tpu.dma_semaphore, #tpu.memory_space<semaphore_mem>>)
    %add3A_90 = arith.constant 1280 : i32
    %add3A_91 = arith.addi %mul3A_66, %add3A_90 : i32
    %dma_start3A_92 = arith.constant 1 : i32
    %dma_start3A_93 = arith.constant 0 : i32
    %dma_start3A_94 = tpu.memref_slice %arg7[%dma_start3A_92, %dma_start3A_93] : memref<2x1280xi32, #tpu.memory_space<vmem>> -> memref<1x1280xi32, #tpu.memory_space<vmem>>
    %dma_start3A_95 = tpu.memref_squeeze %dma_start3A_94 : memref<1x1280xi32, #tpu.memory_space<vmem>> -> memref<1280xi32, #tpu.memory_space<vmem>>
    %dma_start3A_96 = tpu.memref_slice %arg3[%add3A_91] : memref<12800000xi32, #tpu.memory_space<hbm>> -> memref<1280xi32, #tpu.memory_space<hbm>>
    %dma_start3A_97 = arith.constant 0 : i32
    %dma_start3A_98 = tpu.memref_slice %arg7[%dma_start3A_92, %dma_start3A_97] : memref<2x1280xi32, #tpu.memory_space<vmem>> -> memref<1x1280xi32, #tpu.memory_space<vmem>>
    %dma_start3A_99 = tpu.memref_squeeze %dma_start3A_98 : memref<1x1280xi32, #tpu.memory_space<vmem>> -> memref<1280xi32, #tpu.memory_space<vmem>>
    %dma_start3A_100 = tpu.memref_slice %arg3[%add3A_91] : memref<12800000xi32, #tpu.memory_space<hbm>> -> memref<1280xi32, #tpu.memory_space<hbm>>
    tpu.enqueue_dma source(%dma_start3A_100 : memref<1280xi32, #tpu.memory_space<hbm>>) target(%dma_start3A_99 : memref<1280xi32, #tpu.memory_space<vmem>>) target_semaphore(%arg13 : memref<!tpu.dma_semaphore, #tpu.memory_space<semaphore_mem>>)
    %add3A_101 = arith.constant 6400000 : i32
    %add3A_102 = arith.addi %add3A_101, %mul3A_66 : i32
    %add3A_103 = arith.constant 1280 : i32
    %add3A_104 = arith.addi %add3A_102, %add3A_103 : i32
    %dma_start3A_105 = arith.constant 1 : i32
    %dma_start3A_106 = arith.constant 0 : i32
    %dma_start3A_107 = tpu.memref_slice %arg8[%dma_start3A_105, %dma_start3A_106] : memref<2x1280xi32, #tpu.memory_space<vmem>> -> memref<1x1280xi32, #tpu.memory_space<vmem>>
    %dma_start3A_108 = tpu.memref_squeeze %dma_start3A_107 : memref<1x1280xi32, #tpu.memory_space<vmem>> -> memref<1280xi32, #tpu.memory_space<vmem>>
    %dma_start3A_109 = tpu.memref_slice %arg3[%add3A_104] : memref<12800000xi32, #tpu.memory_space<hbm>> -> memref<1280xi32, #tpu.memory_space<hbm>>
    %dma_start3A_110 = arith.constant 0 : i32
    %dma_start3A_111 = tpu.memref_slice %arg8[%dma_start3A_105, %dma_start3A_110] : memref<2x1280xi32, #tpu.memory_space<vmem>> -> memref<1x1280xi32, #tpu.memory_space<vmem>>
    %dma_start3A_112 = tpu.memref_squeeze %dma_start3A_111 : memref<1x1280xi32, #tpu.memory_space<vmem>> -> memref<1280xi32, #tpu.memory_space<vmem>>
    %dma_start3A_113 = tpu.memref_slice %arg3[%add3A_104] : memref<12800000xi32, #tpu.memory_space<hbm>> -> memref<1280xi32, #tpu.memory_space<hbm>>
    tpu.enqueue_dma source(%dma_start3A_113 : memref<1280xi32, #tpu.memory_space<hbm>>) target(%dma_start3A_112 : memref<1280xi32, #tpu.memory_space<vmem>>) target_semaphore(%arg13 : memref<!tpu.dma_semaphore, #tpu.memory_space<semaphore_mem>>)
    %scan3A = arith.constant 0 : i32
    %scan3A_114 = arith.constant 313 : i32
    %scan3A_115 = arith.addi %scan3A, %scan3A_114 : i32
    %scan3A_116 = arith.constant 1 : i32
    scf.for %scan3A_223 = %scan3A to %scan3A_115 step %scan3A_116  : i32 {
      %mul3A_224 = arith.constant 2 : i32
      %mul3A_225 = arith.muli %scan3A_223, %mul3A_224 : i32
      %add3A_226 = arith.constant 0 : i32
      %add3A_227 = arith.addi %add3A_226, %mul3A_225 : i32
      %add3A_228 = arith.constant 0 : i32
      %add3A_229 = arith.addi %add3A_227, %add3A_228 : i32
      %le3A = arith.constant 624 : i32
      %le3A_230 = arith.cmpi sle, %add3A_229, %le3A : i32
      %convert_element_type3A_231 = arith.extui %le3A_230 : i1 to i32
      %cond3A_232 = arith.constant 0 : i32
      %cond3A_233 = arith.cmpi ne, %convert_element_type3A_231, %cond3A_232 : i32
      scf.if %cond3A_233 {
        %mul3A_241 = arith.constant 1280 : i32
        %mul3A_242 = arith.muli %add3A_229, %mul3A_241 : i32
        %add3A_243 = arith.addi %mul3A_66, %mul3A_242 : i32
        %multiple_of3A_244 = tpu.assume_multiple %add3A_243, 8 : i32
        %dma_wait3A_245 = arith.constant 0 : i32
        %dma_wait3A_246 = arith.constant 0 : i32
        %dma_wait3A_247 = tpu.memref_slice %arg7[%dma_wait3A_245, %dma_wait3A_246] : memref<2x1280xi32, #tpu.memory_space<vmem>> -> memref<1x1280xi32, #tpu.memory_space<vmem>>
        %dma_wait3A_248 = tpu.memref_squeeze %dma_wait3A_247 : memref<1x1280xi32, #tpu.memory_space<vmem>> -> memref<1280xi32, #tpu.memory_space<vmem>>
        %dma_wait3A_249 = tpu.memref_slice %arg3[%multiple_of3A_244] : memref<12800000xi32, #tpu.memory_space<hbm>> -> memref<1280xi32, #tpu.memory_space<hbm>>
        %dma_wait3A_250 = arith.constant 0 : i32
        %dma_wait3A_251 = tpu.memref_slice %arg7[%dma_wait3A_245, %dma_wait3A_250] : memref<2x1280xi32, #tpu.memory_space<vmem>> -> memref<1x1280xi32, #tpu.memory_space<vmem>>
        %dma_wait3A_252 = tpu.memref_squeeze %dma_wait3A_251 : memref<1x1280xi32, #tpu.memory_space<vmem>> -> memref<1280xi32, #tpu.memory_space<vmem>>
        %dma_wait3A_253 = tpu.memref_slice %arg3[%multiple_of3A_244] : memref<12800000xi32, #tpu.memory_space<hbm>> -> memref<1280xi32, #tpu.memory_space<hbm>>
        tpu.wait_dma2 semaphore(%arg12 : memref<!tpu.dma_semaphore, #tpu.memory_space<semaphore_mem>>) src(%dma_wait3A_253 : memref<1280xi32, #tpu.memory_space<hbm>>) dst(%dma_wait3A_252 : memref<1280xi32, #tpu.memory_space<vmem>>)
        %add3A_254 = arith.constant 6400000 : i32
        %add3A_255 = arith.addi %add3A_254, %multiple_of3A_244 : i32
        %dma_wait3A_256 = arith.constant 0 : i32
        %dma_wait3A_257 = arith.constant 0 : i32
        %dma_wait3A_258 = tpu.memref_slice %arg8[%dma_wait3A_256, %dma_wait3A_257] : memref<2x1280xi32, #tpu.memory_space<vmem>> -> memref<1x1280xi32, #tpu.memory_space<vmem>>
        %dma_wait3A_259 = tpu.memref_squeeze %dma_wait3A_258 : memref<1x1280xi32, #tpu.memory_space<vmem>> -> memref<1280xi32, #tpu.memory_space<vmem>>
        %dma_wait3A_260 = tpu.memref_slice %arg3[%add3A_255] : memref<12800000xi32, #tpu.memory_space<hbm>> -> memref<1280xi32, #tpu.memory_space<hbm>>
        %dma_wait3A_261 = arith.constant 0 : i32
        %dma_wait3A_262 = tpu.memref_slice %arg8[%dma_wait3A_256, %dma_wait3A_261] : memref<2x1280xi32, #tpu.memory_space<vmem>> -> memref<1x1280xi32, #tpu.memory_space<vmem>>
        %dma_wait3A_263 = tpu.memref_squeeze %dma_wait3A_262 : memref<1x1280xi32, #tpu.memory_space<vmem>> -> memref<1280xi32, #tpu.memory_space<vmem>>
        %dma_wait3A_264 = tpu.memref_slice %arg3[%add3A_255] : memref<12800000xi32, #tpu.memory_space<hbm>> -> memref<1280xi32, #tpu.memory_space<hbm>>
        tpu.wait_dma2 semaphore(%arg12 : memref<!tpu.dma_semaphore, #tpu.memory_space<semaphore_mem>>) src(%dma_wait3A_264 : memref<1280xi32, #tpu.memory_space<hbm>>) dst(%dma_wait3A_263 : memref<1280xi32, #tpu.memory_space<vmem>>)
        %gt3A = arith.constant 0 : i32
        %gt3A_265 = arith.cmpi sgt, %add3A_229, %gt3A : i32
        %convert_element_type3A_266 = arith.extui %gt3A_265 : i1 to i32
        %cond3A_267 = arith.constant 0 : i32
        %cond3A_268 = arith.cmpi ne, %convert_element_type3A_266, %cond3A_267 : i32
        scf.if %cond3A_268 {
          %dma_wait3A_1893 = arith.constant 0 : i32
          %dma_wait3A_1894 = arith.constant 0 : i32
          %dma_wait3A_1895 = arith.constant 0 : i32
          %dma_wait3A_1896 = tpu.memref_slice %arg10[%dma_wait3A_1893, %dma_wait3A_1895] : memref<10x128xf32, #tpu.memory_space<vmem>> -> memref<1x128xf32, #tpu.memory_space<vmem>>
          %dma_wait3A_1897 = tpu.memref_squeeze %dma_wait3A_1896 : memref<1x128xf32, #tpu.memory_space<vmem>> -> memref<128xf32, #tpu.memory_space<vmem>>
          %dma_wait3A_1898 = arith.constant 0 : i32
          %dma_wait3A_1899 = tpu.memref_slice %arg9[%dma_wait3A_1894, %dma_wait3A_1898] : memref<10x128xi32, #tpu.memory_space<vmem>> -> memref<1x128xi32, #tpu.memory_space<vmem>>
          %dma_wait3A_1900 = tpu.memref_squeeze %dma_wait3A_1899 : memref<1x128xi32, #tpu.memory_space<vmem>> -> memref<128xi32, #tpu.memory_space<vmem>>
          %dma_wait3A_1901 = arith.constant 0 : i32
          %dma_wait3A_1902 = tpu.memref_slice %arg11[%dma_wait3A_1901] : memref<200192xf32, #tpu.memory_space<vmem_shared>> -> memref<200192xf32, #tpu.memory_space<vmem_shared>>
          tpu.wait_indirect_dma semaphore(%arg14 : memref<!tpu.dma_semaphore, #tpu.memory_space<semaphore_mem>>) src(%dma_wait3A_1897 : memref<128xf32, #tpu.memory_space<vmem>>) dst(%dma_wait3A_1902 : memref<200192xf32, #tpu.memory_space<vmem_shared>>)
          %dma_wait3A_1903 = arith.constant 1 : i32
          %dma_wait3A_1904 = arith.constant 1 : i32
          %dma_wait3A_1905 = arith.constant 0 : i32
          %dma_wait3A_1906 = tpu.memref_slice %arg10[%dma_wait3A_1903, %dma_wait3A_1905] : memref<10x128xf32, #tpu.memory_space<vmem>> -> memref<1x128xf32, #tpu.memory_space<vmem>>
          %dma_wait3A_1907 = tpu.memref_squeeze %dma_wait3A_1906 : memref<1x128xf32, #tpu.memory_space<vmem>> -> memref<128xf32, #tpu.memory_space<vmem>>
          %dma_wait3A_1908 = arith.constant 0 : i32
          %dma_wait3A_1909 = tpu.memref_slice %arg9[%dma_wait3A_1904, %dma_wait3A_1908] : memref<10x128xi32, #tpu.memory_space<vmem>> -> memref<1x128xi32, #tpu.memory_space<vmem>>
          %dma_wait3A_1910 = tpu.memref_squeeze %dma_wait3A_1909 : memref<1x128xi32, #tpu.memory_space<vmem>> -> memref<128xi32, #tpu.memory_space<vmem>>
          %dma_wait3A_1911 = arith.constant 0 : i32
          %dma_wait3A_1912 = tpu.memref_slice %arg11[%dma_wait3A_1911] : memref<200192xf32, #tpu.memory_space<vmem_shared>> -> memref<200192xf32, #tpu.memory_space<vmem_shared>>
          tpu.wait_indirect_dma semaphore(%arg14 : memref<!tpu.dma_semaphore, #tpu.memory_space<semaphore_mem>>) src(%dma_wait3A_1907 : memref<128xf32, #tpu.memory_space<vmem>>) dst(%dma_wait3A_1912 : memref<200192xf32, #tpu.memory_space<vmem_shared>>)
          %dma_wait3A_1913 = arith.constant 2 : i32
          %dma_wait3A_1914 = arith.constant 2 : i32
          %dma_wait3A_1915 = arith.constant 0 : i32
          %dma_wait3A_1916 = tpu.memref_slice %arg10[%dma_wait3A_1913, %dma_wait3A_1915] : memref<10x128xf32, #tpu.memory_space<vmem>> -> memref<1x128xf32, #tpu.memory_space<vmem>>
          %dma_wait3A_1917 = tpu.memref_squeeze %dma_wait3A_1916 : memref<1x128xf32, #tpu.memory_space<vmem>> -> memref<128xf32, #tpu.memory_space<vmem>>
          %dma_wait3A_1918 = arith.constant 0 : i32
          %dma_wait3A_1919 = tpu.memref_slice %arg9[%dma_wait3A_1914, %dma_wait3A_1918] : memref<10x128xi32, #tpu.memory_space<vmem>> -> memref<1x128xi32, #tpu.memory_space<vmem>>
          %dma_wait3A_1920 = tpu.memref_squeeze %dma_wait3A_1919 : memref<1x128xi32, #tpu.memory_space<vmem>> -> memref<128xi32, #tpu.memory_space<vmem>>
          %dma_wait3A_1921 = arith.constant 0 : i32
          %dma_wait3A_1922 = tpu.memref_slice %arg11[%dma_wait3A_1921] : memref<200192xf32, #tpu.memory_space<vmem_shared>> -> memref<200192xf32, #tpu.memory_space<vmem_shared>>
          tpu.wait_indirect_dma semaphore(%arg14 : memref<!tpu.dma_semaphore, #tpu.memory_space<semaphore_mem>>) src(%dma_wait3A_1917 : memref<128xf32, #tpu.memory_space<vmem>>) dst(%dma_wait3A_1922 : memref<200192xf32, #tpu.memory_space<vmem_shared>>)
          %dma_wait3A_1923 = arith.constant 3 : i32
          %dma_wait3A_1924 = arith.constant 3 : i32
          %dma_wait3A_1925 = arith.constant 0 : i32
          %dma_wait3A_1926 = tpu.memref_slice %arg10[%dma_wait3A_1923, %dma_wait3A_1925] : memref<10x128xf32, #tpu.memory_space<vmem>> -> memref<1x128xf32, #tpu.memory_space<vmem>>
          %dma_wait3A_1927 = tpu.memref_squeeze %dma_wait3A_1926 : memref<1x128xf32, #tpu.memory_space<vmem>> -> memref<128xf32, #tpu.memory_space<vmem>>
          %dma_wait3A_1928 = arith.constant 0 : i32
          %dma_wait3A_1929 = tpu.memref_slice %arg9[%dma_wait3A_1924, %dma_wait3A_1928] : memref<10x128xi32, #tpu.memory_space<vmem>> -> memref<1x128xi32, #tpu.memory_space<vmem>>
          %dma_wait3A_1930 = tpu.memref_squeeze %dma_wait3A_1929 : memref<1x128xi32, #tpu.memory_space<vmem>> -> memref<128xi32, #tpu.memory_space<vmem>>
          %dma_wait3A_1931 = arith.constant 0 : i32
          %dma_wait3A_1932 = tpu.memref_slice %arg11[%dma_wait3A_1931] : memref<200192xf32, #tpu.memory_space<vmem_shared>> -> memref<200192xf32, #tpu.memory_space<vmem_shared>>
          tpu.wait_indirect_dma semaphore(%arg14 : memref<!tpu.dma_semaphore, #tpu.memory_space<semaphore_mem>>) src(%dma_wait3A_1927 : memref<128xf32, #tpu.memory_space<vmem>>) dst(%dma_wait3A_1932 : memref<200192xf32, #tpu.memory_space<vmem_shared>>)
          %dma_wait3A_1933 = arith.constant 4 : i32
          %dma_wait3A_1934 = arith.constant 4 : i32
          %dma_wait3A_1935 = arith.constant 0 : i32
          %dma_wait3A_1936 = tpu.memref_slice %arg10[%dma_wait3A_1933, %dma_wait3A_1935] : memref<10x128xf32, #tpu.memory_space<vmem>> -> memref<1x128xf32, #tpu.memory_space<vmem>>
          %dma_wait3A_1937 = tpu.memref_squeeze %dma_wait3A_1936 : memref<1x128xf32, #tpu.memory_space<vmem>> -> memref<128xf32, #tpu.memory_space<vmem>>
          %dma_wait3A_1938 = arith.constant 0 : i32
          %dma_wait3A_1939 = tpu.memref_slice %arg9[%dma_wait3A_1934, %dma_wait3A_1938] : memref<10x128xi32, #tpu.memory_space<vmem>> -> memref<1x128xi32, #tpu.memory_space<vmem>>
          %dma_wait3A_1940 = tpu.memref_squeeze %dma_wait3A_1939 : memref<1x128xi32, #tpu.memory_space<vmem>> -> memref<128xi32, #tpu.memory_space<vmem>>
          %dma_wait3A_1941 = arith.constant 0 : i32
          %dma_wait3A_1942 = tpu.memref_slice %arg11[%dma_wait3A_1941] : memref<200192xf32, #tpu.memory_space<vmem_shared>> -> memref<200192xf32, #tpu.memory_space<vmem_shared>>
          tpu.wait_indirect_dma semaphore(%arg14 : memref<!tpu.dma_semaphore, #tpu.memory_space<semaphore_mem>>) src(%dma_wait3A_1937 : memref<128xf32, #tpu.memory_space<vmem>>) dst(%dma_wait3A_1942 : memref<200192xf32, #tpu.memory_space<vmem_shared>>)
          %dma_wait3A_1943 = arith.constant 5 : i32
          %dma_wait3A_1944 = arith.constant 5 : i32
          %dma_wait3A_1945 = arith.constant 0 : i32
          %dma_wait3A_1946 = tpu.memref_slice %arg10[%dma_wait3A_1943, %dma_wait3A_1945] : memref<10x128xf32, #tpu.memory_space<vmem>> -> memref<1x128xf32, #tpu.memory_space<vmem>>
          %dma_wait3A_1947 = tpu.memref_squeeze %dma_wait3A_1946 : memref<1x128xf32, #tpu.memory_space<vmem>> -> memref<128xf32, #tpu.memory_space<vmem>>
          %dma_wait3A_1948 = arith.constant 0 : i32
          %dma_wait3A_1949 = tpu.memref_slice %arg9[%dma_wait3A_1944, %dma_wait3A_1948] : memref<10x128xi32, #tpu.memory_space<vmem>> -> memref<1x128xi32, #tpu.memory_space<vmem>>
          %dma_wait3A_1950 = tpu.memref_squeeze %dma_wait3A_1949 : memref<1x128xi32, #tpu.memory_space<vmem>> -> memref<128xi32, #tpu.memory_space<vmem>>
          %dma_wait3A_1951 = arith.constant 0 : i32
          %dma_wait3A_1952 = tpu.memref_slice %arg11[%dma_wait3A_1951] : memref<200192xf32, #tpu.memory_space<vmem_shared>> -> memref<200192xf32, #tpu.memory_space<vmem_shared>>
          tpu.wait_indirect_dma semaphore(%arg14 : memref<!tpu.dma_semaphore, #tpu.memory_space<semaphore_mem>>) src(%dma_wait3A_1947 : memref<128xf32, #tpu.memory_space<vmem>>) dst(%dma_wait3A_1952 : memref<200192xf32, #tpu.memory_space<vmem_shared>>)
          %dma_wait3A_1953 = arith.constant 6 : i32
          %dma_wait3A_1954 = arith.constant 6 : i32
          %dma_wait3A_1955 = arith.constant 0 : i32
          %dma_wait3A_1956 = tpu.memref_slice %arg10[%dma_wait3A_1953, %dma_wait3A_1955] : memref<10x128xf32, #tpu.memory_space<vmem>> -> memref<1x128xf32, #tpu.memory_space<vmem>>
          %dma_wait3A_1957 = tpu.memref_squeeze %dma_wait3A_1956 : memref<1x128xf32, #tpu.memory_space<vmem>> -> memref<128xf32, #tpu.memory_space<vmem>>
          %dma_wait3A_1958 = arith.constant 0 : i32
          %dma_wait3A_1959 = tpu.memref_slice %arg9[%dma_wait3A_1954, %dma_wait3A_1958] : memref<10x128xi32, #tpu.memory_space<vmem>> -> memref<1x128xi32, #tpu.memory_space<vmem>>
          %dma_wait3A_1960 = tpu.memref_squeeze %dma_wait3A_1959 : memref<1x128xi32, #tpu.memory_space<vmem>> -> memref<128xi32, #tpu.memory_space<vmem>>
          %dma_wait3A_1961 = arith.constant 0 : i32
          %dma_wait3A_1962 = tpu.memref_slice %arg11[%dma_wait3A_1961] : memref<200192xf32, #tpu.memory_space<vmem_shared>> -> memref<200192xf32, #tpu.memory_space<vmem_shared>>
          tpu.wait_indirect_dma semaphore(%arg14 : memref<!tpu.dma_semaphore, #tpu.memory_space<semaphore_mem>>) src(%dma_wait3A_1957 : memref<128xf32, #tpu.memory_space<vmem>>) dst(%dma_wait3A_1962 : memref<200192xf32, #tpu.memory_space<vmem_shared>>)
          %dma_wait3A_1963 = arith.constant 7 : i32
          %dma_wait3A_1964 = arith.constant 7 : i32
          %dma_wait3A_1965 = arith.constant 0 : i32
          %dma_wait3A_1966 = tpu.memref_slice %arg10[%dma_wait3A_1963, %dma_wait3A_1965] : memref<10x128xf32, #tpu.memory_space<vmem>> -> memref<1x128xf32, #tpu.memory_space<vmem>>
          %dma_wait3A_1967 = tpu.memref_squeeze %dma_wait3A_1966 : memref<1x128xf32, #tpu.memory_space<vmem>> -> memref<128xf32, #tpu.memory_space<vmem>>
          %dma_wait3A_1968 = arith.constant 0 : i32
          %dma_wait3A_1969 = tpu.memref_slice %arg9[%dma_wait3A_1964, %dma_wait3A_1968] : memref<10x128xi32, #tpu.memory_space<vmem>> -> memref<1x128xi32, #tpu.memory_space<vmem>>
          %dma_wait3A_1970 = tpu.memref_squeeze %dma_wait3A_1969 : memref<1x128xi32, #tpu.memory_space<vmem>> -> memref<128xi32, #tpu.memory_space<vmem>>
          %dma_wait3A_1971 = arith.constant 0 : i32
          %dma_wait3A_1972 = tpu.memref_slice %arg11[%dma_wait3A_1971] : memref<200192xf32, #tpu.memory_space<vmem_shared>> -> memref<200192xf32, #tpu.memory_space<vmem_shared>>
          tpu.wait_indirect_dma semaphore(%arg14 : memref<!tpu.dma_semaphore, #tpu.memory_space<semaphore_mem>>) src(%dma_wait3A_1967 : memref<128xf32, #tpu.memory_space<vmem>>) dst(%dma_wait3A_1972 : memref<200192xf32, #tpu.memory_space<vmem_shared>>)
          %dma_wait3A_1973 = arith.constant 8 : i32
          %dma_wait3A_1974 = arith.constant 8 : i32
          %dma_wait3A_1975 = arith.constant 0 : i32
          %dma_wait3A_1976 = tpu.memref_slice %arg10[%dma_wait3A_1973, %dma_wait3A_1975] : memref<10x128xf32, #tpu.memory_space<vmem>> -> memref<1x128xf32, #tpu.memory_space<vmem>>
          %dma_wait3A_1977 = tpu.memref_squeeze %dma_wait3A_1976 : memref<1x128xf32, #tpu.memory_space<vmem>> -> memref<128xf32, #tpu.memory_space<vmem>>
          %dma_wait3A_1978 = arith.constant 0 : i32
          %dma_wait3A_1979 = tpu.memref_slice %arg9[%dma_wait3A_1974, %dma_wait3A_1978] : memref<10x128xi32, #tpu.memory_space<vmem>> -> memref<1x128xi32, #tpu.memory_space<vmem>>
          %dma_wait3A_1980 = tpu.memref_squeeze %dma_wait3A_1979 : memref<1x128xi32, #tpu.memory_space<vmem>> -> memref<128xi32, #tpu.memory_space<vmem>>
          %dma_wait3A_1981 = arith.constant 0 : i32
          %dma_wait3A_1982 = tpu.memref_slice %arg11[%dma_wait3A_1981] : memref<200192xf32, #tpu.memory_space<vmem_shared>> -> memref<200192xf32, #tpu.memory_space<vmem_shared>>
          tpu.wait_indirect_dma semaphore(%arg14 : memref<!tpu.dma_semaphore, #tpu.memory_space<semaphore_mem>>) src(%dma_wait3A_1977 : memref<128xf32, #tpu.memory_space<vmem>>) dst(%dma_wait3A_1982 : memref<200192xf32, #tpu.memory_space<vmem_shared>>)
          %dma_wait3A_1983 = arith.constant 9 : i32
          %dma_wait3A_1984 = arith.constant 9 : i32
          %dma_wait3A_1985 = arith.constant 0 : i32
          %dma_wait3A_1986 = tpu.memref_slice %arg10[%dma_wait3A_1983, %dma_wait3A_1985] : memref<10x128xf32, #tpu.memory_space<vmem>> -> memref<1x128xf32, #tpu.memory_space<vmem>>
          %dma_wait3A_1987 = tpu.memref_squeeze %dma_wait3A_1986 : memref<1x128xf32, #tpu.memory_space<vmem>> -> memref<128xf32, #tpu.memory_space<vmem>>
          %dma_wait3A_1988 = arith.constant 0 : i32
          %dma_wait3A_1989 = tpu.memref_slice %arg9[%dma_wait3A_1984, %dma_wait3A_1988] : memref<10x128xi32, #tpu.memory_space<vmem>> -> memref<1x128xi32, #tpu.memory_space<vmem>>
          %dma_wait3A_1990 = tpu.memref_squeeze %dma_wait3A_1989 : memref<1x128xi32, #tpu.memory_space<vmem>> -> memref<128xi32, #tpu.memory_space<vmem>>
          %dma_wait3A_1991 = arith.constant 0 : i32
          %dma_wait3A_1992 = tpu.memref_slice %arg11[%dma_wait3A_1991] : memref<200192xf32, #tpu.memory_space<vmem_shared>> -> memref<200192xf32, #tpu.memory_space<vmem_shared>>
          tpu.wait_indirect_dma semaphore(%arg14 : memref<!tpu.dma_semaphore, #tpu.memory_space<semaphore_mem>>) src(%dma_wait3A_1987 : memref<128xf32, #tpu.memory_space<vmem>>) dst(%dma_wait3A_1992 : memref<200192xf32, #tpu.memory_space<vmem_shared>>)
        } else {
        }
        %get3A = arith.constant 0 : i32
        %get3A_269 = arith.index_cast %get3A : i32 to index
        %get3A_270 = arith.constant 0 : index
        %get3A_271 = tpu.vector_load %arg8[%get3A_269, %get3A_270] {strides = array<i32>} : memref<2x1280xi32, #tpu.memory_space<vmem>>, vector<16xi32>,
        %add3A_272 = vector.broadcast %mul3A_64 : i32 to vector<16xi32>
        %add3A_273 = arith.addi %get3A_271, %add3A_272 : vector<16xi32>
        %swap3A = arith.constant 0 : i32
        %swap3A_274 = arith.index_cast %swap3A : i32 to index
        %swap3A_275 = arith.constant 0 : index
        %swap3A_276 = tpu.vector_load %arg9[%swap3A_274, %swap3A_275] {strides = array<i32>} : memref<10x128xi32, #tpu.memory_space<vmem>>, vector<16xi32>,
        tpu.vector_store %arg9[%swap3A_274, %swap3A_275], %add3A_273 {strides = array<i32>} : memref<10x128xi32, #tpu.memory_space<vmem>>, vector<16xi32>,
        %get3A_277 = arith.constant 0 : i32
        %get3A_278 = arith.index_cast %get3A_277 : i32 to index
        %get3A_279 = arith.constant 0 : index
        %get3A_280 = tpu.vector_load %arg7[%get3A_278, %get3A_279] {strides = array<i32>} : memref<2x1280xi32, #tpu.memory_space<vmem>>, vector<16xi32>,
        %gather3A = tpu.vector_load_idx %arg6[%get3A_280] : memref<100096xf32, #tpu.memory_space<vmem>>[vector<16xi32>], vector<16xf32>,
        %swap3A_281 = arith.constant 0 : i32
        %swap3A_282 = arith.index_cast %swap3A_281 : i32 to index
        %swap3A_283 = arith.constant 0 : index
        %swap3A_284 = tpu.vector_load %arg10[%swap3A_282, %swap3A_283] {strides = array<i32>} : memref<10x128xf32, #tpu.memory_space<vmem>>, vector<16xf32>,
        tpu.vector_store %arg10[%swap3A_282, %swap3A_283], %gather3A {strides = array<i32>} : memref<10x128xf32, #tpu.memory_space<vmem>>, vector<16xf32>,
        %get3A_285 = arith.constant 0 : i32
        %get3A_286 = arith.index_cast %get3A_285 : i32 to index
        %get3A_287 = arith.constant 16 : index
        %get3A_288 = tpu.vector_load %arg8[%get3A_286, %get3A_287] {strides = array<i32>} : memref<2x1280xi32, #tpu.memory_space<vmem>>, vector<16xi32>,
        %add3A_289 = vector.broadcast %mul3A_64 : i32 to vector<16xi32>
        %add3A_290 = arith.addi %get3A_288, %add3A_289 : vector<16xi32>
        %swap3A_291 = arith.constant 0 : i32
        %swap3A_292 = arith.index_cast %swap3A_291 : i32 to index
        %swap3A_293 = arith.constant 16 : index
        %swap3A_294 = tpu.vector_load %arg9[%swap3A_292, %swap3A_293] {strides = array<i32>} : memref<10x128xi32, #tpu.memory_space<vmem>>, vector<16xi32>,
        tpu.vector_store %arg9[%swap3A_292, %swap3A_293], %add3A_290 {strides = array<i32>} : memref<10x128xi32, #tpu.memory_space<vmem>>, vector<16xi32>,
        %get3A_295 = arith.constant 0 : i32
        %get3A_296 = arith.index_cast %get3A_295 : i32 to index
        %get3A_297 = arith.constant 16 : index
        %get3A_298 = tpu.vector_load %arg7[%get3A_296, %get3A_297] {strides = array<i32>} : memref<2x1280xi32, #tpu.memory_space<vmem>>, vector<16xi32>,
        %gather3A_299 = tpu.vector_load_idx %arg6[%get3A_298] : memref<100096xf32, #tpu.memory_space<vmem>>[vector<16xi32>], vector<16xf32>,
        %swap3A_300 = arith.constant 0 : i32
        %swap3A_301 = arith.index_cast %swap3A_300 : i32 to index
        %swap3A_302 = arith.constant 16 : index
        %swap3A_303 = tpu.vector_load %arg10[%swap3A_301, %swap3A_302] {strides = array<i32>} : memref<10x128xf32, #tpu.memory_space<vmem>>, vector<16xf32>,
        tpu.vector_store %arg10[%swap3A_301, %swap3A_302], %gather3A_299 {strides = array<i32>} : memref<10x128xf32, #tpu.memory_space<vmem>>, vector<16xf32>,
        %get3A_304 = arith.constant 0 : i32
        %get3A_305 = arith.index_cast %get3A_304 : i32 to index
        %get3A_306 = arith.constant 32 : index
        %get3A_307 = tpu.vector_load %arg8[%get3A_305, %get3A_306] {strides = array<i32>} : memref<2x1280xi32, #tpu.memory_space<vmem>>, vector<16xi32>,
        %add3A_308 = vector.broadcast %mul3A_64 : i32 to vector<16xi32>
        %add3A_309 = arith.addi %get3A_307, %add3A_308 : vector<16xi32>
        %swap3A_310 = arith.constant 0 : i32
        %swap3A_311 = arith.index_cast %swap3A_310 : i32 to index
        %swap3A_312 = arith.constant 32 : index
        %swap3A_313 = tpu.vector_load %arg9[%swap3A_311, %swap3A_312] {strides = array<i32>} : memref<10x128xi32, #tpu.memory_space<vmem>>, vector<16xi32>,
        tpu.vector_store %arg9[%swap3A_311, %swap3A_312], %add3A_309 {strides = array<i32>} : memref<10x128xi32, #tpu.memory_space<vmem>>, vector<16xi32>,
        %get3A_314 = arith.constant 0 : i32
        %get3A_315 = arith.index_cast %get3A_314 : i32 to index
        %get3A_316 = arith.constant 32 : index
        %get3A_317 = tpu.vector_load %arg7[%get3A_315, %get3A_316] {strides = array<i32>} : memref<2x1280xi32, #tpu.memory_space<vmem>>, vector<16xi32>,
        %gather3A_318 = tpu.vector_load_idx %arg6[%get3A_317] : memref<100096xf32, #tpu.memory_space<vmem>>[vector<16xi32>], vector<16xf32>,
        %swap3A_319 = arith.constant 0 : i32
        %swap3A_320 = arith.index_cast %swap3A_319 : i32 to index
        %swap3A_321 = arith.constant 32 : index
        %swap3A_322 = tpu.vector_load %arg10[%swap3A_320, %swap3A_321] {strides = array<i32>} : memref<10x128xf32, #tpu.memory_space<vmem>>, vector<16xf32>,
        tpu.vector_store %arg10[%swap3A_320, %swap3A_321], %gather3A_318 {strides = array<i32>} : memref<10x128xf32, #tpu.memory_space<vmem>>, vector<16xf32>,
        %get3A_323 = arith.constant 0 : i32
        %get3A_324 = arith.index_cast %get3A_323 : i32 to index
        %get3A_325 = arith.constant 48 : index
        %get3A_326 = tpu.vector_load %arg8[%get3A_324, %get3A_325] {strides = array<i32>} : memref<2x1280xi32, #tpu.memory_space<vmem>>, vector<16xi32>,
        %add3A_327 = vector.broadcast %mul3A_64 : i32 to vector<16xi32>
        %add3A_328 = arith.addi %get3A_326, %add3A_327 : vector<16xi32>
        %swap3A_329 = arith.constant 0 : i32
        %swap3A_330 = arith.index_cast %swap3A_329 : i32 to index
        %swap3A_331 = arith.constant 48 : index
        %swap3A_332 = tpu.vector_load %arg9[%swap3A_330, %swap3A_331] {strides = array<i32>} : memref<10x128xi32, #tpu.memory_space<vmem>>, vector<16xi32>,
        tpu.vector_store %arg9[%swap3A_330, %swap3A_331], %add3A_328 {strides = array<i32>} : memref<10x128xi32, #tpu.memory_space<vmem>>, vector<16xi32>,
        %get3A_333 = arith.constant 0 : i32
        %get3A_334 = arith.index_cast %get3A_333 : i32 to index
        %get3A_335 = arith.constant 48 : index
        %get3A_336 = tpu.vector_load %arg7[%get3A_334, %get3A_335] {strides = array<i32>} : memref<2x1280xi32, #tpu.memory_space<vmem>>, vector<16xi32>,
        %gather3A_337 = tpu.vector_load_idx %arg6[%get3A_336] : memref<100096xf32, #tpu.memory_space<vmem>>[vector<16xi32>], vector<16xf32>,
        %swap3A_338 = arith.constant 0 : i32
        %swap3A_339 = arith.index_cast %swap3A_338 : i32 to index
        %swap3A_340 = arith.constant 48 : index
        %swap3A_341 = tpu.vector_load %arg10[%swap3A_339, %swap3A_340] {strides = array<i32>} : memref<10x128xf32, #tpu.memory_space<vmem>>, vector<16xf32>,
        tpu.vector_store %arg10[%swap3A_339, %swap3A_340], %gather3A_337 {strides = array<i32>} : memref<10x128xf32, #tpu.memory_space<vmem>>, vector<16xf32>,
        %get3A_342 = arith.constant 0 : i32
        %get3A_343 = arith.index_cast %get3A_342 : i32 to index
        %get3A_344 = arith.constant 64 : index
        %get3A_345 = tpu.vector_load %arg8[%get3A_343, %get3A_344] {strides = array<i32>} : memref<2x1280xi32, #tpu.memory_space<vmem>>, vector<16xi32>,
        %add3A_346 = vector.broadcast %mul3A_64 : i32 to vector<16xi32>
        %add3A_347 = arith.addi %get3A_345, %add3A_346 : vector<16xi32>
        %swap3A_348 = arith.constant 0 : i32
        %swap3A_349 = arith.index_cast %swap3A_348 : i32 to index
        %swap3A_350 = arith.constant 64 : index
        %swap3A_351 = tpu.vector_load %arg9[%swap3A_349, %swap3A_350] {strides = array<i32>} : memref<10x128xi32, #tpu.memory_space<vmem>>, vector<16xi32>,
        tpu.vector_store %arg9[%swap3A_349, %swap3A_350], %add3A_347 {strides = array<i32>} : memref<10x128xi32, #tpu.memory_space<vmem>>, vector<16xi32>,
        %get3A_352 = arith.constant 0 : i32
        %get3A_353 = arith.index_cast %get3A_352 : i32 to index
        %get3A_354 = arith.constant 64 : index
        %get3A_355 = tpu.vector_load %arg7[%get3A_353, %get3A_354] {strides = array<i32>} : memref<2x1280xi32, #tpu.memory_space<vmem>>, vector<16xi32>,
        %gather3A_356 = tpu.vector_load_idx %arg6[%get3A_355] : memref<100096xf32, #tpu.memory_space<vmem>>[vector<16xi32>], vector<16xf32>,
        %swap3A_357 = arith.constant 0 : i32
        %swap3A_358 = arith.index_cast %swap3A_357 : i32 to index
        %swap3A_359 = arith.constant 64 : index
        %swap3A_360 = tpu.vector_load %arg10[%swap3A_358, %swap3A_359] {strides = array<i32>} : memref<10x128xf32, #tpu.memory_space<vmem>>, vector<16xf32>,
        tpu.vector_store %arg10[%swap3A_358, %swap3A_359], %gather3A_356 {strides = array<i32>} : memref<10x128xf32, #tpu.memory_space<vmem>>, vector<16xf32>,
        %get3A_361 = arith.constant 0 : i32
        %get3A_362 = arith.index_cast %get3A_361 : i32 to index
        %get3A_363 = arith.constant 80 : index
        %get3A_364 = tpu.vector_load %arg8[%get3A_362, %get3A_363] {strides = array<i32>} : memref<2x1280xi32, #tpu.memory_space<vmem>>, vector<16xi32>,
        %add3A_365 = vector.broadcast %mul3A_64 : i32 to vector<16xi32>
        %add3A_366 = arith.addi %get3A_364, %add3A_365 : vector<16xi32>
        %swap3A_367 = arith.constant 0 : i32
        %swap3A_368 = arith.index_cast %swap3A_367 : i32 to index
        %swap3A_369 = arith.constant 80 : index
        %swap3A_370 = tpu.vector_load %arg9[%swap3A_368, %swap3A_369] {strides = array<i32>} : memref<10x128xi32, #tpu.memory_space<vmem>>, vector<16xi32>,
        tpu.vector_store %arg9[%swap3A_368, %swap3A_369], %add3A_366 {strides = array<i32>} : memref<10x128xi32, #tpu.memory_space<vmem>>, vector<16xi32>,
        %get3A_371 = arith.constant 0 : i32
        %get3A_372 = arith.index_cast %get3A_371 : i32 to index
        %get3A_373 = arith.constant 80 : index
        %get3A_374 = tpu.vector_load %arg7[%get3A_372, %get3A_373] {strides = array<i32>} : memref<2x1280xi32, #tpu.memory_space<vmem>>, vector<16xi32>,
        %gather3A_375 = tpu.vector_load_idx %arg6[%get3A_374] : memref<100096xf32, #tpu.memory_space<vmem>>[vector<16xi32>], vector<16xf32>,
        %swap3A_376 = arith.constant 0 : i32
        %swap3A_377 = arith.index_cast %swap3A_376 : i32 to index
        %swap3A_378 = arith.constant 80 : index
        %swap3A_379 = tpu.vector_load %arg10[%swap3A_377, %swap3A_378] {strides = array<i32>} : memref<10x128xf32, #tpu.memory_space<vmem>>, vector<16xf32>,
        tpu.vector_store %arg10[%swap3A_377, %swap3A_378], %gather3A_375 {strides = array<i32>} : memref<10x128xf32, #tpu.memory_space<vmem>>, vector<16xf32>,
        %get3A_380 = arith.constant 0 : i32
        %get3A_381 = arith.index_cast %get3A_380 : i32 to index
        %get3A_382 = arith.constant 96 : index
        %get3A_383 = tpu.vector_load %arg8[%get3A_381, %get3A_382] {strides = array<i32>} : memref<2x1280xi32, #tpu.memory_space<vmem>>, vector<16xi32>,
        %add3A_384 = vector.broadcast %mul3A_64 : i32 to vector<16xi32>
        %add3A_385 = arith.addi %get3A_383, %add3A_384 : vector<16xi32>
        %swap3A_386 = arith.constant 0 : i32
        %swap3A_387 = arith.index_cast %swap3A_386 : i32 to index
        %swap3A_388 = arith.constant 96 : index
        %swap3A_389 = tpu.vector_load %arg9[%swap3A_387, %swap3A_388] {strides = array<i32>} : memref<10x128xi32, #tpu.memory_space<vmem>>, vector<16xi32>,
        tpu.vector_store %arg9[%swap3A_387, %swap3A_388], %add3A_385 {strides = array<i32>} : memref<10x128xi32, #tpu.memory_space<vmem>>, vector<16xi32>,
        %get3A_390 = arith.constant 0 : i32
        %get3A_391 = arith.index_cast %get3A_390 : i32 to index
        %get3A_392 = arith.constant 96 : index
        %get3A_393 = tpu.vector_load %arg7[%get3A_391, %get3A_392] {strides = array<i32>} : memref<2x1280xi32, #tpu.memory_space<vmem>>, vector<16xi32>,
        %gather3A_394 = tpu.vector_load_idx %arg6[%get3A_393] : memref<100096xf32, #tpu.memory_space<vmem>>[vector<16xi32>], vector<16xf32>,
        %swap3A_395 = arith.constant 0 : i32
        %swap3A_396 = arith.index_cast %swap3A_395 : i32 to index
        %swap3A_397 = arith.constant 96 : index
        %swap3A_398 = tpu.vector_load %arg10[%swap3A_396, %swap3A_397] {strides = array<i32>} : memref<10x128xf32, #tpu.memory_space<vmem>>, vector<16xf32>,
        tpu.vector_store %arg10[%swap3A_396, %swap3A_397], %gather3A_394 {strides = array<i32>} : memref<10x128xf32, #tpu.memory_space<vmem>>, vector<16xf32>,
        %get3A_399 = arith.constant 0 : i32
        %get3A_400 = arith.index_cast %get3A_399 : i32 to index
        %get3A_401 = arith.constant 112 : index
        %get3A_402 = tpu.vector_load %arg8[%get3A_400, %get3A_401] {strides = array<i32>} : memref<2x1280xi32, #tpu.memory_space<vmem>>, vector<16xi32>,
        %add3A_403 = vector.broadcast %mul3A_64 : i32 to vector<16xi32>
        %add3A_404 = arith.addi %get3A_402, %add3A_403 : vector<16xi32>
        %swap3A_405 = arith.constant 0 : i32
        %swap3A_406 = arith.index_cast %swap3A_405 : i32 to index
        %swap3A_407 = arith.constant 112 : index
        %swap3A_408 = tpu.vector_load %arg9[%swap3A_406, %swap3A_407] {strides = array<i32>} : memref<10x128xi32, #tpu.memory_space<vmem>>, vector<16xi32>,
        tpu.vector_store %arg9[%swap3A_406, %swap3A_407], %add3A_404 {strides = array<i32>} : memref<10x128xi32, #tpu.memory_space<vmem>>, vector<16xi32>,
        %get3A_409 = arith.constant 0 : i32
        %get3A_410 = arith.index_cast %get3A_409 : i32 to index
        %get3A_411 = arith.constant 112 : index
        %get3A_412 = tpu.vector_load %arg7[%get3A_410, %get3A_411] {strides = array<i32>} : memref<2x1280xi32, #tpu.memory_space<vmem>>, vector<16xi32>,
        %gather3A_413 = tpu.vector_load_idx %arg6[%get3A_412] : memref<100096xf32, #tpu.memory_space<vmem>>[vector<16xi32>], vector<16xf32>,
        %swap3A_414 = arith.constant 0 : i32
        %swap3A_415 = arith.index_cast %swap3A_414 : i32 to index
        %swap3A_416 = arith.constant 112 : index
        %swap3A_417 = tpu.vector_load %arg10[%swap3A_415, %swap3A_416] {strides = array<i32>} : memref<10x128xf32, #tpu.memory_space<vmem>>, vector<16xf32>,
        tpu.vector_store %arg10[%swap3A_415, %swap3A_416], %gather3A_413 {strides = array<i32>} : memref<10x128xf32, #tpu.memory_space<vmem>>, vector<16xf32>,
        %dma_start3A_418 = arith.constant 0 : i32
        %dma_start3A_419 = arith.constant 0 : i32
        %dma_start3A_420 = arith.constant 0 : i32
        %dma_start3A_421 = tpu.memref_slice %arg10[%dma_start3A_418, %dma_start3A_420] : memref<10x128xf32, #tpu.memory_space<vmem>> -> memref<1x128xf32, #tpu.memory_space<vmem>>
        %dma_start3A_422 = tpu.memref_squeeze %dma_start3A_421 : memref<1x128xf32, #tpu.memory_space<vmem>> -> memref<128xf32, #tpu.memory_space<vmem>>
        %dma_start3A_423 = arith.constant 0 : i32
        %dma_start3A_424 = tpu.memref_slice %arg9[%dma_start3A_419, %dma_start3A_423] : memref<10x128xi32, #tpu.memory_space<vmem>> -> memref<1x128xi32, #tpu.memory_space<vmem>>
        %dma_start3A_425 = tpu.memref_squeeze %dma_start3A_424 : memref<1x128xi32, #tpu.memory_space<vmem>> -> memref<128xi32, #tpu.memory_space<vmem>>
        %dma_start3A_426 = arith.constant 0 : i32
        %dma_start3A_427 = tpu.memref_slice %arg11[%dma_start3A_426] : memref<200192xf32, #tpu.memory_space<vmem_shared>> -> memref<200192xf32, #tpu.memory_space<vmem_shared>>
        tpu.enqueue_indirect_dma source(%dma_start3A_422 : memref<128xf32, #tpu.memory_space<vmem>>) target(%dma_start3A_427 : memref<200192xf32, #tpu.memory_space<vmem_shared>>) offsets(%dma_start3A_425 : memref<128xi32, #tpu.memory_space<vmem>>) semaphore(%arg14 : memref<!tpu.dma_semaphore, #tpu.memory_space<semaphore_mem>>) {add = true}
        %get3A_428 = arith.constant 0 : i32
        %get3A_429 = arith.index_cast %get3A_428 : i32 to index
        %get3A_430 = arith.constant 128 : index
        %get3A_431 = tpu.vector_load %arg8[%get3A_429, %get3A_430] {strides = array<i32>} : memref<2x1280xi32, #tpu.memory_space<vmem>>, vector<16xi32>,
        %add3A_432 = vector.broadcast %mul3A_64 : i32 to vector<16xi32>
        %add3A_433 = arith.addi %get3A_431, %add3A_432 : vector<16xi32>
        %swap3A_434 = arith.constant 1 : i32
        %swap3A_435 = arith.index_cast %swap3A_434 : i32 to index
        %swap3A_436 = arith.constant 0 : index
        %swap3A_437 = tpu.vector_load %arg9[%swap3A_435, %swap3A_436] {strides = array<i32>} : memref<10x128xi32, #tpu.memory_space<vmem>>, vector<16xi32>,
        tpu.vector_store %arg9[%swap3A_435, %swap3A_436], %add3A_433 {strides = array<i32>} : memref<10x128xi32, #tpu.memory_space<vmem>>, vector<16xi32>,
        %get3A_438 = arith.constant 0 : i32
        %get3A_439 = arith.index_cast %get3A_438 : i32 to index
        %get3A_440 = arith.constant 128 : index
        %get3A_441 = tpu.vector_load %arg7[%get3A_439, %get3A_440] {strides = array<i32>} : memref<2x1280xi32, #tpu.memory_space<vmem>>, vector<16xi32>,
        %gather3A_442 = tpu.vector_load_idx %arg6[%get3A_441] : memref<100096xf32, #tpu.memory_space<vmem>>[vector<16xi32>], vector<16xf32>,
        %swap3A_443 = arith.constant 1 : i32
        %swap3A_444 = arith.index_cast %swap3A_443 : i32 to index
        %swap3A_445 = arith.constant 0 : index
        %swap3A_446 = tpu.vector_load %arg10[%swap3A_444, %swap3A_445] {strides = array<i32>} : memref<10x128xf32, #tpu.memory_space<vmem>>, vector<16xf32>,
        tpu.vector_store %arg10[%swap3A_444, %swap3A_445], %gather3A_442 {strides = array<i32>} : memref<10x128xf32, #tpu.memory_space<vmem>>, vector<16xf32>,
        %get3A_447 = arith.constant 0 : i32
        %get3A_448 = arith.index_cast %get3A_447 : i32 to index
        %get3A_449 = arith.constant 144 : index
        %get3A_450 = tpu.vector_load %arg8[%get3A_448, %get3A_449] {strides = array<i32>} : memref<2x1280xi32, #tpu.memory_space<vmem>>, vector<16xi32>,
        %add3A_451 = vector.broadcast %mul3A_64 : i32 to vector<16xi32>
        %add3A_452 = arith.addi %get3A_450, %add3A_451 : vector<16xi32>
        %swap3A_453 = arith.constant 1 : i32
        %swap3A_454 = arith.index_cast %swap3A_453 : i32 to index
        %swap3A_455 = arith.constant 16 : index
        %swap3A_456 = tpu.vector_load %arg9[%swap3A_454, %swap3A_455] {strides = array<i32>} : memref<10x128xi32, #tpu.memory_space<vmem>>, vector<16xi32>,
        tpu.vector_store %arg9[%swap3A_454, %swap3A_455], %add3A_452 {strides = array<i32>} : memref<10x128xi32, #tpu.memory_space<vmem>>, vector<16xi32>,
        %get3A_457 = arith.constant 0 : i32
        %get3A_458 = arith.index_cast %get3A_457 : i32 to index
        %get3A_459 = arith.constant 144 : index
        %get3A_460 = tpu.vector_load %arg7[%get3A_458, %get3A_459] {strides = array<i32>} : memref<2x1280xi32, #tpu.memory_space<vmem>>, vector<16xi32>,
        %gather3A_461 = tpu.vector_load_idx %arg6[%get3A_460] : memref<100096xf32, #tpu.memory_space<vmem>>[vector<16xi32>], vector<16xf32>,
        %swap3A_462 = arith.constant 1 : i32
        %swap3A_463 = arith.index_cast %swap3A_462 : i32 to index
        %swap3A_464 = arith.constant 16 : index
        %swap3A_465 = tpu.vector_load %arg10[%swap3A_463, %swap3A_464] {strides = array<i32>} : memref<10x128xf32, #tpu.memory_space<vmem>>, vector<16xf32>,
        tpu.vector_store %arg10[%swap3A_463, %swap3A_464], %gather3A_461 {strides = array<i32>} : memref<10x128xf32, #tpu.memory_space<vmem>>, vector<16xf32>,
        %get3A_466 = arith.constant 0 : i32
        %get3A_467 = arith.index_cast %get3A_466 : i32 to index
        %get3A_468 = arith.constant 160 : index
        %get3A_469 = tpu.vector_load %arg8[%get3A_467, %get3A_468] {strides = array<i32>} : memref<2x1280xi32, #tpu.memory_space<vmem>>, vector<16xi32>,
        %add3A_470 = vector.broadcast %mul3A_64 : i32 to vector<16xi32>
        %add3A_471 = arith.addi %get3A_469, %add3A_470 : vector<16xi32>
        %swap3A_472 = arith.constant 1 : i32
        %swap3A_473 = arith.index_cast %swap3A_472 : i32 to index
        %swap3A_474 = arith.constant 32 : index
        %swap3A_475 = tpu.vector_load %arg9[%swap3A_473, %swap3A_474] {strides = array<i32>} : memref<10x128xi32, #tpu.memory_space<vmem>>, vector<16xi32>,
        tpu.vector_store %arg9[%swap3A_473, %swap3A_474], %add3A_471 {strides = array<i32>} : memref<10x128xi32, #tpu.memory_space<vmem>>, vector<16xi32>,
        %get3A_476 = arith.constant 0 : i32
        %get3A_477 = arith.index_cast %get3A_476 : i32 to index
        %get3A_478 = arith.constant 160 : index
        %get3A_479 = tpu.vector_load %arg7[%get3A_477, %get3A_478] {strides = array<i32>} : memref<2x1280xi32, #tpu.memory_space<vmem>>, vector<16xi32>,
        %gather3A_480 = tpu.vector_load_idx %arg6[%get3A_479] : memref<100096xf32, #tpu.memory_space<vmem>>[vector<16xi32>], vector<16xf32>,
        %swap3A_481 = arith.constant 1 : i32
        %swap3A_482 = arith.index_cast %swap3A_481 : i32 to index
        %swap3A_483 = arith.constant 32 : index
        %swap3A_484 = tpu.vector_load %arg10[%swap3A_482, %swap3A_483] {strides = array<i32>} : memref<10x128xf32, #tpu.memory_space<vmem>>, vector<16xf32>,
        tpu.vector_store %arg10[%swap3A_482, %swap3A_483], %gather3A_480 {strides = array<i32>} : memref<10x128xf32, #tpu.memory_space<vmem>>, vector<16xf32>,
        %get3A_485 = arith.constant 0 : i32
        %get3A_486 = arith.index_cast %get3A_485 : i32 to index
        %get3A_487 = arith.constant 176 : index
        %get3A_488 = tpu.vector_load %arg8[%get3A_486, %get3A_487] {strides = array<i32>} : memref<2x1280xi32, #tpu.memory_space<vmem>>, vector<16xi32>,
        %add3A_489 = vector.broadcast %mul3A_64 : i32 to vector<16xi32>
        %add3A_490 = arith.addi %get3A_488, %add3A_489 : vector<16xi32>
        %swap3A_491 = arith.constant 1 : i32
        %swap3A_492 = arith.index_cast %swap3A_491 : i32 to index
        %swap3A_493 = arith.constant 48 : index
        %swap3A_494 = tpu.vector_load %arg9[%swap3A_492, %swap3A_493] {strides = array<i32>} : memref<10x128xi32, #tpu.memory_space<vmem>>, vector<16xi32>,
        tpu.vector_store %arg9[%swap3A_492, %swap3A_493], %add3A_490 {strides = array<i32>} : memref<10x128xi32, #tpu.memory_space<vmem>>, vector<16xi32>,
        %get3A_495 = arith.constant 0 : i32
        %get3A_496 = arith.index_cast %get3A_495 : i32 to index
        %get3A_497 = arith.constant 176 : index
        %get3A_498 = tpu.vector_load %arg7[%get3A_496, %get3A_497] {strides = array<i32>} : memref<2x1280xi32, #tpu.memory_space<vmem>>, vector<16xi32>,
        %gather3A_499 = tpu.vector_load_idx %arg6[%get3A_498] : memref<100096xf32, #tpu.memory_space<vmem>>[vector<16xi32>], vector<16xf32>,
        %swap3A_500 = arith.constant 1 : i32
        %swap3A_501 = arith.index_cast %swap3A_500 : i32 to index
        %swap3A_502 = arith.constant 48 : index
        %swap3A_503 = tpu.vector_load %arg10[%swap3A_501, %swap3A_502] {strides = array<i32>} : memref<10x128xf32, #tpu.memory_space<vmem>>, vector<16xf32>,
        tpu.vector_store %arg10[%swap3A_501, %swap3A_502], %gather3A_499 {strides = array<i32>} : memref<10x128xf32, #tpu.memory_space<vmem>>, vector<16xf32>,
        %get3A_504 = arith.constant 0 : i32
        %get3A_505 = arith.index_cast %get3A_504 : i32 to index
        %get3A_506 = arith.constant 192 : index
        %get3A_507 = tpu.vector_load %arg8[%get3A_505, %get3A_506] {strides = array<i32>} : memref<2x1280xi32, #tpu.memory_space<vmem>>, vector<16xi32>,
        %add3A_508 = vector.broadcast %mul3A_64 : i32 to vector<16xi32>
        %add3A_509 = arith.addi %get3A_507, %add3A_508 : vector<16xi32>
        %swap3A_510 = arith.constant 1 : i32
        %swap3A_511 = arith.index_cast %swap3A_510 : i32 to index
        %swap3A_512 = arith.constant 64 : index
        %swap3A_513 = tpu.vector_load %arg9[%swap3A_511, %swap3A_512] {strides = array<i32>} : memref<10x128xi32, #tpu.memory_space<vmem>>, vector<16xi32>,
        tpu.vector_store %arg9[%swap3A_511, %swap3A_512], %add3A_509 {strides = array<i32>} : memref<10x128xi32, #tpu.memory_space<vmem>>, vector<16xi32>,
        %get3A_514 = arith.constant 0 : i32
        %get3A_515 = arith.index_cast %get3A_514 : i32 to index
        %get3A_516 = arith.constant 192 : index
        %get3A_517 = tpu.vector_load %arg7[%get3A_515, %get3A_516] {strides = array<i32>} : memref<2x1280xi32, #tpu.memory_space<vmem>>, vector<16xi32>,
        %gather3A_518 = tpu.vector_load_idx %arg6[%get3A_517] : memref<100096xf32, #tpu.memory_space<vmem>>[vector<16xi32>], vector<16xf32>,
        %swap3A_519 = arith.constant 1 : i32
        %swap3A_520 = arith.index_cast %swap3A_519 : i32 to index
        %swap3A_521 = arith.constant 64 : index
        %swap3A_522 = tpu.vector_load %arg10[%swap3A_520, %swap3A_521] {strides = array<i32>} : memref<10x128xf32, #tpu.memory_space<vmem>>, vector<16xf32>,
        tpu.vector_store %arg10[%swap3A_520, %swap3A_521], %gather3A_518 {strides = array<i32>} : memref<10x128xf32, #tpu.memory_space<vmem>>, vector<16xf32>,
        %get3A_523 = arith.constant 0 : i32
        %get3A_524 = arith.index_cast %get3A_523 : i32 to index
        %get3A_525 = arith.constant 208 : index
        %get3A_526 = tpu.vector_load %arg8[%get3A_524, %get3A_525] {strides = array<i32>} : memref<2x1280xi32, #tpu.memory_space<vmem>>, vector<16xi32>,
        %add3A_527 = vector.broadcast %mul3A_64 : i32 to vector<16xi32>
        %add3A_528 = arith.addi %get3A_526, %add3A_527 : vector<16xi32>
        %swap3A_529 = arith.constant 1 : i32
        %swap3A_530 = arith.index_cast %swap3A_529 : i32 to index
        %swap3A_531 = arith.constant 80 : index
        %swap3A_532 = tpu.vector_load %arg9[%swap3A_530, %swap3A_531] {strides = array<i32>} : memref<10x128xi32, #tpu.memory_space<vmem>>, vector<16xi32>,
        tpu.vector_store %arg9[%swap3A_530, %swap3A_531], %add3A_528 {strides = array<i32>} : memref<10x128xi32, #tpu.memory_space<vmem>>, vector<16xi32>,
        %get3A_533 = arith.constant 0 : i32
        %get3A_534 = arith.index_cast %get3A_533 : i32 to index
        %get3A_535 = arith.constant 208 : index
        %get3A_536 = tpu.vector_load %arg7[%get3A_534, %get3A_535] {strides = array<i32>} : memref<2x1280xi32, #tpu.memory_space<vmem>>, vector<16xi32>,
        %gather3A_537 = tpu.vector_load_idx %arg6[%get3A_536] : memref<100096xf32, #tpu.memory_space<vmem>>[vector<16xi32>], vector<16xf32>,
        %swap3A_538 = arith.constant 1 : i32
        %swap3A_539 = arith.index_cast %swap3A_538 : i32 to index
        %swap3A_540 = arith.constant 80 : index
        %swap3A_541 = tpu.vector_load %arg10[%swap3A_539, %swap3A_540] {strides = array<i32>} : memref<10x128xf32, #tpu.memory_space<vmem>>, vector<16xf32>,
        tpu.vector_store %arg10[%swap3A_539, %swap3A_540], %gather3A_537 {strides = array<i32>} : memref<10x128xf32, #tpu.memory_space<vmem>>, vector<16xf32>,
        %get3A_542 = arith.constant 0 : i32
        %get3A_543 = arith.index_cast %get3A_542 : i32 to index
        %get3A_544 = arith.constant 224 : index
        %get3A_545 = tpu.vector_load %arg8[%get3A_543, %get3A_544] {strides = array<i32>} : memref<2x1280xi32, #tpu.memory_space<vmem>>, vector<16xi32>,
        %add3A_546 = vector.broadcast %mul3A_64 : i32 to vector<16xi32>
        %add3A_547 = arith.addi %get3A_545, %add3A_546 : vector<16xi32>
        %swap3A_548 = arith.constant 1 : i32
        %swap3A_549 = arith.index_cast %swap3A_548 : i32 to index
        %swap3A_550 = arith.constant 96 : index
        %swap3A_551 = tpu.vector_load %arg9[%swap3A_549, %swap3A_550] {strides = array<i32>} : memref<10x128xi32, #tpu.memory_space<vmem>>, vector<16xi32>,
        tpu.vector_store %arg9[%swap3A_549, %swap3A_550], %add3A_547 {strides = array<i32>} : memref<10x128xi32, #tpu.memory_space<vmem>>, vector<16xi32>,
        %get3A_552 = arith.constant 0 : i32
        %get3A_553 = arith.index_cast %get3A_552 : i32 to index
        %get3A_554 = arith.constant 224 : index
        %get3A_555 = tpu.vector_load %arg7[%get3A_553, %get3A_554] {strides = array<i32>} : memref<2x1280xi32, #tpu.memory_space<vmem>>, vector<16xi32>,
        %gather3A_556 = tpu.vector_load_idx %arg6[%get3A_555] : memref<100096xf32, #tpu.memory_space<vmem>>[vector<16xi32>], vector<16xf32>,
        %swap3A_557 = arith.constant 1 : i32
        %swap3A_558 = arith.index_cast %swap3A_557 : i32 to index
        %swap3A_559 = arith.constant 96 : index
        %swap3A_560 = tpu.vector_load %arg10[%swap3A_558, %swap3A_559] {strides = array<i32>} : memref<10x128xf32, #tpu.memory_space<vmem>>, vector<16xf32>,
        tpu.vector_store %arg10[%swap3A_558, %swap3A_559], %gather3A_556 {strides = array<i32>} : memref<10x128xf32, #tpu.memory_space<vmem>>, vector<16xf32>,
        %get3A_561 = arith.constant 0 : i32
        %get3A_562 = arith.index_cast %get3A_561 : i32 to index
        %get3A_563 = arith.constant 240 : index
        %get3A_564 = tpu.vector_load %arg8[%get3A_562, %get3A_563] {strides = array<i32>} : memref<2x1280xi32, #tpu.memory_space<vmem>>, vector<16xi32>,
        %add3A_565 = vector.broadcast %mul3A_64 : i32 to vector<16xi32>
        %add3A_566 = arith.addi %get3A_564, %add3A_565 : vector<16xi32>
        %swap3A_567 = arith.constant 1 : i32
        %swap3A_568 = arith.index_cast %swap3A_567 : i32 to index
        %swap3A_569 = arith.constant 112 : index
        %swap3A_570 = tpu.vector_load %arg9[%swap3A_568, %swap3A_569] {strides = array<i32>} : memref<10x128xi32, #tpu.memory_space<vmem>>, vector<16xi32>,
        tpu.vector_store %arg9[%swap3A_568, %swap3A_569], %add3A_566 {strides = array<i32>} : memref<10x128xi32, #tpu.memory_space<vmem>>, vector<16xi32>,
        %get3A_571 = arith.constant 0 : i32
        %get3A_572 = arith.index_cast %get3A_571 : i32 to index
        %get3A_573 = arith.constant 240 : index
        %get3A_574 = tpu.vector_load %arg7[%get3A_572, %get3A_573] {strides = array<i32>} : memref<2x1280xi32, #tpu.memory_space<vmem>>, vector<16xi32>,
        %gather3A_575 = tpu.vector_load_idx %arg6[%get3A_574] : memref<100096xf32, #tpu.memory_space<vmem>>[vector<16xi32>], vector<16xf32>,
        %swap3A_576 = arith.constant 1 : i32
        %swap3A_577 = arith.index_cast %swap3A_576 : i32 to index
        %swap3A_578 = arith.constant 112 : index
        %swap3A_579 = tpu.vector_load %arg10[%swap3A_577, %swap3A_578] {strides = array<i32>} : memref<10x128xf32, #tpu.memory_space<vmem>>, vector<16xf32>,
        tpu.vector_store %arg10[%swap3A_577, %swap3A_578], %gather3A_575 {strides = array<i32>} : memref<10x128xf32, #tpu.memory_space<vmem>>, vector<16xf32>,
        %dma_start3A_580 = arith.constant 1 : i32
        %dma_start3A_581 = arith.constant 1 : i32
        %dma_start3A_582 = arith.constant 0 : i32
        %dma_start3A_583 = tpu.memref_slice %arg10[%dma_start3A_580, %dma_start3A_582] : memref<10x128xf32, #tpu.memory_space<vmem>> -> memref<1x128xf32, #tpu.memory_space<vmem>>
        %dma_start3A_584 = tpu.memref_squeeze %dma_start3A_583 : memref<1x128xf32, #tpu.memory_space<vmem>> -> memref<128xf32, #tpu.memory_space<vmem>>
        %dma_start3A_585 = arith.constant 0 : i32
        %dma_start3A_586 = tpu.memref_slice %arg9[%dma_start3A_581, %dma_start3A_585] : memref<10x128xi32, #tpu.memory_space<vmem>> -> memref<1x128xi32, #tpu.memory_space<vmem>>
        %dma_start3A_587 = tpu.memref_squeeze %dma_start3A_586 : memref<1x128xi32, #tpu.memory_space<vmem>> -> memref<128xi32, #tpu.memory_space<vmem>>
        %dma_start3A_588 = arith.constant 0 : i32
        %dma_start3A_589 = tpu.memref_slice %arg11[%dma_start3A_588] : memref<200192xf32, #tpu.memory_space<vmem_shared>> -> memref<200192xf32, #tpu.memory_space<vmem_shared>>
        tpu.enqueue_indirect_dma source(%dma_start3A_584 : memref<128xf32, #tpu.memory_space<vmem>>) target(%dma_start3A_589 : memref<200192xf32, #tpu.memory_space<vmem_shared>>) offsets(%dma_start3A_587 : memref<128xi32, #tpu.memory_space<vmem>>) semaphore(%arg14 : memref<!tpu.dma_semaphore, #tpu.memory_space<semaphore_mem>>) {add = true}
        %get3A_590 = arith.constant 0 : i32
        %get3A_591 = arith.index_cast %get3A_590 : i32 to index
        %get3A_592 = arith.constant 256 : index
        %get3A_593 = tpu.vector_load %arg8[%get3A_591, %get3A_592] {strides = array<i32>} : memref<2x1280xi32, #tpu.memory_space<vmem>>, vector<16xi32>,
        %add3A_594 = vector.broadcast %mul3A_64 : i32 to vector<16xi32>
        %add3A_595 = arith.addi %get3A_593, %add3A_594 : vector<16xi32>
        %swap3A_596 = arith.constant 2 : i32
        %swap3A_597 = arith.index_cast %swap3A_596 : i32 to index
        %swap3A_598 = arith.constant 0 : index
        %swap3A_599 = tpu.vector_load %arg9[%swap3A_597, %swap3A_598] {strides = array<i32>} : memref<10x128xi32, #tpu.memory_space<vmem>>, vector<16xi32>,
        tpu.vector_store %arg9[%swap3A_597, %swap3A_598], %add3A_595 {strides = array<i32>} : memref<10x128xi32, #tpu.memory_space<vmem>>, vector<16xi32>,
        %get3A_600 = arith.constant 0 : i32
        %get3A_601 = arith.index_cast %get3A_600 : i32 to index
        %get3A_602 = arith.constant 256 : index
        %get3A_603 = tpu.vector_load %arg7[%get3A_601, %get3A_602] {strides = array<i32>} : memref<2x1280xi32, #tpu.memory_space<vmem>>, vector<16xi32>,
        %gather3A_604 = tpu.vector_load_idx %arg6[%get3A_603] : memref<100096xf32, #tpu.memory_space<vmem>>[vector<16xi32>], vector<16xf32>,
        %swap3A_605 = arith.constant 2 : i32
        %swap3A_606 = arith.index_cast %swap3A_605 : i32 to index
        %swap3A_607 = arith.constant 0 : index
        %swap3A_608 = tpu.vector_load %arg10[%swap3A_606, %swap3A_607] {strides = array<i32>} : memref<10x128xf32, #tpu.memory_space<vmem>>, vector<16xf32>,
        tpu.vector_store %arg10[%swap3A_606, %swap3A_607], %gather3A_604 {strides = array<i32>} : memref<10x128xf32, #tpu.memory_space<vmem>>, vector<16xf32>,
        %get3A_609 = arith.constant 0 : i32
        %get3A_610 = arith.index_cast %get3A_609 : i32 to index
        %get3A_611 = arith.constant 272 : index
        %get3A_612 = tpu.vector_load %arg8[%get3A_610, %get3A_611] {strides = array<i32>} : memref<2x1280xi32, #tpu.memory_space<vmem>>, vector<16xi32>,
        %add3A_613 = vector.broadcast %mul3A_64 : i32 to vector<16xi32>
        %add3A_614 = arith.addi %get3A_612, %add3A_613 : vector<16xi32>
        %swap3A_615 = arith.constant 2 : i32
        %swap3A_616 = arith.index_cast %swap3A_615 : i32 to index
        %swap3A_617 = arith.constant 16 : index
        %swap3A_618 = tpu.vector_load %arg9[%swap3A_616, %swap3A_617] {strides = array<i32>} : memref<10x128xi32, #tpu.memory_space<vmem>>, vector<16xi32>,
        tpu.vector_store %arg9[%swap3A_616, %swap3A_617], %add3A_614 {strides = array<i32>} : memref<10x128xi32, #tpu.memory_space<vmem>>, vector<16xi32>,
        %get3A_619 = arith.constant 0 : i32
        %get3A_620 = arith.index_cast %get3A_619 : i32 to index
        %get3A_621 = arith.constant 272 : index
        %get3A_622 = tpu.vector_load %arg7[%get3A_620, %get3A_621] {strides = array<i32>} : memref<2x1280xi32, #tpu.memory_space<vmem>>, vector<16xi32>,
        %gather3A_623 = tpu.vector_load_idx %arg6[%get3A_622] : memref<100096xf32, #tpu.memory_space<vmem>>[vector<16xi32>], vector<16xf32>,
        %swap3A_624 = arith.constant 2 : i32
        %swap3A_625 = arith.index_cast %swap3A_624 : i32 to index
        %swap3A_626 = arith.constant 16 : index
        %swap3A_627 = tpu.vector_load %arg10[%swap3A_625, %swap3A_626] {strides = array<i32>} : memref<10x128xf32, #tpu.memory_space<vmem>>, vector<16xf32>,
        tpu.vector_store %arg10[%swap3A_625, %swap3A_626], %gather3A_623 {strides = array<i32>} : memref<10x128xf32, #tpu.memory_space<vmem>>, vector<16xf32>,
        %get3A_628 = arith.constant 0 : i32
        %get3A_629 = arith.index_cast %get3A_628 : i32 to index
        %get3A_630 = arith.constant 288 : index
        %get3A_631 = tpu.vector_load %arg8[%get3A_629, %get3A_630] {strides = array<i32>} : memref<2x1280xi32, #tpu.memory_space<vmem>>, vector<16xi32>,
        %add3A_632 = vector.broadcast %mul3A_64 : i32 to vector<16xi32>
        %add3A_633 = arith.addi %get3A_631, %add3A_632 : vector<16xi32>
        %swap3A_634 = arith.constant 2 : i32
        %swap3A_635 = arith.index_cast %swap3A_634 : i32 to index
        %swap3A_636 = arith.constant 32 : index
        %swap3A_637 = tpu.vector_load %arg9[%swap3A_635, %swap3A_636] {strides = array<i32>} : memref<10x128xi32, #tpu.memory_space<vmem>>, vector<16xi32>,
        tpu.vector_store %arg9[%swap3A_635, %swap3A_636], %add3A_633 {strides = array<i32>} : memref<10x128xi32, #tpu.memory_space<vmem>>, vector<16xi32>,
        %get3A_638 = arith.constant 0 : i32
        %get3A_639 = arith.index_cast %get3A_638 : i32 to index
        %get3A_640 = arith.constant 288 : index
        %get3A_641 = tpu.vector_load %arg7[%get3A_639, %get3A_640] {strides = array<i32>} : memref<2x1280xi32, #tpu.memory_space<vmem>>, vector<16xi32>,
        %gather3A_642 = tpu.vector_load_idx %arg6[%get3A_641] : memref<100096xf32, #tpu.memory_space<vmem>>[vector<16xi32>], vector<16xf32>,
        %swap3A_643 = arith.constant 2 : i32
        %swap3A_644 = arith.index_cast %swap3A_643 : i32 to index
        %swap3A_645 = arith.constant 32 : index
        %swap3A_646 = tpu.vector_load %arg10[%swap3A_644, %swap3A_645] {strides = array<i32>} : memref<10x128xf32, #tpu.memory_space<vmem>>, vector<16xf32>,
        tpu.vector_store %arg10[%swap3A_644, %swap3A_645], %gather3A_642 {strides = array<i32>} : memref<10x128xf32, #tpu.memory_space<vmem>>, vector<16xf32>,
        %get3A_647 = arith.constant 0 : i32
        %get3A_648 = arith.index_cast %get3A_647 : i32 to index
        %get3A_649 = arith.constant 304 : index
        %get3A_650 = tpu.vector_load %arg8[%get3A_648, %get3A_649] {strides = array<i32>} : memref<2x1280xi32, #tpu.memory_space<vmem>>, vector<16xi32>,
        %add3A_651 = vector.broadcast %mul3A_64 : i32 to vector<16xi32>
        %add3A_652 = arith.addi %get3A_650, %add3A_651 : vector<16xi32>
        %swap3A_653 = arith.constant 2 : i32
        %swap3A_654 = arith.index_cast %swap3A_653 : i32 to index
        %swap3A_655 = arith.constant 48 : index
        %swap3A_656 = tpu.vector_load %arg9[%swap3A_654, %swap3A_655] {strides = array<i32>} : memref<10x128xi32, #tpu.memory_space<vmem>>, vector<16xi32>,
        tpu.vector_store %arg9[%swap3A_654, %swap3A_655], %add3A_652 {strides = array<i32>} : memref<10x128xi32, #tpu.memory_space<vmem>>, vector<16xi32>,
        %get3A_657 = arith.constant 0 : i32
        %get3A_658 = arith.index_cast %get3A_657 : i32 to index
        %get3A_659 = arith.constant 304 : index
        %get3A_660 = tpu.vector_load %arg7[%get3A_658, %get3A_659] {strides = array<i32>} : memref<2x1280xi32, #tpu.memory_space<vmem>>, vector<16xi32>,
        %gather3A_661 = tpu.vector_load_idx %arg6[%get3A_660] : memref<100096xf32, #tpu.memory_space<vmem>>[vector<16xi32>], vector<16xf32>,
        %swap3A_662 = arith.constant 2 : i32
        %swap3A_663 = arith.index_cast %swap3A_662 : i32 to index
        %swap3A_664 = arith.constant 48 : index
        %swap3A_665 = tpu.vector_load %arg10[%swap3A_663, %swap3A_664] {strides = array<i32>} : memref<10x128xf32, #tpu.memory_space<vmem>>, vector<16xf32>,
        tpu.vector_store %arg10[%swap3A_663, %swap3A_664], %gather3A_661 {strides = array<i32>} : memref<10x128xf32, #tpu.memory_space<vmem>>, vector<16xf32>,
        %get3A_666 = arith.constant 0 : i32
        %get3A_667 = arith.index_cast %get3A_666 : i32 to index
        %get3A_668 = arith.constant 320 : index
        %get3A_669 = tpu.vector_load %arg8[%get3A_667, %get3A_668] {strides = array<i32>} : memref<2x1280xi32, #tpu.memory_space<vmem>>, vector<16xi32>,
        %add3A_670 = vector.broadcast %mul3A_64 : i32 to vector<16xi32>
        %add3A_671 = arith.addi %get3A_669, %add3A_670 : vector<16xi32>
        %swap3A_672 = arith.constant 2 : i32
        %swap3A_673 = arith.index_cast %swap3A_672 : i32 to index
        %swap3A_674 = arith.constant 64 : index
        %swap3A_675 = tpu.vector_load %arg9[%swap3A_673, %swap3A_674] {strides = array<i32>} : memref<10x128xi32, #tpu.memory_space<vmem>>, vector<16xi32>,
        tpu.vector_store %arg9[%swap3A_673, %swap3A_674], %add3A_671 {strides = array<i32>} : memref<10x128xi32, #tpu.memory_space<vmem>>, vector<16xi32>,
        %get3A_676 = arith.constant 0 : i32
        %get3A_677 = arith.index_cast %get3A_676 : i32 to index
        %get3A_678 = arith.constant 320 : index
        %get3A_679 = tpu.vector_load %arg7[%get3A_677, %get3A_678] {strides = array<i32>} : memref<2x1280xi32, #tpu.memory_space<vmem>>, vector<16xi32>,
        %gather3A_680 = tpu.vector_load_idx %arg6[%get3A_679] : memref<100096xf32, #tpu.memory_space<vmem>>[vector<16xi32>], vector<16xf32>,
        %swap3A_681 = arith.constant 2 : i32
        %swap3A_682 = arith.index_cast %swap3A_681 : i32 to index
        %swap3A_683 = arith.constant 64 : index
        %swap3A_684 = tpu.vector_load %arg10[%swap3A_682, %swap3A_683] {strides = array<i32>} : memref<10x128xf32, #tpu.memory_space<vmem>>, vector<16xf32>,
        tpu.vector_store %arg10[%swap3A_682, %swap3A_683], %gather3A_680 {strides = array<i32>} : memref<10x128xf32, #tpu.memory_space<vmem>>, vector<16xf32>,
        %get3A_685 = arith.constant 0 : i32
        %get3A_686 = arith.index_cast %get3A_685 : i32 to index
        %get3A_687 = arith.constant 336 : index
        %get3A_688 = tpu.vector_load %arg8[%get3A_686, %get3A_687] {strides = array<i32>} : memref<2x1280xi32, #tpu.memory_space<vmem>>, vector<16xi32>,
        %add3A_689 = vector.broadcast %mul3A_64 : i32 to vector<16xi32>
        %add3A_690 = arith.addi %get3A_688, %add3A_689 : vector<16xi32>
        %swap3A_691 = arith.constant 2 : i32
        %swap3A_692 = arith.index_cast %swap3A_691 : i32 to index
        %swap3A_693 = arith.constant 80 : index
        %swap3A_694 = tpu.vector_load %arg9[%swap3A_692, %swap3A_693] {strides = array<i32>} : memref<10x128xi32, #tpu.memory_space<vmem>>, vector<16xi32>,
        tpu.vector_store %arg9[%swap3A_692, %swap3A_693], %add3A_690 {strides = array<i32>} : memref<10x128xi32, #tpu.memory_space<vmem>>, vector<16xi32>,
        %get3A_695 = arith.constant 0 : i32
        %get3A_696 = arith.index_cast %get3A_695 : i32 to index
        %get3A_697 = arith.constant 336 : index
        %get3A_698 = tpu.vector_load %arg7[%get3A_696, %get3A_697] {strides = array<i32>} : memref<2x1280xi32, #tpu.memory_space<vmem>>, vector<16xi32>,
        %gather3A_699 = tpu.vector_load_idx %arg6[%get3A_698] : memref<100096xf32, #tpu.memory_space<vmem>>[vector<16xi32>], vector<16xf32>,
        %swap3A_700 = arith.constant 2 : i32
        %swap3A_701 = arith.index_cast %swap3A_700 : i32 to index
        %swap3A_702 = arith.constant 80 : index
        %swap3A_703 = tpu.vector_load %arg10[%swap3A_701, %swap3A_702] {strides = array<i32>} : memref<10x128xf32, #tpu.memory_space<vmem>>, vector<16xf32>,
        tpu.vector_store %arg10[%swap3A_701, %swap3A_702], %gather3A_699 {strides = array<i32>} : memref<10x128xf32, #tpu.memory_space<vmem>>, vector<16xf32>,
        %get3A_704 = arith.constant 0 : i32
        %get3A_705 = arith.index_cast %get3A_704 : i32 to index
        %get3A_706 = arith.constant 352 : index
        %get3A_707 = tpu.vector_load %arg8[%get3A_705, %get3A_706] {strides = array<i32>} : memref<2x1280xi32, #tpu.memory_space<vmem>>, vector<16xi32>,
        %add3A_708 = vector.broadcast %mul3A_64 : i32 to vector<16xi32>
        %add3A_709 = arith.addi %get3A_707, %add3A_708 : vector<16xi32>
        %swap3A_710 = arith.constant 2 : i32
        %swap3A_711 = arith.index_cast %swap3A_710 : i32 to index
        %swap3A_712 = arith.constant 96 : index
        %swap3A_713 = tpu.vector_load %arg9[%swap3A_711, %swap3A_712] {strides = array<i32>} : memref<10x128xi32, #tpu.memory_space<vmem>>, vector<16xi32>,
        tpu.vector_store %arg9[%swap3A_711, %swap3A_712], %add3A_709 {strides = array<i32>} : memref<10x128xi32, #tpu.memory_space<vmem>>, vector<16xi32>,
        %get3A_714 = arith.constant 0 : i32
        %get3A_715 = arith.index_cast %get3A_714 : i32 to index
        %get3A_716 = arith.constant 352 : index
        %get3A_717 = tpu.vector_load %arg7[%get3A_715, %get3A_716] {strides = array<i32>} : memref<2x1280xi32, #tpu.memory_space<vmem>>, vector<16xi32>,
        %gather3A_718 = tpu.vector_load_idx %arg6[%get3A_717] : memref<100096xf32, #tpu.memory_space<vmem>>[vector<16xi32>], vector<16xf32>,
        %swap3A_719 = arith.constant 2 : i32
        %swap3A_720 = arith.index_cast %swap3A_719 : i32 to index
        %swap3A_721 = arith.constant 96 : index
        %swap3A_722 = tpu.vector_load %arg10[%swap3A_720, %swap3A_721] {strides = array<i32>} : memref<10x128xf32, #tpu.memory_space<vmem>>, vector<16xf32>,
        tpu.vector_store %arg10[%swap3A_720, %swap3A_721], %gather3A_718 {strides = array<i32>} : memref<10x128xf32, #tpu.memory_space<vmem>>, vector<16xf32>,
        %get3A_723 = arith.constant 0 : i32
        %get3A_724 = arith.index_cast %get3A_723 : i32 to index
        %get3A_725 = arith.constant 368 : index
        %get3A_726 = tpu.vector_load %arg8[%get3A_724, %get3A_725] {strides = array<i32>} : memref<2x1280xi32, #tpu.memory_space<vmem>>, vector<16xi32>,
        %add3A_727 = vector.broadcast %mul3A_64 : i32 to vector<16xi32>
        %add3A_728 = arith.addi %get3A_726, %add3A_727 : vector<16xi32>
        %swap3A_729 = arith.constant 2 : i32
        %swap3A_730 = arith.index_cast %swap3A_729 : i32 to index
        %swap3A_731 = arith.constant 112 : index
        %swap3A_732 = tpu.vector_load %arg9[%swap3A_730, %swap3A_731] {strides = array<i32>} : memref<10x128xi32, #tpu.memory_space<vmem>>, vector<16xi32>,
        tpu.vector_store %arg9[%swap3A_730, %swap3A_731], %add3A_728 {strides = array<i32>} : memref<10x128xi32, #tpu.memory_space<vmem>>, vector<16xi32>,
        %get3A_733 = arith.constant 0 : i32
        %get3A_734 = arith.index_cast %get3A_733 : i32 to index
        %get3A_735 = arith.constant 368 : index
        %get3A_736 = tpu.vector_load %arg7[%get3A_734, %get3A_735] {strides = array<i32>} : memref<2x1280xi32, #tpu.memory_space<vmem>>, vector<16xi32>,
        %gather3A_737 = tpu.vector_load_idx %arg6[%get3A_736] : memref<100096xf32, #tpu.memory_space<vmem>>[vector<16xi32>], vector<16xf32>,
        %swap3A_738 = arith.constant 2 : i32
        %swap3A_739 = arith.index_cast %swap3A_738 : i32 to index
        %swap3A_740 = arith.constant 112 : index
        %swap3A_741 = tpu.vector_load %arg10[%swap3A_739, %swap3A_740] {strides = array<i32>} : memref<10x128xf32, #tpu.memory_space<vmem>>, vector<16xf32>,
        tpu.vector_store %arg10[%swap3A_739, %swap3A_740], %gather3A_737 {strides = array<i32>} : memref<10x128xf32, #tpu.memory_space<vmem>>, vector<16xf32>,
        %dma_start3A_742 = arith.constant 2 : i32
        %dma_start3A_743 = arith.constant 2 : i32
        %dma_start3A_744 = arith.constant 0 : i32
        %dma_start3A_745 = tpu.memref_slice %arg10[%dma_start3A_742, %dma_start3A_744] : memref<10x128xf32, #tpu.memory_space<vmem>> -> memref<1x128xf32, #tpu.memory_space<vmem>>
        %dma_start3A_746 = tpu.memref_squeeze %dma_start3A_745 : memref<1x128xf32, #tpu.memory_space<vmem>> -> memref<128xf32, #tpu.memory_space<vmem>>
        %dma_start3A_747 = arith.constant 0 : i32
        %dma_start3A_748 = tpu.memref_slice %arg9[%dma_start3A_743, %dma_start3A_747] : memref<10x128xi32, #tpu.memory_space<vmem>> -> memref<1x128xi32, #tpu.memory_space<vmem>>
        %dma_start3A_749 = tpu.memref_squeeze %dma_start3A_748 : memref<1x128xi32, #tpu.memory_space<vmem>> -> memref<128xi32, #tpu.memory_space<vmem>>
        %dma_start3A_750 = arith.constant 0 : i32
        %dma_start3A_751 = tpu.memref_slice %arg11[%dma_start3A_750] : memref<200192xf32, #tpu.memory_space<vmem_shared>> -> memref<200192xf32, #tpu.memory_space<vmem_shared>>
        tpu.enqueue_indirect_dma source(%dma_start3A_746 : memref<128xf32, #tpu.memory_space<vmem>>) target(%dma_start3A_751 : memref<200192xf32, #tpu.memory_space<vmem_shared>>) offsets(%dma_start3A_749 : memref<128xi32, #tpu.memory_space<vmem>>) semaphore(%arg14 : memref<!tpu.dma_semaphore, #tpu.memory_space<semaphore_mem>>) {add = true}
        %get3A_752 = arith.constant 0 : i32
        %get3A_753 = arith.index_cast %get3A_752 : i32 to index
        %get3A_754 = arith.constant 384 : index
        %get3A_755 = tpu.vector_load %arg8[%get3A_753, %get3A_754] {strides = array<i32>} : memref<2x1280xi32, #tpu.memory_space<vmem>>, vector<16xi32>,
        %add3A_756 = vector.broadcast %mul3A_64 : i32 to vector<16xi32>
        %add3A_757 = arith.addi %get3A_755, %add3A_756 : vector<16xi32>
        %swap3A_758 = arith.constant 3 : i32
        %swap3A_759 = arith.index_cast %swap3A_758 : i32 to index
        %swap3A_760 = arith.constant 0 : index
        %swap3A_761 = tpu.vector_load %arg9[%swap3A_759, %swap3A_760] {strides = array<i32>} : memref<10x128xi32, #tpu.memory_space<vmem>>, vector<16xi32>,
        tpu.vector_store %arg9[%swap3A_759, %swap3A_760], %add3A_757 {strides = array<i32>} : memref<10x128xi32, #tpu.memory_space<vmem>>, vector<16xi32>,
        %get3A_762 = arith.constant 0 : i32
        %get3A_763 = arith.index_cast %get3A_762 : i32 to index
        %get3A_764 = arith.constant 384 : index
        %get3A_765 = tpu.vector_load %arg7[%get3A_763, %get3A_764] {strides = array<i32>} : memref<2x1280xi32, #tpu.memory_space<vmem>>, vector<16xi32>,
        %gather3A_766 = tpu.vector_load_idx %arg6[%get3A_765] : memref<100096xf32, #tpu.memory_space<vmem>>[vector<16xi32>], vector<16xf32>,
        %swap3A_767 = arith.constant 3 : i32
        %swap3A_768 = arith.index_cast %swap3A_767 : i32 to index
        %swap3A_769 = arith.constant 0 : index
        %swap3A_770 = tpu.vector_load %arg10[%swap3A_768, %swap3A_769] {strides = array<i32>} : memref<10x128xf32, #tpu.memory_space<vmem>>, vector<16xf32>,
        tpu.vector_store %arg10[%swap3A_768, %swap3A_769], %gather3A_766 {strides = array<i32>} : memref<10x128xf32, #tpu.memory_space<vmem>>, vector<16xf32>,
        %get3A_771 = arith.constant 0 : i32
        %get3A_772 = arith.index_cast %get3A_771 : i32 to index
        %get3A_773 = arith.constant 400 : index
        %get3A_774 = tpu.vector_load %arg8[%get3A_772, %get3A_773] {strides = array<i32>} : memref<2x1280xi32, #tpu.memory_space<vmem>>, vector<16xi32>,
        %add3A_775 = vector.broadcast %mul3A_64 : i32 to vector<16xi32>
        %add3A_776 = arith.addi %get3A_774, %add3A_775 : vector<16xi32>
        %swap3A_777 = arith.constant 3 : i32
        %swap3A_778 = arith.index_cast %swap3A_777 : i32 to index
        %swap3A_779 = arith.constant 16 : index
        %swap3A_780 = tpu.vector_load %arg9[%swap3A_778, %swap3A_779] {strides = array<i32>} : memref<10x128xi32, #tpu.memory_space<vmem>>, vector<16xi32>,
        tpu.vector_store %arg9[%swap3A_778, %swap3A_779], %add3A_776 {strides = array<i32>} : memref<10x128xi32, #tpu.memory_space<vmem>>, vector<16xi32>,
        %get3A_781 = arith.constant 0 : i32
        %get3A_782 = arith.index_cast %get3A_781 : i32 to index
        %get3A_783 = arith.constant 400 : index
        %get3A_784 = tpu.vector_load %arg7[%get3A_782, %get3A_783] {strides = array<i32>} : memref<2x1280xi32, #tpu.memory_space<vmem>>, vector<16xi32>,
        %gather3A_785 = tpu.vector_load_idx %arg6[%get3A_784] : memref<100096xf32, #tpu.memory_space<vmem>>[vector<16xi32>], vector<16xf32>,
        %swap3A_786 = arith.constant 3 : i32
        %swap3A_787 = arith.index_cast %swap3A_786 : i32 to index
        %swap3A_788 = arith.constant 16 : index
        %swap3A_789 = tpu.vector_load %arg10[%swap3A_787, %swap3A_788] {strides = array<i32>} : memref<10x128xf32, #tpu.memory_space<vmem>>, vector<16xf32>,
        tpu.vector_store %arg10[%swap3A_787, %swap3A_788], %gather3A_785 {strides = array<i32>} : memref<10x128xf32, #tpu.memory_space<vmem>>, vector<16xf32>,
        %get3A_790 = arith.constant 0 : i32
        %get3A_791 = arith.index_cast %get3A_790 : i32 to index
        %get3A_792 = arith.constant 416 : index
        %get3A_793 = tpu.vector_load %arg8[%get3A_791, %get3A_792] {strides = array<i32>} : memref<2x1280xi32, #tpu.memory_space<vmem>>, vector<16xi32>,
        %add3A_794 = vector.broadcast %mul3A_64 : i32 to vector<16xi32>
        %add3A_795 = arith.addi %get3A_793, %add3A_794 : vector<16xi32>
        %swap3A_796 = arith.constant 3 : i32
        %swap3A_797 = arith.index_cast %swap3A_796 : i32 to index
        %swap3A_798 = arith.constant 32 : index
        %swap3A_799 = tpu.vector_load %arg9[%swap3A_797, %swap3A_798] {strides = array<i32>} : memref<10x128xi32, #tpu.memory_space<vmem>>, vector<16xi32>,
        tpu.vector_store %arg9[%swap3A_797, %swap3A_798], %add3A_795 {strides = array<i32>} : memref<10x128xi32, #tpu.memory_space<vmem>>, vector<16xi32>,
        %get3A_800 = arith.constant 0 : i32
        %get3A_801 = arith.index_cast %get3A_800 : i32 to index
        %get3A_802 = arith.constant 416 : index
        %get3A_803 = tpu.vector_load %arg7[%get3A_801, %get3A_802] {strides = array<i32>} : memref<2x1280xi32, #tpu.memory_space<vmem>>, vector<16xi32>,
        %gather3A_804 = tpu.vector_load_idx %arg6[%get3A_803] : memref<100096xf32, #tpu.memory_space<vmem>>[vector<16xi32>], vector<16xf32>,
        %swap3A_805 = arith.constant 3 : i32
        %swap3A_806 = arith.index_cast %swap3A_805 : i32 to index
        %swap3A_807 = arith.constant 32 : index
        %swap3A_808 = tpu.vector_load %arg10[%swap3A_806, %swap3A_807] {strides = array<i32>} : memref<10x128xf32, #tpu.memory_space<vmem>>, vector<16xf32>,
        tpu.vector_store %arg10[%swap3A_806, %swap3A_807], %gather3A_804 {strides = array<i32>} : memref<10x128xf32, #tpu.memory_space<vmem>>, vector<16xf32>,
        %get3A_809 = arith.constant 0 : i32
        %get3A_810 = arith.index_cast %get3A_809 : i32 to index
        %get3A_811 = arith.constant 432 : index
        %get3A_812 = tpu.vector_load %arg8[%get3A_810, %get3A_811] {strides = array<i32>} : memref<2x1280xi32, #tpu.memory_space<vmem>>, vector<16xi32>,
        %add3A_813 = vector.broadcast %mul3A_64 : i32 to vector<16xi32>
        %add3A_814 = arith.addi %get3A_812, %add3A_813 : vector<16xi32>
        %swap3A_815 = arith.constant 3 : i32
        %swap3A_816 = arith.index_cast %swap3A_815 : i32 to index
        %swap3A_817 = arith.constant 48 : index
        %swap3A_818 = tpu.vector_load %arg9[%swap3A_816, %swap3A_817] {strides = array<i32>} : memref<10x128xi32, #tpu.memory_space<vmem>>, vector<16xi32>,
        tpu.vector_store %arg9[%swap3A_816, %swap3A_817], %add3A_814 {strides = array<i32>} : memref<10x128xi32, #tpu.memory_space<vmem>>, vector<16xi32>,
        %get3A_819 = arith.constant 0 : i32
        %get3A_820 = arith.index_cast %get3A_819 : i32 to index
        %get3A_821 = arith.constant 432 : index
        %get3A_822 = tpu.vector_load %arg7[%get3A_820, %get3A_821] {strides = array<i32>} : memref<2x1280xi32, #tpu.memory_space<vmem>>, vector<16xi32>,
        %gather3A_823 = tpu.vector_load_idx %arg6[%get3A_822] : memref<100096xf32, #tpu.memory_space<vmem>>[vector<16xi32>], vector<16xf32>,
        %swap3A_824 = arith.constant 3 : i32
        %swap3A_825 = arith.index_cast %swap3A_824 : i32 to index
        %swap3A_826 = arith.constant 48 : index
        %swap3A_827 = tpu.vector_load %arg10[%swap3A_825, %swap3A_826] {strides = array<i32>} : memref<10x128xf32, #tpu.memory_space<vmem>>, vector<16xf32>,
        tpu.vector_store %arg10[%swap3A_825, %swap3A_826], %gather3A_823 {strides = array<i32>} : memref<10x128xf32, #tpu.memory_space<vmem>>, vector<16xf32>,
        %get3A_828 = arith.constant 0 : i32
        %get3A_829 = arith.index_cast %get3A_828 : i32 to index
        %get3A_830 = arith.constant 448 : index
        %get3A_831 = tpu.vector_load %arg8[%get3A_829, %get3A_830] {strides = array<i32>} : memref<2x1280xi32, #tpu.memory_space<vmem>>, vector<16xi32>,
        %add3A_832 = vector.broadcast %mul3A_64 : i32 to vector<16xi32>
        %add3A_833 = arith.addi %get3A_831, %add3A_832 : vector<16xi32>
        %swap3A_834 = arith.constant 3 : i32
        %swap3A_835 = arith.index_cast %swap3A_834 : i32 to index
        %swap3A_836 = arith.constant 64 : index
        %swap3A_837 = tpu.vector_load %arg9[%swap3A_835, %swap3A_836] {strides = array<i32>} : memref<10x128xi32, #tpu.memory_space<vmem>>, vector<16xi32>,
        tpu.vector_store %arg9[%swap3A_835, %swap3A_836], %add3A_833 {strides = array<i32>} : memref<10x128xi32, #tpu.memory_space<vmem>>, vector<16xi32>,
        %get3A_838 = arith.constant 0 : i32
        %get3A_839 = arith.index_cast %get3A_838 : i32 to index
        %get3A_840 = arith.constant 448 : index
        %get3A_841 = tpu.vector_load %arg7[%get3A_839, %get3A_840] {strides = array<i32>} : memref<2x1280xi32, #tpu.memory_space<vmem>>, vector<16xi32>,
        %gather3A_842 = tpu.vector_load_idx %arg6[%get3A_841] : memref<100096xf32, #tpu.memory_space<vmem>>[vector<16xi32>], vector<16xf32>,
        %swap3A_843 = arith.constant 3 : i32
        %swap3A_844 = arith.index_cast %swap3A_843 : i32 to index
        %swap3A_845 = arith.constant 64 : index
        %swap3A_846 = tpu.vector_load %arg10[%swap3A_844, %swap3A_845] {strides = array<i32>} : memref<10x128xf32, #tpu.memory_space<vmem>>, vector<16xf32>,
        tpu.vector_store %arg10[%swap3A_844, %swap3A_845], %gather3A_842 {strides = array<i32>} : memref<10x128xf32, #tpu.memory_space<vmem>>, vector<16xf32>,
        %get3A_847 = arith.constant 0 : i32
        %get3A_848 = arith.index_cast %get3A_847 : i32 to index
        %get3A_849 = arith.constant 464 : index
        %get3A_850 = tpu.vector_load %arg8[%get3A_848, %get3A_849] {strides = array<i32>} : memref<2x1280xi32, #tpu.memory_space<vmem>>, vector<16xi32>,
        %add3A_851 = vector.broadcast %mul3A_64 : i32 to vector<16xi32>
        %add3A_852 = arith.addi %get3A_850, %add3A_851 : vector<16xi32>
        %swap3A_853 = arith.constant 3 : i32
        %swap3A_854 = arith.index_cast %swap3A_853 : i32 to index
        %swap3A_855 = arith.constant 80 : index
        %swap3A_856 = tpu.vector_load %arg9[%swap3A_854, %swap3A_855] {strides = array<i32>} : memref<10x128xi32, #tpu.memory_space<vmem>>, vector<16xi32>,
        tpu.vector_store %arg9[%swap3A_854, %swap3A_855], %add3A_852 {strides = array<i32>} : memref<10x128xi32, #tpu.memory_space<vmem>>, vector<16xi32>,
        %get3A_857 = arith.constant 0 : i32
        %get3A_858 = arith.index_cast %get3A_857 : i32 to index
        %get3A_859 = arith.constant 464 : index
        %get3A_860 = tpu.vector_load %arg7[%get3A_858, %get3A_859] {strides = array<i32>} : memref<2x1280xi32, #tpu.memory_space<vmem>>, vector<16xi32>,
        %gather3A_861 = tpu.vector_load_idx %arg6[%get3A_860] : memref<100096xf32, #tpu.memory_space<vmem>>[vector<16xi32>], vector<16xf32>,
        %swap3A_862 = arith.constant 3 : i32
        %swap3A_863 = arith.index_cast %swap3A_862 : i32 to index
        %swap3A_864 = arith.constant 80 : index
        %swap3A_865 = tpu.vector_load %arg10[%swap3A_863, %swap3A_864] {strides = array<i32>} : memref<10x128xf32, #tpu.memory_space<vmem>>, vector<16xf32>,
        tpu.vector_store %arg10[%swap3A_863, %swap3A_864], %gather3A_861 {strides = array<i32>} : memref<10x128xf32, #tpu.memory_space<vmem>>, vector<16xf32>,
        %get3A_866 = arith.constant 0 : i32
        %get3A_867 = arith.index_cast %get3A_866 : i32 to index
        %get3A_868 = arith.constant 480 : index
        %get3A_869 = tpu.vector_load %arg8[%get3A_867, %get3A_868] {strides = array<i32>} : memref<2x1280xi32, #tpu.memory_space<vmem>>, vector<16xi32>,
        %add3A_870 = vector.broadcast %mul3A_64 : i32 to vector<16xi32>
        %add3A_871 = arith.addi %get3A_869, %add3A_870 : vector<16xi32>
        %swap3A_872 = arith.constant 3 : i32
        %swap3A_873 = arith.index_cast %swap3A_872 : i32 to index
        %swap3A_874 = arith.constant 96 : index
        %swap3A_875 = tpu.vector_load %arg9[%swap3A_873, %swap3A_874] {strides = array<i32>} : memref<10x128xi32, #tpu.memory_space<vmem>>, vector<16xi32>,
        tpu.vector_store %arg9[%swap3A_873, %swap3A_874], %add3A_871 {strides = array<i32>} : memref<10x128xi32, #tpu.memory_space<vmem>>, vector<16xi32>,
        %get3A_876 = arith.constant 0 : i32
        %get3A_877 = arith.index_cast %get3A_876 : i32 to index
        %get3A_878 = arith.constant 480 : index
        %get3A_879 = tpu.vector_load %arg7[%get3A_877, %get3A_878] {strides = array<i32>} : memref<2x1280xi32, #tpu.memory_space<vmem>>, vector<16xi32>,
        %gather3A_880 = tpu.vector_load_idx %arg6[%get3A_879] : memref<100096xf32, #tpu.memory_space<vmem>>[vector<16xi32>], vector<16xf32>,
        %swap3A_881 = arith.constant 3 : i32
        %swap3A_882 = arith.index_cast %swap3A_881 : i32 to index
        %swap3A_883 = arith.constant 96 : index
        %swap3A_884 = tpu.vector_load %arg10[%swap3A_882, %swap3A_883] {strides = array<i32>} : memref<10x128xf32, #tpu.memory_space<vmem>>, vector<16xf32>,
        tpu.vector_store %arg10[%swap3A_882, %swap3A_883], %gather3A_880 {strides = array<i32>} : memref<10x128xf32, #tpu.memory_space<vmem>>, vector<16xf32>,
        %get3A_885 = arith.constant 0 : i32
        %get3A_886 = arith.index_cast %get3A_885 : i32 to index
        %get3A_887 = arith.constant 496 : index
        %get3A_888 = tpu.vector_load %arg8[%get3A_886, %get3A_887] {strides = array<i32>} : memref<2x1280xi32, #tpu.memory_space<vmem>>, vector<16xi32>,
        %add3A_889 = vector.broadcast %mul3A_64 : i32 to vector<16xi32>
        %add3A_890 = arith.addi %get3A_888, %add3A_889 : vector<16xi32>
        %swap3A_891 = arith.constant 3 : i32
        %swap3A_892 = arith.index_cast %swap3A_891 : i32 to index
        %swap3A_893 = arith.constant 112 : index
        %swap3A_894 = tpu.vector_load %arg9[%swap3A_892, %swap3A_893] {strides = array<i32>} : memref<10x128xi32, #tpu.memory_space<vmem>>, vector<16xi32>,
        tpu.vector_store %arg9[%swap3A_892, %swap3A_893], %add3A_890 {strides = array<i32>} : memref<10x128xi32, #tpu.memory_space<vmem>>, vector<16xi32>,
        %get3A_895 = arith.constant 0 : i32
        %get3A_896 = arith.index_cast %get3A_895 : i32 to index
        %get3A_897 = arith.constant 496 : index
        %get3A_898 = tpu.vector_load %arg7[%get3A_896, %get3A_897] {strides = array<i32>} : memref<2x1280xi32, #tpu.memory_space<vmem>>, vector<16xi32>,
        %gather3A_899 = tpu.vector_load_idx %arg6[%get3A_898] : memref<100096xf32, #tpu.memory_space<vmem>>[vector<16xi32>], vector<16xf32>,
        %swap3A_900 = arith.constant 3 : i32
        %swap3A_901 = arith.index_cast %swap3A_900 : i32 to index
        %swap3A_902 = arith.constant 112 : index
        %swap3A_903 = tpu.vector_load %arg10[%swap3A_901, %swap3A_902] {strides = array<i32>} : memref<10x128xf32, #tpu.memory_space<vmem>>, vector<16xf32>,
        tpu.vector_store %arg10[%swap3A_901, %swap3A_902], %gather3A_899 {strides = array<i32>} : memref<10x128xf32, #tpu.memory_space<vmem>>, vector<16xf32>,
        %dma_start3A_904 = arith.constant 3 : i32
        %dma_start3A_905 = arith.constant 3 : i32
        %dma_start3A_906 = arith.constant 0 : i32
        %dma_start3A_907 = tpu.memref_slice %arg10[%dma_start3A_904, %dma_start3A_906] : memref<10x128xf32, #tpu.memory_space<vmem>> -> memref<1x128xf32, #tpu.memory_space<vmem>>
        %dma_start3A_908 = tpu.memref_squeeze %dma_start3A_907 : memref<1x128xf32, #tpu.memory_space<vmem>> -> memref<128xf32, #tpu.memory_space<vmem>>
        %dma_start3A_909 = arith.constant 0 : i32
        %dma_start3A_910 = tpu.memref_slice %arg9[%dma_start3A_905, %dma_start3A_909] : memref<10x128xi32, #tpu.memory_space<vmem>> -> memref<1x128xi32, #tpu.memory_space<vmem>>
        %dma_start3A_911 = tpu.memref_squeeze %dma_start3A_910 : memref<1x128xi32, #tpu.memory_space<vmem>> -> memref<128xi32, #tpu.memory_space<vmem>>
        %dma_start3A_912 = arith.constant 0 : i32
        %dma_start3A_913 = tpu.memref_slice %arg11[%dma_start3A_912] : memref<200192xf32, #tpu.memory_space<vmem_shared>> -> memref<200192xf32, #tpu.memory_space<vmem_shared>>
        tpu.enqueue_indirect_dma source(%dma_start3A_908 : memref<128xf32, #tpu.memory_space<vmem>>) target(%dma_start3A_913 : memref<200192xf32, #tpu.memory_space<vmem_shared>>) offsets(%dma_start3A_911 : memref<128xi32, #tpu.memory_space<vmem>>) semaphore(%arg14 : memref<!tpu.dma_semaphore, #tpu.memory_space<semaphore_mem>>) {add = true}
        %get3A_914 = arith.constant 0 : i32
        %get3A_915 = arith.index_cast %get3A_914 : i32 to index
        %get3A_916 = arith.constant 512 : index
        %get3A_917 = tpu.vector_load %arg8[%get3A_915, %get3A_916] {strides = array<i32>} : memref<2x1280xi32, #tpu.memory_space<vmem>>, vector<16xi32>,
        %add3A_918 = vector.broadcast %mul3A_64 : i32 to vector<16xi32>
        %add3A_919 = arith.addi %get3A_917, %add3A_918 : vector<16xi32>
        %swap3A_920 = arith.constant 4 : i32
        %swap3A_921 = arith.index_cast %swap3A_920 : i32 to index
        %swap3A_922 = arith.constant 0 : index
        %swap3A_923 = tpu.vector_load %arg9[%swap3A_921, %swap3A_922] {strides = array<i32>} : memref<10x128xi32, #tpu.memory_space<vmem>>, vector<16xi32>,
        tpu.vector_store %arg9[%swap3A_921, %swap3A_922], %add3A_919 {strides = array<i32>} : memref<10x128xi32, #tpu.memory_space<vmem>>, vector<16xi32>,
        %get3A_924 = arith.constant 0 : i32
        %get3A_925 = arith.index_cast %get3A_924 : i32 to index
        %get3A_926 = arith.constant 512 : index
        %get3A_927 = tpu.vector_load %arg7[%get3A_925, %get3A_926] {strides = array<i32>} : memref<2x1280xi32, #tpu.memory_space<vmem>>, vector<16xi32>,
        %gather3A_928 = tpu.vector_load_idx %arg6[%get3A_927] : memref<100096xf32, #tpu.memory_space<vmem>>[vector<16xi32>], vector<16xf32>,
        %swap3A_929 = arith.constant 4 : i32
        %swap3A_930 = arith.index_cast %swap3A_929 : i32 to index
        %swap3A_931 = arith.constant 0 : index
        %swap3A_932 = tpu.vector_load %arg10[%swap3A_930, %swap3A_931] {strides = array<i32>} : memref<10x128xf32, #tpu.memory_space<vmem>>, vector<16xf32>,
        tpu.vector_store %arg10[%swap3A_930, %swap3A_931], %gather3A_928 {strides = array<i32>} : memref<10x128xf32, #tpu.memory_space<vmem>>, vector<16xf32>,
        %get3A_933 = arith.constant 0 : i32
        %get3A_934 = arith.index_cast %get3A_933 : i32 to index
        %get3A_935 = arith.constant 528 : index
        %get3A_936 = tpu.vector_load %arg8[%get3A_934, %get3A_935] {strides = array<i32>} : memref<2x1280xi32, #tpu.memory_space<vmem>>, vector<16xi32>,
        %add3A_937 = vector.broadcast %mul3A_64 : i32 to vector<16xi32>
        %add3A_938 = arith.addi %get3A_936, %add3A_937 : vector<16xi32>
        %swap3A_939 = arith.constant 4 : i32
        %swap3A_940 = arith.index_cast %swap3A_939 : i32 to index
        %swap3A_941 = arith.constant 16 : index
        %swap3A_942 = tpu.vector_load %arg9[%swap3A_940, %swap3A_941] {strides = array<i32>} : memref<10x128xi32, #tpu.memory_space<vmem>>, vector<16xi32>,
        tpu.vector_store %arg9[%swap3A_940, %swap3A_941], %add3A_938 {strides = array<i32>} : memref<10x128xi32, #tpu.memory_space<vmem>>, vector<16xi32>,
        %get3A_943 = arith.constant 0 : i32
        %get3A_944 = arith.index_cast %get3A_943 : i32 to index
        %get3A_945 = arith.constant 528 : index
        %get3A_946 = tpu.vector_load %arg7[%get3A_944, %get3A_945] {strides = array<i32>} : memref<2x1280xi32, #tpu.memory_space<vmem>>, vector<16xi32>,
        %gather3A_947 = tpu.vector_load_idx %arg6[%get3A_946] : memref<100096xf32, #tpu.memory_space<vmem>>[vector<16xi32>], vector<16xf32>,
        %swap3A_948 = arith.constant 4 : i32
        %swap3A_949 = arith.index_cast %swap3A_948 : i32 to index
        %swap3A_950 = arith.constant 16 : index
        %swap3A_951 = tpu.vector_load %arg10[%swap3A_949, %swap3A_950] {strides = array<i32>} : memref<10x128xf32, #tpu.memory_space<vmem>>, vector<16xf32>,
        tpu.vector_store %arg10[%swap3A_949, %swap3A_950], %gather3A_947 {strides = array<i32>} : memref<10x128xf32, #tpu.memory_space<vmem>>, vector<16xf32>,
        %get3A_952 = arith.constant 0 : i32
        %get3A_953 = arith.index_cast %get3A_952 : i32 to index
        %get3A_954 = arith.constant 544 : index
        %get3A_955 = tpu.vector_load %arg8[%get3A_953, %get3A_954] {strides = array<i32>} : memref<2x1280xi32, #tpu.memory_space<vmem>>, vector<16xi32>,
        %add3A_956 = vector.broadcast %mul3A_64 : i32 to vector<16xi32>
        %add3A_957 = arith.addi %get3A_955, %add3A_956 : vector<16xi32>
        %swap3A_958 = arith.constant 4 : i32
        %swap3A_959 = arith.index_cast %swap3A_958 : i32 to index
        %swap3A_960 = arith.constant 32 : index
        %swap3A_961 = tpu.vector_load %arg9[%swap3A_959, %swap3A_960] {strides = array<i32>} : memref<10x128xi32, #tpu.memory_space<vmem>>, vector<16xi32>,
        tpu.vector_store %arg9[%swap3A_959, %swap3A_960], %add3A_957 {strides = array<i32>} : memref<10x128xi32, #tpu.memory_space<vmem>>, vector<16xi32>,
        %get3A_962 = arith.constant 0 : i32
        %get3A_963 = arith.index_cast %get3A_962 : i32 to index
        %get3A_964 = arith.constant 544 : index
        %get3A_965 = tpu.vector_load %arg7[%get3A_963, %get3A_964] {strides = array<i32>} : memref<2x1280xi32, #tpu.memory_space<vmem>>, vector<16xi32>,
        %gather3A_966 = tpu.vector_load_idx %arg6[%get3A_965] : memref<100096xf32, #tpu.memory_space<vmem>>[vector<16xi32>], vector<16xf32>,
        %swap3A_967 = arith.constant 4 : i32
        %swap3A_968 = arith.index_cast %swap3A_967 : i32 to index
        %swap3A_969 = arith.constant 32 : index
        %swap3A_970 = tpu.vector_load %arg10[%swap3A_968, %swap3A_969] {strides = array<i32>} : memref<10x128xf32, #tpu.memory_space<vmem>>, vector<16xf32>,
        tpu.vector_store %arg10[%swap3A_968, %swap3A_969], %gather3A_966 {strides = array<i32>} : memref<10x128xf32, #tpu.memory_space<vmem>>, vector<16xf32>,
        %get3A_971 = arith.constant 0 : i32
        %get3A_972 = arith.index_cast %get3A_971 : i32 to index
        %get3A_973 = arith.constant 560 : index
        %get3A_974 = tpu.vector_load %arg8[%get3A_972, %get3A_973] {strides = array<i32>} : memref<2x1280xi32, #tpu.memory_space<vmem>>, vector<16xi32>,
        %add3A_975 = vector.broadcast %mul3A_64 : i32 to vector<16xi32>
        %add3A_976 = arith.addi %get3A_974, %add3A_975 : vector<16xi32>
        %swap3A_977 = arith.constant 4 : i32
        %swap3A_978 = arith.index_cast %swap3A_977 : i32 to index
        %swap3A_979 = arith.constant 48 : index
        %swap3A_980 = tpu.vector_load %arg9[%swap3A_978, %swap3A_979] {strides = array<i32>} : memref<10x128xi32, #tpu.memory_space<vmem>>, vector<16xi32>,
        tpu.vector_store %arg9[%swap3A_978, %swap3A_979], %add3A_976 {strides = array<i32>} : memref<10x128xi32, #tpu.memory_space<vmem>>, vector<16xi32>,
        %get3A_981 = arith.constant 0 : i32
        %get3A_982 = arith.index_cast %get3A_981 : i32 to index
        %get3A_983 = arith.constant 560 : index
        %get3A_984 = tpu.vector_load %arg7[%get3A_982, %get3A_983] {strides = array<i32>} : memref<2x1280xi32, #tpu.memory_space<vmem>>, vector<16xi32>,
        %gather3A_985 = tpu.vector_load_idx %arg6[%get3A_984] : memref<100096xf32, #tpu.memory_space<vmem>>[vector<16xi32>], vector<16xf32>,
        %swap3A_986 = arith.constant 4 : i32
        %swap3A_987 = arith.index_cast %swap3A_986 : i32 to index
        %swap3A_988 = arith.constant 48 : index
        %swap3A_989 = tpu.vector_load %arg10[%swap3A_987, %swap3A_988] {strides = array<i32>} : memref<10x128xf32, #tpu.memory_space<vmem>>, vector<16xf32>,
        tpu.vector_store %arg10[%swap3A_987, %swap3A_988], %gather3A_985 {strides = array<i32>} : memref<10x128xf32, #tpu.memory_space<vmem>>, vector<16xf32>,
        %get3A_990 = arith.constant 0 : i32
        %get3A_991 = arith.index_cast %get3A_990 : i32 to index
        %get3A_992 = arith.constant 576 : index
        %get3A_993 = tpu.vector_load %arg8[%get3A_991, %get3A_992] {strides = array<i32>} : memref<2x1280xi32, #tpu.memory_space<vmem>>, vector<16xi32>,
        %add3A_994 = vector.broadcast %mul3A_64 : i32 to vector<16xi32>
        %add3A_995 = arith.addi %get3A_993, %add3A_994 : vector<16xi32>
        %swap3A_996 = arith.constant 4 : i32
        %swap3A_997 = arith.index_cast %swap3A_996 : i32 to index
        %swap3A_998 = arith.constant 64 : index
        %swap3A_999 = tpu.vector_load %arg9[%swap3A_997, %swap3A_998] {strides = array<i32>} : memref<10x128xi32, #tpu.memory_space<vmem>>, vector<16xi32>,
        tpu.vector_store %arg9[%swap3A_997, %swap3A_998], %add3A_995 {strides = array<i32>} : memref<10x128xi32, #tpu.memory_space<vmem>>, vector<16xi32>,
        %get3A_1000 = arith.constant 0 : i32
        %get3A_1001 = arith.index_cast %get3A_1000 : i32 to index
        %get3A_1002 = arith.constant 576 : index
        %get3A_1003 = tpu.vector_load %arg7[%get3A_1001, %get3A_1002] {strides = array<i32>} : memref<2x1280xi32, #tpu.memory_space<vmem>>, vector<16xi32>,
        %gather3A_1004 = tpu.vector_load_idx %arg6[%get3A_1003] : memref<100096xf32, #tpu.memory_space<vmem>>[vector<16xi32>], vector<16xf32>,
        %swap3A_1005 = arith.constant 4 : i32
        %swap3A_1006 = arith.index_cast %swap3A_1005 : i32 to index
        %swap3A_1007 = arith.constant 64 : index
        %swap3A_1008 = tpu.vector_load %arg10[%swap3A_1006, %swap3A_1007] {strides = array<i32>} : memref<10x128xf32, #tpu.memory_space<vmem>>, vector<16xf32>,
        tpu.vector_store %arg10[%swap3A_1006, %swap3A_1007], %gather3A_1004 {strides = array<i32>} : memref<10x128xf32, #tpu.memory_space<vmem>>, vector<16xf32>,
        %get3A_1009 = arith.constant 0 : i32
        %get3A_1010 = arith.index_cast %get3A_1009 : i32 to index
        %get3A_1011 = arith.constant 592 : index
        %get3A_1012 = tpu.vector_load %arg8[%get3A_1010, %get3A_1011] {strides = array<i32>} : memref<2x1280xi32, #tpu.memory_space<vmem>>, vector<16xi32>,
        %add3A_1013 = vector.broadcast %mul3A_64 : i32 to vector<16xi32>
        %add3A_1014 = arith.addi %get3A_1012, %add3A_1013 : vector<16xi32>
        %swap3A_1015 = arith.constant 4 : i32
        %swap3A_1016 = arith.index_cast %swap3A_1015 : i32 to index
        %swap3A_1017 = arith.constant 80 : index
        %swap3A_1018 = tpu.vector_load %arg9[%swap3A_1016, %swap3A_1017] {strides = array<i32>} : memref<10x128xi32, #tpu.memory_space<vmem>>, vector<16xi32>,
        tpu.vector_store %arg9[%swap3A_1016, %swap3A_1017], %add3A_1014 {strides = array<i32>} : memref<10x128xi32, #tpu.memory_space<vmem>>, vector<16xi32>,
        %get3A_1019 = arith.constant 0 : i32
        %get3A_1020 = arith.index_cast %get3A_1019 : i32 to index
        %get3A_1021 = arith.constant 592 : index
        %get3A_1022 = tpu.vector_load %arg7[%get3A_1020, %get3A_1021] {strides = array<i32>} : memref<2x1280xi32, #tpu.memory_space<vmem>>, vector<16xi32>,
        %gather3A_1023 = tpu.vector_load_idx %arg6[%get3A_1022] : memref<100096xf32, #tpu.memory_space<vmem>>[vector<16xi32>], vector<16xf32>,
        %swap3A_1024 = arith.constant 4 : i32
        %swap3A_1025 = arith.index_cast %swap3A_1024 : i32 to index
        %swap3A_1026 = arith.constant 80 : index
        %swap3A_1027 = tpu.vector_load %arg10[%swap3A_1025, %swap3A_1026] {strides = array<i32>} : memref<10x128xf32, #tpu.memory_space<vmem>>, vector<16xf32>,
        tpu.vector_store %arg10[%swap3A_1025, %swap3A_1026], %gather3A_1023 {strides = array<i32>} : memref<10x128xf32, #tpu.memory_space<vmem>>, vector<16xf32>,
        %get3A_1028 = arith.constant 0 : i32
        %get3A_1029 = arith.index_cast %get3A_1028 : i32 to index
        %get3A_1030 = arith.constant 608 : index
        %get3A_1031 = tpu.vector_load %arg8[%get3A_1029, %get3A_1030] {strides = array<i32>} : memref<2x1280xi32, #tpu.memory_space<vmem>>, vector<16xi32>,
        %add3A_1032 = vector.broadcast %mul3A_64 : i32 to vector<16xi32>
        %add3A_1033 = arith.addi %get3A_1031, %add3A_1032 : vector<16xi32>
        %swap3A_1034 = arith.constant 4 : i32
        %swap3A_1035 = arith.index_cast %swap3A_1034 : i32 to index
        %swap3A_1036 = arith.constant 96 : index
        %swap3A_1037 = tpu.vector_load %arg9[%swap3A_1035, %swap3A_1036] {strides = array<i32>} : memref<10x128xi32, #tpu.memory_space<vmem>>, vector<16xi32>,
        tpu.vector_store %arg9[%swap3A_1035, %swap3A_1036], %add3A_1033 {strides = array<i32>} : memref<10x128xi32, #tpu.memory_space<vmem>>, vector<16xi32>,
        %get3A_1038 = arith.constant 0 : i32
        %get3A_1039 = arith.index_cast %get3A_1038 : i32 to index
        %get3A_1040 = arith.constant 608 : index
        %get3A_1041 = tpu.vector_load %arg7[%get3A_1039, %get3A_1040] {strides = array<i32>} : memref<2x1280xi32, #tpu.memory_space<vmem>>, vector<16xi32>,
        %gather3A_1042 = tpu.vector_load_idx %arg6[%get3A_1041] : memref<100096xf32, #tpu.memory_space<vmem>>[vector<16xi32>], vector<16xf32>,
        %swap3A_1043 = arith.constant 4 : i32
        %swap3A_1044 = arith.index_cast %swap3A_1043 : i32 to index
        %swap3A_1045 = arith.constant 96 : index
        %swap3A_1046 = tpu.vector_load %arg10[%swap3A_1044, %swap3A_1045] {strides = array<i32>} : memref<10x128xf32, #tpu.memory_space<vmem>>, vector<16xf32>,
        tpu.vector_store %arg10[%swap3A_1044, %swap3A_1045], %gather3A_1042 {strides = array<i32>} : memref<10x128xf32, #tpu.memory_space<vmem>>, vector<16xf32>,
        %get3A_1047 = arith.constant 0 : i32
        %get3A_1048 = arith.index_cast %get3A_1047 : i32 to index
        %get3A_1049 = arith.constant 624 : index
        %get3A_1050 = tpu.vector_load %arg8[%get3A_1048, %get3A_1049] {strides = array<i32>} : memref<2x1280xi32, #tpu.memory_space<vmem>>, vector<16xi32>,
        %add3A_1051 = vector.broadcast %mul3A_64 : i32 to vector<16xi32>
        %add3A_1052 = arith.addi %get3A_1050, %add3A_1051 : vector<16xi32>
        %swap3A_1053 = arith.constant 4 : i32
        %swap3A_1054 = arith.index_cast %swap3A_1053 : i32 to index
        %swap3A_1055 = arith.constant 112 : index
        %swap3A_1056 = tpu.vector_load %arg9[%swap3A_1054, %swap3A_1055] {strides = array<i32>} : memref<10x128xi32, #tpu.memory_space<vmem>>, vector<16xi32>,
        tpu.vector_store %arg9[%swap3A_1054, %swap3A_1055], %add3A_1052 {strides = array<i32>} : memref<10x128xi32, #tpu.memory_space<vmem>>, vector<16xi32>,
        %get3A_1057 = arith.constant 0 : i32
        %get3A_1058 = arith.index_cast %get3A_1057 : i32 to index
        %get3A_1059 = arith.constant 624 : index
        %get3A_1060 = tpu.vector_load %arg7[%get3A_1058, %get3A_1059] {strides = array<i32>} : memref<2x1280xi32, #tpu.memory_space<vmem>>, vector<16xi32>,
        %gather3A_1061 = tpu.vector_load_idx %arg6[%get3A_1060] : memref<100096xf32, #tpu.memory_space<vmem>>[vector<16xi32>], vector<16xf32>,
        %swap3A_1062 = arith.constant 4 : i32
        %swap3A_1063 = arith.index_cast %swap3A_1062 : i32 to index
        %swap3A_1064 = arith.constant 112 : index
        %swap3A_1065 = tpu.vector_load %arg10[%swap3A_1063, %swap3A_1064] {strides = array<i32>} : memref<10x128xf32, #tpu.memory_space<vmem>>, vector<16xf32>,
        tpu.vector_store %arg10[%swap3A_1063, %swap3A_1064], %gather3A_1061 {strides = array<i32>} : memref<10x128xf32, #tpu.memory_space<vmem>>, vector<16xf32>,
        %dma_start3A_1066 = arith.constant 4 : i32
        %dma_start3A_1067 = arith.constant 4 : i32
        %dma_start3A_1068 = arith.constant 0 : i32
        %dma_start3A_1069 = tpu.memref_slice %arg10[%dma_start3A_1066, %dma_start3A_1068] : memref<10x128xf32, #tpu.memory_space<vmem>> -> memref<1x128xf32, #tpu.memory_space<vmem>>
        %dma_start3A_1070 = tpu.memref_squeeze %dma_start3A_1069 : memref<1x128xf32, #tpu.memory_space<vmem>> -> memref<128xf32, #tpu.memory_space<vmem>>
        %dma_start3A_1071 = arith.constant 0 : i32
        %dma_start3A_1072 = tpu.memref_slice %arg9[%dma_start3A_1067, %dma_start3A_1071] : memref<10x128xi32, #tpu.memory_space<vmem>> -> memref<1x128xi32, #tpu.memory_space<vmem>>
        %dma_start3A_1073 = tpu.memref_squeeze %dma_start3A_1072 : memref<1x128xi32, #tpu.memory_space<vmem>> -> memref<128xi32, #tpu.memory_space<vmem>>
        %dma_start3A_1074 = arith.constant 0 : i32
        %dma_start3A_1075 = tpu.memref_slice %arg11[%dma_start3A_1074] : memref<200192xf32, #tpu.memory_space<vmem_shared>> -> memref<200192xf32, #tpu.memory_space<vmem_shared>>
        tpu.enqueue_indirect_dma source(%dma_start3A_1070 : memref<128xf32, #tpu.memory_space<vmem>>) target(%dma_start3A_1075 : memref<200192xf32, #tpu.memory_space<vmem_shared>>) offsets(%dma_start3A_1073 : memref<128xi32, #tpu.memory_space<vmem>>) semaphore(%arg14 : memref<!tpu.dma_semaphore, #tpu.memory_space<semaphore_mem>>) {add = true}
        %get3A_1076 = arith.constant 0 : i32
        %get3A_1077 = arith.index_cast %get3A_1076 : i32 to index
        %get3A_1078 = arith.constant 640 : index
        %get3A_1079 = tpu.vector_load %arg8[%get3A_1077, %get3A_1078] {strides = array<i32>} : memref<2x1280xi32, #tpu.memory_space<vmem>>, vector<16xi32>,
        %add3A_1080 = vector.broadcast %mul3A_64 : i32 to vector<16xi32>
        %add3A_1081 = arith.addi %get3A_1079, %add3A_1080 : vector<16xi32>
        %swap3A_1082 = arith.constant 5 : i32
        %swap3A_1083 = arith.index_cast %swap3A_1082 : i32 to index
        %swap3A_1084 = arith.constant 0 : index
        %swap3A_1085 = tpu.vector_load %arg9[%swap3A_1083, %swap3A_1084] {strides = array<i32>} : memref<10x128xi32, #tpu.memory_space<vmem>>, vector<16xi32>,
        tpu.vector_store %arg9[%swap3A_1083, %swap3A_1084], %add3A_1081 {strides = array<i32>} : memref<10x128xi32, #tpu.memory_space<vmem>>, vector<16xi32>,
        %get3A_1086 = arith.constant 0 : i32
        %get3A_1087 = arith.index_cast %get3A_1086 : i32 to index
        %get3A_1088 = arith.constant 640 : index
        %get3A_1089 = tpu.vector_load %arg7[%get3A_1087, %get3A_1088] {strides = array<i32>} : memref<2x1280xi32, #tpu.memory_space<vmem>>, vector<16xi32>,
        %gather3A_1090 = tpu.vector_load_idx %arg6[%get3A_1089] : memref<100096xf32, #tpu.memory_space<vmem>>[vector<16xi32>], vector<16xf32>,
        %swap3A_1091 = arith.constant 5 : i32
        %swap3A_1092 = arith.index_cast %swap3A_1091 : i32 to index
        %swap3A_1093 = arith.constant 0 : index
        %swap3A_1094 = tpu.vector_load %arg10[%swap3A_1092, %swap3A_1093] {strides = array<i32>} : memref<10x128xf32, #tpu.memory_space<vmem>>, vector<16xf32>,
        tpu.vector_store %arg10[%swap3A_1092, %swap3A_1093], %gather3A_1090 {strides = array<i32>} : memref<10x128xf32, #tpu.memory_space<vmem>>, vector<16xf32>,
        %get3A_1095 = arith.constant 0 : i32
        %get3A_1096 = arith.index_cast %get3A_1095 : i32 to index
        %get3A_1097 = arith.constant 656 : index
        %get3A_1098 = tpu.vector_load %arg8[%get3A_1096, %get3A_1097] {strides = array<i32>} : memref<2x1280xi32, #tpu.memory_space<vmem>>, vector<16xi32>,
        %add3A_1099 = vector.broadcast %mul3A_64 : i32 to vector<16xi32>
        %add3A_1100 = arith.addi %get3A_1098, %add3A_1099 : vector<16xi32>
        %swap3A_1101 = arith.constant 5 : i32
        %swap3A_1102 = arith.index_cast %swap3A_1101 : i32 to index
        %swap3A_1103 = arith.constant 16 : index
        %swap3A_1104 = tpu.vector_load %arg9[%swap3A_1102, %swap3A_1103] {strides = array<i32>} : memref<10x128xi32, #tpu.memory_space<vmem>>, vector<16xi32>,
        tpu.vector_store %arg9[%swap3A_1102, %swap3A_1103], %add3A_1100 {strides = array<i32>} : memref<10x128xi32, #tpu.memory_space<vmem>>, vector<16xi32>,
        %get3A_1105 = arith.constant 0 : i32
        %get3A_1106 = arith.index_cast %get3A_1105 : i32 to index
        %get3A_1107 = arith.constant 656 : index
        %get3A_1108 = tpu.vector_load %arg7[%get3A_1106, %get3A_1107] {strides = array<i32>} : memref<2x1280xi32, #tpu.memory_space<vmem>>, vector<16xi32>,
        %gather3A_1109 = tpu.vector_load_idx %arg6[%get3A_1108] : memref<100096xf32, #tpu.memory_space<vmem>>[vector<16xi32>], vector<16xf32>,
        %swap3A_1110 = arith.constant 5 : i32
        %swap3A_1111 = arith.index_cast %swap3A_1110 : i32 to index
        %swap3A_1112 = arith.constant 16 : index
        %swap3A_1113 = tpu.vector_load %arg10[%swap3A_1111, %swap3A_1112] {strides = array<i32>} : memref<10x128xf32, #tpu.memory_space<vmem>>, vector<16xf32>,
        tpu.vector_store %arg10[%swap3A_1111, %swap3A_1112], %gather3A_1109 {strides = array<i32>} : memref<10x128xf32, #tpu.memory_space<vmem>>, vector<16xf32>,
        %get3A_1114 = arith.constant 0 : i32
        %get3A_1115 = arith.index_cast %get3A_1114 : i32 to index
        %get3A_1116 = arith.constant 672 : index
        %get3A_1117 = tpu.vector_load %arg8[%get3A_1115, %get3A_1116] {strides = array<i32>} : memref<2x1280xi32, #tpu.memory_space<vmem>>, vector<16xi32>,
        %add3A_1118 = vector.broadcast %mul3A_64 : i32 to vector<16xi32>
        %add3A_1119 = arith.addi %get3A_1117, %add3A_1118 : vector<16xi32>
        %swap3A_1120 = arith.constant 5 : i32
        %swap3A_1121 = arith.index_cast %swap3A_1120 : i32 to index
        %swap3A_1122 = arith.constant 32 : index
        %swap3A_1123 = tpu.vector_load %arg9[%swap3A_1121, %swap3A_1122] {strides = array<i32>} : memref<10x128xi32, #tpu.memory_space<vmem>>, vector<16xi32>,
        tpu.vector_store %arg9[%swap3A_1121, %swap3A_1122], %add3A_1119 {strides = array<i32>} : memref<10x128xi32, #tpu.memory_space<vmem>>, vector<16xi32>,
        %get3A_1124 = arith.constant 0 : i32
        %get3A_1125 = arith.index_cast %get3A_1124 : i32 to index
        %get3A_1126 = arith.constant 672 : index
        %get3A_1127 = tpu.vector_load %arg7[%get3A_1125, %get3A_1126] {strides = array<i32>} : memref<2x1280xi32, #tpu.memory_space<vmem>>, vector<16xi32>,
        %gather3A_1128 = tpu.vector_load_idx %arg6[%get3A_1127] : memref<100096xf32, #tpu.memory_space<vmem>>[vector<16xi32>], vector<16xf32>,
        %swap3A_1129 = arith.constant 5 : i32
        %swap3A_1130 = arith.index_cast %swap3A_1129 : i32 to index
        %swap3A_1131 = arith.constant 32 : index
        %swap3A_1132 = tpu.vector_load %arg10[%swap3A_1130, %swap3A_1131] {strides = array<i32>} : memref<10x128xf32, #tpu.memory_space<vmem>>, vector<16xf32>,
        tpu.vector_store %arg10[%swap3A_1130, %swap3A_1131], %gather3A_1128 {strides = array<i32>} : memref<10x128xf32, #tpu.memory_space<vmem>>, vector<16xf32>,
        %get3A_1133 = arith.constant 0 : i32
        %get3A_1134 = arith.index_cast %get3A_1133 : i32 to index
        %get3A_1135 = arith.constant 688 : index
        %get3A_1136 = tpu.vector_load %arg8[%get3A_1134, %get3A_1135] {strides = array<i32>} : memref<2x1280xi32, #tpu.memory_space<vmem>>, vector<16xi32>,
        %add3A_1137 = vector.broadcast %mul3A_64 : i32 to vector<16xi32>
        %add3A_1138 = arith.addi %get3A_1136, %add3A_1137 : vector<16xi32>
        %swap3A_1139 = arith.constant 5 : i32
        %swap3A_1140 = arith.index_cast %swap3A_1139 : i32 to index
        %swap3A_1141 = arith.constant 48 : index
        %swap3A_1142 = tpu.vector_load %arg9[%swap3A_1140, %swap3A_1141] {strides = array<i32>} : memref<10x128xi32, #tpu.memory_space<vmem>>, vector<16xi32>,
        tpu.vector_store %arg9[%swap3A_1140, %swap3A_1141], %add3A_1138 {strides = array<i32>} : memref<10x128xi32, #tpu.memory_space<vmem>>, vector<16xi32>,
        %get3A_1143 = arith.constant 0 : i32
        %get3A_1144 = arith.index_cast %get3A_1143 : i32 to index
        %get3A_1145 = arith.constant 688 : index
        %get3A_1146 = tpu.vector_load %arg7[%get3A_1144, %get3A_1145] {strides = array<i32>} : memref<2x1280xi32, #tpu.memory_space<vmem>>, vector<16xi32>,
        %gather3A_1147 = tpu.vector_load_idx %arg6[%get3A_1146] : memref<100096xf32, #tpu.memory_space<vmem>>[vector<16xi32>], vector<16xf32>,
        %swap3A_1148 = arith.constant 5 : i32
        %swap3A_1149 = arith.index_cast %swap3A_1148 : i32 to index
        %swap3A_1150 = arith.constant 48 : index
        %swap3A_1151 = tpu.vector_load %arg10[%swap3A_1149, %swap3A_1150] {strides = array<i32>} : memref<10x128xf32, #tpu.memory_space<vmem>>, vector<16xf32>,
        tpu.vector_store %arg10[%swap3A_1149, %swap3A_1150], %gather3A_1147 {strides = array<i32>} : memref<10x128xf32, #tpu.memory_space<vmem>>, vector<16xf32>,
        %get3A_1152 = arith.constant 0 : i32
        %get3A_1153 = arith.index_cast %get3A_1152 : i32 to index
        %get3A_1154 = arith.constant 704 : index
        %get3A_1155 = tpu.vector_load %arg8[%get3A_1153, %get3A_1154] {strides = array<i32>} : memref<2x1280xi32, #tpu.memory_space<vmem>>, vector<16xi32>,
        %add3A_1156 = vector.broadcast %mul3A_64 : i32 to vector<16xi32>
        %add3A_1157 = arith.addi %get3A_1155, %add3A_1156 : vector<16xi32>
        %swap3A_1158 = arith.constant 5 : i32
        %swap3A_1159 = arith.index_cast %swap3A_1158 : i32 to index
        %swap3A_1160 = arith.constant 64 : index
        %swap3A_1161 = tpu.vector_load %arg9[%swap3A_1159, %swap3A_1160] {strides = array<i32>} : memref<10x128xi32, #tpu.memory_space<vmem>>, vector<16xi32>,
        tpu.vector_store %arg9[%swap3A_1159, %swap3A_1160], %add3A_1157 {strides = array<i32>} : memref<10x128xi32, #tpu.memory_space<vmem>>, vector<16xi32>,
        %get3A_1162 = arith.constant 0 : i32
        %get3A_1163 = arith.index_cast %get3A_1162 : i32 to index
        %get3A_1164 = arith.constant 704 : index
        %get3A_1165 = tpu.vector_load %arg7[%get3A_1163, %get3A_1164] {strides = array<i32>} : memref<2x1280xi32, #tpu.memory_space<vmem>>, vector<16xi32>,
        %gather3A_1166 = tpu.vector_load_idx %arg6[%get3A_1165] : memref<100096xf32, #tpu.memory_space<vmem>>[vector<16xi32>], vector<16xf32>,
        %swap3A_1167 = arith.constant 5 : i32
        %swap3A_1168 = arith.index_cast %swap3A_1167 : i32 to index
        %swap3A_1169 = arith.constant 64 : index
        %swap3A_1170 = tpu.vector_load %arg10[%swap3A_1168, %swap3A_1169] {strides = array<i32>} : memref<10x128xf32, #tpu.memory_space<vmem>>, vector<16xf32>,
        tpu.vector_store %arg10[%swap3A_1168, %swap3A_1169], %gather3A_1166 {strides = array<i32>} : memref<10x128xf32, #tpu.memory_space<vmem>>, vector<16xf32>,
        %get3A_1171 = arith.constant 0 : i32
        %get3A_1172 = arith.index_cast %get3A_1171 : i32 to index
        %get3A_1173 = arith.constant 720 : index
        %get3A_1174 = tpu.vector_load %arg8[%get3A_1172, %get3A_1173] {strides = array<i32>} : memref<2x1280xi32, #tpu.memory_space<vmem>>, vector<16xi32>,
        %add3A_1175 = vector.broadcast %mul3A_64 : i32 to vector<16xi32>
        %add3A_1176 = arith.addi %get3A_1174, %add3A_1175 : vector<16xi32>
        %swap3A_1177 = arith.constant 5 : i32
        %swap3A_1178 = arith.index_cast %swap3A_1177 : i32 to index
        %swap3A_1179 = arith.constant 80 : index
        %swap3A_1180 = tpu.vector_load %arg9[%swap3A_1178, %swap3A_1179] {strides = array<i32>} : memref<10x128xi32, #tpu.memory_space<vmem>>, vector<16xi32>,
        tpu.vector_store %arg9[%swap3A_1178, %swap3A_1179], %add3A_1176 {strides = array<i32>} : memref<10x128xi32, #tpu.memory_space<vmem>>, vector<16xi32>,
        %get3A_1181 = arith.constant 0 : i32
        %get3A_1182 = arith.index_cast %get3A_1181 : i32 to index
        %get3A_1183 = arith.constant 720 : index
        %get3A_1184 = tpu.vector_load %arg7[%get3A_1182, %get3A_1183] {strides = array<i32>} : memref<2x1280xi32, #tpu.memory_space<vmem>>, vector<16xi32>,
        %gather3A_1185 = tpu.vector_load_idx %arg6[%get3A_1184] : memref<100096xf32, #tpu.memory_space<vmem>>[vector<16xi32>], vector<16xf32>,
        %swap3A_1186 = arith.constant 5 : i32
        %swap3A_1187 = arith.index_cast %swap3A_1186 : i32 to index
        %swap3A_1188 = arith.constant 80 : index
        %swap3A_1189 = tpu.vector_load %arg10[%swap3A_1187, %swap3A_1188] {strides = array<i32>} : memref<10x128xf32, #tpu.memory_space<vmem>>, vector<16xf32>,
        tpu.vector_store %arg10[%swap3A_1187, %swap3A_1188], %gather3A_1185 {strides = array<i32>} : memref<10x128xf32, #tpu.memory_space<vmem>>, vector<16xf32>,
        %get3A_1190 = arith.constant 0 : i32
        %get3A_1191 = arith.index_cast %get3A_1190 : i32 to index
        %get3A_1192 = arith.constant 736 : index
        %get3A_1193 = tpu.vector_load %arg8[%get3A_1191, %get3A_1192] {strides = array<i32>} : memref<2x1280xi32, #tpu.memory_space<vmem>>, vector<16xi32>,
        %add3A_1194 = vector.broadcast %mul3A_64 : i32 to vector<16xi32>
        %add3A_1195 = arith.addi %get3A_1193, %add3A_1194 : vector<16xi32>
        %swap3A_1196 = arith.constant 5 : i32
        %swap3A_1197 = arith.index_cast %swap3A_1196 : i32 to index
        %swap3A_1198 = arith.constant 96 : index
        %swap3A_1199 = tpu.vector_load %arg9[%swap3A_1197, %swap3A_1198] {strides = array<i32>} : memref<10x128xi32, #tpu.memory_space<vmem>>, vector<16xi32>,
        tpu.vector_store %arg9[%swap3A_1197, %swap3A_1198], %add3A_1195 {strides = array<i32>} : memref<10x128xi32, #tpu.memory_space<vmem>>, vector<16xi32>,
        %get3A_1200 = arith.constant 0 : i32
        %get3A_1201 = arith.index_cast %get3A_1200 : i32 to index
        %get3A_1202 = arith.constant 736 : index
        %get3A_1203 = tpu.vector_load %arg7[%get3A_1201, %get3A_1202] {strides = array<i32>} : memref<2x1280xi32, #tpu.memory_space<vmem>>, vector<16xi32>,
        %gather3A_1204 = tpu.vector_load_idx %arg6[%get3A_1203] : memref<100096xf32, #tpu.memory_space<vmem>>[vector<16xi32>], vector<16xf32>,
        %swap3A_1205 = arith.constant 5 : i32
        %swap3A_1206 = arith.index_cast %swap3A_1205 : i32 to index
        %swap3A_1207 = arith.constant 96 : index
        %swap3A_1208 = tpu.vector_load %arg10[%swap3A_1206, %swap3A_1207] {strides = array<i32>} : memref<10x128xf32, #tpu.memory_space<vmem>>, vector<16xf32>,
        tpu.vector_store %arg10[%swap3A_1206, %swap3A_1207], %gather3A_1204 {strides = array<i32>} : memref<10x128xf32, #tpu.memory_space<vmem>>, vector<16xf32>,
        %get3A_1209 = arith.constant 0 : i32
        %get3A_1210 = arith.index_cast %get3A_1209 : i32 to index
        %get3A_1211 = arith.constant 752 : index
        %get3A_1212 = tpu.vector_load %arg8[%get3A_1210, %get3A_1211] {strides = array<i32>} : memref<2x1280xi32, #tpu.memory_space<vmem>>, vector<16xi32>,
        %add3A_1213 = vector.broadcast %mul3A_64 : i32 to vector<16xi32>
        %add3A_1214 = arith.addi %get3A_1212, %add3A_1213 : vector<16xi32>
        %swap3A_1215 = arith.constant 5 : i32
        %swap3A_1216 = arith.index_cast %swap3A_1215 : i32 to index
        %swap3A_1217 = arith.constant 112 : index
        %swap3A_1218 = tpu.vector_load %arg9[%swap3A_1216, %swap3A_1217] {strides = array<i32>} : memref<10x128xi32, #tpu.memory_space<vmem>>, vector<16xi32>,
        tpu.vector_store %arg9[%swap3A_1216, %swap3A_1217], %add3A_1214 {strides = array<i32>} : memref<10x128xi32, #tpu.memory_space<vmem>>, vector<16xi32>,
        %get3A_1219 = arith.constant 0 : i32
        %get3A_1220 = arith.index_cast %get3A_1219 : i32 to index
        %get3A_1221 = arith.constant 752 : index
        %get3A_1222 = tpu.vector_load %arg7[%get3A_1220, %get3A_1221] {strides = array<i32>} : memref<2x1280xi32, #tpu.memory_space<vmem>>, vector<16xi32>,
        %gather3A_1223 = tpu.vector_load_idx %arg6[%get3A_1222] : memref<100096xf32, #tpu.memory_space<vmem>>[vector<16xi32>], vector<16xf32>,
        %swap3A_1224 = arith.constant 5 : i32
        %swap3A_1225 = arith.index_cast %swap3A_1224 : i32 to index
        %swap3A_1226 = arith.constant 112 : index
        %swap3A_1227 = tpu.vector_load %arg10[%swap3A_1225, %swap3A_1226] {strides = array<i32>} : memref<10x128xf32, #tpu.memory_space<vmem>>, vector<16xf32>,
        tpu.vector_store %arg10[%swap3A_1225, %swap3A_1226], %gather3A_1223 {strides = array<i32>} : memref<10x128xf32, #tpu.memory_space<vmem>>, vector<16xf32>,
        %dma_start3A_1228 = arith.constant 5 : i32
        %dma_start3A_1229 = arith.constant 5 : i32
        %dma_start3A_1230 = arith.constant 0 : i32
        %dma_start3A_1231 = tpu.memref_slice %arg10[%dma_start3A_1228, %dma_start3A_1230] : memref<10x128xf32, #tpu.memory_space<vmem>> -> memref<1x128xf32, #tpu.memory_space<vmem>>
        %dma_start3A_1232 = tpu.memref_squeeze %dma_start3A_1231 : memref<1x128xf32, #tpu.memory_space<vmem>> -> memref<128xf32, #tpu.memory_space<vmem>>
        %dma_start3A_1233 = arith.constant 0 : i32
        %dma_start3A_1234 = tpu.memref_slice %arg9[%dma_start3A_1229, %dma_start3A_1233] : memref<10x128xi32, #tpu.memory_space<vmem>> -> memref<1x128xi32, #tpu.memory_space<vmem>>
        %dma_start3A_1235 = tpu.memref_squeeze %dma_start3A_1234 : memref<1x128xi32, #tpu.memory_space<vmem>> -> memref<128xi32, #tpu.memory_space<vmem>>
        %dma_start3A_1236 = arith.constant 0 : i32
        %dma_start3A_1237 = tpu.memref_slice %arg11[%dma_start3A_1236] : memref<200192xf32, #tpu.memory_space<vmem_shared>> -> memref<200192xf32, #tpu.memory_space<vmem_shared>>
        tpu.enqueue_indirect_dma source(%dma_start3A_1232 : memref<128xf32, #tpu.memory_space<vmem>>) target(%dma_start3A_1237 : memref<200192xf32, #tpu.memory_space<vmem_shared>>) offsets(%dma_start3A_1235 : memref<128xi32, #tpu.memory_space<vmem>>) semaphore(%arg14 : memref<!tpu.dma_semaphore, #tpu.memory_space<semaphore_mem>>) {add = true}
        %get3A_1238 = arith.constant 0 : i32
        %get3A_1239 = arith.index_cast %get3A_1238 : i32 to index
        %get3A_1240 = arith.constant 768 : index
        %get3A_1241 = tpu.vector_load %arg8[%get3A_1239, %get3A_1240] {strides = array<i32>} : memref<2x1280xi32, #tpu.memory_space<vmem>>, vector<16xi32>,
        %add3A_1242 = vector.broadcast %mul3A_64 : i32 to vector<16xi32>
        %add3A_1243 = arith.addi %get3A_1241, %add3A_1242 : vector<16xi32>
        %swap3A_1244 = arith.constant 6 : i32
        %swap3A_1245 = arith.index_cast %swap3A_1244 : i32 to index
        %swap3A_1246 = arith.constant 0 : index
        %swap3A_1247 = tpu.vector_load %arg9[%swap3A_1245, %swap3A_1246] {strides = array<i32>} : memref<10x128xi32, #tpu.memory_space<vmem>>, vector<16xi32>,
        tpu.vector_store %arg9[%swap3A_1245, %swap3A_1246], %add3A_1243 {strides = array<i32>} : memref<10x128xi32, #tpu.memory_space<vmem>>, vector<16xi32>,
        %get3A_1248 = arith.constant 0 : i32
        %get3A_1249 = arith.index_cast %get3A_1248 : i32 to index
        %get3A_1250 = arith.constant 768 : index
        %get3A_1251 = tpu.vector_load %arg7[%get3A_1249, %get3A_1250] {strides = array<i32>} : memref<2x1280xi32, #tpu.memory_space<vmem>>, vector<16xi32>,
        %gather3A_1252 = tpu.vector_load_idx %arg6[%get3A_1251] : memref<100096xf32, #tpu.memory_space<vmem>>[vector<16xi32>], vector<16xf32>,
        %swap3A_1253 = arith.constant 6 : i32
        %swap3A_1254 = arith.index_cast %swap3A_1253 : i32 to index
        %swap3A_1255 = arith.constant 0 : index
        %swap3A_1256 = tpu.vector_load %arg10[%swap3A_1254, %swap3A_1255] {strides = array<i32>} : memref<10x128xf32, #tpu.memory_space<vmem>>, vector<16xf32>,
        tpu.vector_store %arg10[%swap3A_1254, %swap3A_1255], %gather3A_1252 {strides = array<i32>} : memref<10x128xf32, #tpu.memory_space<vmem>>, vector<16xf32>,
        %get3A_1257 = arith.constant 0 : i32
        %get3A_1258 = arith.index_cast %get3A_1257 : i32 to index
        %get3A_1259 = arith.constant 784 : index
        %get3A_1260 = tpu.vector_load %arg8[%get3A_1258, %get3A_1259] {strides = array<i32>} : memref<2x1280xi32, #tpu.memory_space<vmem>>, vector<16xi32>,
        %add3A_1261 = vector.broadcast %mul3A_64 : i32 to vector<16xi32>
        %add3A_1262 = arith.addi %get3A_1260, %add3A_1261 : vector<16xi32>
        %swap3A_1263 = arith.constant 6 : i32
        %swap3A_1264 = arith.index_cast %swap3A_1263 : i32 to index
        %swap3A_1265 = arith.constant 16 : index
        %swap3A_1266 = tpu.vector_load %arg9[%swap3A_1264, %swap3A_1265] {strides = array<i32>} : memref<10x128xi32, #tpu.memory_space<vmem>>, vector<16xi32>,
        tpu.vector_store %arg9[%swap3A_1264, %swap3A_1265], %add3A_1262 {strides = array<i32>} : memref<10x128xi32, #tpu.memory_space<vmem>>, vector<16xi32>,
        %get3A_1267 = arith.constant 0 : i32
        %get3A_1268 = arith.index_cast %get3A_1267 : i32 to index
        %get3A_1269 = arith.constant 784 : index
        %get3A_1270 = tpu.vector_load %arg7[%get3A_1268, %get3A_1269] {strides = array<i32>} : memref<2x1280xi32, #tpu.memory_space<vmem>>, vector<16xi32>,
        %gather3A_1271 = tpu.vector_load_idx %arg6[%get3A_1270] : memref<100096xf32, #tpu.memory_space<vmem>>[vector<16xi32>], vector<16xf32>,
        %swap3A_1272 = arith.constant 6 : i32
        %swap3A_1273 = arith.index_cast %swap3A_1272 : i32 to index
        %swap3A_1274 = arith.constant 16 : index
        %swap3A_1275 = tpu.vector_load %arg10[%swap3A_1273, %swap3A_1274] {strides = array<i32>} : memref<10x128xf32, #tpu.memory_space<vmem>>, vector<16xf32>,
        tpu.vector_store %arg10[%swap3A_1273, %swap3A_1274], %gather3A_1271 {strides = array<i32>} : memref<10x128xf32, #tpu.memory_space<vmem>>, vector<16xf32>,
        %get3A_1276 = arith.constant 0 : i32
        %get3A_1277 = arith.index_cast %get3A_1276 : i32 to index
        %get3A_1278 = arith.constant 800 : index
        %get3A_1279 = tpu.vector_load %arg8[%get3A_1277, %get3A_1278] {strides = array<i32>} : memref<2x1280xi32, #tpu.memory_space<vmem>>, vector<16xi32>,
        %add3A_1280 = vector.broadcast %mul3A_64 : i32 to vector<16xi32>
        %add3A_1281 = arith.addi %get3A_1279, %add3A_1280 : vector<16xi32>
        %swap3A_1282 = arith.constant 6 : i32
        %swap3A_1283 = arith.index_cast %swap3A_1282 : i32 to index
        %swap3A_1284 = arith.constant 32 : index
        %swap3A_1285 = tpu.vector_load %arg9[%swap3A_1283, %swap3A_1284] {strides = array<i32>} : memref<10x128xi32, #tpu.memory_space<vmem>>, vector<16xi32>,
        tpu.vector_store %arg9[%swap3A_1283, %swap3A_1284], %add3A_1281 {strides = array<i32>} : memref<10x128xi32, #tpu.memory_space<vmem>>, vector<16xi32>,
        %get3A_1286 = arith.constant 0 : i32
        %get3A_1287 = arith.index_cast %get3A_1286 : i32 to index
        %get3A_1288 = arith.constant 800 : index
        %get3A_1289 = tpu.vector_load %arg7[%get3A_1287, %get3A_1288] {strides = array<i32>} : memref<2x1280xi32, #tpu.memory_space<vmem>>, vector<16xi32>,
        %gather3A_1290 = tpu.vector_load_idx %arg6[%get3A_1289] : memref<100096xf32, #tpu.memory_space<vmem>>[vector<16xi32>], vector<16xf32>,
        %swap3A_1291 = arith.constant 6 : i32
        %swap3A_1292 = arith.index_cast %swap3A_1291 : i32 to index
        %swap3A_1293 = arith.constant 32 : index
        %swap3A_1294 = tpu.vector_load %arg10[%swap3A_1292, %swap3A_1293] {strides = array<i32>} : memref<10x128xf32, #tpu.memory_space<vmem>>, vector<16xf32>,
        tpu.vector_store %arg10[%swap3A_1292, %swap3A_1293], %gather3A_1290 {strides = array<i32>} : memref<10x128xf32, #tpu.memory_space<vmem>>, vector<16xf32>,
        %get3A_1295 = arith.constant 0 : i32
        %get3A_1296 = arith.index_cast %get3A_1295 : i32 to index
        %get3A_1297 = arith.constant 816 : index
        %get3A_1298 = tpu.vector_load %arg8[%get3A_1296, %get3A_1297] {strides = array<i32>} : memref<2x1280xi32, #tpu.memory_space<vmem>>, vector<16xi32>,
        %add3A_1299 = vector.broadcast %mul3A_64 : i32 to vector<16xi32>
        %add3A_1300 = arith.addi %get3A_1298, %add3A_1299 : vector<16xi32>
        %swap3A_1301 = arith.constant 6 : i32
        %swap3A_1302 = arith.index_cast %swap3A_1301 : i32 to index
        %swap3A_1303 = arith.constant 48 : index
        %swap3A_1304 = tpu.vector_load %arg9[%swap3A_1302, %swap3A_1303] {strides = array<i32>} : memref<10x128xi32, #tpu.memory_space<vmem>>, vector<16xi32>,
        tpu.vector_store %arg9[%swap3A_1302, %swap3A_1303], %add3A_1300 {strides = array<i32>} : memref<10x128xi32, #tpu.memory_space<vmem>>, vector<16xi32>,
        %get3A_1305 = arith.constant 0 : i32
        %get3A_1306 = arith.index_cast %get3A_1305 : i32 to index
        %get3A_1307 = arith.constant 816 : index
        %get3A_1308 = tpu.vector_load %arg7[%get3A_1306, %get3A_1307] {strides = array<i32>} : memref<2x1280xi32, #tpu.memory_space<vmem>>, vector<16xi32>,
        %gather3A_1309 = tpu.vector_load_idx %arg6[%get3A_1308] : memref<100096xf32, #tpu.memory_space<vmem>>[vector<16xi32>], vector<16xf32>,
        %swap3A_1310 = arith.constant 6 : i32
        %swap3A_1311 = arith.index_cast %swap3A_1310 : i32 to index
        %swap3A_1312 = arith.constant 48 : index
        %swap3A_1313 = tpu.vector_load %arg10[%swap3A_1311, %swap3A_1312] {strides = array<i32>} : memref<10x128xf32, #tpu.memory_space<vmem>>, vector<16xf32>,
        tpu.vector_store %arg10[%swap3A_1311, %swap3A_1312], %gather3A_1309 {strides = array<i32>} : memref<10x128xf32, #tpu.memory_space<vmem>>, vector<16xf32>,
        %get3A_1314 = arith.constant 0 : i32
        %get3A_1315 = arith.index_cast %get3A_1314 : i32 to index
        %get3A_1316 = arith.constant 832 : index
        %get3A_1317 = tpu.vector_load %arg8[%get3A_1315, %get3A_1316] {strides = array<i32>} : memref<2x1280xi32, #tpu.memory_space<vmem>>, vector<16xi32>,
        %add3A_1318 = vector.broadcast %mul3A_64 : i32 to vector<16xi32>
        %add3A_1319 = arith.addi %get3A_1317, %add3A_1318 : vector<16xi32>
        %swap3A_1320 = arith.constant 6 : i32
        %swap3A_1321 = arith.index_cast %swap3A_1320 : i32 to index
        %swap3A_1322 = arith.constant 64 : index
        %swap3A_1323 = tpu.vector_load %arg9[%swap3A_1321, %swap3A_1322] {strides = array<i32>} : memref<10x128xi32, #tpu.memory_space<vmem>>, vector<16xi32>,
        tpu.vector_store %arg9[%swap3A_1321, %swap3A_1322], %add3A_1319 {strides = array<i32>} : memref<10x128xi32, #tpu.memory_space<vmem>>, vector<16xi32>,
        %get3A_1324 = arith.constant 0 : i32
        %get3A_1325 = arith.index_cast %get3A_1324 : i32 to index
        %get3A_1326 = arith.constant 832 : index
        %get3A_1327 = tpu.vector_load %arg7[%get3A_1325, %get3A_1326] {strides = array<i32>} : memref<2x1280xi32, #tpu.memory_space<vmem>>, vector<16xi32>,
        %gather3A_1328 = tpu.vector_load_idx %arg6[%get3A_1327] : memref<100096xf32, #tpu.memory_space<vmem>>[vector<16xi32>], vector<16xf32>,
        %swap3A_1329 = arith.constant 6 : i32
        %swap3A_1330 = arith.index_cast %swap3A_1329 : i32 to index
        %swap3A_1331 = arith.constant 64 : index
        %swap3A_1332 = tpu.vector_load %arg10[%swap3A_1330, %swap3A_1331] {strides = array<i32>} : memref<10x128xf32, #tpu.memory_space<vmem>>, vector<16xf32>,
        tpu.vector_store %arg10[%swap3A_1330, %swap3A_1331], %gather3A_1328 {strides = array<i32>} : memref<10x128xf32, #tpu.memory_space<vmem>>, vector<16xf32>,
        %get3A_1333 = arith.constant 0 : i32
        %get3A_1334 = arith.index_cast %get3A_1333 : i32 to index
        %get3A_1335 = arith.constant 848 : index
        %get3A_1336 = tpu.vector_load %arg8[%get3A_1334, %get3A_1335] {strides = array<i32>} : memref<2x1280xi32, #tpu.memory_space<vmem>>, vector<16xi32>,
        %add3A_1337 = vector.broadcast %mul3A_64 : i32 to vector<16xi32>
        %add3A_1338 = arith.addi %get3A_1336, %add3A_1337 : vector<16xi32>
        %swap3A_1339 = arith.constant 6 : i32
        %swap3A_1340 = arith.index_cast %swap3A_1339 : i32 to index
        %swap3A_1341 = arith.constant 80 : index
        %swap3A_1342 = tpu.vector_load %arg9[%swap3A_1340, %swap3A_1341] {strides = array<i32>} : memref<10x128xi32, #tpu.memory_space<vmem>>, vector<16xi32>,
        tpu.vector_store %arg9[%swap3A_1340, %swap3A_1341], %add3A_1338 {strides = array<i32>} : memref<10x128xi32, #tpu.memory_space<vmem>>, vector<16xi32>,
        %get3A_1343 = arith.constant 0 : i32
        %get3A_1344 = arith.index_cast %get3A_1343 : i32 to index
        %get3A_1345 = arith.constant 848 : index
        %get3A_1346 = tpu.vector_load %arg7[%get3A_1344, %get3A_1345] {strides = array<i32>} : memref<2x1280xi32, #tpu.memory_space<vmem>>, vector<16xi32>,
        %gather3A_1347 = tpu.vector_load_idx %arg6[%get3A_1346] : memref<100096xf32, #tpu.memory_space<vmem>>[vector<16xi32>], vector<16xf32>,
        %swap3A_1348 = arith.constant 6 : i32
        %swap3A_1349 = arith.index_cast %swap3A_1348 : i32 to index
        %swap3A_1350 = arith.constant 80 : index
        %swap3A_1351 = tpu.vector_load %arg10[%swap3A_1349, %swap3A_1350] {strides = array<i32>} : memref<10x128xf32, #tpu.memory_space<vmem>>, vector<16xf32>,
        tpu.vector_store %arg10[%swap3A_1349, %swap3A_1350], %gather3A_1347 {strides = array<i32>} : memref<10x128xf32, #tpu.memory_space<vmem>>, vector<16xf32>,
        %get3A_1352 = arith.constant 0 : i32
        %get3A_1353 = arith.index_cast %get3A_1352 : i32 to index
        %get3A_1354 = arith.constant 864 : index
        %get3A_1355 = tpu.vector_load %arg8[%get3A_1353, %get3A_1354] {strides = array<i32>} : memref<2x1280xi32, #tpu.memory_space<vmem>>, vector<16xi32>,
        %add3A_1356 = vector.broadcast %mul3A_64 : i32 to vector<16xi32>
        %add3A_1357 = arith.addi %get3A_1355, %add3A_1356 : vector<16xi32>
        %swap3A_1358 = arith.constant 6 : i32
        %swap3A_1359 = arith.index_cast %swap3A_1358 : i32 to index
        %swap3A_1360 = arith.constant 96 : index
        %swap3A_1361 = tpu.vector_load %arg9[%swap3A_1359, %swap3A_1360] {strides = array<i32>} : memref<10x128xi32, #tpu.memory_space<vmem>>, vector<16xi32>,
        tpu.vector_store %arg9[%swap3A_1359, %swap3A_1360], %add3A_1357 {strides = array<i32>} : memref<10x128xi32, #tpu.memory_space<vmem>>, vector<16xi32>,
        %get3A_1362 = arith.constant 0 : i32
        %get3A_1363 = arith.index_cast %get3A_1362 : i32 to index
        %get3A_1364 = arith.constant 864 : index
        %get3A_1365 = tpu.vector_load %arg7[%get3A_1363, %get3A_1364] {strides = array<i32>} : memref<2x1280xi32, #tpu.memory_space<vmem>>, vector<16xi32>,
        %gather3A_1366 = tpu.vector_load_idx %arg6[%get3A_1365] : memref<100096xf32, #tpu.memory_space<vmem>>[vector<16xi32>], vector<16xf32>,
        %swap3A_1367 = arith.constant 6 : i32
        %swap3A_1368 = arith.index_cast %swap3A_1367 : i32 to index
        %swap3A_1369 = arith.constant 96 : index
        %swap3A_1370 = tpu.vector_load %arg10[%swap3A_1368, %swap3A_1369] {strides = array<i32>} : memref<10x128xf32, #tpu.memory_space<vmem>>, vector<16xf32>,
        tpu.vector_store %arg10[%swap3A_1368, %swap3A_1369], %gather3A_1366 {strides = array<i32>} : memref<10x128xf32, #tpu.memory_space<vmem>>, vector<16xf32>,
        %get3A_1371 = arith.constant 0 : i32
        %get3A_1372 = arith.index_cast %get3A_1371 : i32 to index
        %get3A_1373 = arith.constant 880 : index
        %get3A_1374 = tpu.vector_load %arg8[%get3A_1372, %get3A_1373] {strides = array<i32>} : memref<2x1280xi32, #tpu.memory_space<vmem>>, vector<16xi32>,
        %add3A_1375 = vector.broadcast %mul3A_64 : i32 to vector<16xi32>
        %add3A_1376 = arith.addi %get3A_1374, %add3A_1375 : vector<16xi32>
        %swap3A_1377 = arith.constant 6 : i32
        %swap3A_1378 = arith.index_cast %swap3A_1377 : i32 to index
        %swap3A_1379 = arith.constant 112 : index
        %swap3A_1380 = tpu.vector_load %arg9[%swap3A_1378, %swap3A_1379] {strides = array<i32>} : memref<10x128xi32, #tpu.memory_space<vmem>>, vector<16xi32>,
        tpu.vector_store %arg9[%swap3A_1378, %swap3A_1379], %add3A_1376 {strides = array<i32>} : memref<10x128xi32, #tpu.memory_space<vmem>>, vector<16xi32>,
        %get3A_1381 = arith.constant 0 : i32
        %get3A_1382 = arith.index_cast %get3A_1381 : i32 to index
        %get3A_1383 = arith.constant 880 : index
        %get3A_1384 = tpu.vector_load %arg7[%get3A_1382, %get3A_1383] {strides = array<i32>} : memref<2x1280xi32, #tpu.memory_space<vmem>>, vector<16xi32>,
        %gather3A_1385 = tpu.vector_load_idx %arg6[%get3A_1384] : memref<100096xf32, #tpu.memory_space<vmem>>[vector<16xi32>], vector<16xf32>,
        %swap3A_1386 = arith.constant 6 : i32
        %swap3A_1387 = arith.index_cast %swap3A_1386 : i32 to index
        %swap3A_1388 = arith.constant 112 : index
        %swap3A_1389 = tpu.vector_load %arg10[%swap3A_1387, %swap3A_1388] {strides = array<i32>} : memref<10x128xf32, #tpu.memory_space<vmem>>, vector<16xf32>,
        tpu.vector_store %arg10[%swap3A_1387, %swap3A_1388], %gather3A_1385 {strides = array<i32>} : memref<10x128xf32, #tpu.memory_space<vmem>>, vector<16xf32>,
        %dma_start3A_1390 = arith.constant 6 : i32
        %dma_start3A_1391 = arith.constant 6 : i32
        %dma_start3A_1392 = arith.constant 0 : i32
        %dma_start3A_1393 = tpu.memref_slice %arg10[%dma_start3A_1390, %dma_start3A_1392] : memref<10x128xf32, #tpu.memory_space<vmem>> -> memref<1x128xf32, #tpu.memory_space<vmem>>
        %dma_start3A_1394 = tpu.memref_squeeze %dma_start3A_1393 : memref<1x128xf32, #tpu.memory_space<vmem>> -> memref<128xf32, #tpu.memory_space<vmem>>
        %dma_start3A_1395 = arith.constant 0 : i32
        %dma_start3A_1396 = tpu.memref_slice %arg9[%dma_start3A_1391, %dma_start3A_1395] : memref<10x128xi32, #tpu.memory_space<vmem>> -> memref<1x128xi32, #tpu.memory_space<vmem>>
        %dma_start3A_1397 = tpu.memref_squeeze %dma_start3A_1396 : memref<1x128xi32, #tpu.memory_space<vmem>> -> memref<128xi32, #tpu.memory_space<vmem>>
        %dma_start3A_1398 = arith.constant 0 : i32
        %dma_start3A_1399 = tpu.memref_slice %arg11[%dma_start3A_1398] : memref<200192xf32, #tpu.memory_space<vmem_shared>> -> memref<200192xf32, #tpu.memory_space<vmem_shared>>
        tpu.enqueue_indirect_dma source(%dma_start3A_1394 : memref<128xf32, #tpu.memory_space<vmem>>) target(%dma_start3A_1399 : memref<200192xf32, #tpu.memory_space<vmem_shared>>) offsets(%dma_start3A_1397 : memref<128xi32, #tpu.memory_space<vmem>>) semaphore(%arg14 : memref<!tpu.dma_semaphore, #tpu.memory_space<semaphore_mem>>) {add = true}
        %get3A_1400 = arith.constant 0 : i32
        %get3A_1401 = arith.index_cast %get3A_1400 : i32 to index
        %get3A_1402 = arith.constant 896 : index
        %get3A_1403 = tpu.vector_load %arg8[%get3A_1401, %get3A_1402] {strides = array<i32>} : memref<2x1280xi32, #tpu.memory_space<vmem>>, vector<16xi32>,
        %add3A_1404 = vector.broadcast %mul3A_64 : i32 to vector<16xi32>
        %add3A_1405 = arith.addi %get3A_1403, %add3A_1404 : vector<16xi32>
        %swap3A_1406 = arith.constant 7 : i32
        %swap3A_1407 = arith.index_cast %swap3A_1406 : i32 to index
        %swap3A_1408 = arith.constant 0 : index
        %swap3A_1409 = tpu.vector_load %arg9[%swap3A_1407, %swap3A_1408] {strides = array<i32>} : memref<10x128xi32, #tpu.memory_space<vmem>>, vector<16xi32>,
        tpu.vector_store %arg9[%swap3A_1407, %swap3A_1408], %add3A_1405 {strides = array<i32>} : memref<10x128xi32, #tpu.memory_space<vmem>>, vector<16xi32>,
        %get3A_1410 = arith.constant 0 : i32
        %get3A_1411 = arith.index_cast %get3A_1410 : i32 to index
        %get3A_1412 = arith.constant 896 : index
        %get3A_1413 = tpu.vector_load %arg7[%get3A_1411, %get3A_1412] {strides = array<i32>} : memref<2x1280xi32, #tpu.memory_space<vmem>>, vector<16xi32>,
        %gather3A_1414 = tpu.vector_load_idx %arg6[%get3A_1413] : memref<100096xf32, #tpu.memory_space<vmem>>[vector<16xi32>], vector<16xf32>,
        %swap3A_1415 = arith.constant 7 : i32
        %swap3A_1416 = arith.index_cast %swap3A_1415 : i32 to index
        %swap3A_1417 = arith.constant 0 : index
        %swap3A_1418 = tpu.vector_load %arg10[%swap3A_1416, %swap3A_1417] {strides = array<i32>} : memref<10x128xf32, #tpu.memory_space<vmem>>, vector<16xf32>,
        tpu.vector_store %arg10[%swap3A_1416, %swap3A_1417], %gather3A_1414 {strides = array<i32>} : memref<10x128xf32, #tpu.memory_space<vmem>>, vector<16xf32>,
        %get3A_1419 = arith.constant 0 : i32
        %get3A_1420 = arith.index_cast %get3A_1419 : i32 to index
        %get3A_1421 = arith.constant 912 : index
        %get3A_1422 = tpu.vector_load %arg8[%get3A_1420, %get3A_1421] {strides = array<i32>} : memref<2x1280xi32, #tpu.memory_space<vmem>>, vector<16xi32>,
        %add3A_1423 = vector.broadcast %mul3A_64 : i32 to vector<16xi32>
        %add3A_1424 = arith.addi %get3A_1422, %add3A_1423 : vector<16xi32>
        %swap3A_1425 = arith.constant 7 : i32
        %swap3A_1426 = arith.index_cast %swap3A_1425 : i32 to index
        %swap3A_1427 = arith.constant 16 : index
        %swap3A_1428 = tpu.vector_load %arg9[%swap3A_1426, %swap3A_1427] {strides = array<i32>} : memref<10x128xi32, #tpu.memory_space<vmem>>, vector<16xi32>,
        tpu.vector_store %arg9[%swap3A_1426, %swap3A_1427], %add3A_1424 {strides = array<i32>} : memref<10x128xi32, #tpu.memory_space<vmem>>, vector<16xi32>,
        %get3A_1429 = arith.constant 0 : i32
        %get3A_1430 = arith.index_cast %get3A_1429 : i32 to index
        %get3A_1431 = arith.constant 912 : index
        %get3A_1432 = tpu.vector_load %arg7[%get3A_1430, %get3A_1431] {strides = array<i32>} : memref<2x1280xi32, #tpu.memory_space<vmem>>, vector<16xi32>,
        %gather3A_1433 = tpu.vector_load_idx %arg6[%get3A_1432] : memref<100096xf32, #tpu.memory_space<vmem>>[vector<16xi32>], vector<16xf32>,
        %swap3A_1434 = arith.constant 7 : i32
        %swap3A_1435 = arith.index_cast %swap3A_1434 : i32 to index
        %swap3A_1436 = arith.constant 16 : index
        %swap3A_1437 = tpu.vector_load %arg10[%swap3A_1435, %swap3A_1436] {strides = array<i32>} : memref<10x128xf32, #tpu.memory_space<vmem>>, vector<16xf32>,
        tpu.vector_store %arg10[%swap3A_1435, %swap3A_1436], %gather3A_1433 {strides = array<i32>} : memref<10x128xf32, #tpu.memory_space<vmem>>, vector<16xf32>,
        %get3A_1438 = arith.constant 0 : i32
        %get3A_1439 = arith.index_cast %get3A_1438 : i32 to index
        %get3A_1440 = arith.constant 928 : index
        %get3A_1441 = tpu.vector_load %arg8[%get3A_1439, %get3A_1440] {strides = array<i32>} : memref<2x1280xi32, #tpu.memory_space<vmem>>, vector<16xi32>,
        %add3A_1442 = vector.broadcast %mul3A_64 : i32 to vector<16xi32>
        %add3A_1443 = arith.addi %get3A_1441, %add3A_1442 : vector<16xi32>
        %swap3A_1444 = arith.constant 7 : i32
        %swap3A_1445 = arith.index_cast %swap3A_1444 : i32 to index
        %swap3A_1446 = arith.constant 32 : index
        %swap3A_1447 = tpu.vector_load %arg9[%swap3A_1445, %swap3A_1446] {strides = array<i32>} : memref<10x128xi32, #tpu.memory_space<vmem>>, vector<16xi32>,
        tpu.vector_store %arg9[%swap3A_1445, %swap3A_1446], %add3A_1443 {strides = array<i32>} : memref<10x128xi32, #tpu.memory_space<vmem>>, vector<16xi32>,
        %get3A_1448 = arith.constant 0 : i32
        %get3A_1449 = arith.index_cast %get3A_1448 : i32 to index
        %get3A_1450 = arith.constant 928 : index
        %get3A_1451 = tpu.vector_load %arg7[%get3A_1449, %get3A_1450] {strides = array<i32>} : memref<2x1280xi32, #tpu.memory_space<vmem>>, vector<16xi32>,
        %gather3A_1452 = tpu.vector_load_idx %arg6[%get3A_1451] : memref<100096xf32, #tpu.memory_space<vmem>>[vector<16xi32>], vector<16xf32>,
        %swap3A_1453 = arith.constant 7 : i32
        %swap3A_1454 = arith.index_cast %swap3A_1453 : i32 to index
        %swap3A_1455 = arith.constant 32 : index
        %swap3A_1456 = tpu.vector_load %arg10[%swap3A_1454, %swap3A_1455] {strides = array<i32>} : memref<10x128xf32, #tpu.memory_space<vmem>>, vector<16xf32>,
        tpu.vector_store %arg10[%swap3A_1454, %swap3A_1455], %gather3A_1452 {strides = array<i32>} : memref<10x128xf32, #tpu.memory_space<vmem>>, vector<16xf32>,
        %get3A_1457 = arith.constant 0 : i32
        %get3A_1458 = arith.index_cast %get3A_1457 : i32 to index
        %get3A_1459 = arith.constant 944 : index
        %get3A_1460 = tpu.vector_load %arg8[%get3A_1458, %get3A_1459] {strides = array<i32>} : memref<2x1280xi32, #tpu.memory_space<vmem>>, vector<16xi32>,
        %add3A_1461 = vector.broadcast %mul3A_64 : i32 to vector<16xi32>
        %add3A_1462 = arith.addi %get3A_1460, %add3A_1461 : vector<16xi32>
        %swap3A_1463 = arith.constant 7 : i32
        %swap3A_1464 = arith.index_cast %swap3A_1463 : i32 to index
        %swap3A_1465 = arith.constant 48 : index
        %swap3A_1466 = tpu.vector_load %arg9[%swap3A_1464, %swap3A_1465] {strides = array<i32>} : memref<10x128xi32, #tpu.memory_space<vmem>>, vector<16xi32>,
        tpu.vector_store %arg9[%swap3A_1464, %swap3A_1465], %add3A_1462 {strides = array<i32>} : memref<10x128xi32, #tpu.memory_space<vmem>>, vector<16xi32>,
        %get3A_1467 = arith.constant 0 : i32
        %get3A_1468 = arith.index_cast %get3A_1467 : i32 to index
        %get3A_1469 = arith.constant 944 : index
        %get3A_1470 = tpu.vector_load %arg7[%get3A_1468, %get3A_1469] {strides = array<i32>} : memref<2x1280xi32, #tpu.memory_space<vmem>>, vector<16xi32>,
        %gather3A_1471 = tpu.vector_load_idx %arg6[%get3A_1470] : memref<100096xf32, #tpu.memory_space<vmem>>[vector<16xi32>], vector<16xf32>,
        %swap3A_1472 = arith.constant 7 : i32
        %swap3A_1473 = arith.index_cast %swap3A_1472 : i32 to index
        %swap3A_1474 = arith.constant 48 : index
        %swap3A_1475 = tpu.vector_load %arg10[%swap3A_1473, %swap3A_1474] {strides = array<i32>} : memref<10x128xf32, #tpu.memory_space<vmem>>, vector<16xf32>,
        tpu.vector_store %arg10[%swap3A_1473, %swap3A_1474], %gather3A_1471 {strides = array<i32>} : memref<10x128xf32, #tpu.memory_space<vmem>>, vector<16xf32>,
        %get3A_1476 = arith.constant 0 : i32
        %get3A_1477 = arith.index_cast %get3A_1476 : i32 to index
        %get3A_1478 = arith.constant 960 : index
        %get3A_1479 = tpu.vector_load %arg8[%get3A_1477, %get3A_1478] {strides = array<i32>} : memref<2x1280xi32, #tpu.memory_space<vmem>>, vector<16xi32>,
        %add3A_1480 = vector.broadcast %mul3A_64 : i32 to vector<16xi32>
        %add3A_1481 = arith.addi %get3A_1479, %add3A_1480 : vector<16xi32>
        %swap3A_1482 = arith.constant 7 : i32
        %swap3A_1483 = arith.index_cast %swap3A_1482 : i32 to index
        %swap3A_1484 = arith.constant 64 : index
        %swap3A_1485 = tpu.vector_load %arg9[%swap3A_1483, %swap3A_1484] {strides = array<i32>} : memref<10x128xi32, #tpu.memory_space<vmem>>, vector<16xi32>,
        tpu.vector_store %arg9[%swap3A_1483, %swap3A_1484], %add3A_1481 {strides = array<i32>} : memref<10x128xi32, #tpu.memory_space<vmem>>, vector<16xi32>,
        %get3A_1486 = arith.constant 0 : i32
        %get3A_1487 = arith.index_cast %get3A_1486 : i32 to index
        %get3A_1488 = arith.constant 960 : index
        %get3A_1489 = tpu.vector_load %arg7[%get3A_1487, %get3A_1488] {strides = array<i32>} : memref<2x1280xi32, #tpu.memory_space<vmem>>, vector<16xi32>,
        %gather3A_1490 = tpu.vector_load_idx %arg6[%get3A_1489] : memref<100096xf32, #tpu.memory_space<vmem>>[vector<16xi32>], vector<16xf32>,
        %swap3A_1491 = arith.constant 7 : i32
        %swap3A_1492 = arith.index_cast %swap3A_1491 : i32 to index
        %swap3A_1493 = arith.constant 64 : index
        %swap3A_1494 = tpu.vector_load %arg10[%swap3A_1492, %swap3A_1493] {strides = array<i32>} : memref<10x128xf32, #tpu.memory_space<vmem>>, vector<16xf32>,
        tpu.vector_store %arg10[%swap3A_1492, %swap3A_1493], %gather3A_1490 {strides = array<i32>} : memref<10x128xf32, #tpu.memory_space<vmem>>, vector<16xf32>,
        %get3A_1495 = arith.constant 0 : i32
        %get3A_1496 = arith.index_cast %get3A_1495 : i32 to index
        %get3A_1497 = arith.constant 976 : index
        %get3A_1498 = tpu.vector_load %arg8[%get3A_1496, %get3A_1497] {strides = array<i32>} : memref<2x1280xi32, #tpu.memory_space<vmem>>, vector<16xi32>,
        %add3A_1499 = vector.broadcast %mul3A_64 : i32 to vector<16xi32>
        %add3A_1500 = arith.addi %get3A_1498, %add3A_1499 : vector<16xi32>
        %swap3A_1501 = arith.constant 7 : i32
        %swap3A_1502 = arith.index_cast %swap3A_1501 : i32 to index
        %swap3A_1503 = arith.constant 80 : index
        %swap3A_1504 = tpu.vector_load %arg9[%swap3A_1502, %swap3A_1503] {strides = array<i32>} : memref<10x128xi32, #tpu.memory_space<vmem>>, vector<16xi32>,
        tpu.vector_store %arg9[%swap3A_1502, %swap3A_1503], %add3A_1500 {strides = array<i32>} : memref<10x128xi32, #tpu.memory_space<vmem>>, vector<16xi32>,
        %get3A_1505 = arith.constant 0 : i32
        %get3A_1506 = arith.index_cast %get3A_1505 : i32 to index
        %get3A_1507 = arith.constant 976 : index
        %get3A_1508 = tpu.vector_load %arg7[%get3A_1506, %get3A_1507] {strides = array<i32>} : memref<2x1280xi32, #tpu.memory_space<vmem>>, vector<16xi32>,
        %gather3A_1509 = tpu.vector_load_idx %arg6[%get3A_1508] : memref<100096xf32, #tpu.memory_space<vmem>>[vector<16xi32>], vector<16xf32>,
        %swap3A_1510 = arith.constant 7 : i32
        %swap3A_1511 = arith.index_cast %swap3A_1510 : i32 to index
        %swap3A_1512 = arith.constant 80 : index
        %swap3A_1513 = tpu.vector_load %arg10[%swap3A_1511, %swap3A_1512] {strides = array<i32>} : memref<10x128xf32, #tpu.memory_space<vmem>>, vector<16xf32>,
        tpu.vector_store %arg10[%swap3A_1511, %swap3A_1512], %gather3A_1509 {strides = array<i32>} : memref<10x128xf32, #tpu.memory_space<vmem>>, vector<16xf32>,
        %get3A_1514 = arith.constant 0 : i32
        %get3A_1515 = arith.index_cast %get3A_1514 : i32 to index
        %get3A_1516 = arith.constant 992 : index
        %get3A_1517 = tpu.vector_load %arg8[%get3A_1515, %get3A_1516] {strides = array<i32>} : memref<2x1280xi32, #tpu.memory_space<vmem>>, vector<16xi32>,
        %add3A_1518 = vector.broadcast %mul3A_64 : i32 to vector<16xi32>
        %add3A_1519 = arith.addi %get3A_1517, %add3A_1518 : vector<16xi32>
        %swap3A_1520 = arith.constant 7 : i32
        %swap3A_1521 = arith.index_cast %swap3A_1520 : i32 to index
        %swap3A_1522 = arith.constant 96 : index
        %swap3A_1523 = tpu.vector_load %arg9[%swap3A_1521, %swap3A_1522] {strides = array<i32>} : memref<10x128xi32, #tpu.memory_space<vmem>>, vector<16xi32>,
        tpu.vector_store %arg9[%swap3A_1521, %swap3A_1522], %add3A_1519 {strides = array<i32>} : memref<10x128xi32, #tpu.memory_space<vmem>>, vector<16xi32>,
        %get3A_1524 = arith.constant 0 : i32
        %get3A_1525 = arith.index_cast %get3A_1524 : i32 to index
        %get3A_1526 = arith.constant 992 : index
        %get3A_1527 = tpu.vector_load %arg7[%get3A_1525, %get3A_1526] {strides = array<i32>} : memref<2x1280xi32, #tpu.memory_space<vmem>>, vector<16xi32>,
        %gather3A_1528 = tpu.vector_load_idx %arg6[%get3A_1527] : memref<100096xf32, #tpu.memory_space<vmem>>[vector<16xi32>], vector<16xf32>,
        %swap3A_1529 = arith.constant 7 : i32
        %swap3A_1530 = arith.index_cast %swap3A_1529 : i32 to index
        %swap3A_1531 = arith.constant 96 : index
        %swap3A_1532 = tpu.vector_load %arg10[%swap3A_1530, %swap3A_1531] {strides = array<i32>} : memref<10x128xf32, #tpu.memory_space<vmem>>, vector<16xf32>,
        tpu.vector_store %arg10[%swap3A_1530, %swap3A_1531], %gather3A_1528 {strides = array<i32>} : memref<10x128xf32, #tpu.memory_space<vmem>>, vector<16xf32>,
        %get3A_1533 = arith.constant 0 : i32
        %get3A_1534 = arith.index_cast %get3A_1533 : i32 to index
        %get3A_1535 = arith.constant 1008 : index
        %get3A_1536 = tpu.vector_load %arg8[%get3A_1534, %get3A_1535] {strides = array<i32>} : memref<2x1280xi32, #tpu.memory_space<vmem>>, vector<16xi32>,
        %add3A_1537 = vector.broadcast %mul3A_64 : i32 to vector<16xi32>
        %add3A_1538 = arith.addi %get3A_1536, %add3A_1537 : vector<16xi32>
        %swap3A_1539 = arith.constant 7 : i32
        %swap3A_1540 = arith.index_cast %swap3A_1539 : i32 to index
        %swap3A_1541 = arith.constant 112 : index
        %swap3A_1542 = tpu.vector_load %arg9[%swap3A_1540, %swap3A_1541] {strides = array<i32>} : memref<10x128xi32, #tpu.memory_space<vmem>>, vector<16xi32>,
        tpu.vector_store %arg9[%swap3A_1540, %swap3A_1541], %add3A_1538 {strides = array<i32>} : memref<10x128xi32, #tpu.memory_space<vmem>>, vector<16xi32>,
        %get3A_1543 = arith.constant 0 : i32
        %get3A_1544 = arith.index_cast %get3A_1543 : i32 to index
        %get3A_1545 = arith.constant 1008 : index
        %get3A_1546 = tpu.vector_load %arg7[%get3A_1544, %get3A_1545] {strides = array<i32>} : memref<2x1280xi32, #tpu.memory_space<vmem>>, vector<16xi32>,
        %gather3A_1547 = tpu.vector_load_idx %arg6[%get3A_1546] : memref<100096xf32, #tpu.memory_space<vmem>>[vector<16xi32>], vector<16xf32>,
        %swap3A_1548 = arith.constant 7 : i32
        %swap3A_1549 = arith.index_cast %swap3A_1548 : i32 to index
        %swap3A_1550 = arith.constant 112 : index
        %swap3A_1551 = tpu.vector_load %arg10[%swap3A_1549, %swap3A_1550] {strides = array<i32>} : memref<10x128xf32, #tpu.memory_space<vmem>>, vector<16xf32>,
        tpu.vector_store %arg10[%swap3A_1549, %swap3A_1550], %gather3A_1547 {strides = array<i32>} : memref<10x128xf32, #tpu.memory_space<vmem>>, vector<16xf32>,
        %dma_start3A_1552 = arith.constant 7 : i32
        %dma_start3A_1553 = arith.constant 7 : i32
        %dma_start3A_1554 = arith.constant 0 : i32
        %dma_start3A_1555 = tpu.memref_slice %arg10[%dma_start3A_1552, %dma_start3A_1554] : memref<10x128xf32, #tpu.memory_space<vmem>> -> memref<1x128xf32, #tpu.memory_space<vmem>>
        %dma_start3A_1556 = tpu.memref_squeeze %dma_start3A_1555 : memref<1x128xf32, #tpu.memory_space<vmem>> -> memref<128xf32, #tpu.memory_space<vmem>>
        %dma_start3A_1557 = arith.constant 0 : i32
        %dma_start3A_1558 = tpu.memref_slice %arg9[%dma_start3A_1553, %dma_start3A_1557] : memref<10x128xi32, #tpu.memory_space<vmem>> -> memref<1x128xi32, #tpu.memory_space<vmem>>
        %dma_start3A_1559 = tpu.memref_squeeze %dma_start3A_1558 : memref<1x128xi32, #tpu.memory_space<vmem>> -> memref<128xi32, #tpu.memory_space<vmem>>
        %dma_start3A_1560 = arith.constant 0 : i32
        %dma_start3A_1561 = tpu.memref_slice %arg11[%dma_start3A_1560] : memref<200192xf32, #tpu.memory_space<vmem_shared>> -> memref<200192xf32, #tpu.memory_space<vmem_shared>>
        tpu.enqueue_indirect_dma source(%dma_start3A_1556 : memref<128xf32, #tpu.memory_space<vmem>>) target(%dma_start3A_1561 : memref<200192xf32, #tpu.memory_space<vmem_shared>>) offsets(%dma_start3A_1559 : memref<128xi32, #tpu.memory_space<vmem>>) semaphore(%arg14 : memref<!tpu.dma_semaphore, #tpu.memory_space<semaphore_mem>>) {add = true}
        %get3A_1562 = arith.constant 0 : i32
        %get3A_1563 = arith.index_cast %get3A_1562 : i32 to index
        %get3A_1564 = arith.constant 1024 : index
        %get3A_1565 = tpu.vector_load %arg8[%get3A_1563, %get3A_1564] {strides = array<i32>} : memref<2x1280xi32, #tpu.memory_space<vmem>>, vector<16xi32>,
        %add3A_1566 = vector.broadcast %mul3A_64 : i32 to vector<16xi32>
        %add3A_1567 = arith.addi %get3A_1565, %add3A_1566 : vector<16xi32>
        %swap3A_1568 = arith.constant 8 : i32
        %swap3A_1569 = arith.index_cast %swap3A_1568 : i32 to index
        %swap3A_1570 = arith.constant 0 : index
        %swap3A_1571 = tpu.vector_load %arg9[%swap3A_1569, %swap3A_1570] {strides = array<i32>} : memref<10x128xi32, #tpu.memory_space<vmem>>, vector<16xi32>,
        tpu.vector_store %arg9[%swap3A_1569, %swap3A_1570], %add3A_1567 {strides = array<i32>} : memref<10x128xi32, #tpu.memory_space<vmem>>, vector<16xi32>,
        %get3A_1572 = arith.constant 0 : i32
        %get3A_1573 = arith.index_cast %get3A_1572 : i32 to index
        %get3A_1574 = arith.constant 1024 : index
        %get3A_1575 = tpu.vector_load %arg7[%get3A_1573, %get3A_1574] {strides = array<i32>} : memref<2x1280xi32, #tpu.memory_space<vmem>>, vector<16xi32>,
        %gather3A_1576 = tpu.vector_load_idx %arg6[%get3A_1575] : memref<100096xf32, #tpu.memory_space<vmem>>[vector<16xi32>], vector<16xf32>,
        %swap3A_1577 = arith.constant 8 : i32
        %swap3A_1578 = arith.index_cast %swap3A_1577 : i32 to index
        %swap3A_1579 = arith.constant 0 : index
        %swap3A_1580 = tpu.vector_load %arg10[%swap3A_1578, %swap3A_1579] {strides = array<i32>} : memref<10x128xf32, #tpu.memory_space<vmem>>, vector<16xf32>,
        tpu.vector_store %arg10[%swap3A_1578, %swap3A_1579], %gather3A_1576 {strides = array<i32>} : memref<10x128xf32, #tpu.memory_space<vmem>>, vector<16xf32>,
        %get3A_1581 = arith.constant 0 : i32
        %get3A_1582 = arith.index_cast %get3A_1581 : i32 to index
        %get3A_1583 = arith.constant 1040 : index
        %get3A_1584 = tpu.vector_load %arg8[%get3A_1582, %get3A_1583] {strides = array<i32>} : memref<2x1280xi32, #tpu.memory_space<vmem>>, vector<16xi32>,
        %add3A_1585 = vector.broadcast %mul3A_64 : i32 to vector<16xi32>
        %add3A_1586 = arith.addi %get3A_1584, %add3A_1585 : vector<16xi32>
        %swap3A_1587 = arith.constant 8 : i32
        %swap3A_1588 = arith.index_cast %swap3A_1587 : i32 to index
        %swap3A_1589 = arith.constant 16 : index
        %swap3A_1590 = tpu.vector_load %arg9[%swap3A_1588, %swap3A_1589] {strides = array<i32>} : memref<10x128xi32, #tpu.memory_space<vmem>>, vector<16xi32>,
        tpu.vector_store %arg9[%swap3A_1588, %swap3A_1589], %add3A_1586 {strides = array<i32>} : memref<10x128xi32, #tpu.memory_space<vmem>>, vector<16xi32>,
        %get3A_1591 = arith.constant 0 : i32
        %get3A_1592 = arith.index_cast %get3A_1591 : i32 to index
        %get3A_1593 = arith.constant 1040 : index
        %get3A_1594 = tpu.vector_load %arg7[%get3A_1592, %get3A_1593] {strides = array<i32>} : memref<2x1280xi32, #tpu.memory_space<vmem>>, vector<16xi32>,
        %gather3A_1595 = tpu.vector_load_idx %arg6[%get3A_1594] : memref<100096xf32, #tpu.memory_space<vmem>>[vector<16xi32>], vector<16xf32>,
        %swap3A_1596 = arith.constant 8 : i32
        %swap3A_1597 = arith.index_cast %swap3A_1596 : i32 to index
        %swap3A_1598 = arith.constant 16 : index
        %swap3A_1599 = tpu.vector_load %arg10[%swap3A_1597, %swap3A_1598] {strides = array<i32>} : memref<10x128xf32, #tpu.memory_space<vmem>>, vector<16xf32>,
        tpu.vector_store %arg10[%swap3A_1597, %swap3A_1598], %gather3A_1595 {strides = array<i32>} : memref<10x128xf32, #tpu.memory_space<vmem>>, vector<16xf32>,
        %get3A_1600 = arith.constant 0 : i32
        %get3A_1601 = arith.index_cast %get3A_1600 : i32 to index
        %get3A_1602 = arith.constant 1056 : index
        %get3A_1603 = tpu.vector_load %arg8[%get3A_1601, %get3A_1602] {strides = array<i32>} : memref<2x1280xi32, #tpu.memory_space<vmem>>, vector<16xi32>,
        %add3A_1604 = vector.broadcast %mul3A_64 : i32 to vector<16xi32>
        %add3A_1605 = arith.addi %get3A_1603, %add3A_1604 : vector<16xi32>
        %swap3A_1606 = arith.constant 8 : i32
        %swap3A_1607 = arith.index_cast %swap3A_1606 : i32 to index
        %swap3A_1608 = arith.constant 32 : index
        %swap3A_1609 = tpu.vector_load %arg9[%swap3A_1607, %swap3A_1608] {strides = array<i32>} : memref<10x128xi32, #tpu.memory_space<vmem>>, vector<16xi32>,
        tpu.vector_store %arg9[%swap3A_1607, %swap3A_1608], %add3A_1605 {strides = array<i32>} : memref<10x128xi32, #tpu.memory_space<vmem>>, vector<16xi32>,
        %get3A_1610 = arith.constant 0 : i32
        %get3A_1611 = arith.index_cast %get3A_1610 : i32 to index
        %get3A_1612 = arith.constant 1056 : index
        %get3A_1613 = tpu.vector_load %arg7[%get3A_1611, %get3A_1612] {strides = array<i32>} : memref<2x1280xi32, #tpu.memory_space<vmem>>, vector<16xi32>,
        %gather3A_1614 = tpu.vector_load_idx %arg6[%get3A_1613] : memref<100096xf32, #tpu.memory_space<vmem>>[vector<16xi32>], vector<16xf32>,
        %swap3A_1615 = arith.constant 8 : i32
        %swap3A_1616 = arith.index_cast %swap3A_1615 : i32 to index
        %swap3A_1617 = arith.constant 32 : index
        %swap3A_1618 = tpu.vector_load %arg10[%swap3A_1616, %swap3A_1617] {strides = array<i32>} : memref<10x128xf32, #tpu.memory_space<vmem>>, vector<16xf32>,
        tpu.vector_store %arg10[%swap3A_1616, %swap3A_1617], %gather3A_1614 {strides = array<i32>} : memref<10x128xf32, #tpu.memory_space<vmem>>, vector<16xf32>,
        %get3A_1619 = arith.constant 0 : i32
        %get3A_1620 = arith.index_cast %get3A_1619 : i32 to index
        %get3A_1621 = arith.constant 1072 : index
        %get3A_1622 = tpu.vector_load %arg8[%get3A_1620, %get3A_1621] {strides = array<i32>} : memref<2x1280xi32, #tpu.memory_space<vmem>>, vector<16xi32>,
        %add3A_1623 = vector.broadcast %mul3A_64 : i32 to vector<16xi32>
        %add3A_1624 = arith.addi %get3A_1622, %add3A_1623 : vector<16xi32>
        %swap3A_1625 = arith.constant 8 : i32
        %swap3A_1626 = arith.index_cast %swap3A_1625 : i32 to index
        %swap3A_1627 = arith.constant 48 : index
        %swap3A_1628 = tpu.vector_load %arg9[%swap3A_1626, %swap3A_1627] {strides = array<i32>} : memref<10x128xi32, #tpu.memory_space<vmem>>, vector<16xi32>,
        tpu.vector_store %arg9[%swap3A_1626, %swap3A_1627], %add3A_1624 {strides = array<i32>} : memref<10x128xi32, #tpu.memory_space<vmem>>, vector<16xi32>,
        %get3A_1629 = arith.constant 0 : i32
        %get3A_1630 = arith.index_cast %get3A_1629 : i32 to index
        %get3A_1631 = arith.constant 1072 : index
        %get3A_1632 = tpu.vector_load %arg7[%get3A_1630, %get3A_1631] {strides = array<i32>} : memref<2x1280xi32, #tpu.memory_space<vmem>>, vector<16xi32>,
        %gather3A_1633 = tpu.vector_load_idx %arg6[%get3A_1632] : memref<100096xf32, #tpu.memory_space<vmem>>[vector<16xi32>], vector<16xf32>,
        %swap3A_1634 = arith.constant 8 : i32
        %swap3A_1635 = arith.index_cast %swap3A_1634 : i32 to index
        %swap3A_1636 = arith.constant 48 : index
        %swap3A_1637 = tpu.vector_load %arg10[%swap3A_1635, %swap3A_1636] {strides = array<i32>} : memref<10x128xf32, #tpu.memory_space<vmem>>, vector<16xf32>,
        tpu.vector_store %arg10[%swap3A_1635, %swap3A_1636], %gather3A_1633 {strides = array<i32>} : memref<10x128xf32, #tpu.memory_space<vmem>>, vector<16xf32>,
        %get3A_1638 = arith.constant 0 : i32
        %get3A_1639 = arith.index_cast %get3A_1638 : i32 to index
        %get3A_1640 = arith.constant 1088 : index
        %get3A_1641 = tpu.vector_load %arg8[%get3A_1639, %get3A_1640] {strides = array<i32>} : memref<2x1280xi32, #tpu.memory_space<vmem>>, vector<16xi32>,
        %add3A_1642 = vector.broadcast %mul3A_64 : i32 to vector<16xi32>
        %add3A_1643 = arith.addi %get3A_1641, %add3A_1642 : vector<16xi32>
        %swap3A_1644 = arith.constant 8 : i32
        %swap3A_1645 = arith.index_cast %swap3A_1644 : i32 to index
        %swap3A_1646 = arith.constant 64 : index
        %swap3A_1647 = tpu.vector_load %arg9[%swap3A_1645, %swap3A_1646] {strides = array<i32>} : memref<10x128xi32, #tpu.memory_space<vmem>>, vector<16xi32>,
        tpu.vector_store %arg9[%swap3A_1645, %swap3A_1646], %add3A_1643 {strides = array<i32>} : memref<10x128xi32, #tpu.memory_space<vmem>>, vector<16xi32>,
        %get3A_1648 = arith.constant 0 : i32
        %get3A_1649 = arith.index_cast %get3A_1648 : i32 to index
        %get3A_1650 = arith.constant 1088 : index
        %get3A_1651 = tpu.vector_load %arg7[%get3A_1649, %get3A_1650] {strides = array<i32>} : memref<2x1280xi32, #tpu.memory_space<vmem>>, vector<16xi32>,
        %gather3A_1652 = tpu.vector_load_idx %arg6[%get3A_1651] : memref<100096xf32, #tpu.memory_space<vmem>>[vector<16xi32>], vector<16xf32>,
        %swap3A_1653 = arith.constant 8 : i32
        %swap3A_1654 = arith.index_cast %swap3A_1653 : i32 to index
        %swap3A_1655 = arith.constant 64 : index
        %swap3A_1656 = tpu.vector_load %arg10[%swap3A_1654, %swap3A_1655] {strides = array<i32>} : memref<10x128xf32, #tpu.memory_space<vmem>>, vector<16xf32>,
        tpu.vector_store %arg10[%swap3A_1654, %swap3A_1655], %gather3A_1652 {strides = array<i32>} : memref<10x128xf32, #tpu.memory_space<vmem>>, vector<16xf32>,
        %get3A_1657 = arith.constant 0 : i32
        %get3A_1658 = arith.index_cast %get3A_1657 : i32 to index
        %get3A_1659 = arith.constant 1104 : index
        %get3A_1660 = tpu.vector_load %arg8[%get3A_1658, %get3A_1659] {strides = array<i32>} : memref<2x1280xi32, #tpu.memory_space<vmem>>, vector<16xi32>,
        %add3A_1661 = vector.broadcast %mul3A_64 : i32 to vector<16xi32>
        %add3A_1662 = arith.addi %get3A_1660, %add3A_1661 : vector<16xi32>
        %swap3A_1663 = arith.constant 8 : i32
        %swap3A_1664 = arith.index_cast %swap3A_1663 : i32 to index
        %swap3A_1665 = arith.constant 80 : index
        %swap3A_1666 = tpu.vector_load %arg9[%swap3A_1664, %swap3A_1665] {strides = array<i32>} : memref<10x128xi32, #tpu.memory_space<vmem>>, vector<16xi32>,
        tpu.vector_store %arg9[%swap3A_1664, %swap3A_1665], %add3A_1662 {strides = array<i32>} : memref<10x128xi32, #tpu.memory_space<vmem>>, vector<16xi32>,
        %get3A_1667 = arith.constant 0 : i32
        %get3A_1668 = arith.index_cast %get3A_1667 : i32 to index
        %get3A_1669 = arith.constant 1104 : index
        %get3A_1670 = tpu.vector_load %arg7[%get3A_1668, %get3A_1669] {strides = array<i32>} : memref<2x1280xi32, #tpu.memory_space<vmem>>, vector<16xi32>,
        %gather3A_1671 = tpu.vector_load_idx %arg6[%get3A_1670] : memref<100096xf32, #tpu.memory_space<vmem>>[vector<16xi32>], vector<16xf32>,
        %swap3A_1672 = arith.constant 8 : i32
        %swap3A_1673 = arith.index_cast %swap3A_1672 : i32 to index
        %swap3A_1674 = arith.constant 80 : index
        %swap3A_1675 = tpu.vector_load %arg10[%swap3A_1673, %swap3A_1674] {strides = array<i32>} : memref<10x128xf32, #tpu.memory_space<vmem>>, vector<16xf32>,
        tpu.vector_store %arg10[%swap3A_1673, %swap3A_1674], %gather3A_1671 {strides = array<i32>} : memref<10x128xf32, #tpu.memory_space<vmem>>, vector<16xf32>,
        %get3A_1676 = arith.constant 0 : i32
        %get3A_1677 = arith.index_cast %get3A_1676 : i32 to index
        %get3A_1678 = arith.constant 1120 : index
        %get3A_1679 = tpu.vector_load %arg8[%get3A_1677, %get3A_1678] {strides = array<i32>} : memref<2x1280xi32, #tpu.memory_space<vmem>>, vector<16xi32>,
        %add3A_1680 = vector.broadcast %mul3A_64 : i32 to vector<16xi32>
        %add3A_1681 = arith.addi %get3A_1679, %add3A_1680 : vector<16xi32>
        %swap3A_1682 = arith.constant 8 : i32
        %swap3A_1683 = arith.index_cast %swap3A_1682 : i32 to index
        %swap3A_1684 = arith.constant 96 : index
        %swap3A_1685 = tpu.vector_load %arg9[%swap3A_1683, %swap3A_1684] {strides = array<i32>} : memref<10x128xi32, #tpu.memory_space<vmem>>, vector<16xi32>,
        tpu.vector_store %arg9[%swap3A_1683, %swap3A_1684], %add3A_1681 {strides = array<i32>} : memref<10x128xi32, #tpu.memory_space<vmem>>, vector<16xi32>,
        %get3A_1686 = arith.constant 0 : i32
        %get3A_1687 = arith.index_cast %get3A_1686 : i32 to index
        %get3A_1688 = arith.constant 1120 : index
        %get3A_1689 = tpu.vector_load %arg7[%get3A_1687, %get3A_1688] {strides = array<i32>} : memref<2x1280xi32, #tpu.memory_space<vmem>>, vector<16xi32>,
        %gather3A_1690 = tpu.vector_load_idx %arg6[%get3A_1689] : memref<100096xf32, #tpu.memory_space<vmem>>[vector<16xi32>], vector<16xf32>,
        %swap3A_1691 = arith.constant 8 : i32
        %swap3A_1692 = arith.index_cast %swap3A_1691 : i32 to index
        %swap3A_1693 = arith.constant 96 : index
        %swap3A_1694 = tpu.vector_load %arg10[%swap3A_1692, %swap3A_1693] {strides = array<i32>} : memref<10x128xf32, #tpu.memory_space<vmem>>, vector<16xf32>,
        tpu.vector_store %arg10[%swap3A_1692, %swap3A_1693], %gather3A_1690 {strides = array<i32>} : memref<10x128xf32, #tpu.memory_space<vmem>>, vector<16xf32>,
        %get3A_1695 = arith.constant 0 : i32
        %get3A_1696 = arith.index_cast %get3A_1695 : i32 to index
        %get3A_1697 = arith.constant 1136 : index
        %get3A_1698 = tpu.vector_load %arg8[%get3A_1696, %get3A_1697] {strides = array<i32>} : memref<2x1280xi32, #tpu.memory_space<vmem>>, vector<16xi32>,
        %add3A_1699 = vector.broadcast %mul3A_64 : i32 to vector<16xi32>
        %add3A_1700 = arith.addi %get3A_1698, %add3A_1699 : vector<16xi32>
        %swap3A_1701 = arith.constant 8 : i32
        %swap3A_1702 = arith.index_cast %swap3A_1701 : i32 to index
        %swap3A_1703 = arith.constant 112 : index
        %swap3A_1704 = tpu.vector_load %arg9[%swap3A_1702, %swap3A_1703] {strides = array<i32>} : memref<10x128xi32, #tpu.memory_space<vmem>>, vector<16xi32>,
        tpu.vector_store %arg9[%swap3A_1702, %swap3A_1703], %add3A_1700 {strides = array<i32>} : memref<10x128xi32, #tpu.memory_space<vmem>>, vector<16xi32>,
        %get3A_1705 = arith.constant 0 : i32
        %get3A_1706 = arith.index_cast %get3A_1705 : i32 to index
        %get3A_1707 = arith.constant 1136 : index
        %get3A_1708 = tpu.vector_load %arg7[%get3A_1706, %get3A_1707] {strides = array<i32>} : memref<2x1280xi32, #tpu.memory_space<vmem>>, vector<16xi32>,
        %gather3A_1709 = tpu.vector_load_idx %arg6[%get3A_1708] : memref<100096xf32, #tpu.memory_space<vmem>>[vector<16xi32>], vector<16xf32>,
        %swap3A_1710 = arith.constant 8 : i32
        %swap3A_1711 = arith.index_cast %swap3A_1710 : i32 to index
        %swap3A_1712 = arith.constant 112 : index
        %swap3A_1713 = tpu.vector_load %arg10[%swap3A_1711, %swap3A_1712] {strides = array<i32>} : memref<10x128xf32, #tpu.memory_space<vmem>>, vector<16xf32>,
        tpu.vector_store %arg10[%swap3A_1711, %swap3A_1712], %gather3A_1709 {strides = array<i32>} : memref<10x128xf32, #tpu.memory_space<vmem>>, vector<16xf32>,
        %dma_start3A_1714 = arith.constant 8 : i32
        %dma_start3A_1715 = arith.constant 8 : i32
        %dma_start3A_1716 = arith.constant 0 : i32
        %dma_start3A_1717 = tpu.memref_slice %arg10[%dma_start3A_1714, %dma_start3A_1716] : memref<10x128xf32, #tpu.memory_space<vmem>> -> memref<1x128xf32, #tpu.memory_space<vmem>>
        %dma_start3A_1718 = tpu.memref_squeeze %dma_start3A_1717 : memref<1x128xf32, #tpu.memory_space<vmem>> -> memref<128xf32, #tpu.memory_space<vmem>>
        %dma_start3A_1719 = arith.constant 0 : i32
        %dma_start3A_1720 = tpu.memref_slice %arg9[%dma_start3A_1715, %dma_start3A_1719] : memref<10x128xi32, #tpu.memory_space<vmem>> -> memref<1x128xi32, #tpu.memory_space<vmem>>
        %dma_start3A_1721 = tpu.memref_squeeze %dma_start3A_1720 : memref<1x128xi32, #tpu.memory_space<vmem>> -> memref<128xi32, #tpu.memory_space<vmem>>
        %dma_start3A_1722 = arith.constant 0 : i32
        %dma_start3A_1723 = tpu.memref_slice %arg11[%dma_start3A_1722] : memref<200192xf32, #tpu.memory_space<vmem_shared>> -> memref<200192xf32, #tpu.memory_space<vmem_shared>>
        tpu.enqueue_indirect_dma source(%dma_start3A_1718 : memref<128xf32, #tpu.memory_space<vmem>>) target(%dma_start3A_1723 : memref<200192xf32, #tpu.memory_space<vmem_shared>>) offsets(%dma_start3A_1721 : memref<128xi32, #tpu.memory_space<vmem>>) semaphore(%arg14 : memref<!tpu.dma_semaphore, #tpu.memory_space<semaphore_mem>>) {add = true}
        %get3A_1724 = arith.constant 0 : i32
        %get3A_1725 = arith.index_cast %get3A_1724 : i32 to index
        %get3A_1726 = arith.constant 1152 : index
        %get3A_1727 = tpu.vector_load %arg8[%get3A_1725, %get3A_1726] {strides = array<i32>} : memref<2x1280xi32, #tpu.memory_space<vmem>>, vector<16xi32>,
        %add3A_1728 = vector.broadcast %mul3A_64 : i32 to vector<16xi32>
        %add3A_1729 = arith.addi %get3A_1727, %add3A_1728 : vector<16xi32>
        %swap3A_1730 = arith.constant 9 : i32
        %swap3A_1731 = arith.index_cast %swap3A_1730 : i32 to index
        %swap3A_1732 = arith.constant 0 : index
        %swap3A_1733 = tpu.vector_load %arg9[%swap3A_1731, %swap3A_1732] {strides = array<i32>} : memref<10x128xi32, #tpu.memory_space<vmem>>, vector<16xi32>,
        tpu.vector_store %arg9[%swap3A_1731, %swap3A_1732], %add3A_1729 {strides = array<i32>} : memref<10x128xi32, #tpu.memory_space<vmem>>, vector<16xi32>,
        %get3A_1734 = arith.constant 0 : i32
        %get3A_1735 = arith.index_cast %get3A_1734 : i32 to index
        %get3A_1736 = arith.constant 1152 : index
        %get3A_1737 = tpu.vector_load %arg7[%get3A_1735, %get3A_1736] {strides = array<i32>} : memref<2x1280xi32, #tpu.memory_space<vmem>>, vector<16xi32>,
        %gather3A_1738 = tpu.vector_load_idx %arg6[%get3A_1737] : memref<100096xf32, #tpu.memory_space<vmem>>[vector<16xi32>], vector<16xf32>,
        %swap3A_1739 = arith.constant 9 : i32
        %swap3A_1740 = arith.index_cast %swap3A_1739 : i32 to index
        %swap3A_1741 = arith.constant 0 : index
        %swap3A_1742 = tpu.vector_load %arg10[%swap3A_1740, %swap3A_1741] {strides = array<i32>} : memref<10x128xf32, #tpu.memory_space<vmem>>, vector<16xf32>,
        tpu.vector_store %arg10[%swap3A_1740, %swap3A_1741], %gather3A_1738 {strides = array<i32>} : memref<10x128xf32, #tpu.memory_space<vmem>>, vector<16xf32>,
        %get3A_1743 = arith.constant 0 : i32
        %get3A_1744 = arith.index_cast %get3A_1743 : i32 to index
        %get3A_1745 = arith.constant 1168 : index
        %get3A_1746 = tpu.vector_load %arg8[%get3A_1744, %get3A_1745] {strides = array<i32>} : memref<2x1280xi32, #tpu.memory_space<vmem>>, vector<16xi32>,
        %add3A_1747 = vector.broadcast %mul3A_64 : i32 to vector<16xi32>
        %add3A_1748 = arith.addi %get3A_1746, %add3A_1747 : vector<16xi32>
        %swap3A_1749 = arith.constant 9 : i32
        %swap3A_1750 = arith.index_cast %swap3A_1749 : i32 to index
        %swap3A_1751 = arith.constant 16 : index
        %swap3A_1752 = tpu.vector_load %arg9[%swap3A_1750, %swap3A_1751] {strides = array<i32>} : memref<10x128xi32, #tpu.memory_space<vmem>>, vector<16xi32>,
        tpu.vector_store %arg9[%swap3A_1750, %swap3A_1751], %add3A_1748 {strides = array<i32>} : memref<10x128xi32, #tpu.memory_space<vmem>>, vector<16xi32>,
        %get3A_1753 = arith.constant 0 : i32
        %get3A_1754 = arith.index_cast %get3A_1753 : i32 to index
        %get3A_1755 = arith.constant 1168 : index
        %get3A_1756 = tpu.vector_load %arg7[%get3A_1754, %get3A_1755] {strides = array<i32>} : memref<2x1280xi32, #tpu.memory_space<vmem>>, vector<16xi32>,
        %gather3A_1757 = tpu.vector_load_idx %arg6[%get3A_1756] : memref<100096xf32, #tpu.memory_space<vmem>>[vector<16xi32>], vector<16xf32>,
        %swap3A_1758 = arith.constant 9 : i32
        %swap3A_1759 = arith.index_cast %swap3A_1758 : i32 to index
        %swap3A_1760 = arith.constant 16 : index
        %swap3A_1761 = tpu.vector_load %arg10[%swap3A_1759, %swap3A_1760] {strides = array<i32>} : memref<10x128xf32, #tpu.memory_space<vmem>>, vector<16xf32>,
        tpu.vector_store %arg10[%swap3A_1759, %swap3A_1760], %gather3A_1757 {strides = array<i32>} : memref<10x128xf32, #tpu.memory_space<vmem>>, vector<16xf32>,
        %get3A_1762 = arith.constant 0 : i32
        %get3A_1763 = arith.index_cast %get3A_1762 : i32 to index
        %get3A_1764 = arith.constant 1184 : index
        %get3A_1765 = tpu.vector_load %arg8[%get3A_1763, %get3A_1764] {strides = array<i32>} : memref<2x1280xi32, #tpu.memory_space<vmem>>, vector<16xi32>,
        %add3A_1766 = vector.broadcast %mul3A_64 : i32 to vector<16xi32>
        %add3A_1767 = arith.addi %get3A_1765, %add3A_1766 : vector<16xi32>
        %swap3A_1768 = arith.constant 9 : i32
        %swap3A_1769 = arith.index_cast %swap3A_1768 : i32 to index
        %swap3A_1770 = arith.constant 32 : index
        %swap3A_1771 = tpu.vector_load %arg9[%swap3A_1769, %swap3A_1770] {strides = array<i32>} : memref<10x128xi32, #tpu.memory_space<vmem>>, vector<16xi32>,
        tpu.vector_store %arg9[%swap3A_1769, %swap3A_1770], %add3A_1767 {strides = array<i32>} : memref<10x128xi32, #tpu.memory_space<vmem>>, vector<16xi32>,
        %get3A_1772 = arith.constant 0 : i32
        %get3A_1773 = arith.index_cast %get3A_1772 : i32 to index
        %get3A_1774 = arith.constant 1184 : index
        %get3A_1775 = tpu.vector_load %arg7[%get3A_1773, %get3A_1774] {strides = array<i32>} : memref<2x1280xi32, #tpu.memory_space<vmem>>, vector<16xi32>,
        %gather3A_1776 = tpu.vector_load_idx %arg6[%get3A_1775] : memref<100096xf32, #tpu.memory_space<vmem>>[vector<16xi32>], vector<16xf32>,
        %swap3A_1777 = arith.constant 9 : i32
        %swap3A_1778 = arith.index_cast %swap3A_1777 : i32 to index
        %swap3A_1779 = arith.constant 32 : index
        %swap3A_1780 = tpu.vector_load %arg10[%swap3A_1778, %swap3A_1779] {strides = array<i32>} : memref<10x128xf32, #tpu.memory_space<vmem>>, vector<16xf32>,
        tpu.vector_store %arg10[%swap3A_1778, %swap3A_1779], %gather3A_1776 {strides = array<i32>} : memref<10x128xf32, #tpu.memory_space<vmem>>, vector<16xf32>,
        %get3A_1781 = arith.constant 0 : i32
        %get3A_1782 = arith.index_cast %get3A_1781 : i32 to index
        %get3A_1783 = arith.constant 1200 : index
        %get3A_1784 = tpu.vector_load %arg8[%get3A_1782, %get3A_1783] {strides = array<i32>} : memref<2x1280xi32, #tpu.memory_space<vmem>>, vector<16xi32>,
        %add3A_1785 = vector.broadcast %mul3A_64 : i32 to vector<16xi32>
        %add3A_1786 = arith.addi %get3A_1784, %add3A_1785 : vector<16xi32>
        %swap3A_1787 = arith.constant 9 : i32
        %swap3A_1788 = arith.index_cast %swap3A_1787 : i32 to index
        %swap3A_1789 = arith.constant 48 : index
        %swap3A_1790 = tpu.vector_load %arg9[%swap3A_1788, %swap3A_1789] {strides = array<i32>} : memref<10x128xi32, #tpu.memory_space<vmem>>, vector<16xi32>,
        tpu.vector_store %arg9[%swap3A_1788, %swap3A_1789], %add3A_1786 {strides = array<i32>} : memref<10x128xi32, #tpu.memory_space<vmem>>, vector<16xi32>,
        %get3A_1791 = arith.constant 0 : i32
        %get3A_1792 = arith.index_cast %get3A_1791 : i32 to index
        %get3A_1793 = arith.constant 1200 : index
        %get3A_1794 = tpu.vector_load %arg7[%get3A_1792, %get3A_1793] {strides = array<i32>} : memref<2x1280xi32, #tpu.memory_space<vmem>>, vector<16xi32>,
        %gather3A_1795 = tpu.vector_load_idx %arg6[%get3A_1794] : memref<100096xf32, #tpu.memory_space<vmem>>[vector<16xi32>], vector<16xf32>,
        %swap3A_1796 = arith.constant 9 : i32
        %swap3A_1797 = arith.index_cast %swap3A_1796 : i32 to index
        %swap3A_1798 = arith.constant 48 : index
        %swap3A_1799 = tpu.vector_load %arg10[%swap3A_1797, %swap3A_1798] {strides = array<i32>} : memref<10x128xf32, #tpu.memory_space<vmem>>, vector<16xf32>,
        tpu.vector_store %arg10[%swap3A_1797, %swap3A_1798], %gather3A_1795 {strides = array<i32>} : memref<10x128xf32, #tpu.memory_space<vmem>>, vector<16xf32>,
        %get3A_1800 = arith.constant 0 : i32
        %get3A_1801 = arith.index_cast %get3A_1800 : i32 to index
        %get3A_1802 = arith.constant 1216 : index
        %get3A_1803 = tpu.vector_load %arg8[%get3A_1801, %get3A_1802] {strides = array<i32>} : memref<2x1280xi32, #tpu.memory_space<vmem>>, vector<16xi32>,
        %add3A_1804 = vector.broadcast %mul3A_64 : i32 to vector<16xi32>
        %add3A_1805 = arith.addi %get3A_1803, %add3A_1804 : vector<16xi32>
        %swap3A_1806 = arith.constant 9 : i32
        %swap3A_1807 = arith.index_cast %swap3A_1806 : i32 to index
        %swap3A_1808 = arith.constant 64 : index
        %swap3A_1809 = tpu.vector_load %arg9[%swap3A_1807, %swap3A_1808] {strides = array<i32>} : memref<10x128xi32, #tpu.memory_space<vmem>>, vector<16xi32>,
        tpu.vector_store %arg9[%swap3A_1807, %swap3A_1808], %add3A_1805 {strides = array<i32>} : memref<10x128xi32, #tpu.memory_space<vmem>>, vector<16xi32>,
        %get3A_1810 = arith.constant 0 : i32
        %get3A_1811 = arith.index_cast %get3A_1810 : i32 to index
        %get3A_1812 = arith.constant 1216 : index
        %get3A_1813 = tpu.vector_load %arg7[%get3A_1811, %get3A_1812] {strides = array<i32>} : memref<2x1280xi32, #tpu.memory_space<vmem>>, vector<16xi32>,
        %gather3A_1814 = tpu.vector_load_idx %arg6[%get3A_1813] : memref<100096xf32, #tpu.memory_space<vmem>>[vector<16xi32>], vector<16xf32>,
        %swap3A_1815 = arith.constant 9 : i32
        %swap3A_1816 = arith.index_cast %swap3A_1815 : i32 to index
        %swap3A_1817 = arith.constant 64 : index
        %swap3A_1818 = tpu.vector_load %arg10[%swap3A_1816, %swap3A_1817] {strides = array<i32>} : memref<10x128xf32, #tpu.memory_space<vmem>>, vector<16xf32>,
        tpu.vector_store %arg10[%swap3A_1816, %swap3A_1817], %gather3A_1814 {strides = array<i32>} : memref<10x128xf32, #tpu.memory_space<vmem>>, vector<16xf32>,
        %get3A_1819 = arith.constant 0 : i32
        %get3A_1820 = arith.index_cast %get3A_1819 : i32 to index
        %get3A_1821 = arith.constant 1232 : index
        %get3A_1822 = tpu.vector_load %arg8[%get3A_1820, %get3A_1821] {strides = array<i32>} : memref<2x1280xi32, #tpu.memory_space<vmem>>, vector<16xi32>,
        %add3A_1823 = vector.broadcast %mul3A_64 : i32 to vector<16xi32>
        %add3A_1824 = arith.addi %get3A_1822, %add3A_1823 : vector<16xi32>
        %swap3A_1825 = arith.constant 9 : i32
        %swap3A_1826 = arith.index_cast %swap3A_1825 : i32 to index
        %swap3A_1827 = arith.constant 80 : index
        %swap3A_1828 = tpu.vector_load %arg9[%swap3A_1826, %swap3A_1827] {strides = array<i32>} : memref<10x128xi32, #tpu.memory_space<vmem>>, vector<16xi32>,
        tpu.vector_store %arg9[%swap3A_1826, %swap3A_1827], %add3A_1824 {strides = array<i32>} : memref<10x128xi32, #tpu.memory_space<vmem>>, vector<16xi32>,
        %get3A_1829 = arith.constant 0 : i32
        %get3A_1830 = arith.index_cast %get3A_1829 : i32 to index
        %get3A_1831 = arith.constant 1232 : index
        %get3A_1832 = tpu.vector_load %arg7[%get3A_1830, %get3A_1831] {strides = array<i32>} : memref<2x1280xi32, #tpu.memory_space<vmem>>, vector<16xi32>,
        %gather3A_1833 = tpu.vector_load_idx %arg6[%get3A_1832] : memref<100096xf32, #tpu.memory_space<vmem>>[vector<16xi32>], vector<16xf32>,
        %swap3A_1834 = arith.constant 9 : i32
        %swap3A_1835 = arith.index_cast %swap3A_1834 : i32 to index
        %swap3A_1836 = arith.constant 80 : index
        %swap3A_1837 = tpu.vector_load %arg10[%swap3A_1835, %swap3A_1836] {strides = array<i32>} : memref<10x128xf32, #tpu.memory_space<vmem>>, vector<16xf32>,
        tpu.vector_store %arg10[%swap3A_1835, %swap3A_1836], %gather3A_1833 {strides = array<i32>} : memref<10x128xf32, #tpu.memory_space<vmem>>, vector<16xf32>,
        %get3A_1838 = arith.constant 0 : i32
        %get3A_1839 = arith.index_cast %get3A_1838 : i32 to index
        %get3A_1840 = arith.constant 1248 : index
        %get3A_1841 = tpu.vector_load %arg8[%get3A_1839, %get3A_1840] {strides = array<i32>} : memref<2x1280xi32, #tpu.memory_space<vmem>>, vector<16xi32>,
        %add3A_1842 = vector.broadcast %mul3A_64 : i32 to vector<16xi32>
        %add3A_1843 = arith.addi %get3A_1841, %add3A_1842 : vector<16xi32>
        %swap3A_1844 = arith.constant 9 : i32
        %swap3A_1845 = arith.index_cast %swap3A_1844 : i32 to index
        %swap3A_1846 = arith.constant 96 : index
        %swap3A_1847 = tpu.vector_load %arg9[%swap3A_1845, %swap3A_1846] {strides = array<i32>} : memref<10x128xi32, #tpu.memory_space<vmem>>, vector<16xi32>,
        tpu.vector_store %arg9[%swap3A_1845, %swap3A_1846], %add3A_1843 {strides = array<i32>} : memref<10x128xi32, #tpu.memory_space<vmem>>, vector<16xi32>,
        %get3A_1848 = arith.constant 0 : i32
        %get3A_1849 = arith.index_cast %get3A_1848 : i32 to index
        %get3A_1850 = arith.constant 1248 : index
        %get3A_1851 = tpu.vector_load %arg7[%get3A_1849, %get3A_1850] {strides = array<i32>} : memref<2x1280xi32, #tpu.memory_space<vmem>>, vector<16xi32>,
        %gather3A_1852 = tpu.vector_load_idx %arg6[%get3A_1851] : memref<100096xf32, #tpu.memory_space<vmem>>[vector<16xi32>], vector<16xf32>,
        %swap3A_1853 = arith.constant 9 : i32
        %swap3A_1854 = arith.index_cast %swap3A_1853 : i32 to index
        %swap3A_1855 = arith.constant 96 : index
        %swap3A_1856 = tpu.vector_load %arg10[%swap3A_1854, %swap3A_1855] {strides = array<i32>} : memref<10x128xf32, #tpu.memory_space<vmem>>, vector<16xf32>,
        tpu.vector_store %arg10[%swap3A_1854, %swap3A_1855], %gather3A_1852 {strides = array<i32>} : memref<10x128xf32, #tpu.memory_space<vmem>>, vector<16xf32>,
        %get3A_1857 = arith.constant 0 : i32
        %get3A_1858 = arith.index_cast %get3A_1857 : i32 to index
        %get3A_1859 = arith.constant 1264 : index
        %get3A_1860 = tpu.vector_load %arg8[%get3A_1858, %get3A_1859] {strides = array<i32>} : memref<2x1280xi32, #tpu.memory_space<vmem>>, vector<16xi32>,
        %add3A_1861 = vector.broadcast %mul3A_64 : i32 to vector<16xi32>
        %add3A_1862 = arith.addi %get3A_1860, %add3A_1861 : vector<16xi32>
        %swap3A_1863 = arith.constant 9 : i32
        %swap3A_1864 = arith.index_cast %swap3A_1863 : i32 to index
        %swap3A_1865 = arith.constant 112 : index
        %swap3A_1866 = tpu.vector_load %arg9[%swap3A_1864, %swap3A_1865] {strides = array<i32>} : memref<10x128xi32, #tpu.memory_space<vmem>>, vector<16xi32>,
        tpu.vector_store %arg9[%swap3A_1864, %swap3A_1865], %add3A_1862 {strides = array<i32>} : memref<10x128xi32, #tpu.memory_space<vmem>>, vector<16xi32>,
        %get3A_1867 = arith.constant 0 : i32
        %get3A_1868 = arith.index_cast %get3A_1867 : i32 to index
        %get3A_1869 = arith.constant 1264 : index
        %get3A_1870 = tpu.vector_load %arg7[%get3A_1868, %get3A_1869] {strides = array<i32>} : memref<2x1280xi32, #tpu.memory_space<vmem>>, vector<16xi32>,
        %gather3A_1871 = tpu.vector_load_idx %arg6[%get3A_1870] : memref<100096xf32, #tpu.memory_space<vmem>>[vector<16xi32>], vector<16xf32>,
        %swap3A_1872 = arith.constant 9 : i32
        %swap3A_1873 = arith.index_cast %swap3A_1872 : i32 to index
        %swap3A_1874 = arith.constant 112 : index
        %swap3A_1875 = tpu.vector_load %arg10[%swap3A_1873, %swap3A_1874] {strides = array<i32>} : memref<10x128xf32, #tpu.memory_space<vmem>>, vector<16xf32>,
        tpu.vector_store %arg10[%swap3A_1873, %swap3A_1874], %gather3A_1871 {strides = array<i32>} : memref<10x128xf32, #tpu.memory_space<vmem>>, vector<16xf32>,
        %dma_start3A_1876 = arith.constant 9 : i32
        %dma_start3A_1877 = arith.constant 9 : i32
        %dma_start3A_1878 = arith.constant 0 : i32
        %dma_start3A_1879 = tpu.memref_slice %arg10[%dma_start3A_1876, %dma_start3A_1878] : memref<10x128xf32, #tpu.memory_space<vmem>> -> memref<1x128xf32, #tpu.memory_space<vmem>>
        %dma_start3A_1880 = tpu.memref_squeeze %dma_start3A_1879 : memref<1x128xf32, #tpu.memory_space<vmem>> -> memref<128xf32, #tpu.memory_space<vmem>>
        %dma_start3A_1881 = arith.constant 0 : i32
        %dma_start3A_1882 = tpu.memref_slice %arg9[%dma_start3A_1877, %dma_start3A_1881] : memref<10x128xi32, #tpu.memory_space<vmem>> -> memref<1x128xi32, #tpu.memory_space<vmem>>
        %dma_start3A_1883 = tpu.memref_squeeze %dma_start3A_1882 : memref<1x128xi32, #tpu.memory_space<vmem>> -> memref<128xi32, #tpu.memory_space<vmem>>
        %dma_start3A_1884 = arith.constant 0 : i32
        %dma_start3A_1885 = tpu.memref_slice %arg11[%dma_start3A_1884] : memref<200192xf32, #tpu.memory_space<vmem_shared>> -> memref<200192xf32, #tpu.memory_space<vmem_shared>>
        tpu.enqueue_indirect_dma source(%dma_start3A_1880 : memref<128xf32, #tpu.memory_space<vmem>>) target(%dma_start3A_1885 : memref<200192xf32, #tpu.memory_space<vmem_shared>>) offsets(%dma_start3A_1883 : memref<128xi32, #tpu.memory_space<vmem>>) semaphore(%arg14 : memref<!tpu.dma_semaphore, #tpu.memory_space<semaphore_mem>>) {add = true}
        %add3A_1886 = arith.constant 2 : i32
        %add3A_1887 = arith.addi %add3A_229, %add3A_1886 : i32
        %le3A_1888 = arith.constant 624 : i32
        %le3A_1889 = arith.cmpi sle, %add3A_1887, %le3A_1888 : i32
        %convert_element_type3A_1890 = arith.extui %le3A_1889 : i1 to i32
        %cond3A_1891 = arith.constant 0 : i32
        %cond3A_1892 = arith.cmpi ne, %convert_element_type3A_1890, %cond3A_1891 : i32
        scf.if %cond3A_1892 {
          %add3A_1893 = arith.constant 2 : i32
          %add3A_1894 = arith.addi %add3A_229, %add3A_1893 : i32
          %mul3A_1895 = arith.constant 1280 : i32
          %mul3A_1896 = arith.muli %add3A_1894, %mul3A_1895 : i32
          %add3A_1897 = arith.addi %mul3A_66, %mul3A_1896 : i32
          %multiple_of3A_1898 = tpu.assume_multiple %add3A_1897, 8 : i32
          %dma_start3A_1899 = arith.constant 0 : i32
          %dma_start3A_1900 = arith.constant 0 : i32
          %dma_start3A_1901 = tpu.memref_slice %arg7[%dma_start3A_1899, %dma_start3A_1900] : memref<2x1280xi32, #tpu.memory_space<vmem>> -> memref<1x1280xi32, #tpu.memory_space<vmem>>
          %dma_start3A_1902 = tpu.memref_squeeze %dma_start3A_1901 : memref<1x1280xi32, #tpu.memory_space<vmem>> -> memref<1280xi32, #tpu.memory_space<vmem>>
          %dma_start3A_1903 = tpu.memref_slice %arg3[%multiple_of3A_1898] : memref<12800000xi32, #tpu.memory_space<hbm>> -> memref<1280xi32, #tpu.memory_space<hbm>>
          %dma_start3A_1904 = arith.constant 0 : i32
          %dma_start3A_1905 = tpu.memref_slice %arg7[%dma_start3A_1899, %dma_start3A_1904] : memref<2x1280xi32, #tpu.memory_space<vmem>> -> memref<1x1280xi32, #tpu.memory_space<vmem>>
          %dma_start3A_1906 = tpu.memref_squeeze %dma_start3A_1905 : memref<1x1280xi32, #tpu.memory_space<vmem>> -> memref<1280xi32, #tpu.memory_space<vmem>>
          %dma_start3A_1907 = tpu.memref_slice %arg3[%multiple_of3A_1898] : memref<12800000xi32, #tpu.memory_space<hbm>> -> memref<1280xi32, #tpu.memory_space<hbm>>
          tpu.enqueue_dma source(%dma_start3A_1907 : memref<1280xi32, #tpu.memory_space<hbm>>) target(%dma_start3A_1906 : memref<1280xi32, #tpu.memory_space<vmem>>) target_semaphore(%arg12 : memref<!tpu.dma_semaphore, #tpu.memory_space<semaphore_mem>>)
          %add3A_1908 = arith.constant 6400000 : i32
          %add3A_1909 = arith.addi %add3A_1908, %multiple_of3A_1898 : i32
          %dma_start3A_1910 = arith.constant 0 : i32
          %dma_start3A_1911 = arith.constant 0 : i32
          %dma_start3A_1912 = tpu.memref_slice %arg8[%dma_start3A_1910, %dma_start3A_1911] : memref<2x1280xi32, #tpu.memory_space<vmem>> -> memref<1x1280xi32, #tpu.memory_space<vmem>>
          %dma_start3A_1913 = tpu.memref_squeeze %dma_start3A_1912 : memref<1x1280xi32, #tpu.memory_space<vmem>> -> memref<1280xi32, #tpu.memory_space<vmem>>
          %dma_start3A_1914 = tpu.memref_slice %arg3[%add3A_1909] : memref<12800000xi32, #tpu.memory_space<hbm>> -> memref<1280xi32, #tpu.memory_space<hbm>>
          %dma_start3A_1915 = arith.constant 0 : i32
          %dma_start3A_1916 = tpu.memref_slice %arg8[%dma_start3A_1910, %dma_start3A_1915] : memref<2x1280xi32, #tpu.memory_space<vmem>> -> memref<1x1280xi32, #tpu.memory_space<vmem>>
          %dma_start3A_1917 = tpu.memref_squeeze %dma_start3A_1916 : memref<1x1280xi32, #tpu.memory_space<vmem>> -> memref<1280xi32, #tpu.memory_space<vmem>>
          %dma_start3A_1918 = tpu.memref_slice %arg3[%add3A_1909] : memref<12800000xi32, #tpu.memory_space<hbm>> -> memref<1280xi32, #tpu.memory_space<hbm>>
          tpu.enqueue_dma source(%dma_start3A_1918 : memref<1280xi32, #tpu.memory_space<hbm>>) target(%dma_start3A_1917 : memref<1280xi32, #tpu.memory_space<vmem>>) target_semaphore(%arg12 : memref<!tpu.dma_semaphore, #tpu.memory_space<semaphore_mem>>)
        } else {
        }
      } else {
      }
      %add3A_234 = arith.constant 1 : i32
      %add3A_235 = arith.addi %add3A_227, %add3A_234 : i32
      %le3A_236 = arith.constant 624 : i32
      %le3A_237 = arith.cmpi sle, %add3A_235, %le3A_236 : i32
      %convert_element_type3A_238 = arith.extui %le3A_237 : i1 to i32
      %cond3A_239 = arith.constant 0 : i32
      %cond3A_240 = arith.cmpi ne, %convert_element_type3A_238, %cond3A_239 : i32
      scf.if %cond3A_240 {
        %mul3A_241 = arith.constant 1280 : i32
        %mul3A_242 = arith.muli %add3A_235, %mul3A_241 : i32
        %add3A_243 = arith.addi %mul3A_66, %mul3A_242 : i32
        %multiple_of3A_244 = tpu.assume_multiple %add3A_243, 8 : i32
        %dma_wait3A_245 = arith.constant 1 : i32
        %dma_wait3A_246 = arith.constant 0 : i32
        %dma_wait3A_247 = tpu.memref_slice %arg7[%dma_wait3A_245, %dma_wait3A_246] : memref<2x1280xi32, #tpu.memory_space<vmem>> -> memref<1x1280xi32, #tpu.memory_space<vmem>>
        %dma_wait3A_248 = tpu.memref_squeeze %dma_wait3A_247 : memref<1x1280xi32, #tpu.memory_space<vmem>> -> memref<1280xi32, #tpu.memory_space<vmem>>
        %dma_wait3A_249 = tpu.memref_slice %arg3[%multiple_of3A_244] : memref<12800000xi32, #tpu.memory_space<hbm>> -> memref<1280xi32, #tpu.memory_space<hbm>>
        %dma_wait3A_250 = arith.constant 0 : i32
        %dma_wait3A_251 = tpu.memref_slice %arg7[%dma_wait3A_245, %dma_wait3A_250] : memref<2x1280xi32, #tpu.memory_space<vmem>> -> memref<1x1280xi32, #tpu.memory_space<vmem>>
        %dma_wait3A_252 = tpu.memref_squeeze %dma_wait3A_251 : memref<1x1280xi32, #tpu.memory_space<vmem>> -> memref<1280xi32, #tpu.memory_space<vmem>>
        %dma_wait3A_253 = tpu.memref_slice %arg3[%multiple_of3A_244] : memref<12800000xi32, #tpu.memory_space<hbm>> -> memref<1280xi32, #tpu.memory_space<hbm>>
        tpu.wait_dma2 semaphore(%arg13 : memref<!tpu.dma_semaphore, #tpu.memory_space<semaphore_mem>>) src(%dma_wait3A_253 : memref<1280xi32, #tpu.memory_space<hbm>>) dst(%dma_wait3A_252 : memref<1280xi32, #tpu.memory_space<vmem>>)
        %add3A_254 = arith.constant 6400000 : i32
        %add3A_255 = arith.addi %add3A_254, %multiple_of3A_244 : i32
        %dma_wait3A_256 = arith.constant 1 : i32
        %dma_wait3A_257 = arith.constant 0 : i32
        %dma_wait3A_258 = tpu.memref_slice %arg8[%dma_wait3A_256, %dma_wait3A_257] : memref<2x1280xi32, #tpu.memory_space<vmem>> -> memref<1x1280xi32, #tpu.memory_space<vmem>>
        %dma_wait3A_259 = tpu.memref_squeeze %dma_wait3A_258 : memref<1x1280xi32, #tpu.memory_space<vmem>> -> memref<1280xi32, #tpu.memory_space<vmem>>
        %dma_wait3A_260 = tpu.memref_slice %arg3[%add3A_255] : memref<12800000xi32, #tpu.memory_space<hbm>> -> memref<1280xi32, #tpu.memory_space<hbm>>
        %dma_wait3A_261 = arith.constant 0 : i32
        %dma_wait3A_262 = tpu.memref_slice %arg8[%dma_wait3A_256, %dma_wait3A_261] : memref<2x1280xi32, #tpu.memory_space<vmem>> -> memref<1x1280xi32, #tpu.memory_space<vmem>>
        %dma_wait3A_263 = tpu.memref_squeeze %dma_wait3A_262 : memref<1x1280xi32, #tpu.memory_space<vmem>> -> memref<1280xi32, #tpu.memory_space<vmem>>
        %dma_wait3A_264 = tpu.memref_slice %arg3[%add3A_255] : memref<12800000xi32, #tpu.memory_space<hbm>> -> memref<1280xi32, #tpu.memory_space<hbm>>
        tpu.wait_dma2 semaphore(%arg13 : memref<!tpu.dma_semaphore, #tpu.memory_space<semaphore_mem>>) src(%dma_wait3A_264 : memref<1280xi32, #tpu.memory_space<hbm>>) dst(%dma_wait3A_263 : memref<1280xi32, #tpu.memory_space<vmem>>)
        %gt3A = arith.constant 0 : i32
        %gt3A_265 = arith.cmpi sgt, %add3A_235, %gt3A : i32
        %convert_element_type3A_266 = arith.extui %gt3A_265 : i1 to i32
        %cond3A_267 = arith.constant 0 : i32
        %cond3A_268 = arith.cmpi ne, %convert_element_type3A_266, %cond3A_267 : i32
        scf.if %cond3A_268 {
          %dma_wait3A_1893 = arith.constant 0 : i32
          %dma_wait3A_1894 = arith.constant 0 : i32
          %dma_wait3A_1895 = arith.constant 0 : i32
          %dma_wait3A_1896 = tpu.memref_slice %arg10[%dma_wait3A_1893, %dma_wait3A_1895] : memref<10x128xf32, #tpu.memory_space<vmem>> -> memref<1x128xf32, #tpu.memory_space<vmem>>
          %dma_wait3A_1897 = tpu.memref_squeeze %dma_wait3A_1896 : memref<1x128xf32, #tpu.memory_space<vmem>> -> memref<128xf32, #tpu.memory_space<vmem>>
          %dma_wait3A_1898 = arith.constant 0 : i32
          %dma_wait3A_1899 = tpu.memref_slice %arg9[%dma_wait3A_1894, %dma_wait3A_1898] : memref<10x128xi32, #tpu.memory_space<vmem>> -> memref<1x128xi32, #tpu.memory_space<vmem>>
          %dma_wait3A_1900 = tpu.memref_squeeze %dma_wait3A_1899 : memref<1x128xi32, #tpu.memory_space<vmem>> -> memref<128xi32, #tpu.memory_space<vmem>>
          %dma_wait3A_1901 = arith.constant 0 : i32
          %dma_wait3A_1902 = tpu.memref_slice %arg11[%dma_wait3A_1901] : memref<200192xf32, #tpu.memory_space<vmem_shared>> -> memref<200192xf32, #tpu.memory_space<vmem_shared>>
          tpu.wait_indirect_dma semaphore(%arg14 : memref<!tpu.dma_semaphore, #tpu.memory_space<semaphore_mem>>) src(%dma_wait3A_1897 : memref<128xf32, #tpu.memory_space<vmem>>) dst(%dma_wait3A_1902 : memref<200192xf32, #tpu.memory_space<vmem_shared>>)
          %dma_wait3A_1903 = arith.constant 1 : i32
          %dma_wait3A_1904 = arith.constant 1 : i32
          %dma_wait3A_1905 = arith.constant 0 : i32
          %dma_wait3A_1906 = tpu.memref_slice %arg10[%dma_wait3A_1903, %dma_wait3A_1905] : memref<10x128xf32, #tpu.memory_space<vmem>> -> memref<1x128xf32, #tpu.memory_space<vmem>>
          %dma_wait3A_1907 = tpu.memref_squeeze %dma_wait3A_1906 : memref<1x128xf32, #tpu.memory_space<vmem>> -> memref<128xf32, #tpu.memory_space<vmem>>
          %dma_wait3A_1908 = arith.constant 0 : i32
          %dma_wait3A_1909 = tpu.memref_slice %arg9[%dma_wait3A_1904, %dma_wait3A_1908] : memref<10x128xi32, #tpu.memory_space<vmem>> -> memref<1x128xi32, #tpu.memory_space<vmem>>
          %dma_wait3A_1910 = tpu.memref_squeeze %dma_wait3A_1909 : memref<1x128xi32, #tpu.memory_space<vmem>> -> memref<128xi32, #tpu.memory_space<vmem>>
          %dma_wait3A_1911 = arith.constant 0 : i32
          %dma_wait3A_1912 = tpu.memref_slice %arg11[%dma_wait3A_1911] : memref<200192xf32, #tpu.memory_space<vmem_shared>> -> memref<200192xf32, #tpu.memory_space<vmem_shared>>
          tpu.wait_indirect_dma semaphore(%arg14 : memref<!tpu.dma_semaphore, #tpu.memory_space<semaphore_mem>>) src(%dma_wait3A_1907 : memref<128xf32, #tpu.memory_space<vmem>>) dst(%dma_wait3A_1912 : memref<200192xf32, #tpu.memory_space<vmem_shared>>)
          %dma_wait3A_1913 = arith.constant 2 : i32
          %dma_wait3A_1914 = arith.constant 2 : i32
          %dma_wait3A_1915 = arith.constant 0 : i32
          %dma_wait3A_1916 = tpu.memref_slice %arg10[%dma_wait3A_1913, %dma_wait3A_1915] : memref<10x128xf32, #tpu.memory_space<vmem>> -> memref<1x128xf32, #tpu.memory_space<vmem>>
          %dma_wait3A_1917 = tpu.memref_squeeze %dma_wait3A_1916 : memref<1x128xf32, #tpu.memory_space<vmem>> -> memref<128xf32, #tpu.memory_space<vmem>>
          %dma_wait3A_1918 = arith.constant 0 : i32
          %dma_wait3A_1919 = tpu.memref_slice %arg9[%dma_wait3A_1914, %dma_wait3A_1918] : memref<10x128xi32, #tpu.memory_space<vmem>> -> memref<1x128xi32, #tpu.memory_space<vmem>>
          %dma_wait3A_1920 = tpu.memref_squeeze %dma_wait3A_1919 : memref<1x128xi32, #tpu.memory_space<vmem>> -> memref<128xi32, #tpu.memory_space<vmem>>
          %dma_wait3A_1921 = arith.constant 0 : i32
          %dma_wait3A_1922 = tpu.memref_slice %arg11[%dma_wait3A_1921] : memref<200192xf32, #tpu.memory_space<vmem_shared>> -> memref<200192xf32, #tpu.memory_space<vmem_shared>>
          tpu.wait_indirect_dma semaphore(%arg14 : memref<!tpu.dma_semaphore, #tpu.memory_space<semaphore_mem>>) src(%dma_wait3A_1917 : memref<128xf32, #tpu.memory_space<vmem>>) dst(%dma_wait3A_1922 : memref<200192xf32, #tpu.memory_space<vmem_shared>>)
          %dma_wait3A_1923 = arith.constant 3 : i32
          %dma_wait3A_1924 = arith.constant 3 : i32
          %dma_wait3A_1925 = arith.constant 0 : i32
          %dma_wait3A_1926 = tpu.memref_slice %arg10[%dma_wait3A_1923, %dma_wait3A_1925] : memref<10x128xf32, #tpu.memory_space<vmem>> -> memref<1x128xf32, #tpu.memory_space<vmem>>
          %dma_wait3A_1927 = tpu.memref_squeeze %dma_wait3A_1926 : memref<1x128xf32, #tpu.memory_space<vmem>> -> memref<128xf32, #tpu.memory_space<vmem>>
          %dma_wait3A_1928 = arith.constant 0 : i32
          %dma_wait3A_1929 = tpu.memref_slice %arg9[%dma_wait3A_1924, %dma_wait3A_1928] : memref<10x128xi32, #tpu.memory_space<vmem>> -> memref<1x128xi32, #tpu.memory_space<vmem>>
          %dma_wait3A_1930 = tpu.memref_squeeze %dma_wait3A_1929 : memref<1x128xi32, #tpu.memory_space<vmem>> -> memref<128xi32, #tpu.memory_space<vmem>>
          %dma_wait3A_1931 = arith.constant 0 : i32
          %dma_wait3A_1932 = tpu.memref_slice %arg11[%dma_wait3A_1931] : memref<200192xf32, #tpu.memory_space<vmem_shared>> -> memref<200192xf32, #tpu.memory_space<vmem_shared>>
          tpu.wait_indirect_dma semaphore(%arg14 : memref<!tpu.dma_semaphore, #tpu.memory_space<semaphore_mem>>) src(%dma_wait3A_1927 : memref<128xf32, #tpu.memory_space<vmem>>) dst(%dma_wait3A_1932 : memref<200192xf32, #tpu.memory_space<vmem_shared>>)
          %dma_wait3A_1933 = arith.constant 4 : i32
          %dma_wait3A_1934 = arith.constant 4 : i32
          %dma_wait3A_1935 = arith.constant 0 : i32
          %dma_wait3A_1936 = tpu.memref_slice %arg10[%dma_wait3A_1933, %dma_wait3A_1935] : memref<10x128xf32, #tpu.memory_space<vmem>> -> memref<1x128xf32, #tpu.memory_space<vmem>>
          %dma_wait3A_1937 = tpu.memref_squeeze %dma_wait3A_1936 : memref<1x128xf32, #tpu.memory_space<vmem>> -> memref<128xf32, #tpu.memory_space<vmem>>
          %dma_wait3A_1938 = arith.constant 0 : i32
          %dma_wait3A_1939 = tpu.memref_slice %arg9[%dma_wait3A_1934, %dma_wait3A_1938] : memref<10x128xi32, #tpu.memory_space<vmem>> -> memref<1x128xi32, #tpu.memory_space<vmem>>
          %dma_wait3A_1940 = tpu.memref_squeeze %dma_wait3A_1939 : memref<1x128xi32, #tpu.memory_space<vmem>> -> memref<128xi32, #tpu.memory_space<vmem>>
          %dma_wait3A_1941 = arith.constant 0 : i32
          %dma_wait3A_1942 = tpu.memref_slice %arg11[%dma_wait3A_1941] : memref<200192xf32, #tpu.memory_space<vmem_shared>> -> memref<200192xf32, #tpu.memory_space<vmem_shared>>
          tpu.wait_indirect_dma semaphore(%arg14 : memref<!tpu.dma_semaphore, #tpu.memory_space<semaphore_mem>>) src(%dma_wait3A_1937 : memref<128xf32, #tpu.memory_space<vmem>>) dst(%dma_wait3A_1942 : memref<200192xf32, #tpu.memory_space<vmem_shared>>)
          %dma_wait3A_1943 = arith.constant 5 : i32
          %dma_wait3A_1944 = arith.constant 5 : i32
          %dma_wait3A_1945 = arith.constant 0 : i32
          %dma_wait3A_1946 = tpu.memref_slice %arg10[%dma_wait3A_1943, %dma_wait3A_1945] : memref<10x128xf32, #tpu.memory_space<vmem>> -> memref<1x128xf32, #tpu.memory_space<vmem>>
          %dma_wait3A_1947 = tpu.memref_squeeze %dma_wait3A_1946 : memref<1x128xf32, #tpu.memory_space<vmem>> -> memref<128xf32, #tpu.memory_space<vmem>>
          %dma_wait3A_1948 = arith.constant 0 : i32
          %dma_wait3A_1949 = tpu.memref_slice %arg9[%dma_wait3A_1944, %dma_wait3A_1948] : memref<10x128xi32, #tpu.memory_space<vmem>> -> memref<1x128xi32, #tpu.memory_space<vmem>>
          %dma_wait3A_1950 = tpu.memref_squeeze %dma_wait3A_1949 : memref<1x128xi32, #tpu.memory_space<vmem>> -> memref<128xi32, #tpu.memory_space<vmem>>
          %dma_wait3A_1951 = arith.constant 0 : i32
          %dma_wait3A_1952 = tpu.memref_slice %arg11[%dma_wait3A_1951] : memref<200192xf32, #tpu.memory_space<vmem_shared>> -> memref<200192xf32, #tpu.memory_space<vmem_shared>>
          tpu.wait_indirect_dma semaphore(%arg14 : memref<!tpu.dma_semaphore, #tpu.memory_space<semaphore_mem>>) src(%dma_wait3A_1947 : memref<128xf32, #tpu.memory_space<vmem>>) dst(%dma_wait3A_1952 : memref<200192xf32, #tpu.memory_space<vmem_shared>>)
          %dma_wait3A_1953 = arith.constant 6 : i32
          %dma_wait3A_1954 = arith.constant 6 : i32
          %dma_wait3A_1955 = arith.constant 0 : i32
          %dma_wait3A_1956 = tpu.memref_slice %arg10[%dma_wait3A_1953, %dma_wait3A_1955] : memref<10x128xf32, #tpu.memory_space<vmem>> -> memref<1x128xf32, #tpu.memory_space<vmem>>
          %dma_wait3A_1957 = tpu.memref_squeeze %dma_wait3A_1956 : memref<1x128xf32, #tpu.memory_space<vmem>> -> memref<128xf32, #tpu.memory_space<vmem>>
          %dma_wait3A_1958 = arith.constant 0 : i32
          %dma_wait3A_1959 = tpu.memref_slice %arg9[%dma_wait3A_1954, %dma_wait3A_1958] : memref<10x128xi32, #tpu.memory_space<vmem>> -> memref<1x128xi32, #tpu.memory_space<vmem>>
          %dma_wait3A_1960 = tpu.memref_squeeze %dma_wait3A_1959 : memref<1x128xi32, #tpu.memory_space<vmem>> -> memref<128xi32, #tpu.memory_space<vmem>>
          %dma_wait3A_1961 = arith.constant 0 : i32
          %dma_wait3A_1962 = tpu.memref_slice %arg11[%dma_wait3A_1961] : memref<200192xf32, #tpu.memory_space<vmem_shared>> -> memref<200192xf32, #tpu.memory_space<vmem_shared>>
          tpu.wait_indirect_dma semaphore(%arg14 : memref<!tpu.dma_semaphore, #tpu.memory_space<semaphore_mem>>) src(%dma_wait3A_1957 : memref<128xf32, #tpu.memory_space<vmem>>) dst(%dma_wait3A_1962 : memref<200192xf32, #tpu.memory_space<vmem_shared>>)
          %dma_wait3A_1963 = arith.constant 7 : i32
          %dma_wait3A_1964 = arith.constant 7 : i32
          %dma_wait3A_1965 = arith.constant 0 : i32
          %dma_wait3A_1966 = tpu.memref_slice %arg10[%dma_wait3A_1963, %dma_wait3A_1965] : memref<10x128xf32, #tpu.memory_space<vmem>> -> memref<1x128xf32, #tpu.memory_space<vmem>>
          %dma_wait3A_1967 = tpu.memref_squeeze %dma_wait3A_1966 : memref<1x128xf32, #tpu.memory_space<vmem>> -> memref<128xf32, #tpu.memory_space<vmem>>
          %dma_wait3A_1968 = arith.constant 0 : i32
          %dma_wait3A_1969 = tpu.memref_slice %arg9[%dma_wait3A_1964, %dma_wait3A_1968] : memref<10x128xi32, #tpu.memory_space<vmem>> -> memref<1x128xi32, #tpu.memory_space<vmem>>
          %dma_wait3A_1970 = tpu.memref_squeeze %dma_wait3A_1969 : memref<1x128xi32, #tpu.memory_space<vmem>> -> memref<128xi32, #tpu.memory_space<vmem>>
          %dma_wait3A_1971 = arith.constant 0 : i32
          %dma_wait3A_1972 = tpu.memref_slice %arg11[%dma_wait3A_1971] : memref<200192xf32, #tpu.memory_space<vmem_shared>> -> memref<200192xf32, #tpu.memory_space<vmem_shared>>
          tpu.wait_indirect_dma semaphore(%arg14 : memref<!tpu.dma_semaphore, #tpu.memory_space<semaphore_mem>>) src(%dma_wait3A_1967 : memref<128xf32, #tpu.memory_space<vmem>>) dst(%dma_wait3A_1972 : memref<200192xf32, #tpu.memory_space<vmem_shared>>)
          %dma_wait3A_1973 = arith.constant 8 : i32
          %dma_wait3A_1974 = arith.constant 8 : i32
          %dma_wait3A_1975 = arith.constant 0 : i32
          %dma_wait3A_1976 = tpu.memref_slice %arg10[%dma_wait3A_1973, %dma_wait3A_1975] : memref<10x128xf32, #tpu.memory_space<vmem>> -> memref<1x128xf32, #tpu.memory_space<vmem>>
          %dma_wait3A_1977 = tpu.memref_squeeze %dma_wait3A_1976 : memref<1x128xf32, #tpu.memory_space<vmem>> -> memref<128xf32, #tpu.memory_space<vmem>>
          %dma_wait3A_1978 = arith.constant 0 : i32
          %dma_wait3A_1979 = tpu.memref_slice %arg9[%dma_wait3A_1974, %dma_wait3A_1978] : memref<10x128xi32, #tpu.memory_space<vmem>> -> memref<1x128xi32, #tpu.memory_space<vmem>>
          %dma_wait3A_1980 = tpu.memref_squeeze %dma_wait3A_1979 : memref<1x128xi32, #tpu.memory_space<vmem>> -> memref<128xi32, #tpu.memory_space<vmem>>
          %dma_wait3A_1981 = arith.constant 0 : i32
          %dma_wait3A_1982 = tpu.memref_slice %arg11[%dma_wait3A_1981] : memref<200192xf32, #tpu.memory_space<vmem_shared>> -> memref<200192xf32, #tpu.memory_space<vmem_shared>>
          tpu.wait_indirect_dma semaphore(%arg14 : memref<!tpu.dma_semaphore, #tpu.memory_space<semaphore_mem>>) src(%dma_wait3A_1977 : memref<128xf32, #tpu.memory_space<vmem>>) dst(%dma_wait3A_1982 : memref<200192xf32, #tpu.memory_space<vmem_shared>>)
          %dma_wait3A_1983 = arith.constant 9 : i32
          %dma_wait3A_1984 = arith.constant 9 : i32
          %dma_wait3A_1985 = arith.constant 0 : i32
          %dma_wait3A_1986 = tpu.memref_slice %arg10[%dma_wait3A_1983, %dma_wait3A_1985] : memref<10x128xf32, #tpu.memory_space<vmem>> -> memref<1x128xf32, #tpu.memory_space<vmem>>
          %dma_wait3A_1987 = tpu.memref_squeeze %dma_wait3A_1986 : memref<1x128xf32, #tpu.memory_space<vmem>> -> memref<128xf32, #tpu.memory_space<vmem>>
          %dma_wait3A_1988 = arith.constant 0 : i32
          %dma_wait3A_1989 = tpu.memref_slice %arg9[%dma_wait3A_1984, %dma_wait3A_1988] : memref<10x128xi32, #tpu.memory_space<vmem>> -> memref<1x128xi32, #tpu.memory_space<vmem>>
          %dma_wait3A_1990 = tpu.memref_squeeze %dma_wait3A_1989 : memref<1x128xi32, #tpu.memory_space<vmem>> -> memref<128xi32, #tpu.memory_space<vmem>>
          %dma_wait3A_1991 = arith.constant 0 : i32
          %dma_wait3A_1992 = tpu.memref_slice %arg11[%dma_wait3A_1991] : memref<200192xf32, #tpu.memory_space<vmem_shared>> -> memref<200192xf32, #tpu.memory_space<vmem_shared>>
          tpu.wait_indirect_dma semaphore(%arg14 : memref<!tpu.dma_semaphore, #tpu.memory_space<semaphore_mem>>) src(%dma_wait3A_1987 : memref<128xf32, #tpu.memory_space<vmem>>) dst(%dma_wait3A_1992 : memref<200192xf32, #tpu.memory_space<vmem_shared>>)
        } else {
        }
        %get3A = arith.constant 1 : i32
        %get3A_269 = arith.index_cast %get3A : i32 to index
        %get3A_270 = arith.constant 0 : index
        %get3A_271 = tpu.vector_load %arg8[%get3A_269, %get3A_270] {strides = array<i32>} : memref<2x1280xi32, #tpu.memory_space<vmem>>, vector<16xi32>,
        %add3A_272 = vector.broadcast %mul3A_64 : i32 to vector<16xi32>
        %add3A_273 = arith.addi %get3A_271, %add3A_272 : vector<16xi32>
        %swap3A = arith.constant 0 : i32
        %swap3A_274 = arith.index_cast %swap3A : i32 to index
        %swap3A_275 = arith.constant 0 : index
        %swap3A_276 = tpu.vector_load %arg9[%swap3A_274, %swap3A_275] {strides = array<i32>} : memref<10x128xi32, #tpu.memory_space<vmem>>, vector<16xi32>,
        tpu.vector_store %arg9[%swap3A_274, %swap3A_275], %add3A_273 {strides = array<i32>} : memref<10x128xi32, #tpu.memory_space<vmem>>, vector<16xi32>,
        %get3A_277 = arith.constant 1 : i32
        %get3A_278 = arith.index_cast %get3A_277 : i32 to index
        %get3A_279 = arith.constant 0 : index
        %get3A_280 = tpu.vector_load %arg7[%get3A_278, %get3A_279] {strides = array<i32>} : memref<2x1280xi32, #tpu.memory_space<vmem>>, vector<16xi32>,
        %gather3A = tpu.vector_load_idx %arg6[%get3A_280] : memref<100096xf32, #tpu.memory_space<vmem>>[vector<16xi32>], vector<16xf32>,
        %swap3A_281 = arith.constant 0 : i32
        %swap3A_282 = arith.index_cast %swap3A_281 : i32 to index
        %swap3A_283 = arith.constant 0 : index
        %swap3A_284 = tpu.vector_load %arg10[%swap3A_282, %swap3A_283] {strides = array<i32>} : memref<10x128xf32, #tpu.memory_space<vmem>>, vector<16xf32>,
        tpu.vector_store %arg10[%swap3A_282, %swap3A_283], %gather3A {strides = array<i32>} : memref<10x128xf32, #tpu.memory_space<vmem>>, vector<16xf32>,
        %get3A_285 = arith.constant 1 : i32
        %get3A_286 = arith.index_cast %get3A_285 : i32 to index
        %get3A_287 = arith.constant 16 : index
        %get3A_288 = tpu.vector_load %arg8[%get3A_286, %get3A_287] {strides = array<i32>} : memref<2x1280xi32, #tpu.memory_space<vmem>>, vector<16xi32>,
        %add3A_289 = vector.broadcast %mul3A_64 : i32 to vector<16xi32>
        %add3A_290 = arith.addi %get3A_288, %add3A_289 : vector<16xi32>
        %swap3A_291 = arith.constant 0 : i32
        %swap3A_292 = arith.index_cast %swap3A_291 : i32 to index
        %swap3A_293 = arith.constant 16 : index
        %swap3A_294 = tpu.vector_load %arg9[%swap3A_292, %swap3A_293] {strides = array<i32>} : memref<10x128xi32, #tpu.memory_space<vmem>>, vector<16xi32>,
        tpu.vector_store %arg9[%swap3A_292, %swap3A_293], %add3A_290 {strides = array<i32>} : memref<10x128xi32, #tpu.memory_space<vmem>>, vector<16xi32>,
        %get3A_295 = arith.constant 1 : i32
        %get3A_296 = arith.index_cast %get3A_295 : i32 to index
        %get3A_297 = arith.constant 16 : index
        %get3A_298 = tpu.vector_load %arg7[%get3A_296, %get3A_297] {strides = array<i32>} : memref<2x1280xi32, #tpu.memory_space<vmem>>, vector<16xi32>,
        %gather3A_299 = tpu.vector_load_idx %arg6[%get3A_298] : memref<100096xf32, #tpu.memory_space<vmem>>[vector<16xi32>], vector<16xf32>,
        %swap3A_300 = arith.constant 0 : i32
        %swap3A_301 = arith.index_cast %swap3A_300 : i32 to index
        %swap3A_302 = arith.constant 16 : index
        %swap3A_303 = tpu.vector_load %arg10[%swap3A_301, %swap3A_302] {strides = array<i32>} : memref<10x128xf32, #tpu.memory_space<vmem>>, vector<16xf32>,
        tpu.vector_store %arg10[%swap3A_301, %swap3A_302], %gather3A_299 {strides = array<i32>} : memref<10x128xf32, #tpu.memory_space<vmem>>, vector<16xf32>,
        %get3A_304 = arith.constant 1 : i32
        %get3A_305 = arith.index_cast %get3A_304 : i32 to index
        %get3A_306 = arith.constant 32 : index
        %get3A_307 = tpu.vector_load %arg8[%get3A_305, %get3A_306] {strides = array<i32>} : memref<2x1280xi32, #tpu.memory_space<vmem>>, vector<16xi32>,
        %add3A_308 = vector.broadcast %mul3A_64 : i32 to vector<16xi32>
        %add3A_309 = arith.addi %get3A_307, %add3A_308 : vector<16xi32>
        %swap3A_310 = arith.constant 0 : i32
        %swap3A_311 = arith.index_cast %swap3A_310 : i32 to index
        %swap3A_312 = arith.constant 32 : index
        %swap3A_313 = tpu.vector_load %arg9[%swap3A_311, %swap3A_312] {strides = array<i32>} : memref<10x128xi32, #tpu.memory_space<vmem>>, vector<16xi32>,
        tpu.vector_store %arg9[%swap3A_311, %swap3A_312], %add3A_309 {strides = array<i32>} : memref<10x128xi32, #tpu.memory_space<vmem>>, vector<16xi32>,
        %get3A_314 = arith.constant 1 : i32
        %get3A_315 = arith.index_cast %get3A_314 : i32 to index
        %get3A_316 = arith.constant 32 : index
        %get3A_317 = tpu.vector_load %arg7[%get3A_315, %get3A_316] {strides = array<i32>} : memref<2x1280xi32, #tpu.memory_space<vmem>>, vector<16xi32>,
        %gather3A_318 = tpu.vector_load_idx %arg6[%get3A_317] : memref<100096xf32, #tpu.memory_space<vmem>>[vector<16xi32>], vector<16xf32>,
        %swap3A_319 = arith.constant 0 : i32
        %swap3A_320 = arith.index_cast %swap3A_319 : i32 to index
        %swap3A_321 = arith.constant 32 : index
        %swap3A_322 = tpu.vector_load %arg10[%swap3A_320, %swap3A_321] {strides = array<i32>} : memref<10x128xf32, #tpu.memory_space<vmem>>, vector<16xf32>,
        tpu.vector_store %arg10[%swap3A_320, %swap3A_321], %gather3A_318 {strides = array<i32>} : memref<10x128xf32, #tpu.memory_space<vmem>>, vector<16xf32>,
        %get3A_323 = arith.constant 1 : i32
        %get3A_324 = arith.index_cast %get3A_323 : i32 to index
        %get3A_325 = arith.constant 48 : index
        %get3A_326 = tpu.vector_load %arg8[%get3A_324, %get3A_325] {strides = array<i32>} : memref<2x1280xi32, #tpu.memory_space<vmem>>, vector<16xi32>,
        %add3A_327 = vector.broadcast %mul3A_64 : i32 to vector<16xi32>
        %add3A_328 = arith.addi %get3A_326, %add3A_327 : vector<16xi32>
        %swap3A_329 = arith.constant 0 : i32
        %swap3A_330 = arith.index_cast %swap3A_329 : i32 to index
        %swap3A_331 = arith.constant 48 : index
        %swap3A_332 = tpu.vector_load %arg9[%swap3A_330, %swap3A_331] {strides = array<i32>} : memref<10x128xi32, #tpu.memory_space<vmem>>, vector<16xi32>,
        tpu.vector_store %arg9[%swap3A_330, %swap3A_331], %add3A_328 {strides = array<i32>} : memref<10x128xi32, #tpu.memory_space<vmem>>, vector<16xi32>,
        %get3A_333 = arith.constant 1 : i32
        %get3A_334 = arith.index_cast %get3A_333 : i32 to index
        %get3A_335 = arith.constant 48 : index
        %get3A_336 = tpu.vector_load %arg7[%get3A_334, %get3A_335] {strides = array<i32>} : memref<2x1280xi32, #tpu.memory_space<vmem>>, vector<16xi32>,
        %gather3A_337 = tpu.vector_load_idx %arg6[%get3A_336] : memref<100096xf32, #tpu.memory_space<vmem>>[vector<16xi32>], vector<16xf32>,
        %swap3A_338 = arith.constant 0 : i32
        %swap3A_339 = arith.index_cast %swap3A_338 : i32 to index
        %swap3A_340 = arith.constant 48 : index
        %swap3A_341 = tpu.vector_load %arg10[%swap3A_339, %swap3A_340] {strides = array<i32>} : memref<10x128xf32, #tpu.memory_space<vmem>>, vector<16xf32>,
        tpu.vector_store %arg10[%swap3A_339, %swap3A_340], %gather3A_337 {strides = array<i32>} : memref<10x128xf32, #tpu.memory_space<vmem>>, vector<16xf32>,
        %get3A_342 = arith.constant 1 : i32
        %get3A_343 = arith.index_cast %get3A_342 : i32 to index
        %get3A_344 = arith.constant 64 : index
        %get3A_345 = tpu.vector_load %arg8[%get3A_343, %get3A_344] {strides = array<i32>} : memref<2x1280xi32, #tpu.memory_space<vmem>>, vector<16xi32>,
        %add3A_346 = vector.broadcast %mul3A_64 : i32 to vector<16xi32>
        %add3A_347 = arith.addi %get3A_345, %add3A_346 : vector<16xi32>
        %swap3A_348 = arith.constant 0 : i32
        %swap3A_349 = arith.index_cast %swap3A_348 : i32 to index
        %swap3A_350 = arith.constant 64 : index
        %swap3A_351 = tpu.vector_load %arg9[%swap3A_349, %swap3A_350] {strides = array<i32>} : memref<10x128xi32, #tpu.memory_space<vmem>>, vector<16xi32>,
        tpu.vector_store %arg9[%swap3A_349, %swap3A_350], %add3A_347 {strides = array<i32>} : memref<10x128xi32, #tpu.memory_space<vmem>>, vector<16xi32>,
        %get3A_352 = arith.constant 1 : i32
        %get3A_353 = arith.index_cast %get3A_352 : i32 to index
        %get3A_354 = arith.constant 64 : index
        %get3A_355 = tpu.vector_load %arg7[%get3A_353, %get3A_354] {strides = array<i32>} : memref<2x1280xi32, #tpu.memory_space<vmem>>, vector<16xi32>,
        %gather3A_356 = tpu.vector_load_idx %arg6[%get3A_355] : memref<100096xf32, #tpu.memory_space<vmem>>[vector<16xi32>], vector<16xf32>,
        %swap3A_357 = arith.constant 0 : i32
        %swap3A_358 = arith.index_cast %swap3A_357 : i32 to index
        %swap3A_359 = arith.constant 64 : index
        %swap3A_360 = tpu.vector_load %arg10[%swap3A_358, %swap3A_359] {strides = array<i32>} : memref<10x128xf32, #tpu.memory_space<vmem>>, vector<16xf32>,
        tpu.vector_store %arg10[%swap3A_358, %swap3A_359], %gather3A_356 {strides = array<i32>} : memref<10x128xf32, #tpu.memory_space<vmem>>, vector<16xf32>,
        %get3A_361 = arith.constant 1 : i32
        %get3A_362 = arith.index_cast %get3A_361 : i32 to index
        %get3A_363 = arith.constant 80 : index
        %get3A_364 = tpu.vector_load %arg8[%get3A_362, %get3A_363] {strides = array<i32>} : memref<2x1280xi32, #tpu.memory_space<vmem>>, vector<16xi32>,
        %add3A_365 = vector.broadcast %mul3A_64 : i32 to vector<16xi32>
        %add3A_366 = arith.addi %get3A_364, %add3A_365 : vector<16xi32>
        %swap3A_367 = arith.constant 0 : i32
        %swap3A_368 = arith.index_cast %swap3A_367 : i32 to index
        %swap3A_369 = arith.constant 80 : index
        %swap3A_370 = tpu.vector_load %arg9[%swap3A_368, %swap3A_369] {strides = array<i32>} : memref<10x128xi32, #tpu.memory_space<vmem>>, vector<16xi32>,
        tpu.vector_store %arg9[%swap3A_368, %swap3A_369], %add3A_366 {strides = array<i32>} : memref<10x128xi32, #tpu.memory_space<vmem>>, vector<16xi32>,
        %get3A_371 = arith.constant 1 : i32
        %get3A_372 = arith.index_cast %get3A_371 : i32 to index
        %get3A_373 = arith.constant 80 : index
        %get3A_374 = tpu.vector_load %arg7[%get3A_372, %get3A_373] {strides = array<i32>} : memref<2x1280xi32, #tpu.memory_space<vmem>>, vector<16xi32>,
        %gather3A_375 = tpu.vector_load_idx %arg6[%get3A_374] : memref<100096xf32, #tpu.memory_space<vmem>>[vector<16xi32>], vector<16xf32>,
        %swap3A_376 = arith.constant 0 : i32
        %swap3A_377 = arith.index_cast %swap3A_376 : i32 to index
        %swap3A_378 = arith.constant 80 : index
        %swap3A_379 = tpu.vector_load %arg10[%swap3A_377, %swap3A_378] {strides = array<i32>} : memref<10x128xf32, #tpu.memory_space<vmem>>, vector<16xf32>,
        tpu.vector_store %arg10[%swap3A_377, %swap3A_378], %gather3A_375 {strides = array<i32>} : memref<10x128xf32, #tpu.memory_space<vmem>>, vector<16xf32>,
        %get3A_380 = arith.constant 1 : i32
        %get3A_381 = arith.index_cast %get3A_380 : i32 to index
        %get3A_382 = arith.constant 96 : index
        %get3A_383 = tpu.vector_load %arg8[%get3A_381, %get3A_382] {strides = array<i32>} : memref<2x1280xi32, #tpu.memory_space<vmem>>, vector<16xi32>,
        %add3A_384 = vector.broadcast %mul3A_64 : i32 to vector<16xi32>
        %add3A_385 = arith.addi %get3A_383, %add3A_384 : vector<16xi32>
        %swap3A_386 = arith.constant 0 : i32
        %swap3A_387 = arith.index_cast %swap3A_386 : i32 to index
        %swap3A_388 = arith.constant 96 : index
        %swap3A_389 = tpu.vector_load %arg9[%swap3A_387, %swap3A_388] {strides = array<i32>} : memref<10x128xi32, #tpu.memory_space<vmem>>, vector<16xi32>,
        tpu.vector_store %arg9[%swap3A_387, %swap3A_388], %add3A_385 {strides = array<i32>} : memref<10x128xi32, #tpu.memory_space<vmem>>, vector<16xi32>,
        %get3A_390 = arith.constant 1 : i32
        %get3A_391 = arith.index_cast %get3A_390 : i32 to index
        %get3A_392 = arith.constant 96 : index
        %get3A_393 = tpu.vector_load %arg7[%get3A_391, %get3A_392] {strides = array<i32>} : memref<2x1280xi32, #tpu.memory_space<vmem>>, vector<16xi32>,
        %gather3A_394 = tpu.vector_load_idx %arg6[%get3A_393] : memref<100096xf32, #tpu.memory_space<vmem>>[vector<16xi32>], vector<16xf32>,
        %swap3A_395 = arith.constant 0 : i32
        %swap3A_396 = arith.index_cast %swap3A_395 : i32 to index
        %swap3A_397 = arith.constant 96 : index
        %swap3A_398 = tpu.vector_load %arg10[%swap3A_396, %swap3A_397] {strides = array<i32>} : memref<10x128xf32, #tpu.memory_space<vmem>>, vector<16xf32>,
        tpu.vector_store %arg10[%swap3A_396, %swap3A_397], %gather3A_394 {strides = array<i32>} : memref<10x128xf32, #tpu.memory_space<vmem>>, vector<16xf32>,
        %get3A_399 = arith.constant 1 : i32
        %get3A_400 = arith.index_cast %get3A_399 : i32 to index
        %get3A_401 = arith.constant 112 : index
        %get3A_402 = tpu.vector_load %arg8[%get3A_400, %get3A_401] {strides = array<i32>} : memref<2x1280xi32, #tpu.memory_space<vmem>>, vector<16xi32>,
        %add3A_403 = vector.broadcast %mul3A_64 : i32 to vector<16xi32>
        %add3A_404 = arith.addi %get3A_402, %add3A_403 : vector<16xi32>
        %swap3A_405 = arith.constant 0 : i32
        %swap3A_406 = arith.index_cast %swap3A_405 : i32 to index
        %swap3A_407 = arith.constant 112 : index
        %swap3A_408 = tpu.vector_load %arg9[%swap3A_406, %swap3A_407] {strides = array<i32>} : memref<10x128xi32, #tpu.memory_space<vmem>>, vector<16xi32>,
        tpu.vector_store %arg9[%swap3A_406, %swap3A_407], %add3A_404 {strides = array<i32>} : memref<10x128xi32, #tpu.memory_space<vmem>>, vector<16xi32>,
        %get3A_409 = arith.constant 1 : i32
        %get3A_410 = arith.index_cast %get3A_409 : i32 to index
        %get3A_411 = arith.constant 112 : index
        %get3A_412 = tpu.vector_load %arg7[%get3A_410, %get3A_411] {strides = array<i32>} : memref<2x1280xi32, #tpu.memory_space<vmem>>, vector<16xi32>,
        %gather3A_413 = tpu.vector_load_idx %arg6[%get3A_412] : memref<100096xf32, #tpu.memory_space<vmem>>[vector<16xi32>], vector<16xf32>,
        %swap3A_414 = arith.constant 0 : i32
        %swap3A_415 = arith.index_cast %swap3A_414 : i32 to index
        %swap3A_416 = arith.constant 112 : index
        %swap3A_417 = tpu.vector_load %arg10[%swap3A_415, %swap3A_416] {strides = array<i32>} : memref<10x128xf32, #tpu.memory_space<vmem>>, vector<16xf32>,
        tpu.vector_store %arg10[%swap3A_415, %swap3A_416], %gather3A_413 {strides = array<i32>} : memref<10x128xf32, #tpu.memory_space<vmem>>, vector<16xf32>,
        %dma_start3A_418 = arith.constant 0 : i32
        %dma_start3A_419 = arith.constant 0 : i32
        %dma_start3A_420 = arith.constant 0 : i32
        %dma_start3A_421 = tpu.memref_slice %arg10[%dma_start3A_418, %dma_start3A_420] : memref<10x128xf32, #tpu.memory_space<vmem>> -> memref<1x128xf32, #tpu.memory_space<vmem>>
        %dma_start3A_422 = tpu.memref_squeeze %dma_start3A_421 : memref<1x128xf32, #tpu.memory_space<vmem>> -> memref<128xf32, #tpu.memory_space<vmem>>
        %dma_start3A_423 = arith.constant 0 : i32
        %dma_start3A_424 = tpu.memref_slice %arg9[%dma_start3A_419, %dma_start3A_423] : memref<10x128xi32, #tpu.memory_space<vmem>> -> memref<1x128xi32, #tpu.memory_space<vmem>>
        %dma_start3A_425 = tpu.memref_squeeze %dma_start3A_424 : memref<1x128xi32, #tpu.memory_space<vmem>> -> memref<128xi32, #tpu.memory_space<vmem>>
        %dma_start3A_426 = arith.constant 0 : i32
        %dma_start3A_427 = tpu.memref_slice %arg11[%dma_start3A_426] : memref<200192xf32, #tpu.memory_space<vmem_shared>> -> memref<200192xf32, #tpu.memory_space<vmem_shared>>
        tpu.enqueue_indirect_dma source(%dma_start3A_422 : memref<128xf32, #tpu.memory_space<vmem>>) target(%dma_start3A_427 : memref<200192xf32, #tpu.memory_space<vmem_shared>>) offsets(%dma_start3A_425 : memref<128xi32, #tpu.memory_space<vmem>>) semaphore(%arg14 : memref<!tpu.dma_semaphore, #tpu.memory_space<semaphore_mem>>) {add = true}
        %get3A_428 = arith.constant 1 : i32
        %get3A_429 = arith.index_cast %get3A_428 : i32 to index
        %get3A_430 = arith.constant 128 : index
        %get3A_431 = tpu.vector_load %arg8[%get3A_429, %get3A_430] {strides = array<i32>} : memref<2x1280xi32, #tpu.memory_space<vmem>>, vector<16xi32>,
        %add3A_432 = vector.broadcast %mul3A_64 : i32 to vector<16xi32>
        %add3A_433 = arith.addi %get3A_431, %add3A_432 : vector<16xi32>
        %swap3A_434 = arith.constant 1 : i32
        %swap3A_435 = arith.index_cast %swap3A_434 : i32 to index
        %swap3A_436 = arith.constant 0 : index
        %swap3A_437 = tpu.vector_load %arg9[%swap3A_435, %swap3A_436] {strides = array<i32>} : memref<10x128xi32, #tpu.memory_space<vmem>>, vector<16xi32>,
        tpu.vector_store %arg9[%swap3A_435, %swap3A_436], %add3A_433 {strides = array<i32>} : memref<10x128xi32, #tpu.memory_space<vmem>>, vector<16xi32>,
        %get3A_438 = arith.constant 1 : i32
        %get3A_439 = arith.index_cast %get3A_438 : i32 to index
        %get3A_440 = arith.constant 128 : index
        %get3A_441 = tpu.vector_load %arg7[%get3A_439, %get3A_440] {strides = array<i32>} : memref<2x1280xi32, #tpu.memory_space<vmem>>, vector<16xi32>,
        %gather3A_442 = tpu.vector_load_idx %arg6[%get3A_441] : memref<100096xf32, #tpu.memory_space<vmem>>[vector<16xi32>], vector<16xf32>,
        %swap3A_443 = arith.constant 1 : i32
        %swap3A_444 = arith.index_cast %swap3A_443 : i32 to index
        %swap3A_445 = arith.constant 0 : index
        %swap3A_446 = tpu.vector_load %arg10[%swap3A_444, %swap3A_445] {strides = array<i32>} : memref<10x128xf32, #tpu.memory_space<vmem>>, vector<16xf32>,
        tpu.vector_store %arg10[%swap3A_444, %swap3A_445], %gather3A_442 {strides = array<i32>} : memref<10x128xf32, #tpu.memory_space<vmem>>, vector<16xf32>,
        %get3A_447 = arith.constant 1 : i32
        %get3A_448 = arith.index_cast %get3A_447 : i32 to index
        %get3A_449 = arith.constant 144 : index
        %get3A_450 = tpu.vector_load %arg8[%get3A_448, %get3A_449] {strides = array<i32>} : memref<2x1280xi32, #tpu.memory_space<vmem>>, vector<16xi32>,
        %add3A_451 = vector.broadcast %mul3A_64 : i32 to vector<16xi32>
        %add3A_452 = arith.addi %get3A_450, %add3A_451 : vector<16xi32>
        %swap3A_453 = arith.constant 1 : i32
        %swap3A_454 = arith.index_cast %swap3A_453 : i32 to index
        %swap3A_455 = arith.constant 16 : index
        %swap3A_456 = tpu.vector_load %arg9[%swap3A_454, %swap3A_455] {strides = array<i32>} : memref<10x128xi32, #tpu.memory_space<vmem>>, vector<16xi32>,
        tpu.vector_store %arg9[%swap3A_454, %swap3A_455], %add3A_452 {strides = array<i32>} : memref<10x128xi32, #tpu.memory_space<vmem>>, vector<16xi32>,
        %get3A_457 = arith.constant 1 : i32
        %get3A_458 = arith.index_cast %get3A_457 : i32 to index
        %get3A_459 = arith.constant 144 : index
        %get3A_460 = tpu.vector_load %arg7[%get3A_458, %get3A_459] {strides = array<i32>} : memref<2x1280xi32, #tpu.memory_space<vmem>>, vector<16xi32>,
        %gather3A_461 = tpu.vector_load_idx %arg6[%get3A_460] : memref<100096xf32, #tpu.memory_space<vmem>>[vector<16xi32>], vector<16xf32>,
        %swap3A_462 = arith.constant 1 : i32
        %swap3A_463 = arith.index_cast %swap3A_462 : i32 to index
        %swap3A_464 = arith.constant 16 : index
        %swap3A_465 = tpu.vector_load %arg10[%swap3A_463, %swap3A_464] {strides = array<i32>} : memref<10x128xf32, #tpu.memory_space<vmem>>, vector<16xf32>,
        tpu.vector_store %arg10[%swap3A_463, %swap3A_464], %gather3A_461 {strides = array<i32>} : memref<10x128xf32, #tpu.memory_space<vmem>>, vector<16xf32>,
        %get3A_466 = arith.constant 1 : i32
        %get3A_467 = arith.index_cast %get3A_466 : i32 to index
        %get3A_468 = arith.constant 160 : index
        %get3A_469 = tpu.vector_load %arg8[%get3A_467, %get3A_468] {strides = array<i32>} : memref<2x1280xi32, #tpu.memory_space<vmem>>, vector<16xi32>,
        %add3A_470 = vector.broadcast %mul3A_64 : i32 to vector<16xi32>
        %add3A_471 = arith.addi %get3A_469, %add3A_470 : vector<16xi32>
        %swap3A_472 = arith.constant 1 : i32
        %swap3A_473 = arith.index_cast %swap3A_472 : i32 to index
        %swap3A_474 = arith.constant 32 : index
        %swap3A_475 = tpu.vector_load %arg9[%swap3A_473, %swap3A_474] {strides = array<i32>} : memref<10x128xi32, #tpu.memory_space<vmem>>, vector<16xi32>,
        tpu.vector_store %arg9[%swap3A_473, %swap3A_474], %add3A_471 {strides = array<i32>} : memref<10x128xi32, #tpu.memory_space<vmem>>, vector<16xi32>,
        %get3A_476 = arith.constant 1 : i32
        %get3A_477 = arith.index_cast %get3A_476 : i32 to index
        %get3A_478 = arith.constant 160 : index
        %get3A_479 = tpu.vector_load %arg7[%get3A_477, %get3A_478] {strides = array<i32>} : memref<2x1280xi32, #tpu.memory_space<vmem>>, vector<16xi32>,
        %gather3A_480 = tpu.vector_load_idx %arg6[%get3A_479] : memref<100096xf32, #tpu.memory_space<vmem>>[vector<16xi32>], vector<16xf32>,
        %swap3A_481 = arith.constant 1 : i32
        %swap3A_482 = arith.index_cast %swap3A_481 : i32 to index
        %swap3A_483 = arith.constant 32 : index
        %swap3A_484 = tpu.vector_load %arg10[%swap3A_482, %swap3A_483] {strides = array<i32>} : memref<10x128xf32, #tpu.memory_space<vmem>>, vector<16xf32>,
        tpu.vector_store %arg10[%swap3A_482, %swap3A_483], %gather3A_480 {strides = array<i32>} : memref<10x128xf32, #tpu.memory_space<vmem>>, vector<16xf32>,
        %get3A_485 = arith.constant 1 : i32
        %get3A_486 = arith.index_cast %get3A_485 : i32 to index
        %get3A_487 = arith.constant 176 : index
        %get3A_488 = tpu.vector_load %arg8[%get3A_486, %get3A_487] {strides = array<i32>} : memref<2x1280xi32, #tpu.memory_space<vmem>>, vector<16xi32>,
        %add3A_489 = vector.broadcast %mul3A_64 : i32 to vector<16xi32>
        %add3A_490 = arith.addi %get3A_488, %add3A_489 : vector<16xi32>
        %swap3A_491 = arith.constant 1 : i32
        %swap3A_492 = arith.index_cast %swap3A_491 : i32 to index
        %swap3A_493 = arith.constant 48 : index
        %swap3A_494 = tpu.vector_load %arg9[%swap3A_492, %swap3A_493] {strides = array<i32>} : memref<10x128xi32, #tpu.memory_space<vmem>>, vector<16xi32>,
        tpu.vector_store %arg9[%swap3A_492, %swap3A_493], %add3A_490 {strides = array<i32>} : memref<10x128xi32, #tpu.memory_space<vmem>>, vector<16xi32>,
        %get3A_495 = arith.constant 1 : i32
        %get3A_496 = arith.index_cast %get3A_495 : i32 to index
        %get3A_497 = arith.constant 176 : index
        %get3A_498 = tpu.vector_load %arg7[%get3A_496, %get3A_497] {strides = array<i32>} : memref<2x1280xi32, #tpu.memory_space<vmem>>, vector<16xi32>,
        %gather3A_499 = tpu.vector_load_idx %arg6[%get3A_498] : memref<100096xf32, #tpu.memory_space<vmem>>[vector<16xi32>], vector<16xf32>,
        %swap3A_500 = arith.constant 1 : i32
        %swap3A_501 = arith.index_cast %swap3A_500 : i32 to index
        %swap3A_502 = arith.constant 48 : index
        %swap3A_503 = tpu.vector_load %arg10[%swap3A_501, %swap3A_502] {strides = array<i32>} : memref<10x128xf32, #tpu.memory_space<vmem>>, vector<16xf32>,
        tpu.vector_store %arg10[%swap3A_501, %swap3A_502], %gather3A_499 {strides = array<i32>} : memref<10x128xf32, #tpu.memory_space<vmem>>, vector<16xf32>,
        %get3A_504 = arith.constant 1 : i32
        %get3A_505 = arith.index_cast %get3A_504 : i32 to index
        %get3A_506 = arith.constant 192 : index
        %get3A_507 = tpu.vector_load %arg8[%get3A_505, %get3A_506] {strides = array<i32>} : memref<2x1280xi32, #tpu.memory_space<vmem>>, vector<16xi32>,
        %add3A_508 = vector.broadcast %mul3A_64 : i32 to vector<16xi32>
        %add3A_509 = arith.addi %get3A_507, %add3A_508 : vector<16xi32>
        %swap3A_510 = arith.constant 1 : i32
        %swap3A_511 = arith.index_cast %swap3A_510 : i32 to index
        %swap3A_512 = arith.constant 64 : index
        %swap3A_513 = tpu.vector_load %arg9[%swap3A_511, %swap3A_512] {strides = array<i32>} : memref<10x128xi32, #tpu.memory_space<vmem>>, vector<16xi32>,
        tpu.vector_store %arg9[%swap3A_511, %swap3A_512], %add3A_509 {strides = array<i32>} : memref<10x128xi32, #tpu.memory_space<vmem>>, vector<16xi32>,
        %get3A_514 = arith.constant 1 : i32
        %get3A_515 = arith.index_cast %get3A_514 : i32 to index
        %get3A_516 = arith.constant 192 : index
        %get3A_517 = tpu.vector_load %arg7[%get3A_515, %get3A_516] {strides = array<i32>} : memref<2x1280xi32, #tpu.memory_space<vmem>>, vector<16xi32>,
        %gather3A_518 = tpu.vector_load_idx %arg6[%get3A_517] : memref<100096xf32, #tpu.memory_space<vmem>>[vector<16xi32>], vector<16xf32>,
        %swap3A_519 = arith.constant 1 : i32
        %swap3A_520 = arith.index_cast %swap3A_519 : i32 to index
        %swap3A_521 = arith.constant 64 : index
        %swap3A_522 = tpu.vector_load %arg10[%swap3A_520, %swap3A_521] {strides = array<i32>} : memref<10x128xf32, #tpu.memory_space<vmem>>, vector<16xf32>,
        tpu.vector_store %arg10[%swap3A_520, %swap3A_521], %gather3A_518 {strides = array<i32>} : memref<10x128xf32, #tpu.memory_space<vmem>>, vector<16xf32>,
        %get3A_523 = arith.constant 1 : i32
        %get3A_524 = arith.index_cast %get3A_523 : i32 to index
        %get3A_525 = arith.constant 208 : index
        %get3A_526 = tpu.vector_load %arg8[%get3A_524, %get3A_525] {strides = array<i32>} : memref<2x1280xi32, #tpu.memory_space<vmem>>, vector<16xi32>,
        %add3A_527 = vector.broadcast %mul3A_64 : i32 to vector<16xi32>
        %add3A_528 = arith.addi %get3A_526, %add3A_527 : vector<16xi32>
        %swap3A_529 = arith.constant 1 : i32
        %swap3A_530 = arith.index_cast %swap3A_529 : i32 to index
        %swap3A_531 = arith.constant 80 : index
        %swap3A_532 = tpu.vector_load %arg9[%swap3A_530, %swap3A_531] {strides = array<i32>} : memref<10x128xi32, #tpu.memory_space<vmem>>, vector<16xi32>,
        tpu.vector_store %arg9[%swap3A_530, %swap3A_531], %add3A_528 {strides = array<i32>} : memref<10x128xi32, #tpu.memory_space<vmem>>, vector<16xi32>,
        %get3A_533 = arith.constant 1 : i32
        %get3A_534 = arith.index_cast %get3A_533 : i32 to index
        %get3A_535 = arith.constant 208 : index
        %get3A_536 = tpu.vector_load %arg7[%get3A_534, %get3A_535] {strides = array<i32>} : memref<2x1280xi32, #tpu.memory_space<vmem>>, vector<16xi32>,
        %gather3A_537 = tpu.vector_load_idx %arg6[%get3A_536] : memref<100096xf32, #tpu.memory_space<vmem>>[vector<16xi32>], vector<16xf32>,
        %swap3A_538 = arith.constant 1 : i32
        %swap3A_539 = arith.index_cast %swap3A_538 : i32 to index
        %swap3A_540 = arith.constant 80 : index
        %swap3A_541 = tpu.vector_load %arg10[%swap3A_539, %swap3A_540] {strides = array<i32>} : memref<10x128xf32, #tpu.memory_space<vmem>>, vector<16xf32>,
        tpu.vector_store %arg10[%swap3A_539, %swap3A_540], %gather3A_537 {strides = array<i32>} : memref<10x128xf32, #tpu.memory_space<vmem>>, vector<16xf32>,
        %get3A_542 = arith.constant 1 : i32
        %get3A_543 = arith.index_cast %get3A_542 : i32 to index
        %get3A_544 = arith.constant 224 : index
        %get3A_545 = tpu.vector_load %arg8[%get3A_543, %get3A_544] {strides = array<i32>} : memref<2x1280xi32, #tpu.memory_space<vmem>>, vector<16xi32>,
        %add3A_546 = vector.broadcast %mul3A_64 : i32 to vector<16xi32>
        %add3A_547 = arith.addi %get3A_545, %add3A_546 : vector<16xi32>
        %swap3A_548 = arith.constant 1 : i32
        %swap3A_549 = arith.index_cast %swap3A_548 : i32 to index
        %swap3A_550 = arith.constant 96 : index
        %swap3A_551 = tpu.vector_load %arg9[%swap3A_549, %swap3A_550] {strides = array<i32>} : memref<10x128xi32, #tpu.memory_space<vmem>>, vector<16xi32>,
        tpu.vector_store %arg9[%swap3A_549, %swap3A_550], %add3A_547 {strides = array<i32>} : memref<10x128xi32, #tpu.memory_space<vmem>>, vector<16xi32>,
        %get3A_552 = arith.constant 1 : i32
        %get3A_553 = arith.index_cast %get3A_552 : i32 to index
        %get3A_554 = arith.constant 224 : index
        %get3A_555 = tpu.vector_load %arg7[%get3A_553, %get3A_554] {strides = array<i32>} : memref<2x1280xi32, #tpu.memory_space<vmem>>, vector<16xi32>,
        %gather3A_556 = tpu.vector_load_idx %arg6[%get3A_555] : memref<100096xf32, #tpu.memory_space<vmem>>[vector<16xi32>], vector<16xf32>,
        %swap3A_557 = arith.constant 1 : i32
        %swap3A_558 = arith.index_cast %swap3A_557 : i32 to index
        %swap3A_559 = arith.constant 96 : index
        %swap3A_560 = tpu.vector_load %arg10[%swap3A_558, %swap3A_559] {strides = array<i32>} : memref<10x128xf32, #tpu.memory_space<vmem>>, vector<16xf32>,
        tpu.vector_store %arg10[%swap3A_558, %swap3A_559], %gather3A_556 {strides = array<i32>} : memref<10x128xf32, #tpu.memory_space<vmem>>, vector<16xf32>,
        %get3A_561 = arith.constant 1 : i32
        %get3A_562 = arith.index_cast %get3A_561 : i32 to index
        %get3A_563 = arith.constant 240 : index
        %get3A_564 = tpu.vector_load %arg8[%get3A_562, %get3A_563] {strides = array<i32>} : memref<2x1280xi32, #tpu.memory_space<vmem>>, vector<16xi32>,
        %add3A_565 = vector.broadcast %mul3A_64 : i32 to vector<16xi32>
        %add3A_566 = arith.addi %get3A_564, %add3A_565 : vector<16xi32>
        %swap3A_567 = arith.constant 1 : i32
        %swap3A_568 = arith.index_cast %swap3A_567 : i32 to index
        %swap3A_569 = arith.constant 112 : index
        %swap3A_570 = tpu.vector_load %arg9[%swap3A_568, %swap3A_569] {strides = array<i32>} : memref<10x128xi32, #tpu.memory_space<vmem>>, vector<16xi32>,
        tpu.vector_store %arg9[%swap3A_568, %swap3A_569], %add3A_566 {strides = array<i32>} : memref<10x128xi32, #tpu.memory_space<vmem>>, vector<16xi32>,
        %get3A_571 = arith.constant 1 : i32
        %get3A_572 = arith.index_cast %get3A_571 : i32 to index
        %get3A_573 = arith.constant 240 : index
        %get3A_574 = tpu.vector_load %arg7[%get3A_572, %get3A_573] {strides = array<i32>} : memref<2x1280xi32, #tpu.memory_space<vmem>>, vector<16xi32>,
        %gather3A_575 = tpu.vector_load_idx %arg6[%get3A_574] : memref<100096xf32, #tpu.memory_space<vmem>>[vector<16xi32>], vector<16xf32>,
        %swap3A_576 = arith.constant 1 : i32
        %swap3A_577 = arith.index_cast %swap3A_576 : i32 to index
        %swap3A_578 = arith.constant 112 : index
        %swap3A_579 = tpu.vector_load %arg10[%swap3A_577, %swap3A_578] {strides = array<i32>} : memref<10x128xf32, #tpu.memory_space<vmem>>, vector<16xf32>,
        tpu.vector_store %arg10[%swap3A_577, %swap3A_578], %gather3A_575 {strides = array<i32>} : memref<10x128xf32, #tpu.memory_space<vmem>>, vector<16xf32>,
        %dma_start3A_580 = arith.constant 1 : i32
        %dma_start3A_581 = arith.constant 1 : i32
        %dma_start3A_582 = arith.constant 0 : i32
        %dma_start3A_583 = tpu.memref_slice %arg10[%dma_start3A_580, %dma_start3A_582] : memref<10x128xf32, #tpu.memory_space<vmem>> -> memref<1x128xf32, #tpu.memory_space<vmem>>
        %dma_start3A_584 = tpu.memref_squeeze %dma_start3A_583 : memref<1x128xf32, #tpu.memory_space<vmem>> -> memref<128xf32, #tpu.memory_space<vmem>>
        %dma_start3A_585 = arith.constant 0 : i32
        %dma_start3A_586 = tpu.memref_slice %arg9[%dma_start3A_581, %dma_start3A_585] : memref<10x128xi32, #tpu.memory_space<vmem>> -> memref<1x128xi32, #tpu.memory_space<vmem>>
        %dma_start3A_587 = tpu.memref_squeeze %dma_start3A_586 : memref<1x128xi32, #tpu.memory_space<vmem>> -> memref<128xi32, #tpu.memory_space<vmem>>
        %dma_start3A_588 = arith.constant 0 : i32
        %dma_start3A_589 = tpu.memref_slice %arg11[%dma_start3A_588] : memref<200192xf32, #tpu.memory_space<vmem_shared>> -> memref<200192xf32, #tpu.memory_space<vmem_shared>>
        tpu.enqueue_indirect_dma source(%dma_start3A_584 : memref<128xf32, #tpu.memory_space<vmem>>) target(%dma_start3A_589 : memref<200192xf32, #tpu.memory_space<vmem_shared>>) offsets(%dma_start3A_587 : memref<128xi32, #tpu.memory_space<vmem>>) semaphore(%arg14 : memref<!tpu.dma_semaphore, #tpu.memory_space<semaphore_mem>>) {add = true}
        %get3A_590 = arith.constant 1 : i32
        %get3A_591 = arith.index_cast %get3A_590 : i32 to index
        %get3A_592 = arith.constant 256 : index
        %get3A_593 = tpu.vector_load %arg8[%get3A_591, %get3A_592] {strides = array<i32>} : memref<2x1280xi32, #tpu.memory_space<vmem>>, vector<16xi32>,
        %add3A_594 = vector.broadcast %mul3A_64 : i32 to vector<16xi32>
        %add3A_595 = arith.addi %get3A_593, %add3A_594 : vector<16xi32>
        %swap3A_596 = arith.constant 2 : i32
        %swap3A_597 = arith.index_cast %swap3A_596 : i32 to index
        %swap3A_598 = arith.constant 0 : index
        %swap3A_599 = tpu.vector_load %arg9[%swap3A_597, %swap3A_598] {strides = array<i32>} : memref<10x128xi32, #tpu.memory_space<vmem>>, vector<16xi32>,
        tpu.vector_store %arg9[%swap3A_597, %swap3A_598], %add3A_595 {strides = array<i32>} : memref<10x128xi32, #tpu.memory_space<vmem>>, vector<16xi32>,
        %get3A_600 = arith.constant 1 : i32
        %get3A_601 = arith.index_cast %get3A_600 : i32 to index
        %get3A_602 = arith.constant 256 : index
        %get3A_603 = tpu.vector_load %arg7[%get3A_601, %get3A_602] {strides = array<i32>} : memref<2x1280xi32, #tpu.memory_space<vmem>>, vector<16xi32>,
        %gather3A_604 = tpu.vector_load_idx %arg6[%get3A_603] : memref<100096xf32, #tpu.memory_space<vmem>>[vector<16xi32>], vector<16xf32>,
        %swap3A_605 = arith.constant 2 : i32
        %swap3A_606 = arith.index_cast %swap3A_605 : i32 to index
        %swap3A_607 = arith.constant 0 : index
        %swap3A_608 = tpu.vector_load %arg10[%swap3A_606, %swap3A_607] {strides = array<i32>} : memref<10x128xf32, #tpu.memory_space<vmem>>, vector<16xf32>,
        tpu.vector_store %arg10[%swap3A_606, %swap3A_607], %gather3A_604 {strides = array<i32>} : memref<10x128xf32, #tpu.memory_space<vmem>>, vector<16xf32>,
        %get3A_609 = arith.constant 1 : i32
        %get3A_610 = arith.index_cast %get3A_609 : i32 to index
        %get3A_611 = arith.constant 272 : index
        %get3A_612 = tpu.vector_load %arg8[%get3A_610, %get3A_611] {strides = array<i32>} : memref<2x1280xi32, #tpu.memory_space<vmem>>, vector<16xi32>,
        %add3A_613 = vector.broadcast %mul3A_64 : i32 to vector<16xi32>
        %add3A_614 = arith.addi %get3A_612, %add3A_613 : vector<16xi32>
        %swap3A_615 = arith.constant 2 : i32
        %swap3A_616 = arith.index_cast %swap3A_615 : i32 to index
        %swap3A_617 = arith.constant 16 : index
        %swap3A_618 = tpu.vector_load %arg9[%swap3A_616, %swap3A_617] {strides = array<i32>} : memref<10x128xi32, #tpu.memory_space<vmem>>, vector<16xi32>,
        tpu.vector_store %arg9[%swap3A_616, %swap3A_617], %add3A_614 {strides = array<i32>} : memref<10x128xi32, #tpu.memory_space<vmem>>, vector<16xi32>,
        %get3A_619 = arith.constant 1 : i32
        %get3A_620 = arith.index_cast %get3A_619 : i32 to index
        %get3A_621 = arith.constant 272 : index
        %get3A_622 = tpu.vector_load %arg7[%get3A_620, %get3A_621] {strides = array<i32>} : memref<2x1280xi32, #tpu.memory_space<vmem>>, vector<16xi32>,
        %gather3A_623 = tpu.vector_load_idx %arg6[%get3A_622] : memref<100096xf32, #tpu.memory_space<vmem>>[vector<16xi32>], vector<16xf32>,
        %swap3A_624 = arith.constant 2 : i32
        %swap3A_625 = arith.index_cast %swap3A_624 : i32 to index
        %swap3A_626 = arith.constant 16 : index
        %swap3A_627 = tpu.vector_load %arg10[%swap3A_625, %swap3A_626] {strides = array<i32>} : memref<10x128xf32, #tpu.memory_space<vmem>>, vector<16xf32>,
        tpu.vector_store %arg10[%swap3A_625, %swap3A_626], %gather3A_623 {strides = array<i32>} : memref<10x128xf32, #tpu.memory_space<vmem>>, vector<16xf32>,
        %get3A_628 = arith.constant 1 : i32
        %get3A_629 = arith.index_cast %get3A_628 : i32 to index
        %get3A_630 = arith.constant 288 : index
        %get3A_631 = tpu.vector_load %arg8[%get3A_629, %get3A_630] {strides = array<i32>} : memref<2x1280xi32, #tpu.memory_space<vmem>>, vector<16xi32>,
        %add3A_632 = vector.broadcast %mul3A_64 : i32 to vector<16xi32>
        %add3A_633 = arith.addi %get3A_631, %add3A_632 : vector<16xi32>
        %swap3A_634 = arith.constant 2 : i32
        %swap3A_635 = arith.index_cast %swap3A_634 : i32 to index
        %swap3A_636 = arith.constant 32 : index
        %swap3A_637 = tpu.vector_load %arg9[%swap3A_635, %swap3A_636] {strides = array<i32>} : memref<10x128xi32, #tpu.memory_space<vmem>>, vector<16xi32>,
        tpu.vector_store %arg9[%swap3A_635, %swap3A_636], %add3A_633 {strides = array<i32>} : memref<10x128xi32, #tpu.memory_space<vmem>>, vector<16xi32>,
        %get3A_638 = arith.constant 1 : i32
        %get3A_639 = arith.index_cast %get3A_638 : i32 to index
        %get3A_640 = arith.constant 288 : index
        %get3A_641 = tpu.vector_load %arg7[%get3A_639, %get3A_640] {strides = array<i32>} : memref<2x1280xi32, #tpu.memory_space<vmem>>, vector<16xi32>,
        %gather3A_642 = tpu.vector_load_idx %arg6[%get3A_641] : memref<100096xf32, #tpu.memory_space<vmem>>[vector<16xi32>], vector<16xf32>,
        %swap3A_643 = arith.constant 2 : i32
        %swap3A_644 = arith.index_cast %swap3A_643 : i32 to index
        %swap3A_645 = arith.constant 32 : index
        %swap3A_646 = tpu.vector_load %arg10[%swap3A_644, %swap3A_645] {strides = array<i32>} : memref<10x128xf32, #tpu.memory_space<vmem>>, vector<16xf32>,
        tpu.vector_store %arg10[%swap3A_644, %swap3A_645], %gather3A_642 {strides = array<i32>} : memref<10x128xf32, #tpu.memory_space<vmem>>, vector<16xf32>,
        %get3A_647 = arith.constant 1 : i32
        %get3A_648 = arith.index_cast %get3A_647 : i32 to index
        %get3A_649 = arith.constant 304 : index
        %get3A_650 = tpu.vector_load %arg8[%get3A_648, %get3A_649] {strides = array<i32>} : memref<2x1280xi32, #tpu.memory_space<vmem>>, vector<16xi32>,
        %add3A_651 = vector.broadcast %mul3A_64 : i32 to vector<16xi32>
        %add3A_652 = arith.addi %get3A_650, %add3A_651 : vector<16xi32>
        %swap3A_653 = arith.constant 2 : i32
        %swap3A_654 = arith.index_cast %swap3A_653 : i32 to index
        %swap3A_655 = arith.constant 48 : index
        %swap3A_656 = tpu.vector_load %arg9[%swap3A_654, %swap3A_655] {strides = array<i32>} : memref<10x128xi32, #tpu.memory_space<vmem>>, vector<16xi32>,
        tpu.vector_store %arg9[%swap3A_654, %swap3A_655], %add3A_652 {strides = array<i32>} : memref<10x128xi32, #tpu.memory_space<vmem>>, vector<16xi32>,
        %get3A_657 = arith.constant 1 : i32
        %get3A_658 = arith.index_cast %get3A_657 : i32 to index
        %get3A_659 = arith.constant 304 : index
        %get3A_660 = tpu.vector_load %arg7[%get3A_658, %get3A_659] {strides = array<i32>} : memref<2x1280xi32, #tpu.memory_space<vmem>>, vector<16xi32>,
        %gather3A_661 = tpu.vector_load_idx %arg6[%get3A_660] : memref<100096xf32, #tpu.memory_space<vmem>>[vector<16xi32>], vector<16xf32>,
        %swap3A_662 = arith.constant 2 : i32
        %swap3A_663 = arith.index_cast %swap3A_662 : i32 to index
        %swap3A_664 = arith.constant 48 : index
        %swap3A_665 = tpu.vector_load %arg10[%swap3A_663, %swap3A_664] {strides = array<i32>} : memref<10x128xf32, #tpu.memory_space<vmem>>, vector<16xf32>,
        tpu.vector_store %arg10[%swap3A_663, %swap3A_664], %gather3A_661 {strides = array<i32>} : memref<10x128xf32, #tpu.memory_space<vmem>>, vector<16xf32>,
        %get3A_666 = arith.constant 1 : i32
        %get3A_667 = arith.index_cast %get3A_666 : i32 to index
        %get3A_668 = arith.constant 320 : index
        %get3A_669 = tpu.vector_load %arg8[%get3A_667, %get3A_668] {strides = array<i32>} : memref<2x1280xi32, #tpu.memory_space<vmem>>, vector<16xi32>,
        %add3A_670 = vector.broadcast %mul3A_64 : i32 to vector<16xi32>
        %add3A_671 = arith.addi %get3A_669, %add3A_670 : vector<16xi32>
        %swap3A_672 = arith.constant 2 : i32
        %swap3A_673 = arith.index_cast %swap3A_672 : i32 to index
        %swap3A_674 = arith.constant 64 : index
        %swap3A_675 = tpu.vector_load %arg9[%swap3A_673, %swap3A_674] {strides = array<i32>} : memref<10x128xi32, #tpu.memory_space<vmem>>, vector<16xi32>,
        tpu.vector_store %arg9[%swap3A_673, %swap3A_674], %add3A_671 {strides = array<i32>} : memref<10x128xi32, #tpu.memory_space<vmem>>, vector<16xi32>,
        %get3A_676 = arith.constant 1 : i32
        %get3A_677 = arith.index_cast %get3A_676 : i32 to index
        %get3A_678 = arith.constant 320 : index
        %get3A_679 = tpu.vector_load %arg7[%get3A_677, %get3A_678] {strides = array<i32>} : memref<2x1280xi32, #tpu.memory_space<vmem>>, vector<16xi32>,
        %gather3A_680 = tpu.vector_load_idx %arg6[%get3A_679] : memref<100096xf32, #tpu.memory_space<vmem>>[vector<16xi32>], vector<16xf32>,
        %swap3A_681 = arith.constant 2 : i32
        %swap3A_682 = arith.index_cast %swap3A_681 : i32 to index
        %swap3A_683 = arith.constant 64 : index
        %swap3A_684 = tpu.vector_load %arg10[%swap3A_682, %swap3A_683] {strides = array<i32>} : memref<10x128xf32, #tpu.memory_space<vmem>>, vector<16xf32>,
        tpu.vector_store %arg10[%swap3A_682, %swap3A_683], %gather3A_680 {strides = array<i32>} : memref<10x128xf32, #tpu.memory_space<vmem>>, vector<16xf32>,
        %get3A_685 = arith.constant 1 : i32
        %get3A_686 = arith.index_cast %get3A_685 : i32 to index
        %get3A_687 = arith.constant 336 : index
        %get3A_688 = tpu.vector_load %arg8[%get3A_686, %get3A_687] {strides = array<i32>} : memref<2x1280xi32, #tpu.memory_space<vmem>>, vector<16xi32>,
        %add3A_689 = vector.broadcast %mul3A_64 : i32 to vector<16xi32>
        %add3A_690 = arith.addi %get3A_688, %add3A_689 : vector<16xi32>
        %swap3A_691 = arith.constant 2 : i32
        %swap3A_692 = arith.index_cast %swap3A_691 : i32 to index
        %swap3A_693 = arith.constant 80 : index
        %swap3A_694 = tpu.vector_load %arg9[%swap3A_692, %swap3A_693] {strides = array<i32>} : memref<10x128xi32, #tpu.memory_space<vmem>>, vector<16xi32>,
        tpu.vector_store %arg9[%swap3A_692, %swap3A_693], %add3A_690 {strides = array<i32>} : memref<10x128xi32, #tpu.memory_space<vmem>>, vector<16xi32>,
        %get3A_695 = arith.constant 1 : i32
        %get3A_696 = arith.index_cast %get3A_695 : i32 to index
        %get3A_697 = arith.constant 336 : index
        %get3A_698 = tpu.vector_load %arg7[%get3A_696, %get3A_697] {strides = array<i32>} : memref<2x1280xi32, #tpu.memory_space<vmem>>, vector<16xi32>,
        %gather3A_699 = tpu.vector_load_idx %arg6[%get3A_698] : memref<100096xf32, #tpu.memory_space<vmem>>[vector<16xi32>], vector<16xf32>,
        %swap3A_700 = arith.constant 2 : i32
        %swap3A_701 = arith.index_cast %swap3A_700 : i32 to index
        %swap3A_702 = arith.constant 80 : index
        %swap3A_703 = tpu.vector_load %arg10[%swap3A_701, %swap3A_702] {strides = array<i32>} : memref<10x128xf32, #tpu.memory_space<vmem>>, vector<16xf32>,
        tpu.vector_store %arg10[%swap3A_701, %swap3A_702], %gather3A_699 {strides = array<i32>} : memref<10x128xf32, #tpu.memory_space<vmem>>, vector<16xf32>,
        %get3A_704 = arith.constant 1 : i32
        %get3A_705 = arith.index_cast %get3A_704 : i32 to index
        %get3A_706 = arith.constant 352 : index
        %get3A_707 = tpu.vector_load %arg8[%get3A_705, %get3A_706] {strides = array<i32>} : memref<2x1280xi32, #tpu.memory_space<vmem>>, vector<16xi32>,
        %add3A_708 = vector.broadcast %mul3A_64 : i32 to vector<16xi32>
        %add3A_709 = arith.addi %get3A_707, %add3A_708 : vector<16xi32>
        %swap3A_710 = arith.constant 2 : i32
        %swap3A_711 = arith.index_cast %swap3A_710 : i32 to index
        %swap3A_712 = arith.constant 96 : index
        %swap3A_713 = tpu.vector_load %arg9[%swap3A_711, %swap3A_712] {strides = array<i32>} : memref<10x128xi32, #tpu.memory_space<vmem>>, vector<16xi32>,
        tpu.vector_store %arg9[%swap3A_711, %swap3A_712], %add3A_709 {strides = array<i32>} : memref<10x128xi32, #tpu.memory_space<vmem>>, vector<16xi32>,
        %get3A_714 = arith.constant 1 : i32
        %get3A_715 = arith.index_cast %get3A_714 : i32 to index
        %get3A_716 = arith.constant 352 : index
        %get3A_717 = tpu.vector_load %arg7[%get3A_715, %get3A_716] {strides = array<i32>} : memref<2x1280xi32, #tpu.memory_space<vmem>>, vector<16xi32>,
        %gather3A_718 = tpu.vector_load_idx %arg6[%get3A_717] : memref<100096xf32, #tpu.memory_space<vmem>>[vector<16xi32>], vector<16xf32>,
        %swap3A_719 = arith.constant 2 : i32
        %swap3A_720 = arith.index_cast %swap3A_719 : i32 to index
        %swap3A_721 = arith.constant 96 : index
        %swap3A_722 = tpu.vector_load %arg10[%swap3A_720, %swap3A_721] {strides = array<i32>} : memref<10x128xf32, #tpu.memory_space<vmem>>, vector<16xf32>,
        tpu.vector_store %arg10[%swap3A_720, %swap3A_721], %gather3A_718 {strides = array<i32>} : memref<10x128xf32, #tpu.memory_space<vmem>>, vector<16xf32>,
        %get3A_723 = arith.constant 1 : i32
        %get3A_724 = arith.index_cast %get3A_723 : i32 to index
        %get3A_725 = arith.constant 368 : index
        %get3A_726 = tpu.vector_load %arg8[%get3A_724, %get3A_725] {strides = array<i32>} : memref<2x1280xi32, #tpu.memory_space<vmem>>, vector<16xi32>,
        %add3A_727 = vector.broadcast %mul3A_64 : i32 to vector<16xi32>
        %add3A_728 = arith.addi %get3A_726, %add3A_727 : vector<16xi32>
        %swap3A_729 = arith.constant 2 : i32
        %swap3A_730 = arith.index_cast %swap3A_729 : i32 to index
        %swap3A_731 = arith.constant 112 : index
        %swap3A_732 = tpu.vector_load %arg9[%swap3A_730, %swap3A_731] {strides = array<i32>} : memref<10x128xi32, #tpu.memory_space<vmem>>, vector<16xi32>,
        tpu.vector_store %arg9[%swap3A_730, %swap3A_731], %add3A_728 {strides = array<i32>} : memref<10x128xi32, #tpu.memory_space<vmem>>, vector<16xi32>,
        %get3A_733 = arith.constant 1 : i32
        %get3A_734 = arith.index_cast %get3A_733 : i32 to index
        %get3A_735 = arith.constant 368 : index
        %get3A_736 = tpu.vector_load %arg7[%get3A_734, %get3A_735] {strides = array<i32>} : memref<2x1280xi32, #tpu.memory_space<vmem>>, vector<16xi32>,
        %gather3A_737 = tpu.vector_load_idx %arg6[%get3A_736] : memref<100096xf32, #tpu.memory_space<vmem>>[vector<16xi32>], vector<16xf32>,
        %swap3A_738 = arith.constant 2 : i32
        %swap3A_739 = arith.index_cast %swap3A_738 : i32 to index
        %swap3A_740 = arith.constant 112 : index
        %swap3A_741 = tpu.vector_load %arg10[%swap3A_739, %swap3A_740] {strides = array<i32>} : memref<10x128xf32, #tpu.memory_space<vmem>>, vector<16xf32>,
        tpu.vector_store %arg10[%swap3A_739, %swap3A_740], %gather3A_737 {strides = array<i32>} : memref<10x128xf32, #tpu.memory_space<vmem>>, vector<16xf32>,
        %dma_start3A_742 = arith.constant 2 : i32
        %dma_start3A_743 = arith.constant 2 : i32
        %dma_start3A_744 = arith.constant 0 : i32
        %dma_start3A_745 = tpu.memref_slice %arg10[%dma_start3A_742, %dma_start3A_744] : memref<10x128xf32, #tpu.memory_space<vmem>> -> memref<1x128xf32, #tpu.memory_space<vmem>>
        %dma_start3A_746 = tpu.memref_squeeze %dma_start3A_745 : memref<1x128xf32, #tpu.memory_space<vmem>> -> memref<128xf32, #tpu.memory_space<vmem>>
        %dma_start3A_747 = arith.constant 0 : i32
        %dma_start3A_748 = tpu.memref_slice %arg9[%dma_start3A_743, %dma_start3A_747] : memref<10x128xi32, #tpu.memory_space<vmem>> -> memref<1x128xi32, #tpu.memory_space<vmem>>
        %dma_start3A_749 = tpu.memref_squeeze %dma_start3A_748 : memref<1x128xi32, #tpu.memory_space<vmem>> -> memref<128xi32, #tpu.memory_space<vmem>>
        %dma_start3A_750 = arith.constant 0 : i32
        %dma_start3A_751 = tpu.memref_slice %arg11[%dma_start3A_750] : memref<200192xf32, #tpu.memory_space<vmem_shared>> -> memref<200192xf32, #tpu.memory_space<vmem_shared>>
        tpu.enqueue_indirect_dma source(%dma_start3A_746 : memref<128xf32, #tpu.memory_space<vmem>>) target(%dma_start3A_751 : memref<200192xf32, #tpu.memory_space<vmem_shared>>) offsets(%dma_start3A_749 : memref<128xi32, #tpu.memory_space<vmem>>) semaphore(%arg14 : memref<!tpu.dma_semaphore, #tpu.memory_space<semaphore_mem>>) {add = true}
        %get3A_752 = arith.constant 1 : i32
        %get3A_753 = arith.index_cast %get3A_752 : i32 to index
        %get3A_754 = arith.constant 384 : index
        %get3A_755 = tpu.vector_load %arg8[%get3A_753, %get3A_754] {strides = array<i32>} : memref<2x1280xi32, #tpu.memory_space<vmem>>, vector<16xi32>,
        %add3A_756 = vector.broadcast %mul3A_64 : i32 to vector<16xi32>
        %add3A_757 = arith.addi %get3A_755, %add3A_756 : vector<16xi32>
        %swap3A_758 = arith.constant 3 : i32
        %swap3A_759 = arith.index_cast %swap3A_758 : i32 to index
        %swap3A_760 = arith.constant 0 : index
        %swap3A_761 = tpu.vector_load %arg9[%swap3A_759, %swap3A_760] {strides = array<i32>} : memref<10x128xi32, #tpu.memory_space<vmem>>, vector<16xi32>,
        tpu.vector_store %arg9[%swap3A_759, %swap3A_760], %add3A_757 {strides = array<i32>} : memref<10x128xi32, #tpu.memory_space<vmem>>, vector<16xi32>,
        %get3A_762 = arith.constant 1 : i32
        %get3A_763 = arith.index_cast %get3A_762 : i32 to index
        %get3A_764 = arith.constant 384 : index
        %get3A_765 = tpu.vector_load %arg7[%get3A_763, %get3A_764] {strides = array<i32>} : memref<2x1280xi32, #tpu.memory_space<vmem>>, vector<16xi32>,
        %gather3A_766 = tpu.vector_load_idx %arg6[%get3A_765] : memref<100096xf32, #tpu.memory_space<vmem>>[vector<16xi32>], vector<16xf32>,
        %swap3A_767 = arith.constant 3 : i32
        %swap3A_768 = arith.index_cast %swap3A_767 : i32 to index
        %swap3A_769 = arith.constant 0 : index
        %swap3A_770 = tpu.vector_load %arg10[%swap3A_768, %swap3A_769] {strides = array<i32>} : memref<10x128xf32, #tpu.memory_space<vmem>>, vector<16xf32>,
        tpu.vector_store %arg10[%swap3A_768, %swap3A_769], %gather3A_766 {strides = array<i32>} : memref<10x128xf32, #tpu.memory_space<vmem>>, vector<16xf32>,
        %get3A_771 = arith.constant 1 : i32
        %get3A_772 = arith.index_cast %get3A_771 : i32 to index
        %get3A_773 = arith.constant 400 : index
        %get3A_774 = tpu.vector_load %arg8[%get3A_772, %get3A_773] {strides = array<i32>} : memref<2x1280xi32, #tpu.memory_space<vmem>>, vector<16xi32>,
        %add3A_775 = vector.broadcast %mul3A_64 : i32 to vector<16xi32>
        %add3A_776 = arith.addi %get3A_774, %add3A_775 : vector<16xi32>
        %swap3A_777 = arith.constant 3 : i32
        %swap3A_778 = arith.index_cast %swap3A_777 : i32 to index
        %swap3A_779 = arith.constant 16 : index
        %swap3A_780 = tpu.vector_load %arg9[%swap3A_778, %swap3A_779] {strides = array<i32>} : memref<10x128xi32, #tpu.memory_space<vmem>>, vector<16xi32>,
        tpu.vector_store %arg9[%swap3A_778, %swap3A_779], %add3A_776 {strides = array<i32>} : memref<10x128xi32, #tpu.memory_space<vmem>>, vector<16xi32>,
        %get3A_781 = arith.constant 1 : i32
        %get3A_782 = arith.index_cast %get3A_781 : i32 to index
        %get3A_783 = arith.constant 400 : index
        %get3A_784 = tpu.vector_load %arg7[%get3A_782, %get3A_783] {strides = array<i32>} : memref<2x1280xi32, #tpu.memory_space<vmem>>, vector<16xi32>,
        %gather3A_785 = tpu.vector_load_idx %arg6[%get3A_784] : memref<100096xf32, #tpu.memory_space<vmem>>[vector<16xi32>], vector<16xf32>,
        %swap3A_786 = arith.constant 3 : i32
        %swap3A_787 = arith.index_cast %swap3A_786 : i32 to index
        %swap3A_788 = arith.constant 16 : index
        %swap3A_789 = tpu.vector_load %arg10[%swap3A_787, %swap3A_788] {strides = array<i32>} : memref<10x128xf32, #tpu.memory_space<vmem>>, vector<16xf32>,
        tpu.vector_store %arg10[%swap3A_787, %swap3A_788], %gather3A_785 {strides = array<i32>} : memref<10x128xf32, #tpu.memory_space<vmem>>, vector<16xf32>,
        %get3A_790 = arith.constant 1 : i32
        %get3A_791 = arith.index_cast %get3A_790 : i32 to index
        %get3A_792 = arith.constant 416 : index
        %get3A_793 = tpu.vector_load %arg8[%get3A_791, %get3A_792] {strides = array<i32>} : memref<2x1280xi32, #tpu.memory_space<vmem>>, vector<16xi32>,
        %add3A_794 = vector.broadcast %mul3A_64 : i32 to vector<16xi32>
        %add3A_795 = arith.addi %get3A_793, %add3A_794 : vector<16xi32>
        %swap3A_796 = arith.constant 3 : i32
        %swap3A_797 = arith.index_cast %swap3A_796 : i32 to index
        %swap3A_798 = arith.constant 32 : index
        %swap3A_799 = tpu.vector_load %arg9[%swap3A_797, %swap3A_798] {strides = array<i32>} : memref<10x128xi32, #tpu.memory_space<vmem>>, vector<16xi32>,
        tpu.vector_store %arg9[%swap3A_797, %swap3A_798], %add3A_795 {strides = array<i32>} : memref<10x128xi32, #tpu.memory_space<vmem>>, vector<16xi32>,
        %get3A_800 = arith.constant 1 : i32
        %get3A_801 = arith.index_cast %get3A_800 : i32 to index
        %get3A_802 = arith.constant 416 : index
        %get3A_803 = tpu.vector_load %arg7[%get3A_801, %get3A_802] {strides = array<i32>} : memref<2x1280xi32, #tpu.memory_space<vmem>>, vector<16xi32>,
        %gather3A_804 = tpu.vector_load_idx %arg6[%get3A_803] : memref<100096xf32, #tpu.memory_space<vmem>>[vector<16xi32>], vector<16xf32>,
        %swap3A_805 = arith.constant 3 : i32
        %swap3A_806 = arith.index_cast %swap3A_805 : i32 to index
        %swap3A_807 = arith.constant 32 : index
        %swap3A_808 = tpu.vector_load %arg10[%swap3A_806, %swap3A_807] {strides = array<i32>} : memref<10x128xf32, #tpu.memory_space<vmem>>, vector<16xf32>,
        tpu.vector_store %arg10[%swap3A_806, %swap3A_807], %gather3A_804 {strides = array<i32>} : memref<10x128xf32, #tpu.memory_space<vmem>>, vector<16xf32>,
        %get3A_809 = arith.constant 1 : i32
        %get3A_810 = arith.index_cast %get3A_809 : i32 to index
        %get3A_811 = arith.constant 432 : index
        %get3A_812 = tpu.vector_load %arg8[%get3A_810, %get3A_811] {strides = array<i32>} : memref<2x1280xi32, #tpu.memory_space<vmem>>, vector<16xi32>,
        %add3A_813 = vector.broadcast %mul3A_64 : i32 to vector<16xi32>
        %add3A_814 = arith.addi %get3A_812, %add3A_813 : vector<16xi32>
        %swap3A_815 = arith.constant 3 : i32
        %swap3A_816 = arith.index_cast %swap3A_815 : i32 to index
        %swap3A_817 = arith.constant 48 : index
        %swap3A_818 = tpu.vector_load %arg9[%swap3A_816, %swap3A_817] {strides = array<i32>} : memref<10x128xi32, #tpu.memory_space<vmem>>, vector<16xi32>,
        tpu.vector_store %arg9[%swap3A_816, %swap3A_817], %add3A_814 {strides = array<i32>} : memref<10x128xi32, #tpu.memory_space<vmem>>, vector<16xi32>,
        %get3A_819 = arith.constant 1 : i32
        %get3A_820 = arith.index_cast %get3A_819 : i32 to index
        %get3A_821 = arith.constant 432 : index
        %get3A_822 = tpu.vector_load %arg7[%get3A_820, %get3A_821] {strides = array<i32>} : memref<2x1280xi32, #tpu.memory_space<vmem>>, vector<16xi32>,
        %gather3A_823 = tpu.vector_load_idx %arg6[%get3A_822] : memref<100096xf32, #tpu.memory_space<vmem>>[vector<16xi32>], vector<16xf32>,
        %swap3A_824 = arith.constant 3 : i32
        %swap3A_825 = arith.index_cast %swap3A_824 : i32 to index
        %swap3A_826 = arith.constant 48 : index
        %swap3A_827 = tpu.vector_load %arg10[%swap3A_825, %swap3A_826] {strides = array<i32>} : memref<10x128xf32, #tpu.memory_space<vmem>>, vector<16xf32>,
        tpu.vector_store %arg10[%swap3A_825, %swap3A_826], %gather3A_823 {strides = array<i32>} : memref<10x128xf32, #tpu.memory_space<vmem>>, vector<16xf32>,
        %get3A_828 = arith.constant 1 : i32
        %get3A_829 = arith.index_cast %get3A_828 : i32 to index
        %get3A_830 = arith.constant 448 : index
        %get3A_831 = tpu.vector_load %arg8[%get3A_829, %get3A_830] {strides = array<i32>} : memref<2x1280xi32, #tpu.memory_space<vmem>>, vector<16xi32>,
        %add3A_832 = vector.broadcast %mul3A_64 : i32 to vector<16xi32>
        %add3A_833 = arith.addi %get3A_831, %add3A_832 : vector<16xi32>
        %swap3A_834 = arith.constant 3 : i32
        %swap3A_835 = arith.index_cast %swap3A_834 : i32 to index
        %swap3A_836 = arith.constant 64 : index
        %swap3A_837 = tpu.vector_load %arg9[%swap3A_835, %swap3A_836] {strides = array<i32>} : memref<10x128xi32, #tpu.memory_space<vmem>>, vector<16xi32>,
        tpu.vector_store %arg9[%swap3A_835, %swap3A_836], %add3A_833 {strides = array<i32>} : memref<10x128xi32, #tpu.memory_space<vmem>>, vector<16xi32>,
        %get3A_838 = arith.constant 1 : i32
        %get3A_839 = arith.index_cast %get3A_838 : i32 to index
        %get3A_840 = arith.constant 448 : index
        %get3A_841 = tpu.vector_load %arg7[%get3A_839, %get3A_840] {strides = array<i32>} : memref<2x1280xi32, #tpu.memory_space<vmem>>, vector<16xi32>,
        %gather3A_842 = tpu.vector_load_idx %arg6[%get3A_841] : memref<100096xf32, #tpu.memory_space<vmem>>[vector<16xi32>], vector<16xf32>,
        %swap3A_843 = arith.constant 3 : i32
        %swap3A_844 = arith.index_cast %swap3A_843 : i32 to index
        %swap3A_845 = arith.constant 64 : index
        %swap3A_846 = tpu.vector_load %arg10[%swap3A_844, %swap3A_845] {strides = array<i32>} : memref<10x128xf32, #tpu.memory_space<vmem>>, vector<16xf32>,
        tpu.vector_store %arg10[%swap3A_844, %swap3A_845], %gather3A_842 {strides = array<i32>} : memref<10x128xf32, #tpu.memory_space<vmem>>, vector<16xf32>,
        %get3A_847 = arith.constant 1 : i32
        %get3A_848 = arith.index_cast %get3A_847 : i32 to index
        %get3A_849 = arith.constant 464 : index
        %get3A_850 = tpu.vector_load %arg8[%get3A_848, %get3A_849] {strides = array<i32>} : memref<2x1280xi32, #tpu.memory_space<vmem>>, vector<16xi32>,
        %add3A_851 = vector.broadcast %mul3A_64 : i32 to vector<16xi32>
        %add3A_852 = arith.addi %get3A_850, %add3A_851 : vector<16xi32>
        %swap3A_853 = arith.constant 3 : i32
        %swap3A_854 = arith.index_cast %swap3A_853 : i32 to index
        %swap3A_855 = arith.constant 80 : index
        %swap3A_856 = tpu.vector_load %arg9[%swap3A_854, %swap3A_855] {strides = array<i32>} : memref<10x128xi32, #tpu.memory_space<vmem>>, vector<16xi32>,
        tpu.vector_store %arg9[%swap3A_854, %swap3A_855], %add3A_852 {strides = array<i32>} : memref<10x128xi32, #tpu.memory_space<vmem>>, vector<16xi32>,
        %get3A_857 = arith.constant 1 : i32
        %get3A_858 = arith.index_cast %get3A_857 : i32 to index
        %get3A_859 = arith.constant 464 : index
        %get3A_860 = tpu.vector_load %arg7[%get3A_858, %get3A_859] {strides = array<i32>} : memref<2x1280xi32, #tpu.memory_space<vmem>>, vector<16xi32>,
        %gather3A_861 = tpu.vector_load_idx %arg6[%get3A_860] : memref<100096xf32, #tpu.memory_space<vmem>>[vector<16xi32>], vector<16xf32>,
        %swap3A_862 = arith.constant 3 : i32
        %swap3A_863 = arith.index_cast %swap3A_862 : i32 to index
        %swap3A_864 = arith.constant 80 : index
        %swap3A_865 = tpu.vector_load %arg10[%swap3A_863, %swap3A_864] {strides = array<i32>} : memref<10x128xf32, #tpu.memory_space<vmem>>, vector<16xf32>,
        tpu.vector_store %arg10[%swap3A_863, %swap3A_864], %gather3A_861 {strides = array<i32>} : memref<10x128xf32, #tpu.memory_space<vmem>>, vector<16xf32>,
        %get3A_866 = arith.constant 1 : i32
        %get3A_867 = arith.index_cast %get3A_866 : i32 to index
        %get3A_868 = arith.constant 480 : index
        %get3A_869 = tpu.vector_load %arg8[%get3A_867, %get3A_868] {strides = array<i32>} : memref<2x1280xi32, #tpu.memory_space<vmem>>, vector<16xi32>,
        %add3A_870 = vector.broadcast %mul3A_64 : i32 to vector<16xi32>
        %add3A_871 = arith.addi %get3A_869, %add3A_870 : vector<16xi32>
        %swap3A_872 = arith.constant 3 : i32
        %swap3A_873 = arith.index_cast %swap3A_872 : i32 to index
        %swap3A_874 = arith.constant 96 : index
        %swap3A_875 = tpu.vector_load %arg9[%swap3A_873, %swap3A_874] {strides = array<i32>} : memref<10x128xi32, #tpu.memory_space<vmem>>, vector<16xi32>,
        tpu.vector_store %arg9[%swap3A_873, %swap3A_874], %add3A_871 {strides = array<i32>} : memref<10x128xi32, #tpu.memory_space<vmem>>, vector<16xi32>,
        %get3A_876 = arith.constant 1 : i32
        %get3A_877 = arith.index_cast %get3A_876 : i32 to index
        %get3A_878 = arith.constant 480 : index
        %get3A_879 = tpu.vector_load %arg7[%get3A_877, %get3A_878] {strides = array<i32>} : memref<2x1280xi32, #tpu.memory_space<vmem>>, vector<16xi32>,
        %gather3A_880 = tpu.vector_load_idx %arg6[%get3A_879] : memref<100096xf32, #tpu.memory_space<vmem>>[vector<16xi32>], vector<16xf32>,
        %swap3A_881 = arith.constant 3 : i32
        %swap3A_882 = arith.index_cast %swap3A_881 : i32 to index
        %swap3A_883 = arith.constant 96 : index
        %swap3A_884 = tpu.vector_load %arg10[%swap3A_882, %swap3A_883] {strides = array<i32>} : memref<10x128xf32, #tpu.memory_space<vmem>>, vector<16xf32>,
        tpu.vector_store %arg10[%swap3A_882, %swap3A_883], %gather3A_880 {strides = array<i32>} : memref<10x128xf32, #tpu.memory_space<vmem>>, vector<16xf32>,
        %get3A_885 = arith.constant 1 : i32
        %get3A_886 = arith.index_cast %get3A_885 : i32 to index
        %get3A_887 = arith.constant 496 : index
        %get3A_888 = tpu.vector_load %arg8[%get3A_886, %get3A_887] {strides = array<i32>} : memref<2x1280xi32, #tpu.memory_space<vmem>>, vector<16xi32>,
        %add3A_889 = vector.broadcast %mul3A_64 : i32 to vector<16xi32>
        %add3A_890 = arith.addi %get3A_888, %add3A_889 : vector<16xi32>
        %swap3A_891 = arith.constant 3 : i32
        %swap3A_892 = arith.index_cast %swap3A_891 : i32 to index
        %swap3A_893 = arith.constant 112 : index
        %swap3A_894 = tpu.vector_load %arg9[%swap3A_892, %swap3A_893] {strides = array<i32>} : memref<10x128xi32, #tpu.memory_space<vmem>>, vector<16xi32>,
        tpu.vector_store %arg9[%swap3A_892, %swap3A_893], %add3A_890 {strides = array<i32>} : memref<10x128xi32, #tpu.memory_space<vmem>>, vector<16xi32>,
        %get3A_895 = arith.constant 1 : i32
        %get3A_896 = arith.index_cast %get3A_895 : i32 to index
        %get3A_897 = arith.constant 496 : index
        %get3A_898 = tpu.vector_load %arg7[%get3A_896, %get3A_897] {strides = array<i32>} : memref<2x1280xi32, #tpu.memory_space<vmem>>, vector<16xi32>,
        %gather3A_899 = tpu.vector_load_idx %arg6[%get3A_898] : memref<100096xf32, #tpu.memory_space<vmem>>[vector<16xi32>], vector<16xf32>,
        %swap3A_900 = arith.constant 3 : i32
        %swap3A_901 = arith.index_cast %swap3A_900 : i32 to index
        %swap3A_902 = arith.constant 112 : index
        %swap3A_903 = tpu.vector_load %arg10[%swap3A_901, %swap3A_902] {strides = array<i32>} : memref<10x128xf32, #tpu.memory_space<vmem>>, vector<16xf32>,
        tpu.vector_store %arg10[%swap3A_901, %swap3A_902], %gather3A_899 {strides = array<i32>} : memref<10x128xf32, #tpu.memory_space<vmem>>, vector<16xf32>,
        %dma_start3A_904 = arith.constant 3 : i32
        %dma_start3A_905 = arith.constant 3 : i32
        %dma_start3A_906 = arith.constant 0 : i32
        %dma_start3A_907 = tpu.memref_slice %arg10[%dma_start3A_904, %dma_start3A_906] : memref<10x128xf32, #tpu.memory_space<vmem>> -> memref<1x128xf32, #tpu.memory_space<vmem>>
        %dma_start3A_908 = tpu.memref_squeeze %dma_start3A_907 : memref<1x128xf32, #tpu.memory_space<vmem>> -> memref<128xf32, #tpu.memory_space<vmem>>
        %dma_start3A_909 = arith.constant 0 : i32
        %dma_start3A_910 = tpu.memref_slice %arg9[%dma_start3A_905, %dma_start3A_909] : memref<10x128xi32, #tpu.memory_space<vmem>> -> memref<1x128xi32, #tpu.memory_space<vmem>>
        %dma_start3A_911 = tpu.memref_squeeze %dma_start3A_910 : memref<1x128xi32, #tpu.memory_space<vmem>> -> memref<128xi32, #tpu.memory_space<vmem>>
        %dma_start3A_912 = arith.constant 0 : i32
        %dma_start3A_913 = tpu.memref_slice %arg11[%dma_start3A_912] : memref<200192xf32, #tpu.memory_space<vmem_shared>> -> memref<200192xf32, #tpu.memory_space<vmem_shared>>
        tpu.enqueue_indirect_dma source(%dma_start3A_908 : memref<128xf32, #tpu.memory_space<vmem>>) target(%dma_start3A_913 : memref<200192xf32, #tpu.memory_space<vmem_shared>>) offsets(%dma_start3A_911 : memref<128xi32, #tpu.memory_space<vmem>>) semaphore(%arg14 : memref<!tpu.dma_semaphore, #tpu.memory_space<semaphore_mem>>) {add = true}
        %get3A_914 = arith.constant 1 : i32
        %get3A_915 = arith.index_cast %get3A_914 : i32 to index
        %get3A_916 = arith.constant 512 : index
        %get3A_917 = tpu.vector_load %arg8[%get3A_915, %get3A_916] {strides = array<i32>} : memref<2x1280xi32, #tpu.memory_space<vmem>>, vector<16xi32>,
        %add3A_918 = vector.broadcast %mul3A_64 : i32 to vector<16xi32>
        %add3A_919 = arith.addi %get3A_917, %add3A_918 : vector<16xi32>
        %swap3A_920 = arith.constant 4 : i32
        %swap3A_921 = arith.index_cast %swap3A_920 : i32 to index
        %swap3A_922 = arith.constant 0 : index
        %swap3A_923 = tpu.vector_load %arg9[%swap3A_921, %swap3A_922] {strides = array<i32>} : memref<10x128xi32, #tpu.memory_space<vmem>>, vector<16xi32>,
        tpu.vector_store %arg9[%swap3A_921, %swap3A_922], %add3A_919 {strides = array<i32>} : memref<10x128xi32, #tpu.memory_space<vmem>>, vector<16xi32>,
        %get3A_924 = arith.constant 1 : i32
        %get3A_925 = arith.index_cast %get3A_924 : i32 to index
        %get3A_926 = arith.constant 512 : index
        %get3A_927 = tpu.vector_load %arg7[%get3A_925, %get3A_926] {strides = array<i32>} : memref<2x1280xi32, #tpu.memory_space<vmem>>, vector<16xi32>,
        %gather3A_928 = tpu.vector_load_idx %arg6[%get3A_927] : memref<100096xf32, #tpu.memory_space<vmem>>[vector<16xi32>], vector<16xf32>,
        %swap3A_929 = arith.constant 4 : i32
        %swap3A_930 = arith.index_cast %swap3A_929 : i32 to index
        %swap3A_931 = arith.constant 0 : index
        %swap3A_932 = tpu.vector_load %arg10[%swap3A_930, %swap3A_931] {strides = array<i32>} : memref<10x128xf32, #tpu.memory_space<vmem>>, vector<16xf32>,
        tpu.vector_store %arg10[%swap3A_930, %swap3A_931], %gather3A_928 {strides = array<i32>} : memref<10x128xf32, #tpu.memory_space<vmem>>, vector<16xf32>,
        %get3A_933 = arith.constant 1 : i32
        %get3A_934 = arith.index_cast %get3A_933 : i32 to index
        %get3A_935 = arith.constant 528 : index
        %get3A_936 = tpu.vector_load %arg8[%get3A_934, %get3A_935] {strides = array<i32>} : memref<2x1280xi32, #tpu.memory_space<vmem>>, vector<16xi32>,
        %add3A_937 = vector.broadcast %mul3A_64 : i32 to vector<16xi32>
        %add3A_938 = arith.addi %get3A_936, %add3A_937 : vector<16xi32>
        %swap3A_939 = arith.constant 4 : i32
        %swap3A_940 = arith.index_cast %swap3A_939 : i32 to index
        %swap3A_941 = arith.constant 16 : index
        %swap3A_942 = tpu.vector_load %arg9[%swap3A_940, %swap3A_941] {strides = array<i32>} : memref<10x128xi32, #tpu.memory_space<vmem>>, vector<16xi32>,
        tpu.vector_store %arg9[%swap3A_940, %swap3A_941], %add3A_938 {strides = array<i32>} : memref<10x128xi32, #tpu.memory_space<vmem>>, vector<16xi32>,
        %get3A_943 = arith.constant 1 : i32
        %get3A_944 = arith.index_cast %get3A_943 : i32 to index
        %get3A_945 = arith.constant 528 : index
        %get3A_946 = tpu.vector_load %arg7[%get3A_944, %get3A_945] {strides = array<i32>} : memref<2x1280xi32, #tpu.memory_space<vmem>>, vector<16xi32>,
        %gather3A_947 = tpu.vector_load_idx %arg6[%get3A_946] : memref<100096xf32, #tpu.memory_space<vmem>>[vector<16xi32>], vector<16xf32>,
        %swap3A_948 = arith.constant 4 : i32
        %swap3A_949 = arith.index_cast %swap3A_948 : i32 to index
        %swap3A_950 = arith.constant 16 : index
        %swap3A_951 = tpu.vector_load %arg10[%swap3A_949, %swap3A_950] {strides = array<i32>} : memref<10x128xf32, #tpu.memory_space<vmem>>, vector<16xf32>,
        tpu.vector_store %arg10[%swap3A_949, %swap3A_950], %gather3A_947 {strides = array<i32>} : memref<10x128xf32, #tpu.memory_space<vmem>>, vector<16xf32>,
        %get3A_952 = arith.constant 1 : i32
        %get3A_953 = arith.index_cast %get3A_952 : i32 to index
        %get3A_954 = arith.constant 544 : index
        %get3A_955 = tpu.vector_load %arg8[%get3A_953, %get3A_954] {strides = array<i32>} : memref<2x1280xi32, #tpu.memory_space<vmem>>, vector<16xi32>,
        %add3A_956 = vector.broadcast %mul3A_64 : i32 to vector<16xi32>
        %add3A_957 = arith.addi %get3A_955, %add3A_956 : vector<16xi32>
        %swap3A_958 = arith.constant 4 : i32
        %swap3A_959 = arith.index_cast %swap3A_958 : i32 to index
        %swap3A_960 = arith.constant 32 : index
        %swap3A_961 = tpu.vector_load %arg9[%swap3A_959, %swap3A_960] {strides = array<i32>} : memref<10x128xi32, #tpu.memory_space<vmem>>, vector<16xi32>,
        tpu.vector_store %arg9[%swap3A_959, %swap3A_960], %add3A_957 {strides = array<i32>} : memref<10x128xi32, #tpu.memory_space<vmem>>, vector<16xi32>,
        %get3A_962 = arith.constant 1 : i32
        %get3A_963 = arith.index_cast %get3A_962 : i32 to index
        %get3A_964 = arith.constant 544 : index
        %get3A_965 = tpu.vector_load %arg7[%get3A_963, %get3A_964] {strides = array<i32>} : memref<2x1280xi32, #tpu.memory_space<vmem>>, vector<16xi32>,
        %gather3A_966 = tpu.vector_load_idx %arg6[%get3A_965] : memref<100096xf32, #tpu.memory_space<vmem>>[vector<16xi32>], vector<16xf32>,
        %swap3A_967 = arith.constant 4 : i32
        %swap3A_968 = arith.index_cast %swap3A_967 : i32 to index
        %swap3A_969 = arith.constant 32 : index
        %swap3A_970 = tpu.vector_load %arg10[%swap3A_968, %swap3A_969] {strides = array<i32>} : memref<10x128xf32, #tpu.memory_space<vmem>>, vector<16xf32>,
        tpu.vector_store %arg10[%swap3A_968, %swap3A_969], %gather3A_966 {strides = array<i32>} : memref<10x128xf32, #tpu.memory_space<vmem>>, vector<16xf32>,
        %get3A_971 = arith.constant 1 : i32
        %get3A_972 = arith.index_cast %get3A_971 : i32 to index
        %get3A_973 = arith.constant 560 : index
        %get3A_974 = tpu.vector_load %arg8[%get3A_972, %get3A_973] {strides = array<i32>} : memref<2x1280xi32, #tpu.memory_space<vmem>>, vector<16xi32>,
        %add3A_975 = vector.broadcast %mul3A_64 : i32 to vector<16xi32>
        %add3A_976 = arith.addi %get3A_974, %add3A_975 : vector<16xi32>
        %swap3A_977 = arith.constant 4 : i32
        %swap3A_978 = arith.index_cast %swap3A_977 : i32 to index
        %swap3A_979 = arith.constant 48 : index
        %swap3A_980 = tpu.vector_load %arg9[%swap3A_978, %swap3A_979] {strides = array<i32>} : memref<10x128xi32, #tpu.memory_space<vmem>>, vector<16xi32>,
        tpu.vector_store %arg9[%swap3A_978, %swap3A_979], %add3A_976 {strides = array<i32>} : memref<10x128xi32, #tpu.memory_space<vmem>>, vector<16xi32>,
        %get3A_981 = arith.constant 1 : i32
        %get3A_982 = arith.index_cast %get3A_981 : i32 to index
        %get3A_983 = arith.constant 560 : index
        %get3A_984 = tpu.vector_load %arg7[%get3A_982, %get3A_983] {strides = array<i32>} : memref<2x1280xi32, #tpu.memory_space<vmem>>, vector<16xi32>,
        %gather3A_985 = tpu.vector_load_idx %arg6[%get3A_984] : memref<100096xf32, #tpu.memory_space<vmem>>[vector<16xi32>], vector<16xf32>,
        %swap3A_986 = arith.constant 4 : i32
        %swap3A_987 = arith.index_cast %swap3A_986 : i32 to index
        %swap3A_988 = arith.constant 48 : index
        %swap3A_989 = tpu.vector_load %arg10[%swap3A_987, %swap3A_988] {strides = array<i32>} : memref<10x128xf32, #tpu.memory_space<vmem>>, vector<16xf32>,
        tpu.vector_store %arg10[%swap3A_987, %swap3A_988], %gather3A_985 {strides = array<i32>} : memref<10x128xf32, #tpu.memory_space<vmem>>, vector<16xf32>,
        %get3A_990 = arith.constant 1 : i32
        %get3A_991 = arith.index_cast %get3A_990 : i32 to index
        %get3A_992 = arith.constant 576 : index
        %get3A_993 = tpu.vector_load %arg8[%get3A_991, %get3A_992] {strides = array<i32>} : memref<2x1280xi32, #tpu.memory_space<vmem>>, vector<16xi32>,
        %add3A_994 = vector.broadcast %mul3A_64 : i32 to vector<16xi32>
        %add3A_995 = arith.addi %get3A_993, %add3A_994 : vector<16xi32>
        %swap3A_996 = arith.constant 4 : i32
        %swap3A_997 = arith.index_cast %swap3A_996 : i32 to index
        %swap3A_998 = arith.constant 64 : index
        %swap3A_999 = tpu.vector_load %arg9[%swap3A_997, %swap3A_998] {strides = array<i32>} : memref<10x128xi32, #tpu.memory_space<vmem>>, vector<16xi32>,
        tpu.vector_store %arg9[%swap3A_997, %swap3A_998], %add3A_995 {strides = array<i32>} : memref<10x128xi32, #tpu.memory_space<vmem>>, vector<16xi32>,
        %get3A_1000 = arith.constant 1 : i32
        %get3A_1001 = arith.index_cast %get3A_1000 : i32 to index
        %get3A_1002 = arith.constant 576 : index
        %get3A_1003 = tpu.vector_load %arg7[%get3A_1001, %get3A_1002] {strides = array<i32>} : memref<2x1280xi32, #tpu.memory_space<vmem>>, vector<16xi32>,
        %gather3A_1004 = tpu.vector_load_idx %arg6[%get3A_1003] : memref<100096xf32, #tpu.memory_space<vmem>>[vector<16xi32>], vector<16xf32>,
        %swap3A_1005 = arith.constant 4 : i32
        %swap3A_1006 = arith.index_cast %swap3A_1005 : i32 to index
        %swap3A_1007 = arith.constant 64 : index
        %swap3A_1008 = tpu.vector_load %arg10[%swap3A_1006, %swap3A_1007] {strides = array<i32>} : memref<10x128xf32, #tpu.memory_space<vmem>>, vector<16xf32>,
        tpu.vector_store %arg10[%swap3A_1006, %swap3A_1007], %gather3A_1004 {strides = array<i32>} : memref<10x128xf32, #tpu.memory_space<vmem>>, vector<16xf32>,
        %get3A_1009 = arith.constant 1 : i32
        %get3A_1010 = arith.index_cast %get3A_1009 : i32 to index
        %get3A_1011 = arith.constant 592 : index
        %get3A_1012 = tpu.vector_load %arg8[%get3A_1010, %get3A_1011] {strides = array<i32>} : memref<2x1280xi32, #tpu.memory_space<vmem>>, vector<16xi32>,
        %add3A_1013 = vector.broadcast %mul3A_64 : i32 to vector<16xi32>
        %add3A_1014 = arith.addi %get3A_1012, %add3A_1013 : vector<16xi32>
        %swap3A_1015 = arith.constant 4 : i32
        %swap3A_1016 = arith.index_cast %swap3A_1015 : i32 to index
        %swap3A_1017 = arith.constant 80 : index
        %swap3A_1018 = tpu.vector_load %arg9[%swap3A_1016, %swap3A_1017] {strides = array<i32>} : memref<10x128xi32, #tpu.memory_space<vmem>>, vector<16xi32>,
        tpu.vector_store %arg9[%swap3A_1016, %swap3A_1017], %add3A_1014 {strides = array<i32>} : memref<10x128xi32, #tpu.memory_space<vmem>>, vector<16xi32>,
        %get3A_1019 = arith.constant 1 : i32
        %get3A_1020 = arith.index_cast %get3A_1019 : i32 to index
        %get3A_1021 = arith.constant 592 : index
        %get3A_1022 = tpu.vector_load %arg7[%get3A_1020, %get3A_1021] {strides = array<i32>} : memref<2x1280xi32, #tpu.memory_space<vmem>>, vector<16xi32>,
        %gather3A_1023 = tpu.vector_load_idx %arg6[%get3A_1022] : memref<100096xf32, #tpu.memory_space<vmem>>[vector<16xi32>], vector<16xf32>,
        %swap3A_1024 = arith.constant 4 : i32
        %swap3A_1025 = arith.index_cast %swap3A_1024 : i32 to index
        %swap3A_1026 = arith.constant 80 : index
        %swap3A_1027 = tpu.vector_load %arg10[%swap3A_1025, %swap3A_1026] {strides = array<i32>} : memref<10x128xf32, #tpu.memory_space<vmem>>, vector<16xf32>,
        tpu.vector_store %arg10[%swap3A_1025, %swap3A_1026], %gather3A_1023 {strides = array<i32>} : memref<10x128xf32, #tpu.memory_space<vmem>>, vector<16xf32>,
        %get3A_1028 = arith.constant 1 : i32
        %get3A_1029 = arith.index_cast %get3A_1028 : i32 to index
        %get3A_1030 = arith.constant 608 : index
        %get3A_1031 = tpu.vector_load %arg8[%get3A_1029, %get3A_1030] {strides = array<i32>} : memref<2x1280xi32, #tpu.memory_space<vmem>>, vector<16xi32>,
        %add3A_1032 = vector.broadcast %mul3A_64 : i32 to vector<16xi32>
        %add3A_1033 = arith.addi %get3A_1031, %add3A_1032 : vector<16xi32>
        %swap3A_1034 = arith.constant 4 : i32
        %swap3A_1035 = arith.index_cast %swap3A_1034 : i32 to index
        %swap3A_1036 = arith.constant 96 : index
        %swap3A_1037 = tpu.vector_load %arg9[%swap3A_1035, %swap3A_1036] {strides = array<i32>} : memref<10x128xi32, #tpu.memory_space<vmem>>, vector<16xi32>,
        tpu.vector_store %arg9[%swap3A_1035, %swap3A_1036], %add3A_1033 {strides = array<i32>} : memref<10x128xi32, #tpu.memory_space<vmem>>, vector<16xi32>,
        %get3A_1038 = arith.constant 1 : i32
        %get3A_1039 = arith.index_cast %get3A_1038 : i32 to index
        %get3A_1040 = arith.constant 608 : index
        %get3A_1041 = tpu.vector_load %arg7[%get3A_1039, %get3A_1040] {strides = array<i32>} : memref<2x1280xi32, #tpu.memory_space<vmem>>, vector<16xi32>,
        %gather3A_1042 = tpu.vector_load_idx %arg6[%get3A_1041] : memref<100096xf32, #tpu.memory_space<vmem>>[vector<16xi32>], vector<16xf32>,
        %swap3A_1043 = arith.constant 4 : i32
        %swap3A_1044 = arith.index_cast %swap3A_1043 : i32 to index
        %swap3A_1045 = arith.constant 96 : index
        %swap3A_1046 = tpu.vector_load %arg10[%swap3A_1044, %swap3A_1045] {strides = array<i32>} : memref<10x128xf32, #tpu.memory_space<vmem>>, vector<16xf32>,
        tpu.vector_store %arg10[%swap3A_1044, %swap3A_1045], %gather3A_1042 {strides = array<i32>} : memref<10x128xf32, #tpu.memory_space<vmem>>, vector<16xf32>,
        %get3A_1047 = arith.constant 1 : i32
        %get3A_1048 = arith.index_cast %get3A_1047 : i32 to index
        %get3A_1049 = arith.constant 624 : index
        %get3A_1050 = tpu.vector_load %arg8[%get3A_1048, %get3A_1049] {strides = array<i32>} : memref<2x1280xi32, #tpu.memory_space<vmem>>, vector<16xi32>,
        %add3A_1051 = vector.broadcast %mul3A_64 : i32 to vector<16xi32>
        %add3A_1052 = arith.addi %get3A_1050, %add3A_1051 : vector<16xi32>
        %swap3A_1053 = arith.constant 4 : i32
        %swap3A_1054 = arith.index_cast %swap3A_1053 : i32 to index
        %swap3A_1055 = arith.constant 112 : index
        %swap3A_1056 = tpu.vector_load %arg9[%swap3A_1054, %swap3A_1055] {strides = array<i32>} : memref<10x128xi32, #tpu.memory_space<vmem>>, vector<16xi32>,
        tpu.vector_store %arg9[%swap3A_1054, %swap3A_1055], %add3A_1052 {strides = array<i32>} : memref<10x128xi32, #tpu.memory_space<vmem>>, vector<16xi32>,
        %get3A_1057 = arith.constant 1 : i32
        %get3A_1058 = arith.index_cast %get3A_1057 : i32 to index
        %get3A_1059 = arith.constant 624 : index
        %get3A_1060 = tpu.vector_load %arg7[%get3A_1058, %get3A_1059] {strides = array<i32>} : memref<2x1280xi32, #tpu.memory_space<vmem>>, vector<16xi32>,
        %gather3A_1061 = tpu.vector_load_idx %arg6[%get3A_1060] : memref<100096xf32, #tpu.memory_space<vmem>>[vector<16xi32>], vector<16xf32>,
        %swap3A_1062 = arith.constant 4 : i32
        %swap3A_1063 = arith.index_cast %swap3A_1062 : i32 to index
        %swap3A_1064 = arith.constant 112 : index
        %swap3A_1065 = tpu.vector_load %arg10[%swap3A_1063, %swap3A_1064] {strides = array<i32>} : memref<10x128xf32, #tpu.memory_space<vmem>>, vector<16xf32>,
        tpu.vector_store %arg10[%swap3A_1063, %swap3A_1064], %gather3A_1061 {strides = array<i32>} : memref<10x128xf32, #tpu.memory_space<vmem>>, vector<16xf32>,
        %dma_start3A_1066 = arith.constant 4 : i32
        %dma_start3A_1067 = arith.constant 4 : i32
        %dma_start3A_1068 = arith.constant 0 : i32
        %dma_start3A_1069 = tpu.memref_slice %arg10[%dma_start3A_1066, %dma_start3A_1068] : memref<10x128xf32, #tpu.memory_space<vmem>> -> memref<1x128xf32, #tpu.memory_space<vmem>>
        %dma_start3A_1070 = tpu.memref_squeeze %dma_start3A_1069 : memref<1x128xf32, #tpu.memory_space<vmem>> -> memref<128xf32, #tpu.memory_space<vmem>>
        %dma_start3A_1071 = arith.constant 0 : i32
        %dma_start3A_1072 = tpu.memref_slice %arg9[%dma_start3A_1067, %dma_start3A_1071] : memref<10x128xi32, #tpu.memory_space<vmem>> -> memref<1x128xi32, #tpu.memory_space<vmem>>
        %dma_start3A_1073 = tpu.memref_squeeze %dma_start3A_1072 : memref<1x128xi32, #tpu.memory_space<vmem>> -> memref<128xi32, #tpu.memory_space<vmem>>
        %dma_start3A_1074 = arith.constant 0 : i32
        %dma_start3A_1075 = tpu.memref_slice %arg11[%dma_start3A_1074] : memref<200192xf32, #tpu.memory_space<vmem_shared>> -> memref<200192xf32, #tpu.memory_space<vmem_shared>>
        tpu.enqueue_indirect_dma source(%dma_start3A_1070 : memref<128xf32, #tpu.memory_space<vmem>>) target(%dma_start3A_1075 : memref<200192xf32, #tpu.memory_space<vmem_shared>>) offsets(%dma_start3A_1073 : memref<128xi32, #tpu.memory_space<vmem>>) semaphore(%arg14 : memref<!tpu.dma_semaphore, #tpu.memory_space<semaphore_mem>>) {add = true}
        %get3A_1076 = arith.constant 1 : i32
        %get3A_1077 = arith.index_cast %get3A_1076 : i32 to index
        %get3A_1078 = arith.constant 640 : index
        %get3A_1079 = tpu.vector_load %arg8[%get3A_1077, %get3A_1078] {strides = array<i32>} : memref<2x1280xi32, #tpu.memory_space<vmem>>, vector<16xi32>,
        %add3A_1080 = vector.broadcast %mul3A_64 : i32 to vector<16xi32>
        %add3A_1081 = arith.addi %get3A_1079, %add3A_1080 : vector<16xi32>
        %swap3A_1082 = arith.constant 5 : i32
        %swap3A_1083 = arith.index_cast %swap3A_1082 : i32 to index
        %swap3A_1084 = arith.constant 0 : index
        %swap3A_1085 = tpu.vector_load %arg9[%swap3A_1083, %swap3A_1084] {strides = array<i32>} : memref<10x128xi32, #tpu.memory_space<vmem>>, vector<16xi32>,
        tpu.vector_store %arg9[%swap3A_1083, %swap3A_1084], %add3A_1081 {strides = array<i32>} : memref<10x128xi32, #tpu.memory_space<vmem>>, vector<16xi32>,
        %get3A_1086 = arith.constant 1 : i32
        %get3A_1087 = arith.index_cast %get3A_1086 : i32 to index
        %get3A_1088 = arith.constant 640 : index
        %get3A_1089 = tpu.vector_load %arg7[%get3A_1087, %get3A_1088] {strides = array<i32>} : memref<2x1280xi32, #tpu.memory_space<vmem>>, vector<16xi32>,
        %gather3A_1090 = tpu.vector_load_idx %arg6[%get3A_1089] : memref<100096xf32, #tpu.memory_space<vmem>>[vector<16xi32>], vector<16xf32>,
        %swap3A_1091 = arith.constant 5 : i32
        %swap3A_1092 = arith.index_cast %swap3A_1091 : i32 to index
        %swap3A_1093 = arith.constant 0 : index
        %swap3A_1094 = tpu.vector_load %arg10[%swap3A_1092, %swap3A_1093] {strides = array<i32>} : memref<10x128xf32, #tpu.memory_space<vmem>>, vector<16xf32>,
        tpu.vector_store %arg10[%swap3A_1092, %swap3A_1093], %gather3A_1090 {strides = array<i32>} : memref<10x128xf32, #tpu.memory_space<vmem>>, vector<16xf32>,
        %get3A_1095 = arith.constant 1 : i32
        %get3A_1096 = arith.index_cast %get3A_1095 : i32 to index
        %get3A_1097 = arith.constant 656 : index
        %get3A_1098 = tpu.vector_load %arg8[%get3A_1096, %get3A_1097] {strides = array<i32>} : memref<2x1280xi32, #tpu.memory_space<vmem>>, vector<16xi32>,
        %add3A_1099 = vector.broadcast %mul3A_64 : i32 to vector<16xi32>
        %add3A_1100 = arith.addi %get3A_1098, %add3A_1099 : vector<16xi32>
        %swap3A_1101 = arith.constant 5 : i32
        %swap3A_1102 = arith.index_cast %swap3A_1101 : i32 to index
        %swap3A_1103 = arith.constant 16 : index
        %swap3A_1104 = tpu.vector_load %arg9[%swap3A_1102, %swap3A_1103] {strides = array<i32>} : memref<10x128xi32, #tpu.memory_space<vmem>>, vector<16xi32>,
        tpu.vector_store %arg9[%swap3A_1102, %swap3A_1103], %add3A_1100 {strides = array<i32>} : memref<10x128xi32, #tpu.memory_space<vmem>>, vector<16xi32>,
        %get3A_1105 = arith.constant 1 : i32
        %get3A_1106 = arith.index_cast %get3A_1105 : i32 to index
        %get3A_1107 = arith.constant 656 : index
        %get3A_1108 = tpu.vector_load %arg7[%get3A_1106, %get3A_1107] {strides = array<i32>} : memref<2x1280xi32, #tpu.memory_space<vmem>>, vector<16xi32>,
        %gather3A_1109 = tpu.vector_load_idx %arg6[%get3A_1108] : memref<100096xf32, #tpu.memory_space<vmem>>[vector<16xi32>], vector<16xf32>,
        %swap3A_1110 = arith.constant 5 : i32
        %swap3A_1111 = arith.index_cast %swap3A_1110 : i32 to index
        %swap3A_1112 = arith.constant 16 : index
        %swap3A_1113 = tpu.vector_load %arg10[%swap3A_1111, %swap3A_1112] {strides = array<i32>} : memref<10x128xf32, #tpu.memory_space<vmem>>, vector<16xf32>,
        tpu.vector_store %arg10[%swap3A_1111, %swap3A_1112], %gather3A_1109 {strides = array<i32>} : memref<10x128xf32, #tpu.memory_space<vmem>>, vector<16xf32>,
        %get3A_1114 = arith.constant 1 : i32
        %get3A_1115 = arith.index_cast %get3A_1114 : i32 to index
        %get3A_1116 = arith.constant 672 : index
        %get3A_1117 = tpu.vector_load %arg8[%get3A_1115, %get3A_1116] {strides = array<i32>} : memref<2x1280xi32, #tpu.memory_space<vmem>>, vector<16xi32>,
        %add3A_1118 = vector.broadcast %mul3A_64 : i32 to vector<16xi32>
        %add3A_1119 = arith.addi %get3A_1117, %add3A_1118 : vector<16xi32>
        %swap3A_1120 = arith.constant 5 : i32
        %swap3A_1121 = arith.index_cast %swap3A_1120 : i32 to index
        %swap3A_1122 = arith.constant 32 : index
        %swap3A_1123 = tpu.vector_load %arg9[%swap3A_1121, %swap3A_1122] {strides = array<i32>} : memref<10x128xi32, #tpu.memory_space<vmem>>, vector<16xi32>,
        tpu.vector_store %arg9[%swap3A_1121, %swap3A_1122], %add3A_1119 {strides = array<i32>} : memref<10x128xi32, #tpu.memory_space<vmem>>, vector<16xi32>,
        %get3A_1124 = arith.constant 1 : i32
        %get3A_1125 = arith.index_cast %get3A_1124 : i32 to index
        %get3A_1126 = arith.constant 672 : index
        %get3A_1127 = tpu.vector_load %arg7[%get3A_1125, %get3A_1126] {strides = array<i32>} : memref<2x1280xi32, #tpu.memory_space<vmem>>, vector<16xi32>,
        %gather3A_1128 = tpu.vector_load_idx %arg6[%get3A_1127] : memref<100096xf32, #tpu.memory_space<vmem>>[vector<16xi32>], vector<16xf32>,
        %swap3A_1129 = arith.constant 5 : i32
        %swap3A_1130 = arith.index_cast %swap3A_1129 : i32 to index
        %swap3A_1131 = arith.constant 32 : index
        %swap3A_1132 = tpu.vector_load %arg10[%swap3A_1130, %swap3A_1131] {strides = array<i32>} : memref<10x128xf32, #tpu.memory_space<vmem>>, vector<16xf32>,
        tpu.vector_store %arg10[%swap3A_1130, %swap3A_1131], %gather3A_1128 {strides = array<i32>} : memref<10x128xf32, #tpu.memory_space<vmem>>, vector<16xf32>,
        %get3A_1133 = arith.constant 1 : i32
        %get3A_1134 = arith.index_cast %get3A_1133 : i32 to index
        %get3A_1135 = arith.constant 688 : index
        %get3A_1136 = tpu.vector_load %arg8[%get3A_1134, %get3A_1135] {strides = array<i32>} : memref<2x1280xi32, #tpu.memory_space<vmem>>, vector<16xi32>,
        %add3A_1137 = vector.broadcast %mul3A_64 : i32 to vector<16xi32>
        %add3A_1138 = arith.addi %get3A_1136, %add3A_1137 : vector<16xi32>
        %swap3A_1139 = arith.constant 5 : i32
        %swap3A_1140 = arith.index_cast %swap3A_1139 : i32 to index
        %swap3A_1141 = arith.constant 48 : index
        %swap3A_1142 = tpu.vector_load %arg9[%swap3A_1140, %swap3A_1141] {strides = array<i32>} : memref<10x128xi32, #tpu.memory_space<vmem>>, vector<16xi32>,
        tpu.vector_store %arg9[%swap3A_1140, %swap3A_1141], %add3A_1138 {strides = array<i32>} : memref<10x128xi32, #tpu.memory_space<vmem>>, vector<16xi32>,
        %get3A_1143 = arith.constant 1 : i32
        %get3A_1144 = arith.index_cast %get3A_1143 : i32 to index
        %get3A_1145 = arith.constant 688 : index
        %get3A_1146 = tpu.vector_load %arg7[%get3A_1144, %get3A_1145] {strides = array<i32>} : memref<2x1280xi32, #tpu.memory_space<vmem>>, vector<16xi32>,
        %gather3A_1147 = tpu.vector_load_idx %arg6[%get3A_1146] : memref<100096xf32, #tpu.memory_space<vmem>>[vector<16xi32>], vector<16xf32>,
        %swap3A_1148 = arith.constant 5 : i32
        %swap3A_1149 = arith.index_cast %swap3A_1148 : i32 to index
        %swap3A_1150 = arith.constant 48 : index
        %swap3A_1151 = tpu.vector_load %arg10[%swap3A_1149, %swap3A_1150] {strides = array<i32>} : memref<10x128xf32, #tpu.memory_space<vmem>>, vector<16xf32>,
        tpu.vector_store %arg10[%swap3A_1149, %swap3A_1150], %gather3A_1147 {strides = array<i32>} : memref<10x128xf32, #tpu.memory_space<vmem>>, vector<16xf32>,
        %get3A_1152 = arith.constant 1 : i32
        %get3A_1153 = arith.index_cast %get3A_1152 : i32 to index
        %get3A_1154 = arith.constant 704 : index
        %get3A_1155 = tpu.vector_load %arg8[%get3A_1153, %get3A_1154] {strides = array<i32>} : memref<2x1280xi32, #tpu.memory_space<vmem>>, vector<16xi32>,
        %add3A_1156 = vector.broadcast %mul3A_64 : i32 to vector<16xi32>
        %add3A_1157 = arith.addi %get3A_1155, %add3A_1156 : vector<16xi32>
        %swap3A_1158 = arith.constant 5 : i32
        %swap3A_1159 = arith.index_cast %swap3A_1158 : i32 to index
        %swap3A_1160 = arith.constant 64 : index
        %swap3A_1161 = tpu.vector_load %arg9[%swap3A_1159, %swap3A_1160] {strides = array<i32>} : memref<10x128xi32, #tpu.memory_space<vmem>>, vector<16xi32>,
        tpu.vector_store %arg9[%swap3A_1159, %swap3A_1160], %add3A_1157 {strides = array<i32>} : memref<10x128xi32, #tpu.memory_space<vmem>>, vector<16xi32>,
        %get3A_1162 = arith.constant 1 : i32
        %get3A_1163 = arith.index_cast %get3A_1162 : i32 to index
        %get3A_1164 = arith.constant 704 : index
        %get3A_1165 = tpu.vector_load %arg7[%get3A_1163, %get3A_1164] {strides = array<i32>} : memref<2x1280xi32, #tpu.memory_space<vmem>>, vector<16xi32>,
        %gather3A_1166 = tpu.vector_load_idx %arg6[%get3A_1165] : memref<100096xf32, #tpu.memory_space<vmem>>[vector<16xi32>], vector<16xf32>,
        %swap3A_1167 = arith.constant 5 : i32
        %swap3A_1168 = arith.index_cast %swap3A_1167 : i32 to index
        %swap3A_1169 = arith.constant 64 : index
        %swap3A_1170 = tpu.vector_load %arg10[%swap3A_1168, %swap3A_1169] {strides = array<i32>} : memref<10x128xf32, #tpu.memory_space<vmem>>, vector<16xf32>,
        tpu.vector_store %arg10[%swap3A_1168, %swap3A_1169], %gather3A_1166 {strides = array<i32>} : memref<10x128xf32, #tpu.memory_space<vmem>>, vector<16xf32>,
        %get3A_1171 = arith.constant 1 : i32
        %get3A_1172 = arith.index_cast %get3A_1171 : i32 to index
        %get3A_1173 = arith.constant 720 : index
        %get3A_1174 = tpu.vector_load %arg8[%get3A_1172, %get3A_1173] {strides = array<i32>} : memref<2x1280xi32, #tpu.memory_space<vmem>>, vector<16xi32>,
        %add3A_1175 = vector.broadcast %mul3A_64 : i32 to vector<16xi32>
        %add3A_1176 = arith.addi %get3A_1174, %add3A_1175 : vector<16xi32>
        %swap3A_1177 = arith.constant 5 : i32
        %swap3A_1178 = arith.index_cast %swap3A_1177 : i32 to index
        %swap3A_1179 = arith.constant 80 : index
        %swap3A_1180 = tpu.vector_load %arg9[%swap3A_1178, %swap3A_1179] {strides = array<i32>} : memref<10x128xi32, #tpu.memory_space<vmem>>, vector<16xi32>,
        tpu.vector_store %arg9[%swap3A_1178, %swap3A_1179], %add3A_1176 {strides = array<i32>} : memref<10x128xi32, #tpu.memory_space<vmem>>, vector<16xi32>,
        %get3A_1181 = arith.constant 1 : i32
        %get3A_1182 = arith.index_cast %get3A_1181 : i32 to index
        %get3A_1183 = arith.constant 720 : index
        %get3A_1184 = tpu.vector_load %arg7[%get3A_1182, %get3A_1183] {strides = array<i32>} : memref<2x1280xi32, #tpu.memory_space<vmem>>, vector<16xi32>,
        %gather3A_1185 = tpu.vector_load_idx %arg6[%get3A_1184] : memref<100096xf32, #tpu.memory_space<vmem>>[vector<16xi32>], vector<16xf32>,
        %swap3A_1186 = arith.constant 5 : i32
        %swap3A_1187 = arith.index_cast %swap3A_1186 : i32 to index
        %swap3A_1188 = arith.constant 80 : index
        %swap3A_1189 = tpu.vector_load %arg10[%swap3A_1187, %swap3A_1188] {strides = array<i32>} : memref<10x128xf32, #tpu.memory_space<vmem>>, vector<16xf32>,
        tpu.vector_store %arg10[%swap3A_1187, %swap3A_1188], %gather3A_1185 {strides = array<i32>} : memref<10x128xf32, #tpu.memory_space<vmem>>, vector<16xf32>,
        %get3A_1190 = arith.constant 1 : i32
        %get3A_1191 = arith.index_cast %get3A_1190 : i32 to index
        %get3A_1192 = arith.constant 736 : index
        %get3A_1193 = tpu.vector_load %arg8[%get3A_1191, %get3A_1192] {strides = array<i32>} : memref<2x1280xi32, #tpu.memory_space<vmem>>, vector<16xi32>,
        %add3A_1194 = vector.broadcast %mul3A_64 : i32 to vector<16xi32>
        %add3A_1195 = arith.addi %get3A_1193, %add3A_1194 : vector<16xi32>
        %swap3A_1196 = arith.constant 5 : i32
        %swap3A_1197 = arith.index_cast %swap3A_1196 : i32 to index
        %swap3A_1198 = arith.constant 96 : index
        %swap3A_1199 = tpu.vector_load %arg9[%swap3A_1197, %swap3A_1198] {strides = array<i32>} : memref<10x128xi32, #tpu.memory_space<vmem>>, vector<16xi32>,
        tpu.vector_store %arg9[%swap3A_1197, %swap3A_1198], %add3A_1195 {strides = array<i32>} : memref<10x128xi32, #tpu.memory_space<vmem>>, vector<16xi32>,
        %get3A_1200 = arith.constant 1 : i32
        %get3A_1201 = arith.index_cast %get3A_1200 : i32 to index
        %get3A_1202 = arith.constant 736 : index
        %get3A_1203 = tpu.vector_load %arg7[%get3A_1201, %get3A_1202] {strides = array<i32>} : memref<2x1280xi32, #tpu.memory_space<vmem>>, vector<16xi32>,
        %gather3A_1204 = tpu.vector_load_idx %arg6[%get3A_1203] : memref<100096xf32, #tpu.memory_space<vmem>>[vector<16xi32>], vector<16xf32>,
        %swap3A_1205 = arith.constant 5 : i32
        %swap3A_1206 = arith.index_cast %swap3A_1205 : i32 to index
        %swap3A_1207 = arith.constant 96 : index
        %swap3A_1208 = tpu.vector_load %arg10[%swap3A_1206, %swap3A_1207] {strides = array<i32>} : memref<10x128xf32, #tpu.memory_space<vmem>>, vector<16xf32>,
        tpu.vector_store %arg10[%swap3A_1206, %swap3A_1207], %gather3A_1204 {strides = array<i32>} : memref<10x128xf32, #tpu.memory_space<vmem>>, vector<16xf32>,
        %get3A_1209 = arith.constant 1 : i32
        %get3A_1210 = arith.index_cast %get3A_1209 : i32 to index
        %get3A_1211 = arith.constant 752 : index
        %get3A_1212 = tpu.vector_load %arg8[%get3A_1210, %get3A_1211] {strides = array<i32>} : memref<2x1280xi32, #tpu.memory_space<vmem>>, vector<16xi32>,
        %add3A_1213 = vector.broadcast %mul3A_64 : i32 to vector<16xi32>
        %add3A_1214 = arith.addi %get3A_1212, %add3A_1213 : vector<16xi32>
        %swap3A_1215 = arith.constant 5 : i32
        %swap3A_1216 = arith.index_cast %swap3A_1215 : i32 to index
        %swap3A_1217 = arith.constant 112 : index
        %swap3A_1218 = tpu.vector_load %arg9[%swap3A_1216, %swap3A_1217] {strides = array<i32>} : memref<10x128xi32, #tpu.memory_space<vmem>>, vector<16xi32>,
        tpu.vector_store %arg9[%swap3A_1216, %swap3A_1217], %add3A_1214 {strides = array<i32>} : memref<10x128xi32, #tpu.memory_space<vmem>>, vector<16xi32>,
        %get3A_1219 = arith.constant 1 : i32
        %get3A_1220 = arith.index_cast %get3A_1219 : i32 to index
        %get3A_1221 = arith.constant 752 : index
        %get3A_1222 = tpu.vector_load %arg7[%get3A_1220, %get3A_1221] {strides = array<i32>} : memref<2x1280xi32, #tpu.memory_space<vmem>>, vector<16xi32>,
        %gather3A_1223 = tpu.vector_load_idx %arg6[%get3A_1222] : memref<100096xf32, #tpu.memory_space<vmem>>[vector<16xi32>], vector<16xf32>,
        %swap3A_1224 = arith.constant 5 : i32
        %swap3A_1225 = arith.index_cast %swap3A_1224 : i32 to index
        %swap3A_1226 = arith.constant 112 : index
        %swap3A_1227 = tpu.vector_load %arg10[%swap3A_1225, %swap3A_1226] {strides = array<i32>} : memref<10x128xf32, #tpu.memory_space<vmem>>, vector<16xf32>,
        tpu.vector_store %arg10[%swap3A_1225, %swap3A_1226], %gather3A_1223 {strides = array<i32>} : memref<10x128xf32, #tpu.memory_space<vmem>>, vector<16xf32>,
        %dma_start3A_1228 = arith.constant 5 : i32
        %dma_start3A_1229 = arith.constant 5 : i32
        %dma_start3A_1230 = arith.constant 0 : i32
        %dma_start3A_1231 = tpu.memref_slice %arg10[%dma_start3A_1228, %dma_start3A_1230] : memref<10x128xf32, #tpu.memory_space<vmem>> -> memref<1x128xf32, #tpu.memory_space<vmem>>
        %dma_start3A_1232 = tpu.memref_squeeze %dma_start3A_1231 : memref<1x128xf32, #tpu.memory_space<vmem>> -> memref<128xf32, #tpu.memory_space<vmem>>
        %dma_start3A_1233 = arith.constant 0 : i32
        %dma_start3A_1234 = tpu.memref_slice %arg9[%dma_start3A_1229, %dma_start3A_1233] : memref<10x128xi32, #tpu.memory_space<vmem>> -> memref<1x128xi32, #tpu.memory_space<vmem>>
        %dma_start3A_1235 = tpu.memref_squeeze %dma_start3A_1234 : memref<1x128xi32, #tpu.memory_space<vmem>> -> memref<128xi32, #tpu.memory_space<vmem>>
        %dma_start3A_1236 = arith.constant 0 : i32
        %dma_start3A_1237 = tpu.memref_slice %arg11[%dma_start3A_1236] : memref<200192xf32, #tpu.memory_space<vmem_shared>> -> memref<200192xf32, #tpu.memory_space<vmem_shared>>
        tpu.enqueue_indirect_dma source(%dma_start3A_1232 : memref<128xf32, #tpu.memory_space<vmem>>) target(%dma_start3A_1237 : memref<200192xf32, #tpu.memory_space<vmem_shared>>) offsets(%dma_start3A_1235 : memref<128xi32, #tpu.memory_space<vmem>>) semaphore(%arg14 : memref<!tpu.dma_semaphore, #tpu.memory_space<semaphore_mem>>) {add = true}
        %get3A_1238 = arith.constant 1 : i32
        %get3A_1239 = arith.index_cast %get3A_1238 : i32 to index
        %get3A_1240 = arith.constant 768 : index
        %get3A_1241 = tpu.vector_load %arg8[%get3A_1239, %get3A_1240] {strides = array<i32>} : memref<2x1280xi32, #tpu.memory_space<vmem>>, vector<16xi32>,
        %add3A_1242 = vector.broadcast %mul3A_64 : i32 to vector<16xi32>
        %add3A_1243 = arith.addi %get3A_1241, %add3A_1242 : vector<16xi32>
        %swap3A_1244 = arith.constant 6 : i32
        %swap3A_1245 = arith.index_cast %swap3A_1244 : i32 to index
        %swap3A_1246 = arith.constant 0 : index
        %swap3A_1247 = tpu.vector_load %arg9[%swap3A_1245, %swap3A_1246] {strides = array<i32>} : memref<10x128xi32, #tpu.memory_space<vmem>>, vector<16xi32>,
        tpu.vector_store %arg9[%swap3A_1245, %swap3A_1246], %add3A_1243 {strides = array<i32>} : memref<10x128xi32, #tpu.memory_space<vmem>>, vector<16xi32>,
        %get3A_1248 = arith.constant 1 : i32
        %get3A_1249 = arith.index_cast %get3A_1248 : i32 to index
        %get3A_1250 = arith.constant 768 : index
        %get3A_1251 = tpu.vector_load %arg7[%get3A_1249, %get3A_1250] {strides = array<i32>} : memref<2x1280xi32, #tpu.memory_space<vmem>>, vector<16xi32>,
        %gather3A_1252 = tpu.vector_load_idx %arg6[%get3A_1251] : memref<100096xf32, #tpu.memory_space<vmem>>[vector<16xi32>], vector<16xf32>,
        %swap3A_1253 = arith.constant 6 : i32
        %swap3A_1254 = arith.index_cast %swap3A_1253 : i32 to index
        %swap3A_1255 = arith.constant 0 : index
        %swap3A_1256 = tpu.vector_load %arg10[%swap3A_1254, %swap3A_1255] {strides = array<i32>} : memref<10x128xf32, #tpu.memory_space<vmem>>, vector<16xf32>,
        tpu.vector_store %arg10[%swap3A_1254, %swap3A_1255], %gather3A_1252 {strides = array<i32>} : memref<10x128xf32, #tpu.memory_space<vmem>>, vector<16xf32>,
        %get3A_1257 = arith.constant 1 : i32
        %get3A_1258 = arith.index_cast %get3A_1257 : i32 to index
        %get3A_1259 = arith.constant 784 : index
        %get3A_1260 = tpu.vector_load %arg8[%get3A_1258, %get3A_1259] {strides = array<i32>} : memref<2x1280xi32, #tpu.memory_space<vmem>>, vector<16xi32>,
        %add3A_1261 = vector.broadcast %mul3A_64 : i32 to vector<16xi32>
        %add3A_1262 = arith.addi %get3A_1260, %add3A_1261 : vector<16xi32>
        %swap3A_1263 = arith.constant 6 : i32
        %swap3A_1264 = arith.index_cast %swap3A_1263 : i32 to index
        %swap3A_1265 = arith.constant 16 : index
        %swap3A_1266 = tpu.vector_load %arg9[%swap3A_1264, %swap3A_1265] {strides = array<i32>} : memref<10x128xi32, #tpu.memory_space<vmem>>, vector<16xi32>,
        tpu.vector_store %arg9[%swap3A_1264, %swap3A_1265], %add3A_1262 {strides = array<i32>} : memref<10x128xi32, #tpu.memory_space<vmem>>, vector<16xi32>,
        %get3A_1267 = arith.constant 1 : i32
        %get3A_1268 = arith.index_cast %get3A_1267 : i32 to index
        %get3A_1269 = arith.constant 784 : index
        %get3A_1270 = tpu.vector_load %arg7[%get3A_1268, %get3A_1269] {strides = array<i32>} : memref<2x1280xi32, #tpu.memory_space<vmem>>, vector<16xi32>,
        %gather3A_1271 = tpu.vector_load_idx %arg6[%get3A_1270] : memref<100096xf32, #tpu.memory_space<vmem>>[vector<16xi32>], vector<16xf32>,
        %swap3A_1272 = arith.constant 6 : i32
        %swap3A_1273 = arith.index_cast %swap3A_1272 : i32 to index
        %swap3A_1274 = arith.constant 16 : index
        %swap3A_1275 = tpu.vector_load %arg10[%swap3A_1273, %swap3A_1274] {strides = array<i32>} : memref<10x128xf32, #tpu.memory_space<vmem>>, vector<16xf32>,
        tpu.vector_store %arg10[%swap3A_1273, %swap3A_1274], %gather3A_1271 {strides = array<i32>} : memref<10x128xf32, #tpu.memory_space<vmem>>, vector<16xf32>,
        %get3A_1276 = arith.constant 1 : i32
        %get3A_1277 = arith.index_cast %get3A_1276 : i32 to index
        %get3A_1278 = arith.constant 800 : index
        %get3A_1279 = tpu.vector_load %arg8[%get3A_1277, %get3A_1278] {strides = array<i32>} : memref<2x1280xi32, #tpu.memory_space<vmem>>, vector<16xi32>,
        %add3A_1280 = vector.broadcast %mul3A_64 : i32 to vector<16xi32>
        %add3A_1281 = arith.addi %get3A_1279, %add3A_1280 : vector<16xi32>
        %swap3A_1282 = arith.constant 6 : i32
        %swap3A_1283 = arith.index_cast %swap3A_1282 : i32 to index
        %swap3A_1284 = arith.constant 32 : index
        %swap3A_1285 = tpu.vector_load %arg9[%swap3A_1283, %swap3A_1284] {strides = array<i32>} : memref<10x128xi32, #tpu.memory_space<vmem>>, vector<16xi32>,
        tpu.vector_store %arg9[%swap3A_1283, %swap3A_1284], %add3A_1281 {strides = array<i32>} : memref<10x128xi32, #tpu.memory_space<vmem>>, vector<16xi32>,
        %get3A_1286 = arith.constant 1 : i32
        %get3A_1287 = arith.index_cast %get3A_1286 : i32 to index
        %get3A_1288 = arith.constant 800 : index
        %get3A_1289 = tpu.vector_load %arg7[%get3A_1287, %get3A_1288] {strides = array<i32>} : memref<2x1280xi32, #tpu.memory_space<vmem>>, vector<16xi32>,
        %gather3A_1290 = tpu.vector_load_idx %arg6[%get3A_1289] : memref<100096xf32, #tpu.memory_space<vmem>>[vector<16xi32>], vector<16xf32>,
        %swap3A_1291 = arith.constant 6 : i32
        %swap3A_1292 = arith.index_cast %swap3A_1291 : i32 to index
        %swap3A_1293 = arith.constant 32 : index
        %swap3A_1294 = tpu.vector_load %arg10[%swap3A_1292, %swap3A_1293] {strides = array<i32>} : memref<10x128xf32, #tpu.memory_space<vmem>>, vector<16xf32>,
        tpu.vector_store %arg10[%swap3A_1292, %swap3A_1293], %gather3A_1290 {strides = array<i32>} : memref<10x128xf32, #tpu.memory_space<vmem>>, vector<16xf32>,
        %get3A_1295 = arith.constant 1 : i32
        %get3A_1296 = arith.index_cast %get3A_1295 : i32 to index
        %get3A_1297 = arith.constant 816 : index
        %get3A_1298 = tpu.vector_load %arg8[%get3A_1296, %get3A_1297] {strides = array<i32>} : memref<2x1280xi32, #tpu.memory_space<vmem>>, vector<16xi32>,
        %add3A_1299 = vector.broadcast %mul3A_64 : i32 to vector<16xi32>
        %add3A_1300 = arith.addi %get3A_1298, %add3A_1299 : vector<16xi32>
        %swap3A_1301 = arith.constant 6 : i32
        %swap3A_1302 = arith.index_cast %swap3A_1301 : i32 to index
        %swap3A_1303 = arith.constant 48 : index
        %swap3A_1304 = tpu.vector_load %arg9[%swap3A_1302, %swap3A_1303] {strides = array<i32>} : memref<10x128xi32, #tpu.memory_space<vmem>>, vector<16xi32>,
        tpu.vector_store %arg9[%swap3A_1302, %swap3A_1303], %add3A_1300 {strides = array<i32>} : memref<10x128xi32, #tpu.memory_space<vmem>>, vector<16xi32>,
        %get3A_1305 = arith.constant 1 : i32
        %get3A_1306 = arith.index_cast %get3A_1305 : i32 to index
        %get3A_1307 = arith.constant 816 : index
        %get3A_1308 = tpu.vector_load %arg7[%get3A_1306, %get3A_1307] {strides = array<i32>} : memref<2x1280xi32, #tpu.memory_space<vmem>>, vector<16xi32>,
        %gather3A_1309 = tpu.vector_load_idx %arg6[%get3A_1308] : memref<100096xf32, #tpu.memory_space<vmem>>[vector<16xi32>], vector<16xf32>,
        %swap3A_1310 = arith.constant 6 : i32
        %swap3A_1311 = arith.index_cast %swap3A_1310 : i32 to index
        %swap3A_1312 = arith.constant 48 : index
        %swap3A_1313 = tpu.vector_load %arg10[%swap3A_1311, %swap3A_1312] {strides = array<i32>} : memref<10x128xf32, #tpu.memory_space<vmem>>, vector<16xf32>,
        tpu.vector_store %arg10[%swap3A_1311, %swap3A_1312], %gather3A_1309 {strides = array<i32>} : memref<10x128xf32, #tpu.memory_space<vmem>>, vector<16xf32>,
        %get3A_1314 = arith.constant 1 : i32
        %get3A_1315 = arith.index_cast %get3A_1314 : i32 to index
        %get3A_1316 = arith.constant 832 : index
        %get3A_1317 = tpu.vector_load %arg8[%get3A_1315, %get3A_1316] {strides = array<i32>} : memref<2x1280xi32, #tpu.memory_space<vmem>>, vector<16xi32>,
        %add3A_1318 = vector.broadcast %mul3A_64 : i32 to vector<16xi32>
        %add3A_1319 = arith.addi %get3A_1317, %add3A_1318 : vector<16xi32>
        %swap3A_1320 = arith.constant 6 : i32
        %swap3A_1321 = arith.index_cast %swap3A_1320 : i32 to index
        %swap3A_1322 = arith.constant 64 : index
        %swap3A_1323 = tpu.vector_load %arg9[%swap3A_1321, %swap3A_1322] {strides = array<i32>} : memref<10x128xi32, #tpu.memory_space<vmem>>, vector<16xi32>,
        tpu.vector_store %arg9[%swap3A_1321, %swap3A_1322], %add3A_1319 {strides = array<i32>} : memref<10x128xi32, #tpu.memory_space<vmem>>, vector<16xi32>,
        %get3A_1324 = arith.constant 1 : i32
        %get3A_1325 = arith.index_cast %get3A_1324 : i32 to index
        %get3A_1326 = arith.constant 832 : index
        %get3A_1327 = tpu.vector_load %arg7[%get3A_1325, %get3A_1326] {strides = array<i32>} : memref<2x1280xi32, #tpu.memory_space<vmem>>, vector<16xi32>,
        %gather3A_1328 = tpu.vector_load_idx %arg6[%get3A_1327] : memref<100096xf32, #tpu.memory_space<vmem>>[vector<16xi32>], vector<16xf32>,
        %swap3A_1329 = arith.constant 6 : i32
        %swap3A_1330 = arith.index_cast %swap3A_1329 : i32 to index
        %swap3A_1331 = arith.constant 64 : index
        %swap3A_1332 = tpu.vector_load %arg10[%swap3A_1330, %swap3A_1331] {strides = array<i32>} : memref<10x128xf32, #tpu.memory_space<vmem>>, vector<16xf32>,
        tpu.vector_store %arg10[%swap3A_1330, %swap3A_1331], %gather3A_1328 {strides = array<i32>} : memref<10x128xf32, #tpu.memory_space<vmem>>, vector<16xf32>,
        %get3A_1333 = arith.constant 1 : i32
        %get3A_1334 = arith.index_cast %get3A_1333 : i32 to index
        %get3A_1335 = arith.constant 848 : index
        %get3A_1336 = tpu.vector_load %arg8[%get3A_1334, %get3A_1335] {strides = array<i32>} : memref<2x1280xi32, #tpu.memory_space<vmem>>, vector<16xi32>,
        %add3A_1337 = vector.broadcast %mul3A_64 : i32 to vector<16xi32>
        %add3A_1338 = arith.addi %get3A_1336, %add3A_1337 : vector<16xi32>
        %swap3A_1339 = arith.constant 6 : i32
        %swap3A_1340 = arith.index_cast %swap3A_1339 : i32 to index
        %swap3A_1341 = arith.constant 80 : index
        %swap3A_1342 = tpu.vector_load %arg9[%swap3A_1340, %swap3A_1341] {strides = array<i32>} : memref<10x128xi32, #tpu.memory_space<vmem>>, vector<16xi32>,
        tpu.vector_store %arg9[%swap3A_1340, %swap3A_1341], %add3A_1338 {strides = array<i32>} : memref<10x128xi32, #tpu.memory_space<vmem>>, vector<16xi32>,
        %get3A_1343 = arith.constant 1 : i32
        %get3A_1344 = arith.index_cast %get3A_1343 : i32 to index
        %get3A_1345 = arith.constant 848 : index
        %get3A_1346 = tpu.vector_load %arg7[%get3A_1344, %get3A_1345] {strides = array<i32>} : memref<2x1280xi32, #tpu.memory_space<vmem>>, vector<16xi32>,
        %gather3A_1347 = tpu.vector_load_idx %arg6[%get3A_1346] : memref<100096xf32, #tpu.memory_space<vmem>>[vector<16xi32>], vector<16xf32>,
        %swap3A_1348 = arith.constant 6 : i32
        %swap3A_1349 = arith.index_cast %swap3A_1348 : i32 to index
        %swap3A_1350 = arith.constant 80 : index
        %swap3A_1351 = tpu.vector_load %arg10[%swap3A_1349, %swap3A_1350] {strides = array<i32>} : memref<10x128xf32, #tpu.memory_space<vmem>>, vector<16xf32>,
        tpu.vector_store %arg10[%swap3A_1349, %swap3A_1350], %gather3A_1347 {strides = array<i32>} : memref<10x128xf32, #tpu.memory_space<vmem>>, vector<16xf32>,
        %get3A_1352 = arith.constant 1 : i32
        %get3A_1353 = arith.index_cast %get3A_1352 : i32 to index
        %get3A_1354 = arith.constant 864 : index
        %get3A_1355 = tpu.vector_load %arg8[%get3A_1353, %get3A_1354] {strides = array<i32>} : memref<2x1280xi32, #tpu.memory_space<vmem>>, vector<16xi32>,
        %add3A_1356 = vector.broadcast %mul3A_64 : i32 to vector<16xi32>
        %add3A_1357 = arith.addi %get3A_1355, %add3A_1356 : vector<16xi32>
        %swap3A_1358 = arith.constant 6 : i32
        %swap3A_1359 = arith.index_cast %swap3A_1358 : i32 to index
        %swap3A_1360 = arith.constant 96 : index
        %swap3A_1361 = tpu.vector_load %arg9[%swap3A_1359, %swap3A_1360] {strides = array<i32>} : memref<10x128xi32, #tpu.memory_space<vmem>>, vector<16xi32>,
        tpu.vector_store %arg9[%swap3A_1359, %swap3A_1360], %add3A_1357 {strides = array<i32>} : memref<10x128xi32, #tpu.memory_space<vmem>>, vector<16xi32>,
        %get3A_1362 = arith.constant 1 : i32
        %get3A_1363 = arith.index_cast %get3A_1362 : i32 to index
        %get3A_1364 = arith.constant 864 : index
        %get3A_1365 = tpu.vector_load %arg7[%get3A_1363, %get3A_1364] {strides = array<i32>} : memref<2x1280xi32, #tpu.memory_space<vmem>>, vector<16xi32>,
        %gather3A_1366 = tpu.vector_load_idx %arg6[%get3A_1365] : memref<100096xf32, #tpu.memory_space<vmem>>[vector<16xi32>], vector<16xf32>,
        %swap3A_1367 = arith.constant 6 : i32
        %swap3A_1368 = arith.index_cast %swap3A_1367 : i32 to index
        %swap3A_1369 = arith.constant 96 : index
        %swap3A_1370 = tpu.vector_load %arg10[%swap3A_1368, %swap3A_1369] {strides = array<i32>} : memref<10x128xf32, #tpu.memory_space<vmem>>, vector<16xf32>,
        tpu.vector_store %arg10[%swap3A_1368, %swap3A_1369], %gather3A_1366 {strides = array<i32>} : memref<10x128xf32, #tpu.memory_space<vmem>>, vector<16xf32>,
        %get3A_1371 = arith.constant 1 : i32
        %get3A_1372 = arith.index_cast %get3A_1371 : i32 to index
        %get3A_1373 = arith.constant 880 : index
        %get3A_1374 = tpu.vector_load %arg8[%get3A_1372, %get3A_1373] {strides = array<i32>} : memref<2x1280xi32, #tpu.memory_space<vmem>>, vector<16xi32>,
        %add3A_1375 = vector.broadcast %mul3A_64 : i32 to vector<16xi32>
        %add3A_1376 = arith.addi %get3A_1374, %add3A_1375 : vector<16xi32>
        %swap3A_1377 = arith.constant 6 : i32
        %swap3A_1378 = arith.index_cast %swap3A_1377 : i32 to index
        %swap3A_1379 = arith.constant 112 : index
        %swap3A_1380 = tpu.vector_load %arg9[%swap3A_1378, %swap3A_1379] {strides = array<i32>} : memref<10x128xi32, #tpu.memory_space<vmem>>, vector<16xi32>,
        tpu.vector_store %arg9[%swap3A_1378, %swap3A_1379], %add3A_1376 {strides = array<i32>} : memref<10x128xi32, #tpu.memory_space<vmem>>, vector<16xi32>,
        %get3A_1381 = arith.constant 1 : i32
        %get3A_1382 = arith.index_cast %get3A_1381 : i32 to index
        %get3A_1383 = arith.constant 880 : index
        %get3A_1384 = tpu.vector_load %arg7[%get3A_1382, %get3A_1383] {strides = array<i32>} : memref<2x1280xi32, #tpu.memory_space<vmem>>, vector<16xi32>,
        %gather3A_1385 = tpu.vector_load_idx %arg6[%get3A_1384] : memref<100096xf32, #tpu.memory_space<vmem>>[vector<16xi32>], vector<16xf32>,
        %swap3A_1386 = arith.constant 6 : i32
        %swap3A_1387 = arith.index_cast %swap3A_1386 : i32 to index
        %swap3A_1388 = arith.constant 112 : index
        %swap3A_1389 = tpu.vector_load %arg10[%swap3A_1387, %swap3A_1388] {strides = array<i32>} : memref<10x128xf32, #tpu.memory_space<vmem>>, vector<16xf32>,
        tpu.vector_store %arg10[%swap3A_1387, %swap3A_1388], %gather3A_1385 {strides = array<i32>} : memref<10x128xf32, #tpu.memory_space<vmem>>, vector<16xf32>,
        %dma_start3A_1390 = arith.constant 6 : i32
        %dma_start3A_1391 = arith.constant 6 : i32
        %dma_start3A_1392 = arith.constant 0 : i32
        %dma_start3A_1393 = tpu.memref_slice %arg10[%dma_start3A_1390, %dma_start3A_1392] : memref<10x128xf32, #tpu.memory_space<vmem>> -> memref<1x128xf32, #tpu.memory_space<vmem>>
        %dma_start3A_1394 = tpu.memref_squeeze %dma_start3A_1393 : memref<1x128xf32, #tpu.memory_space<vmem>> -> memref<128xf32, #tpu.memory_space<vmem>>
        %dma_start3A_1395 = arith.constant 0 : i32
        %dma_start3A_1396 = tpu.memref_slice %arg9[%dma_start3A_1391, %dma_start3A_1395] : memref<10x128xi32, #tpu.memory_space<vmem>> -> memref<1x128xi32, #tpu.memory_space<vmem>>
        %dma_start3A_1397 = tpu.memref_squeeze %dma_start3A_1396 : memref<1x128xi32, #tpu.memory_space<vmem>> -> memref<128xi32, #tpu.memory_space<vmem>>
        %dma_start3A_1398 = arith.constant 0 : i32
        %dma_start3A_1399 = tpu.memref_slice %arg11[%dma_start3A_1398] : memref<200192xf32, #tpu.memory_space<vmem_shared>> -> memref<200192xf32, #tpu.memory_space<vmem_shared>>
        tpu.enqueue_indirect_dma source(%dma_start3A_1394 : memref<128xf32, #tpu.memory_space<vmem>>) target(%dma_start3A_1399 : memref<200192xf32, #tpu.memory_space<vmem_shared>>) offsets(%dma_start3A_1397 : memref<128xi32, #tpu.memory_space<vmem>>) semaphore(%arg14 : memref<!tpu.dma_semaphore, #tpu.memory_space<semaphore_mem>>) {add = true}
        %get3A_1400 = arith.constant 1 : i32
        %get3A_1401 = arith.index_cast %get3A_1400 : i32 to index
        %get3A_1402 = arith.constant 896 : index
        %get3A_1403 = tpu.vector_load %arg8[%get3A_1401, %get3A_1402] {strides = array<i32>} : memref<2x1280xi32, #tpu.memory_space<vmem>>, vector<16xi32>,
        %add3A_1404 = vector.broadcast %mul3A_64 : i32 to vector<16xi32>
        %add3A_1405 = arith.addi %get3A_1403, %add3A_1404 : vector<16xi32>
        %swap3A_1406 = arith.constant 7 : i32
        %swap3A_1407 = arith.index_cast %swap3A_1406 : i32 to index
        %swap3A_1408 = arith.constant 0 : index
        %swap3A_1409 = tpu.vector_load %arg9[%swap3A_1407, %swap3A_1408] {strides = array<i32>} : memref<10x128xi32, #tpu.memory_space<vmem>>, vector<16xi32>,
        tpu.vector_store %arg9[%swap3A_1407, %swap3A_1408], %add3A_1405 {strides = array<i32>} : memref<10x128xi32, #tpu.memory_space<vmem>>, vector<16xi32>,
        %get3A_1410 = arith.constant 1 : i32
        %get3A_1411 = arith.index_cast %get3A_1410 : i32 to index
        %get3A_1412 = arith.constant 896 : index
        %get3A_1413 = tpu.vector_load %arg7[%get3A_1411, %get3A_1412] {strides = array<i32>} : memref<2x1280xi32, #tpu.memory_space<vmem>>, vector<16xi32>,
        %gather3A_1414 = tpu.vector_load_idx %arg6[%get3A_1413] : memref<100096xf32, #tpu.memory_space<vmem>>[vector<16xi32>], vector<16xf32>,
        %swap3A_1415 = arith.constant 7 : i32
        %swap3A_1416 = arith.index_cast %swap3A_1415 : i32 to index
        %swap3A_1417 = arith.constant 0 : index
        %swap3A_1418 = tpu.vector_load %arg10[%swap3A_1416, %swap3A_1417] {strides = array<i32>} : memref<10x128xf32, #tpu.memory_space<vmem>>, vector<16xf32>,
        tpu.vector_store %arg10[%swap3A_1416, %swap3A_1417], %gather3A_1414 {strides = array<i32>} : memref<10x128xf32, #tpu.memory_space<vmem>>, vector<16xf32>,
        %get3A_1419 = arith.constant 1 : i32
        %get3A_1420 = arith.index_cast %get3A_1419 : i32 to index
        %get3A_1421 = arith.constant 912 : index
        %get3A_1422 = tpu.vector_load %arg8[%get3A_1420, %get3A_1421] {strides = array<i32>} : memref<2x1280xi32, #tpu.memory_space<vmem>>, vector<16xi32>,
        %add3A_1423 = vector.broadcast %mul3A_64 : i32 to vector<16xi32>
        %add3A_1424 = arith.addi %get3A_1422, %add3A_1423 : vector<16xi32>
        %swap3A_1425 = arith.constant 7 : i32
        %swap3A_1426 = arith.index_cast %swap3A_1425 : i32 to index
        %swap3A_1427 = arith.constant 16 : index
        %swap3A_1428 = tpu.vector_load %arg9[%swap3A_1426, %swap3A_1427] {strides = array<i32>} : memref<10x128xi32, #tpu.memory_space<vmem>>, vector<16xi32>,
        tpu.vector_store %arg9[%swap3A_1426, %swap3A_1427], %add3A_1424 {strides = array<i32>} : memref<10x128xi32, #tpu.memory_space<vmem>>, vector<16xi32>,
        %get3A_1429 = arith.constant 1 : i32
        %get3A_1430 = arith.index_cast %get3A_1429 : i32 to index
        %get3A_1431 = arith.constant 912 : index
        %get3A_1432 = tpu.vector_load %arg7[%get3A_1430, %get3A_1431] {strides = array<i32>} : memref<2x1280xi32, #tpu.memory_space<vmem>>, vector<16xi32>,
        %gather3A_1433 = tpu.vector_load_idx %arg6[%get3A_1432] : memref<100096xf32, #tpu.memory_space<vmem>>[vector<16xi32>], vector<16xf32>,
        %swap3A_1434 = arith.constant 7 : i32
        %swap3A_1435 = arith.index_cast %swap3A_1434 : i32 to index
        %swap3A_1436 = arith.constant 16 : index
        %swap3A_1437 = tpu.vector_load %arg10[%swap3A_1435, %swap3A_1436] {strides = array<i32>} : memref<10x128xf32, #tpu.memory_space<vmem>>, vector<16xf32>,
        tpu.vector_store %arg10[%swap3A_1435, %swap3A_1436], %gather3A_1433 {strides = array<i32>} : memref<10x128xf32, #tpu.memory_space<vmem>>, vector<16xf32>,
        %get3A_1438 = arith.constant 1 : i32
        %get3A_1439 = arith.index_cast %get3A_1438 : i32 to index
        %get3A_1440 = arith.constant 928 : index
        %get3A_1441 = tpu.vector_load %arg8[%get3A_1439, %get3A_1440] {strides = array<i32>} : memref<2x1280xi32, #tpu.memory_space<vmem>>, vector<16xi32>,
        %add3A_1442 = vector.broadcast %mul3A_64 : i32 to vector<16xi32>
        %add3A_1443 = arith.addi %get3A_1441, %add3A_1442 : vector<16xi32>
        %swap3A_1444 = arith.constant 7 : i32
        %swap3A_1445 = arith.index_cast %swap3A_1444 : i32 to index
        %swap3A_1446 = arith.constant 32 : index
        %swap3A_1447 = tpu.vector_load %arg9[%swap3A_1445, %swap3A_1446] {strides = array<i32>} : memref<10x128xi32, #tpu.memory_space<vmem>>, vector<16xi32>,
        tpu.vector_store %arg9[%swap3A_1445, %swap3A_1446], %add3A_1443 {strides = array<i32>} : memref<10x128xi32, #tpu.memory_space<vmem>>, vector<16xi32>,
        %get3A_1448 = arith.constant 1 : i32
        %get3A_1449 = arith.index_cast %get3A_1448 : i32 to index
        %get3A_1450 = arith.constant 928 : index
        %get3A_1451 = tpu.vector_load %arg7[%get3A_1449, %get3A_1450] {strides = array<i32>} : memref<2x1280xi32, #tpu.memory_space<vmem>>, vector<16xi32>,
        %gather3A_1452 = tpu.vector_load_idx %arg6[%get3A_1451] : memref<100096xf32, #tpu.memory_space<vmem>>[vector<16xi32>], vector<16xf32>,
        %swap3A_1453 = arith.constant 7 : i32
        %swap3A_1454 = arith.index_cast %swap3A_1453 : i32 to index
        %swap3A_1455 = arith.constant 32 : index
        %swap3A_1456 = tpu.vector_load %arg10[%swap3A_1454, %swap3A_1455] {strides = array<i32>} : memref<10x128xf32, #tpu.memory_space<vmem>>, vector<16xf32>,
        tpu.vector_store %arg10[%swap3A_1454, %swap3A_1455], %gather3A_1452 {strides = array<i32>} : memref<10x128xf32, #tpu.memory_space<vmem>>, vector<16xf32>,
        %get3A_1457 = arith.constant 1 : i32
        %get3A_1458 = arith.index_cast %get3A_1457 : i32 to index
        %get3A_1459 = arith.constant 944 : index
        %get3A_1460 = tpu.vector_load %arg8[%get3A_1458, %get3A_1459] {strides = array<i32>} : memref<2x1280xi32, #tpu.memory_space<vmem>>, vector<16xi32>,
        %add3A_1461 = vector.broadcast %mul3A_64 : i32 to vector<16xi32>
        %add3A_1462 = arith.addi %get3A_1460, %add3A_1461 : vector<16xi32>
        %swap3A_1463 = arith.constant 7 : i32
        %swap3A_1464 = arith.index_cast %swap3A_1463 : i32 to index
        %swap3A_1465 = arith.constant 48 : index
        %swap3A_1466 = tpu.vector_load %arg9[%swap3A_1464, %swap3A_1465] {strides = array<i32>} : memref<10x128xi32, #tpu.memory_space<vmem>>, vector<16xi32>,
        tpu.vector_store %arg9[%swap3A_1464, %swap3A_1465], %add3A_1462 {strides = array<i32>} : memref<10x128xi32, #tpu.memory_space<vmem>>, vector<16xi32>,
        %get3A_1467 = arith.constant 1 : i32
        %get3A_1468 = arith.index_cast %get3A_1467 : i32 to index
        %get3A_1469 = arith.constant 944 : index
        %get3A_1470 = tpu.vector_load %arg7[%get3A_1468, %get3A_1469] {strides = array<i32>} : memref<2x1280xi32, #tpu.memory_space<vmem>>, vector<16xi32>,
        %gather3A_1471 = tpu.vector_load_idx %arg6[%get3A_1470] : memref<100096xf32, #tpu.memory_space<vmem>>[vector<16xi32>], vector<16xf32>,
        %swap3A_1472 = arith.constant 7 : i32
        %swap3A_1473 = arith.index_cast %swap3A_1472 : i32 to index
        %swap3A_1474 = arith.constant 48 : index
        %swap3A_1475 = tpu.vector_load %arg10[%swap3A_1473, %swap3A_1474] {strides = array<i32>} : memref<10x128xf32, #tpu.memory_space<vmem>>, vector<16xf32>,
        tpu.vector_store %arg10[%swap3A_1473, %swap3A_1474], %gather3A_1471 {strides = array<i32>} : memref<10x128xf32, #tpu.memory_space<vmem>>, vector<16xf32>,
        %get3A_1476 = arith.constant 1 : i32
        %get3A_1477 = arith.index_cast %get3A_1476 : i32 to index
        %get3A_1478 = arith.constant 960 : index
        %get3A_1479 = tpu.vector_load %arg8[%get3A_1477, %get3A_1478] {strides = array<i32>} : memref<2x1280xi32, #tpu.memory_space<vmem>>, vector<16xi32>,
        %add3A_1480 = vector.broadcast %mul3A_64 : i32 to vector<16xi32>
        %add3A_1481 = arith.addi %get3A_1479, %add3A_1480 : vector<16xi32>
        %swap3A_1482 = arith.constant 7 : i32
        %swap3A_1483 = arith.index_cast %swap3A_1482 : i32 to index
        %swap3A_1484 = arith.constant 64 : index
        %swap3A_1485 = tpu.vector_load %arg9[%swap3A_1483, %swap3A_1484] {strides = array<i32>} : memref<10x128xi32, #tpu.memory_space<vmem>>, vector<16xi32>,
        tpu.vector_store %arg9[%swap3A_1483, %swap3A_1484], %add3A_1481 {strides = array<i32>} : memref<10x128xi32, #tpu.memory_space<vmem>>, vector<16xi32>,
        %get3A_1486 = arith.constant 1 : i32
        %get3A_1487 = arith.index_cast %get3A_1486 : i32 to index
        %get3A_1488 = arith.constant 960 : index
        %get3A_1489 = tpu.vector_load %arg7[%get3A_1487, %get3A_1488] {strides = array<i32>} : memref<2x1280xi32, #tpu.memory_space<vmem>>, vector<16xi32>,
        %gather3A_1490 = tpu.vector_load_idx %arg6[%get3A_1489] : memref<100096xf32, #tpu.memory_space<vmem>>[vector<16xi32>], vector<16xf32>,
        %swap3A_1491 = arith.constant 7 : i32
        %swap3A_1492 = arith.index_cast %swap3A_1491 : i32 to index
        %swap3A_1493 = arith.constant 64 : index
        %swap3A_1494 = tpu.vector_load %arg10[%swap3A_1492, %swap3A_1493] {strides = array<i32>} : memref<10x128xf32, #tpu.memory_space<vmem>>, vector<16xf32>,
        tpu.vector_store %arg10[%swap3A_1492, %swap3A_1493], %gather3A_1490 {strides = array<i32>} : memref<10x128xf32, #tpu.memory_space<vmem>>, vector<16xf32>,
        %get3A_1495 = arith.constant 1 : i32
        %get3A_1496 = arith.index_cast %get3A_1495 : i32 to index
        %get3A_1497 = arith.constant 976 : index
        %get3A_1498 = tpu.vector_load %arg8[%get3A_1496, %get3A_1497] {strides = array<i32>} : memref<2x1280xi32, #tpu.memory_space<vmem>>, vector<16xi32>,
        %add3A_1499 = vector.broadcast %mul3A_64 : i32 to vector<16xi32>
        %add3A_1500 = arith.addi %get3A_1498, %add3A_1499 : vector<16xi32>
        %swap3A_1501 = arith.constant 7 : i32
        %swap3A_1502 = arith.index_cast %swap3A_1501 : i32 to index
        %swap3A_1503 = arith.constant 80 : index
        %swap3A_1504 = tpu.vector_load %arg9[%swap3A_1502, %swap3A_1503] {strides = array<i32>} : memref<10x128xi32, #tpu.memory_space<vmem>>, vector<16xi32>,
        tpu.vector_store %arg9[%swap3A_1502, %swap3A_1503], %add3A_1500 {strides = array<i32>} : memref<10x128xi32, #tpu.memory_space<vmem>>, vector<16xi32>,
        %get3A_1505 = arith.constant 1 : i32
        %get3A_1506 = arith.index_cast %get3A_1505 : i32 to index
        %get3A_1507 = arith.constant 976 : index
        %get3A_1508 = tpu.vector_load %arg7[%get3A_1506, %get3A_1507] {strides = array<i32>} : memref<2x1280xi32, #tpu.memory_space<vmem>>, vector<16xi32>,
        %gather3A_1509 = tpu.vector_load_idx %arg6[%get3A_1508] : memref<100096xf32, #tpu.memory_space<vmem>>[vector<16xi32>], vector<16xf32>,
        %swap3A_1510 = arith.constant 7 : i32
        %swap3A_1511 = arith.index_cast %swap3A_1510 : i32 to index
        %swap3A_1512 = arith.constant 80 : index
        %swap3A_1513 = tpu.vector_load %arg10[%swap3A_1511, %swap3A_1512] {strides = array<i32>} : memref<10x128xf32, #tpu.memory_space<vmem>>, vector<16xf32>,
        tpu.vector_store %arg10[%swap3A_1511, %swap3A_1512], %gather3A_1509 {strides = array<i32>} : memref<10x128xf32, #tpu.memory_space<vmem>>, vector<16xf32>,
        %get3A_1514 = arith.constant 1 : i32
        %get3A_1515 = arith.index_cast %get3A_1514 : i32 to index
        %get3A_1516 = arith.constant 992 : index
        %get3A_1517 = tpu.vector_load %arg8[%get3A_1515, %get3A_1516] {strides = array<i32>} : memref<2x1280xi32, #tpu.memory_space<vmem>>, vector<16xi32>,
        %add3A_1518 = vector.broadcast %mul3A_64 : i32 to vector<16xi32>
        %add3A_1519 = arith.addi %get3A_1517, %add3A_1518 : vector<16xi32>
        %swap3A_1520 = arith.constant 7 : i32
        %swap3A_1521 = arith.index_cast %swap3A_1520 : i32 to index
        %swap3A_1522 = arith.constant 96 : index
        %swap3A_1523 = tpu.vector_load %arg9[%swap3A_1521, %swap3A_1522] {strides = array<i32>} : memref<10x128xi32, #tpu.memory_space<vmem>>, vector<16xi32>,
        tpu.vector_store %arg9[%swap3A_1521, %swap3A_1522], %add3A_1519 {strides = array<i32>} : memref<10x128xi32, #tpu.memory_space<vmem>>, vector<16xi32>,
        %get3A_1524 = arith.constant 1 : i32
        %get3A_1525 = arith.index_cast %get3A_1524 : i32 to index
        %get3A_1526 = arith.constant 992 : index
        %get3A_1527 = tpu.vector_load %arg7[%get3A_1525, %get3A_1526] {strides = array<i32>} : memref<2x1280xi32, #tpu.memory_space<vmem>>, vector<16xi32>,
        %gather3A_1528 = tpu.vector_load_idx %arg6[%get3A_1527] : memref<100096xf32, #tpu.memory_space<vmem>>[vector<16xi32>], vector<16xf32>,
        %swap3A_1529 = arith.constant 7 : i32
        %swap3A_1530 = arith.index_cast %swap3A_1529 : i32 to index
        %swap3A_1531 = arith.constant 96 : index
        %swap3A_1532 = tpu.vector_load %arg10[%swap3A_1530, %swap3A_1531] {strides = array<i32>} : memref<10x128xf32, #tpu.memory_space<vmem>>, vector<16xf32>,
        tpu.vector_store %arg10[%swap3A_1530, %swap3A_1531], %gather3A_1528 {strides = array<i32>} : memref<10x128xf32, #tpu.memory_space<vmem>>, vector<16xf32>,
        %get3A_1533 = arith.constant 1 : i32
        %get3A_1534 = arith.index_cast %get3A_1533 : i32 to index
        %get3A_1535 = arith.constant 1008 : index
        %get3A_1536 = tpu.vector_load %arg8[%get3A_1534, %get3A_1535] {strides = array<i32>} : memref<2x1280xi32, #tpu.memory_space<vmem>>, vector<16xi32>,
        %add3A_1537 = vector.broadcast %mul3A_64 : i32 to vector<16xi32>
        %add3A_1538 = arith.addi %get3A_1536, %add3A_1537 : vector<16xi32>
        %swap3A_1539 = arith.constant 7 : i32
        %swap3A_1540 = arith.index_cast %swap3A_1539 : i32 to index
        %swap3A_1541 = arith.constant 112 : index
        %swap3A_1542 = tpu.vector_load %arg9[%swap3A_1540, %swap3A_1541] {strides = array<i32>} : memref<10x128xi32, #tpu.memory_space<vmem>>, vector<16xi32>,
        tpu.vector_store %arg9[%swap3A_1540, %swap3A_1541], %add3A_1538 {strides = array<i32>} : memref<10x128xi32, #tpu.memory_space<vmem>>, vector<16xi32>,
        %get3A_1543 = arith.constant 1 : i32
        %get3A_1544 = arith.index_cast %get3A_1543 : i32 to index
        %get3A_1545 = arith.constant 1008 : index
        %get3A_1546 = tpu.vector_load %arg7[%get3A_1544, %get3A_1545] {strides = array<i32>} : memref<2x1280xi32, #tpu.memory_space<vmem>>, vector<16xi32>,
        %gather3A_1547 = tpu.vector_load_idx %arg6[%get3A_1546] : memref<100096xf32, #tpu.memory_space<vmem>>[vector<16xi32>], vector<16xf32>,
        %swap3A_1548 = arith.constant 7 : i32
        %swap3A_1549 = arith.index_cast %swap3A_1548 : i32 to index
        %swap3A_1550 = arith.constant 112 : index
        %swap3A_1551 = tpu.vector_load %arg10[%swap3A_1549, %swap3A_1550] {strides = array<i32>} : memref<10x128xf32, #tpu.memory_space<vmem>>, vector<16xf32>,
        tpu.vector_store %arg10[%swap3A_1549, %swap3A_1550], %gather3A_1547 {strides = array<i32>} : memref<10x128xf32, #tpu.memory_space<vmem>>, vector<16xf32>,
        %dma_start3A_1552 = arith.constant 7 : i32
        %dma_start3A_1553 = arith.constant 7 : i32
        %dma_start3A_1554 = arith.constant 0 : i32
        %dma_start3A_1555 = tpu.memref_slice %arg10[%dma_start3A_1552, %dma_start3A_1554] : memref<10x128xf32, #tpu.memory_space<vmem>> -> memref<1x128xf32, #tpu.memory_space<vmem>>
        %dma_start3A_1556 = tpu.memref_squeeze %dma_start3A_1555 : memref<1x128xf32, #tpu.memory_space<vmem>> -> memref<128xf32, #tpu.memory_space<vmem>>
        %dma_start3A_1557 = arith.constant 0 : i32
        %dma_start3A_1558 = tpu.memref_slice %arg9[%dma_start3A_1553, %dma_start3A_1557] : memref<10x128xi32, #tpu.memory_space<vmem>> -> memref<1x128xi32, #tpu.memory_space<vmem>>
        %dma_start3A_1559 = tpu.memref_squeeze %dma_start3A_1558 : memref<1x128xi32, #tpu.memory_space<vmem>> -> memref<128xi32, #tpu.memory_space<vmem>>
        %dma_start3A_1560 = arith.constant 0 : i32
        %dma_start3A_1561 = tpu.memref_slice %arg11[%dma_start3A_1560] : memref<200192xf32, #tpu.memory_space<vmem_shared>> -> memref<200192xf32, #tpu.memory_space<vmem_shared>>
        tpu.enqueue_indirect_dma source(%dma_start3A_1556 : memref<128xf32, #tpu.memory_space<vmem>>) target(%dma_start3A_1561 : memref<200192xf32, #tpu.memory_space<vmem_shared>>) offsets(%dma_start3A_1559 : memref<128xi32, #tpu.memory_space<vmem>>) semaphore(%arg14 : memref<!tpu.dma_semaphore, #tpu.memory_space<semaphore_mem>>) {add = true}
        %get3A_1562 = arith.constant 1 : i32
        %get3A_1563 = arith.index_cast %get3A_1562 : i32 to index
        %get3A_1564 = arith.constant 1024 : index
        %get3A_1565 = tpu.vector_load %arg8[%get3A_1563, %get3A_1564] {strides = array<i32>} : memref<2x1280xi32, #tpu.memory_space<vmem>>, vector<16xi32>,
        %add3A_1566 = vector.broadcast %mul3A_64 : i32 to vector<16xi32>
        %add3A_1567 = arith.addi %get3A_1565, %add3A_1566 : vector<16xi32>
        %swap3A_1568 = arith.constant 8 : i32
        %swap3A_1569 = arith.index_cast %swap3A_1568 : i32 to index
        %swap3A_1570 = arith.constant 0 : index
        %swap3A_1571 = tpu.vector_load %arg9[%swap3A_1569, %swap3A_1570] {strides = array<i32>} : memref<10x128xi32, #tpu.memory_space<vmem>>, vector<16xi32>,
        tpu.vector_store %arg9[%swap3A_1569, %swap3A_1570], %add3A_1567 {strides = array<i32>} : memref<10x128xi32, #tpu.memory_space<vmem>>, vector<16xi32>,
        %get3A_1572 = arith.constant 1 : i32
        %get3A_1573 = arith.index_cast %get3A_1572 : i32 to index
        %get3A_1574 = arith.constant 1024 : index
        %get3A_1575 = tpu.vector_load %arg7[%get3A_1573, %get3A_1574] {strides = array<i32>} : memref<2x1280xi32, #tpu.memory_space<vmem>>, vector<16xi32>,
        %gather3A_1576 = tpu.vector_load_idx %arg6[%get3A_1575] : memref<100096xf32, #tpu.memory_space<vmem>>[vector<16xi32>], vector<16xf32>,
        %swap3A_1577 = arith.constant 8 : i32
        %swap3A_1578 = arith.index_cast %swap3A_1577 : i32 to index
        %swap3A_1579 = arith.constant 0 : index
        %swap3A_1580 = tpu.vector_load %arg10[%swap3A_1578, %swap3A_1579] {strides = array<i32>} : memref<10x128xf32, #tpu.memory_space<vmem>>, vector<16xf32>,
        tpu.vector_store %arg10[%swap3A_1578, %swap3A_1579], %gather3A_1576 {strides = array<i32>} : memref<10x128xf32, #tpu.memory_space<vmem>>, vector<16xf32>,
        %get3A_1581 = arith.constant 1 : i32
        %get3A_1582 = arith.index_cast %get3A_1581 : i32 to index
        %get3A_1583 = arith.constant 1040 : index
        %get3A_1584 = tpu.vector_load %arg8[%get3A_1582, %get3A_1583] {strides = array<i32>} : memref<2x1280xi32, #tpu.memory_space<vmem>>, vector<16xi32>,
        %add3A_1585 = vector.broadcast %mul3A_64 : i32 to vector<16xi32>
        %add3A_1586 = arith.addi %get3A_1584, %add3A_1585 : vector<16xi32>
        %swap3A_1587 = arith.constant 8 : i32
        %swap3A_1588 = arith.index_cast %swap3A_1587 : i32 to index
        %swap3A_1589 = arith.constant 16 : index
        %swap3A_1590 = tpu.vector_load %arg9[%swap3A_1588, %swap3A_1589] {strides = array<i32>} : memref<10x128xi32, #tpu.memory_space<vmem>>, vector<16xi32>,
        tpu.vector_store %arg9[%swap3A_1588, %swap3A_1589], %add3A_1586 {strides = array<i32>} : memref<10x128xi32, #tpu.memory_space<vmem>>, vector<16xi32>,
        %get3A_1591 = arith.constant 1 : i32
        %get3A_1592 = arith.index_cast %get3A_1591 : i32 to index
        %get3A_1593 = arith.constant 1040 : index
        %get3A_1594 = tpu.vector_load %arg7[%get3A_1592, %get3A_1593] {strides = array<i32>} : memref<2x1280xi32, #tpu.memory_space<vmem>>, vector<16xi32>,
        %gather3A_1595 = tpu.vector_load_idx %arg6[%get3A_1594] : memref<100096xf32, #tpu.memory_space<vmem>>[vector<16xi32>], vector<16xf32>,
        %swap3A_1596 = arith.constant 8 : i32
        %swap3A_1597 = arith.index_cast %swap3A_1596 : i32 to index
        %swap3A_1598 = arith.constant 16 : index
        %swap3A_1599 = tpu.vector_load %arg10[%swap3A_1597, %swap3A_1598] {strides = array<i32>} : memref<10x128xf32, #tpu.memory_space<vmem>>, vector<16xf32>,
        tpu.vector_store %arg10[%swap3A_1597, %swap3A_1598], %gather3A_1595 {strides = array<i32>} : memref<10x128xf32, #tpu.memory_space<vmem>>, vector<16xf32>,
        %get3A_1600 = arith.constant 1 : i32
        %get3A_1601 = arith.index_cast %get3A_1600 : i32 to index
        %get3A_1602 = arith.constant 1056 : index
        %get3A_1603 = tpu.vector_load %arg8[%get3A_1601, %get3A_1602] {strides = array<i32>} : memref<2x1280xi32, #tpu.memory_space<vmem>>, vector<16xi32>,
        %add3A_1604 = vector.broadcast %mul3A_64 : i32 to vector<16xi32>
        %add3A_1605 = arith.addi %get3A_1603, %add3A_1604 : vector<16xi32>
        %swap3A_1606 = arith.constant 8 : i32
        %swap3A_1607 = arith.index_cast %swap3A_1606 : i32 to index
        %swap3A_1608 = arith.constant 32 : index
        %swap3A_1609 = tpu.vector_load %arg9[%swap3A_1607, %swap3A_1608] {strides = array<i32>} : memref<10x128xi32, #tpu.memory_space<vmem>>, vector<16xi32>,
        tpu.vector_store %arg9[%swap3A_1607, %swap3A_1608], %add3A_1605 {strides = array<i32>} : memref<10x128xi32, #tpu.memory_space<vmem>>, vector<16xi32>,
        %get3A_1610 = arith.constant 1 : i32
        %get3A_1611 = arith.index_cast %get3A_1610 : i32 to index
        %get3A_1612 = arith.constant 1056 : index
        %get3A_1613 = tpu.vector_load %arg7[%get3A_1611, %get3A_1612] {strides = array<i32>} : memref<2x1280xi32, #tpu.memory_space<vmem>>, vector<16xi32>,
        %gather3A_1614 = tpu.vector_load_idx %arg6[%get3A_1613] : memref<100096xf32, #tpu.memory_space<vmem>>[vector<16xi32>], vector<16xf32>,
        %swap3A_1615 = arith.constant 8 : i32
        %swap3A_1616 = arith.index_cast %swap3A_1615 : i32 to index
        %swap3A_1617 = arith.constant 32 : index
        %swap3A_1618 = tpu.vector_load %arg10[%swap3A_1616, %swap3A_1617] {strides = array<i32>} : memref<10x128xf32, #tpu.memory_space<vmem>>, vector<16xf32>,
        tpu.vector_store %arg10[%swap3A_1616, %swap3A_1617], %gather3A_1614 {strides = array<i32>} : memref<10x128xf32, #tpu.memory_space<vmem>>, vector<16xf32>,
        %get3A_1619 = arith.constant 1 : i32
        %get3A_1620 = arith.index_cast %get3A_1619 : i32 to index
        %get3A_1621 = arith.constant 1072 : index
        %get3A_1622 = tpu.vector_load %arg8[%get3A_1620, %get3A_1621] {strides = array<i32>} : memref<2x1280xi32, #tpu.memory_space<vmem>>, vector<16xi32>,
        %add3A_1623 = vector.broadcast %mul3A_64 : i32 to vector<16xi32>
        %add3A_1624 = arith.addi %get3A_1622, %add3A_1623 : vector<16xi32>
        %swap3A_1625 = arith.constant 8 : i32
        %swap3A_1626 = arith.index_cast %swap3A_1625 : i32 to index
        %swap3A_1627 = arith.constant 48 : index
        %swap3A_1628 = tpu.vector_load %arg9[%swap3A_1626, %swap3A_1627] {strides = array<i32>} : memref<10x128xi32, #tpu.memory_space<vmem>>, vector<16xi32>,
        tpu.vector_store %arg9[%swap3A_1626, %swap3A_1627], %add3A_1624 {strides = array<i32>} : memref<10x128xi32, #tpu.memory_space<vmem>>, vector<16xi32>,
        %get3A_1629 = arith.constant 1 : i32
        %get3A_1630 = arith.index_cast %get3A_1629 : i32 to index
        %get3A_1631 = arith.constant 1072 : index
        %get3A_1632 = tpu.vector_load %arg7[%get3A_1630, %get3A_1631] {strides = array<i32>} : memref<2x1280xi32, #tpu.memory_space<vmem>>, vector<16xi32>,
        %gather3A_1633 = tpu.vector_load_idx %arg6[%get3A_1632] : memref<100096xf32, #tpu.memory_space<vmem>>[vector<16xi32>], vector<16xf32>,
        %swap3A_1634 = arith.constant 8 : i32
        %swap3A_1635 = arith.index_cast %swap3A_1634 : i32 to index
        %swap3A_1636 = arith.constant 48 : index
        %swap3A_1637 = tpu.vector_load %arg10[%swap3A_1635, %swap3A_1636] {strides = array<i32>} : memref<10x128xf32, #tpu.memory_space<vmem>>, vector<16xf32>,
        tpu.vector_store %arg10[%swap3A_1635, %swap3A_1636], %gather3A_1633 {strides = array<i32>} : memref<10x128xf32, #tpu.memory_space<vmem>>, vector<16xf32>,
        %get3A_1638 = arith.constant 1 : i32
        %get3A_1639 = arith.index_cast %get3A_1638 : i32 to index
        %get3A_1640 = arith.constant 1088 : index
        %get3A_1641 = tpu.vector_load %arg8[%get3A_1639, %get3A_1640] {strides = array<i32>} : memref<2x1280xi32, #tpu.memory_space<vmem>>, vector<16xi32>,
        %add3A_1642 = vector.broadcast %mul3A_64 : i32 to vector<16xi32>
        %add3A_1643 = arith.addi %get3A_1641, %add3A_1642 : vector<16xi32>
        %swap3A_1644 = arith.constant 8 : i32
        %swap3A_1645 = arith.index_cast %swap3A_1644 : i32 to index
        %swap3A_1646 = arith.constant 64 : index
        %swap3A_1647 = tpu.vector_load %arg9[%swap3A_1645, %swap3A_1646] {strides = array<i32>} : memref<10x128xi32, #tpu.memory_space<vmem>>, vector<16xi32>,
        tpu.vector_store %arg9[%swap3A_1645, %swap3A_1646], %add3A_1643 {strides = array<i32>} : memref<10x128xi32, #tpu.memory_space<vmem>>, vector<16xi32>,
        %get3A_1648 = arith.constant 1 : i32
        %get3A_1649 = arith.index_cast %get3A_1648 : i32 to index
        %get3A_1650 = arith.constant 1088 : index
        %get3A_1651 = tpu.vector_load %arg7[%get3A_1649, %get3A_1650] {strides = array<i32>} : memref<2x1280xi32, #tpu.memory_space<vmem>>, vector<16xi32>,
        %gather3A_1652 = tpu.vector_load_idx %arg6[%get3A_1651] : memref<100096xf32, #tpu.memory_space<vmem>>[vector<16xi32>], vector<16xf32>,
        %swap3A_1653 = arith.constant 8 : i32
        %swap3A_1654 = arith.index_cast %swap3A_1653 : i32 to index
        %swap3A_1655 = arith.constant 64 : index
        %swap3A_1656 = tpu.vector_load %arg10[%swap3A_1654, %swap3A_1655] {strides = array<i32>} : memref<10x128xf32, #tpu.memory_space<vmem>>, vector<16xf32>,
        tpu.vector_store %arg10[%swap3A_1654, %swap3A_1655], %gather3A_1652 {strides = array<i32>} : memref<10x128xf32, #tpu.memory_space<vmem>>, vector<16xf32>,
        %get3A_1657 = arith.constant 1 : i32
        %get3A_1658 = arith.index_cast %get3A_1657 : i32 to index
        %get3A_1659 = arith.constant 1104 : index
        %get3A_1660 = tpu.vector_load %arg8[%get3A_1658, %get3A_1659] {strides = array<i32>} : memref<2x1280xi32, #tpu.memory_space<vmem>>, vector<16xi32>,
        %add3A_1661 = vector.broadcast %mul3A_64 : i32 to vector<16xi32>
        %add3A_1662 = arith.addi %get3A_1660, %add3A_1661 : vector<16xi32>
        %swap3A_1663 = arith.constant 8 : i32
        %swap3A_1664 = arith.index_cast %swap3A_1663 : i32 to index
        %swap3A_1665 = arith.constant 80 : index
        %swap3A_1666 = tpu.vector_load %arg9[%swap3A_1664, %swap3A_1665] {strides = array<i32>} : memref<10x128xi32, #tpu.memory_space<vmem>>, vector<16xi32>,
        tpu.vector_store %arg9[%swap3A_1664, %swap3A_1665], %add3A_1662 {strides = array<i32>} : memref<10x128xi32, #tpu.memory_space<vmem>>, vector<16xi32>,
        %get3A_1667 = arith.constant 1 : i32
        %get3A_1668 = arith.index_cast %get3A_1667 : i32 to index
        %get3A_1669 = arith.constant 1104 : index
        %get3A_1670 = tpu.vector_load %arg7[%get3A_1668, %get3A_1669] {strides = array<i32>} : memref<2x1280xi32, #tpu.memory_space<vmem>>, vector<16xi32>,
        %gather3A_1671 = tpu.vector_load_idx %arg6[%get3A_1670] : memref<100096xf32, #tpu.memory_space<vmem>>[vector<16xi32>], vector<16xf32>,
        %swap3A_1672 = arith.constant 8 : i32
        %swap3A_1673 = arith.index_cast %swap3A_1672 : i32 to index
        %swap3A_1674 = arith.constant 80 : index
        %swap3A_1675 = tpu.vector_load %arg10[%swap3A_1673, %swap3A_1674] {strides = array<i32>} : memref<10x128xf32, #tpu.memory_space<vmem>>, vector<16xf32>,
        tpu.vector_store %arg10[%swap3A_1673, %swap3A_1674], %gather3A_1671 {strides = array<i32>} : memref<10x128xf32, #tpu.memory_space<vmem>>, vector<16xf32>,
        %get3A_1676 = arith.constant 1 : i32
        %get3A_1677 = arith.index_cast %get3A_1676 : i32 to index
        %get3A_1678 = arith.constant 1120 : index
        %get3A_1679 = tpu.vector_load %arg8[%get3A_1677, %get3A_1678] {strides = array<i32>} : memref<2x1280xi32, #tpu.memory_space<vmem>>, vector<16xi32>,
        %add3A_1680 = vector.broadcast %mul3A_64 : i32 to vector<16xi32>
        %add3A_1681 = arith.addi %get3A_1679, %add3A_1680 : vector<16xi32>
        %swap3A_1682 = arith.constant 8 : i32
        %swap3A_1683 = arith.index_cast %swap3A_1682 : i32 to index
        %swap3A_1684 = arith.constant 96 : index
        %swap3A_1685 = tpu.vector_load %arg9[%swap3A_1683, %swap3A_1684] {strides = array<i32>} : memref<10x128xi32, #tpu.memory_space<vmem>>, vector<16xi32>,
        tpu.vector_store %arg9[%swap3A_1683, %swap3A_1684], %add3A_1681 {strides = array<i32>} : memref<10x128xi32, #tpu.memory_space<vmem>>, vector<16xi32>,
        %get3A_1686 = arith.constant 1 : i32
        %get3A_1687 = arith.index_cast %get3A_1686 : i32 to index
        %get3A_1688 = arith.constant 1120 : index
        %get3A_1689 = tpu.vector_load %arg7[%get3A_1687, %get3A_1688] {strides = array<i32>} : memref<2x1280xi32, #tpu.memory_space<vmem>>, vector<16xi32>,
        %gather3A_1690 = tpu.vector_load_idx %arg6[%get3A_1689] : memref<100096xf32, #tpu.memory_space<vmem>>[vector<16xi32>], vector<16xf32>,
        %swap3A_1691 = arith.constant 8 : i32
        %swap3A_1692 = arith.index_cast %swap3A_1691 : i32 to index
        %swap3A_1693 = arith.constant 96 : index
        %swap3A_1694 = tpu.vector_load %arg10[%swap3A_1692, %swap3A_1693] {strides = array<i32>} : memref<10x128xf32, #tpu.memory_space<vmem>>, vector<16xf32>,
        tpu.vector_store %arg10[%swap3A_1692, %swap3A_1693], %gather3A_1690 {strides = array<i32>} : memref<10x128xf32, #tpu.memory_space<vmem>>, vector<16xf32>,
        %get3A_1695 = arith.constant 1 : i32
        %get3A_1696 = arith.index_cast %get3A_1695 : i32 to index
        %get3A_1697 = arith.constant 1136 : index
        %get3A_1698 = tpu.vector_load %arg8[%get3A_1696, %get3A_1697] {strides = array<i32>} : memref<2x1280xi32, #tpu.memory_space<vmem>>, vector<16xi32>,
        %add3A_1699 = vector.broadcast %mul3A_64 : i32 to vector<16xi32>
        %add3A_1700 = arith.addi %get3A_1698, %add3A_1699 : vector<16xi32>
        %swap3A_1701 = arith.constant 8 : i32
        %swap3A_1702 = arith.index_cast %swap3A_1701 : i32 to index
        %swap3A_1703 = arith.constant 112 : index
        %swap3A_1704 = tpu.vector_load %arg9[%swap3A_1702, %swap3A_1703] {strides = array<i32>} : memref<10x128xi32, #tpu.memory_space<vmem>>, vector<16xi32>,
        tpu.vector_store %arg9[%swap3A_1702, %swap3A_1703], %add3A_1700 {strides = array<i32>} : memref<10x128xi32, #tpu.memory_space<vmem>>, vector<16xi32>,
        %get3A_1705 = arith.constant 1 : i32
        %get3A_1706 = arith.index_cast %get3A_1705 : i32 to index
        %get3A_1707 = arith.constant 1136 : index
        %get3A_1708 = tpu.vector_load %arg7[%get3A_1706, %get3A_1707] {strides = array<i32>} : memref<2x1280xi32, #tpu.memory_space<vmem>>, vector<16xi32>,
        %gather3A_1709 = tpu.vector_load_idx %arg6[%get3A_1708] : memref<100096xf32, #tpu.memory_space<vmem>>[vector<16xi32>], vector<16xf32>,
        %swap3A_1710 = arith.constant 8 : i32
        %swap3A_1711 = arith.index_cast %swap3A_1710 : i32 to index
        %swap3A_1712 = arith.constant 112 : index
        %swap3A_1713 = tpu.vector_load %arg10[%swap3A_1711, %swap3A_1712] {strides = array<i32>} : memref<10x128xf32, #tpu.memory_space<vmem>>, vector<16xf32>,
        tpu.vector_store %arg10[%swap3A_1711, %swap3A_1712], %gather3A_1709 {strides = array<i32>} : memref<10x128xf32, #tpu.memory_space<vmem>>, vector<16xf32>,
        %dma_start3A_1714 = arith.constant 8 : i32
        %dma_start3A_1715 = arith.constant 8 : i32
        %dma_start3A_1716 = arith.constant 0 : i32
        %dma_start3A_1717 = tpu.memref_slice %arg10[%dma_start3A_1714, %dma_start3A_1716] : memref<10x128xf32, #tpu.memory_space<vmem>> -> memref<1x128xf32, #tpu.memory_space<vmem>>
        %dma_start3A_1718 = tpu.memref_squeeze %dma_start3A_1717 : memref<1x128xf32, #tpu.memory_space<vmem>> -> memref<128xf32, #tpu.memory_space<vmem>>
        %dma_start3A_1719 = arith.constant 0 : i32
        %dma_start3A_1720 = tpu.memref_slice %arg9[%dma_start3A_1715, %dma_start3A_1719] : memref<10x128xi32, #tpu.memory_space<vmem>> -> memref<1x128xi32, #tpu.memory_space<vmem>>
        %dma_start3A_1721 = tpu.memref_squeeze %dma_start3A_1720 : memref<1x128xi32, #tpu.memory_space<vmem>> -> memref<128xi32, #tpu.memory_space<vmem>>
        %dma_start3A_1722 = arith.constant 0 : i32
        %dma_start3A_1723 = tpu.memref_slice %arg11[%dma_start3A_1722] : memref<200192xf32, #tpu.memory_space<vmem_shared>> -> memref<200192xf32, #tpu.memory_space<vmem_shared>>
        tpu.enqueue_indirect_dma source(%dma_start3A_1718 : memref<128xf32, #tpu.memory_space<vmem>>) target(%dma_start3A_1723 : memref<200192xf32, #tpu.memory_space<vmem_shared>>) offsets(%dma_start3A_1721 : memref<128xi32, #tpu.memory_space<vmem>>) semaphore(%arg14 : memref<!tpu.dma_semaphore, #tpu.memory_space<semaphore_mem>>) {add = true}
        %get3A_1724 = arith.constant 1 : i32
        %get3A_1725 = arith.index_cast %get3A_1724 : i32 to index
        %get3A_1726 = arith.constant 1152 : index
        %get3A_1727 = tpu.vector_load %arg8[%get3A_1725, %get3A_1726] {strides = array<i32>} : memref<2x1280xi32, #tpu.memory_space<vmem>>, vector<16xi32>,
        %add3A_1728 = vector.broadcast %mul3A_64 : i32 to vector<16xi32>
        %add3A_1729 = arith.addi %get3A_1727, %add3A_1728 : vector<16xi32>
        %swap3A_1730 = arith.constant 9 : i32
        %swap3A_1731 = arith.index_cast %swap3A_1730 : i32 to index
        %swap3A_1732 = arith.constant 0 : index
        %swap3A_1733 = tpu.vector_load %arg9[%swap3A_1731, %swap3A_1732] {strides = array<i32>} : memref<10x128xi32, #tpu.memory_space<vmem>>, vector<16xi32>,
        tpu.vector_store %arg9[%swap3A_1731, %swap3A_1732], %add3A_1729 {strides = array<i32>} : memref<10x128xi32, #tpu.memory_space<vmem>>, vector<16xi32>,
        %get3A_1734 = arith.constant 1 : i32
        %get3A_1735 = arith.index_cast %get3A_1734 : i32 to index
        %get3A_1736 = arith.constant 1152 : index
        %get3A_1737 = tpu.vector_load %arg7[%get3A_1735, %get3A_1736] {strides = array<i32>} : memref<2x1280xi32, #tpu.memory_space<vmem>>, vector<16xi32>,
        %gather3A_1738 = tpu.vector_load_idx %arg6[%get3A_1737] : memref<100096xf32, #tpu.memory_space<vmem>>[vector<16xi32>], vector<16xf32>,
        %swap3A_1739 = arith.constant 9 : i32
        %swap3A_1740 = arith.index_cast %swap3A_1739 : i32 to index
        %swap3A_1741 = arith.constant 0 : index
        %swap3A_1742 = tpu.vector_load %arg10[%swap3A_1740, %swap3A_1741] {strides = array<i32>} : memref<10x128xf32, #tpu.memory_space<vmem>>, vector<16xf32>,
        tpu.vector_store %arg10[%swap3A_1740, %swap3A_1741], %gather3A_1738 {strides = array<i32>} : memref<10x128xf32, #tpu.memory_space<vmem>>, vector<16xf32>,
        %get3A_1743 = arith.constant 1 : i32
        %get3A_1744 = arith.index_cast %get3A_1743 : i32 to index
        %get3A_1745 = arith.constant 1168 : index
        %get3A_1746 = tpu.vector_load %arg8[%get3A_1744, %get3A_1745] {strides = array<i32>} : memref<2x1280xi32, #tpu.memory_space<vmem>>, vector<16xi32>,
        %add3A_1747 = vector.broadcast %mul3A_64 : i32 to vector<16xi32>
        %add3A_1748 = arith.addi %get3A_1746, %add3A_1747 : vector<16xi32>
        %swap3A_1749 = arith.constant 9 : i32
        %swap3A_1750 = arith.index_cast %swap3A_1749 : i32 to index
        %swap3A_1751 = arith.constant 16 : index
        %swap3A_1752 = tpu.vector_load %arg9[%swap3A_1750, %swap3A_1751] {strides = array<i32>} : memref<10x128xi32, #tpu.memory_space<vmem>>, vector<16xi32>,
        tpu.vector_store %arg9[%swap3A_1750, %swap3A_1751], %add3A_1748 {strides = array<i32>} : memref<10x128xi32, #tpu.memory_space<vmem>>, vector<16xi32>,
        %get3A_1753 = arith.constant 1 : i32
        %get3A_1754 = arith.index_cast %get3A_1753 : i32 to index
        %get3A_1755 = arith.constant 1168 : index
        %get3A_1756 = tpu.vector_load %arg7[%get3A_1754, %get3A_1755] {strides = array<i32>} : memref<2x1280xi32, #tpu.memory_space<vmem>>, vector<16xi32>,
        %gather3A_1757 = tpu.vector_load_idx %arg6[%get3A_1756] : memref<100096xf32, #tpu.memory_space<vmem>>[vector<16xi32>], vector<16xf32>,
        %swap3A_1758 = arith.constant 9 : i32
        %swap3A_1759 = arith.index_cast %swap3A_1758 : i32 to index
        %swap3A_1760 = arith.constant 16 : index
        %swap3A_1761 = tpu.vector_load %arg10[%swap3A_1759, %swap3A_1760] {strides = array<i32>} : memref<10x128xf32, #tpu.memory_space<vmem>>, vector<16xf32>,
        tpu.vector_store %arg10[%swap3A_1759, %swap3A_1760], %gather3A_1757 {strides = array<i32>} : memref<10x128xf32, #tpu.memory_space<vmem>>, vector<16xf32>,
        %get3A_1762 = arith.constant 1 : i32
        %get3A_1763 = arith.index_cast %get3A_1762 : i32 to index
        %get3A_1764 = arith.constant 1184 : index
        %get3A_1765 = tpu.vector_load %arg8[%get3A_1763, %get3A_1764] {strides = array<i32>} : memref<2x1280xi32, #tpu.memory_space<vmem>>, vector<16xi32>,
        %add3A_1766 = vector.broadcast %mul3A_64 : i32 to vector<16xi32>
        %add3A_1767 = arith.addi %get3A_1765, %add3A_1766 : vector<16xi32>
        %swap3A_1768 = arith.constant 9 : i32
        %swap3A_1769 = arith.index_cast %swap3A_1768 : i32 to index
        %swap3A_1770 = arith.constant 32 : index
        %swap3A_1771 = tpu.vector_load %arg9[%swap3A_1769, %swap3A_1770] {strides = array<i32>} : memref<10x128xi32, #tpu.memory_space<vmem>>, vector<16xi32>,
        tpu.vector_store %arg9[%swap3A_1769, %swap3A_1770], %add3A_1767 {strides = array<i32>} : memref<10x128xi32, #tpu.memory_space<vmem>>, vector<16xi32>,
        %get3A_1772 = arith.constant 1 : i32
        %get3A_1773 = arith.index_cast %get3A_1772 : i32 to index
        %get3A_1774 = arith.constant 1184 : index
        %get3A_1775 = tpu.vector_load %arg7[%get3A_1773, %get3A_1774] {strides = array<i32>} : memref<2x1280xi32, #tpu.memory_space<vmem>>, vector<16xi32>,
        %gather3A_1776 = tpu.vector_load_idx %arg6[%get3A_1775] : memref<100096xf32, #tpu.memory_space<vmem>>[vector<16xi32>], vector<16xf32>,
        %swap3A_1777 = arith.constant 9 : i32
        %swap3A_1778 = arith.index_cast %swap3A_1777 : i32 to index
        %swap3A_1779 = arith.constant 32 : index
        %swap3A_1780 = tpu.vector_load %arg10[%swap3A_1778, %swap3A_1779] {strides = array<i32>} : memref<10x128xf32, #tpu.memory_space<vmem>>, vector<16xf32>,
        tpu.vector_store %arg10[%swap3A_1778, %swap3A_1779], %gather3A_1776 {strides = array<i32>} : memref<10x128xf32, #tpu.memory_space<vmem>>, vector<16xf32>,
        %get3A_1781 = arith.constant 1 : i32
        %get3A_1782 = arith.index_cast %get3A_1781 : i32 to index
        %get3A_1783 = arith.constant 1200 : index
        %get3A_1784 = tpu.vector_load %arg8[%get3A_1782, %get3A_1783] {strides = array<i32>} : memref<2x1280xi32, #tpu.memory_space<vmem>>, vector<16xi32>,
        %add3A_1785 = vector.broadcast %mul3A_64 : i32 to vector<16xi32>
        %add3A_1786 = arith.addi %get3A_1784, %add3A_1785 : vector<16xi32>
        %swap3A_1787 = arith.constant 9 : i32
        %swap3A_1788 = arith.index_cast %swap3A_1787 : i32 to index
        %swap3A_1789 = arith.constant 48 : index
        %swap3A_1790 = tpu.vector_load %arg9[%swap3A_1788, %swap3A_1789] {strides = array<i32>} : memref<10x128xi32, #tpu.memory_space<vmem>>, vector<16xi32>,
        tpu.vector_store %arg9[%swap3A_1788, %swap3A_1789], %add3A_1786 {strides = array<i32>} : memref<10x128xi32, #tpu.memory_space<vmem>>, vector<16xi32>,
        %get3A_1791 = arith.constant 1 : i32
        %get3A_1792 = arith.index_cast %get3A_1791 : i32 to index
        %get3A_1793 = arith.constant 1200 : index
        %get3A_1794 = tpu.vector_load %arg7[%get3A_1792, %get3A_1793] {strides = array<i32>} : memref<2x1280xi32, #tpu.memory_space<vmem>>, vector<16xi32>,
        %gather3A_1795 = tpu.vector_load_idx %arg6[%get3A_1794] : memref<100096xf32, #tpu.memory_space<vmem>>[vector<16xi32>], vector<16xf32>,
        %swap3A_1796 = arith.constant 9 : i32
        %swap3A_1797 = arith.index_cast %swap3A_1796 : i32 to index
        %swap3A_1798 = arith.constant 48 : index
        %swap3A_1799 = tpu.vector_load %arg10[%swap3A_1797, %swap3A_1798] {strides = array<i32>} : memref<10x128xf32, #tpu.memory_space<vmem>>, vector<16xf32>,
        tpu.vector_store %arg10[%swap3A_1797, %swap3A_1798], %gather3A_1795 {strides = array<i32>} : memref<10x128xf32, #tpu.memory_space<vmem>>, vector<16xf32>,
        %get3A_1800 = arith.constant 1 : i32
        %get3A_1801 = arith.index_cast %get3A_1800 : i32 to index
        %get3A_1802 = arith.constant 1216 : index
        %get3A_1803 = tpu.vector_load %arg8[%get3A_1801, %get3A_1802] {strides = array<i32>} : memref<2x1280xi32, #tpu.memory_space<vmem>>, vector<16xi32>,
        %add3A_1804 = vector.broadcast %mul3A_64 : i32 to vector<16xi32>
        %add3A_1805 = arith.addi %get3A_1803, %add3A_1804 : vector<16xi32>
        %swap3A_1806 = arith.constant 9 : i32
        %swap3A_1807 = arith.index_cast %swap3A_1806 : i32 to index
        %swap3A_1808 = arith.constant 64 : index
        %swap3A_1809 = tpu.vector_load %arg9[%swap3A_1807, %swap3A_1808] {strides = array<i32>} : memref<10x128xi32, #tpu.memory_space<vmem>>, vector<16xi32>,
        tpu.vector_store %arg9[%swap3A_1807, %swap3A_1808], %add3A_1805 {strides = array<i32>} : memref<10x128xi32, #tpu.memory_space<vmem>>, vector<16xi32>,
        %get3A_1810 = arith.constant 1 : i32
        %get3A_1811 = arith.index_cast %get3A_1810 : i32 to index
        %get3A_1812 = arith.constant 1216 : index
        %get3A_1813 = tpu.vector_load %arg7[%get3A_1811, %get3A_1812] {strides = array<i32>} : memref<2x1280xi32, #tpu.memory_space<vmem>>, vector<16xi32>,
        %gather3A_1814 = tpu.vector_load_idx %arg6[%get3A_1813] : memref<100096xf32, #tpu.memory_space<vmem>>[vector<16xi32>], vector<16xf32>,
        %swap3A_1815 = arith.constant 9 : i32
        %swap3A_1816 = arith.index_cast %swap3A_1815 : i32 to index
        %swap3A_1817 = arith.constant 64 : index
        %swap3A_1818 = tpu.vector_load %arg10[%swap3A_1816, %swap3A_1817] {strides = array<i32>} : memref<10x128xf32, #tpu.memory_space<vmem>>, vector<16xf32>,
        tpu.vector_store %arg10[%swap3A_1816, %swap3A_1817], %gather3A_1814 {strides = array<i32>} : memref<10x128xf32, #tpu.memory_space<vmem>>, vector<16xf32>,
        %get3A_1819 = arith.constant 1 : i32
        %get3A_1820 = arith.index_cast %get3A_1819 : i32 to index
        %get3A_1821 = arith.constant 1232 : index
        %get3A_1822 = tpu.vector_load %arg8[%get3A_1820, %get3A_1821] {strides = array<i32>} : memref<2x1280xi32, #tpu.memory_space<vmem>>, vector<16xi32>,
        %add3A_1823 = vector.broadcast %mul3A_64 : i32 to vector<16xi32>
        %add3A_1824 = arith.addi %get3A_1822, %add3A_1823 : vector<16xi32>
        %swap3A_1825 = arith.constant 9 : i32
        %swap3A_1826 = arith.index_cast %swap3A_1825 : i32 to index
        %swap3A_1827 = arith.constant 80 : index
        %swap3A_1828 = tpu.vector_load %arg9[%swap3A_1826, %swap3A_1827] {strides = array<i32>} : memref<10x128xi32, #tpu.memory_space<vmem>>, vector<16xi32>,
        tpu.vector_store %arg9[%swap3A_1826, %swap3A_1827], %add3A_1824 {strides = array<i32>} : memref<10x128xi32, #tpu.memory_space<vmem>>, vector<16xi32>,
        %get3A_1829 = arith.constant 1 : i32
        %get3A_1830 = arith.index_cast %get3A_1829 : i32 to index
        %get3A_1831 = arith.constant 1232 : index
        %get3A_1832 = tpu.vector_load %arg7[%get3A_1830, %get3A_1831] {strides = array<i32>} : memref<2x1280xi32, #tpu.memory_space<vmem>>, vector<16xi32>,
        %gather3A_1833 = tpu.vector_load_idx %arg6[%get3A_1832] : memref<100096xf32, #tpu.memory_space<vmem>>[vector<16xi32>], vector<16xf32>,
        %swap3A_1834 = arith.constant 9 : i32
        %swap3A_1835 = arith.index_cast %swap3A_1834 : i32 to index
        %swap3A_1836 = arith.constant 80 : index
        %swap3A_1837 = tpu.vector_load %arg10[%swap3A_1835, %swap3A_1836] {strides = array<i32>} : memref<10x128xf32, #tpu.memory_space<vmem>>, vector<16xf32>,
        tpu.vector_store %arg10[%swap3A_1835, %swap3A_1836], %gather3A_1833 {strides = array<i32>} : memref<10x128xf32, #tpu.memory_space<vmem>>, vector<16xf32>,
        %get3A_1838 = arith.constant 1 : i32
        %get3A_1839 = arith.index_cast %get3A_1838 : i32 to index
        %get3A_1840 = arith.constant 1248 : index
        %get3A_1841 = tpu.vector_load %arg8[%get3A_1839, %get3A_1840] {strides = array<i32>} : memref<2x1280xi32, #tpu.memory_space<vmem>>, vector<16xi32>,
        %add3A_1842 = vector.broadcast %mul3A_64 : i32 to vector<16xi32>
        %add3A_1843 = arith.addi %get3A_1841, %add3A_1842 : vector<16xi32>
        %swap3A_1844 = arith.constant 9 : i32
        %swap3A_1845 = arith.index_cast %swap3A_1844 : i32 to index
        %swap3A_1846 = arith.constant 96 : index
        %swap3A_1847 = tpu.vector_load %arg9[%swap3A_1845, %swap3A_1846] {strides = array<i32>} : memref<10x128xi32, #tpu.memory_space<vmem>>, vector<16xi32>,
        tpu.vector_store %arg9[%swap3A_1845, %swap3A_1846], %add3A_1843 {strides = array<i32>} : memref<10x128xi32, #tpu.memory_space<vmem>>, vector<16xi32>,
        %get3A_1848 = arith.constant 1 : i32
        %get3A_1849 = arith.index_cast %get3A_1848 : i32 to index
        %get3A_1850 = arith.constant 1248 : index
        %get3A_1851 = tpu.vector_load %arg7[%get3A_1849, %get3A_1850] {strides = array<i32>} : memref<2x1280xi32, #tpu.memory_space<vmem>>, vector<16xi32>,
        %gather3A_1852 = tpu.vector_load_idx %arg6[%get3A_1851] : memref<100096xf32, #tpu.memory_space<vmem>>[vector<16xi32>], vector<16xf32>,
        %swap3A_1853 = arith.constant 9 : i32
        %swap3A_1854 = arith.index_cast %swap3A_1853 : i32 to index
        %swap3A_1855 = arith.constant 96 : index
        %swap3A_1856 = tpu.vector_load %arg10[%swap3A_1854, %swap3A_1855] {strides = array<i32>} : memref<10x128xf32, #tpu.memory_space<vmem>>, vector<16xf32>,
        tpu.vector_store %arg10[%swap3A_1854, %swap3A_1855], %gather3A_1852 {strides = array<i32>} : memref<10x128xf32, #tpu.memory_space<vmem>>, vector<16xf32>,
        %get3A_1857 = arith.constant 1 : i32
        %get3A_1858 = arith.index_cast %get3A_1857 : i32 to index
        %get3A_1859 = arith.constant 1264 : index
        %get3A_1860 = tpu.vector_load %arg8[%get3A_1858, %get3A_1859] {strides = array<i32>} : memref<2x1280xi32, #tpu.memory_space<vmem>>, vector<16xi32>,
        %add3A_1861 = vector.broadcast %mul3A_64 : i32 to vector<16xi32>
        %add3A_1862 = arith.addi %get3A_1860, %add3A_1861 : vector<16xi32>
        %swap3A_1863 = arith.constant 9 : i32
        %swap3A_1864 = arith.index_cast %swap3A_1863 : i32 to index
        %swap3A_1865 = arith.constant 112 : index
        %swap3A_1866 = tpu.vector_load %arg9[%swap3A_1864, %swap3A_1865] {strides = array<i32>} : memref<10x128xi32, #tpu.memory_space<vmem>>, vector<16xi32>,
        tpu.vector_store %arg9[%swap3A_1864, %swap3A_1865], %add3A_1862 {strides = array<i32>} : memref<10x128xi32, #tpu.memory_space<vmem>>, vector<16xi32>,
        %get3A_1867 = arith.constant 1 : i32
        %get3A_1868 = arith.index_cast %get3A_1867 : i32 to index
        %get3A_1869 = arith.constant 1264 : index
        %get3A_1870 = tpu.vector_load %arg7[%get3A_1868, %get3A_1869] {strides = array<i32>} : memref<2x1280xi32, #tpu.memory_space<vmem>>, vector<16xi32>,
        %gather3A_1871 = tpu.vector_load_idx %arg6[%get3A_1870] : memref<100096xf32, #tpu.memory_space<vmem>>[vector<16xi32>], vector<16xf32>,
        %swap3A_1872 = arith.constant 9 : i32
        %swap3A_1873 = arith.index_cast %swap3A_1872 : i32 to index
        %swap3A_1874 = arith.constant 112 : index
        %swap3A_1875 = tpu.vector_load %arg10[%swap3A_1873, %swap3A_1874] {strides = array<i32>} : memref<10x128xf32, #tpu.memory_space<vmem>>, vector<16xf32>,
        tpu.vector_store %arg10[%swap3A_1873, %swap3A_1874], %gather3A_1871 {strides = array<i32>} : memref<10x128xf32, #tpu.memory_space<vmem>>, vector<16xf32>,
        %dma_start3A_1876 = arith.constant 9 : i32
        %dma_start3A_1877 = arith.constant 9 : i32
        %dma_start3A_1878 = arith.constant 0 : i32
        %dma_start3A_1879 = tpu.memref_slice %arg10[%dma_start3A_1876, %dma_start3A_1878] : memref<10x128xf32, #tpu.memory_space<vmem>> -> memref<1x128xf32, #tpu.memory_space<vmem>>
        %dma_start3A_1880 = tpu.memref_squeeze %dma_start3A_1879 : memref<1x128xf32, #tpu.memory_space<vmem>> -> memref<128xf32, #tpu.memory_space<vmem>>
        %dma_start3A_1881 = arith.constant 0 : i32
        %dma_start3A_1882 = tpu.memref_slice %arg9[%dma_start3A_1877, %dma_start3A_1881] : memref<10x128xi32, #tpu.memory_space<vmem>> -> memref<1x128xi32, #tpu.memory_space<vmem>>
        %dma_start3A_1883 = tpu.memref_squeeze %dma_start3A_1882 : memref<1x128xi32, #tpu.memory_space<vmem>> -> memref<128xi32, #tpu.memory_space<vmem>>
        %dma_start3A_1884 = arith.constant 0 : i32
        %dma_start3A_1885 = tpu.memref_slice %arg11[%dma_start3A_1884] : memref<200192xf32, #tpu.memory_space<vmem_shared>> -> memref<200192xf32, #tpu.memory_space<vmem_shared>>
        tpu.enqueue_indirect_dma source(%dma_start3A_1880 : memref<128xf32, #tpu.memory_space<vmem>>) target(%dma_start3A_1885 : memref<200192xf32, #tpu.memory_space<vmem_shared>>) offsets(%dma_start3A_1883 : memref<128xi32, #tpu.memory_space<vmem>>) semaphore(%arg14 : memref<!tpu.dma_semaphore, #tpu.memory_space<semaphore_mem>>) {add = true}
        %add3A_1886 = arith.constant 2 : i32
        %add3A_1887 = arith.addi %add3A_235, %add3A_1886 : i32
        %le3A_1888 = arith.constant 624 : i32
        %le3A_1889 = arith.cmpi sle, %add3A_1887, %le3A_1888 : i32
        %convert_element_type3A_1890 = arith.extui %le3A_1889 : i1 to i32
        %cond3A_1891 = arith.constant 0 : i32
        %cond3A_1892 = arith.cmpi ne, %convert_element_type3A_1890, %cond3A_1891 : i32
        scf.if %cond3A_1892 {
          %add3A_1893 = arith.constant 2 : i32
          %add3A_1894 = arith.addi %add3A_235, %add3A_1893 : i32
          %mul3A_1895 = arith.constant 1280 : i32
          %mul3A_1896 = arith.muli %add3A_1894, %mul3A_1895 : i32
          %add3A_1897 = arith.addi %mul3A_66, %mul3A_1896 : i32
          %multiple_of3A_1898 = tpu.assume_multiple %add3A_1897, 8 : i32
          %dma_start3A_1899 = arith.constant 1 : i32
          %dma_start3A_1900 = arith.constant 0 : i32
          %dma_start3A_1901 = tpu.memref_slice %arg7[%dma_start3A_1899, %dma_start3A_1900] : memref<2x1280xi32, #tpu.memory_space<vmem>> -> memref<1x1280xi32, #tpu.memory_space<vmem>>
          %dma_start3A_1902 = tpu.memref_squeeze %dma_start3A_1901 : memref<1x1280xi32, #tpu.memory_space<vmem>> -> memref<1280xi32, #tpu.memory_space<vmem>>
          %dma_start3A_1903 = tpu.memref_slice %arg3[%multiple_of3A_1898] : memref<12800000xi32, #tpu.memory_space<hbm>> -> memref<1280xi32, #tpu.memory_space<hbm>>
          %dma_start3A_1904 = arith.constant 0 : i32
          %dma_start3A_1905 = tpu.memref_slice %arg7[%dma_start3A_1899, %dma_start3A_1904] : memref<2x1280xi32, #tpu.memory_space<vmem>> -> memref<1x1280xi32, #tpu.memory_space<vmem>>
          %dma_start3A_1906 = tpu.memref_squeeze %dma_start3A_1905 : memref<1x1280xi32, #tpu.memory_space<vmem>> -> memref<1280xi32, #tpu.memory_space<vmem>>
          %dma_start3A_1907 = tpu.memref_slice %arg3[%multiple_of3A_1898] : memref<12800000xi32, #tpu.memory_space<hbm>> -> memref<1280xi32, #tpu.memory_space<hbm>>
          tpu.enqueue_dma source(%dma_start3A_1907 : memref<1280xi32, #tpu.memory_space<hbm>>) target(%dma_start3A_1906 : memref<1280xi32, #tpu.memory_space<vmem>>) target_semaphore(%arg13 : memref<!tpu.dma_semaphore, #tpu.memory_space<semaphore_mem>>)
          %add3A_1908 = arith.constant 6400000 : i32
          %add3A_1909 = arith.addi %add3A_1908, %multiple_of3A_1898 : i32
          %dma_start3A_1910 = arith.constant 1 : i32
          %dma_start3A_1911 = arith.constant 0 : i32
          %dma_start3A_1912 = tpu.memref_slice %arg8[%dma_start3A_1910, %dma_start3A_1911] : memref<2x1280xi32, #tpu.memory_space<vmem>> -> memref<1x1280xi32, #tpu.memory_space<vmem>>
          %dma_start3A_1913 = tpu.memref_squeeze %dma_start3A_1912 : memref<1x1280xi32, #tpu.memory_space<vmem>> -> memref<1280xi32, #tpu.memory_space<vmem>>
          %dma_start3A_1914 = tpu.memref_slice %arg3[%add3A_1909] : memref<12800000xi32, #tpu.memory_space<hbm>> -> memref<1280xi32, #tpu.memory_space<hbm>>
          %dma_start3A_1915 = arith.constant 0 : i32
          %dma_start3A_1916 = tpu.memref_slice %arg8[%dma_start3A_1910, %dma_start3A_1915] : memref<2x1280xi32, #tpu.memory_space<vmem>> -> memref<1x1280xi32, #tpu.memory_space<vmem>>
          %dma_start3A_1917 = tpu.memref_squeeze %dma_start3A_1916 : memref<1x1280xi32, #tpu.memory_space<vmem>> -> memref<1280xi32, #tpu.memory_space<vmem>>
          %dma_start3A_1918 = tpu.memref_slice %arg3[%add3A_1909] : memref<12800000xi32, #tpu.memory_space<hbm>> -> memref<1280xi32, #tpu.memory_space<hbm>>
          tpu.enqueue_dma source(%dma_start3A_1918 : memref<1280xi32, #tpu.memory_space<hbm>>) target(%dma_start3A_1917 : memref<1280xi32, #tpu.memory_space<vmem>>) target_semaphore(%arg13 : memref<!tpu.dma_semaphore, #tpu.memory_space<semaphore_mem>>)
        } else {
        }
      } else {
      }
    }
    %scan3A_117 = arith.constant 313 : i32
    %dma_wait3A = arith.constant 0 : i32
    %dma_wait3A_118 = arith.constant 0 : i32
    %dma_wait3A_119 = arith.constant 0 : i32
    %dma_wait3A_120 = tpu.memref_slice %arg10[%dma_wait3A, %dma_wait3A_119] : memref<10x128xf32, #tpu.memory_space<vmem>> -> memref<1x128xf32, #tpu.memory_space<vmem>>
    %dma_wait3A_121 = tpu.memref_squeeze %dma_wait3A_120 : memref<1x128xf32, #tpu.memory_space<vmem>> -> memref<128xf32, #tpu.memory_space<vmem>>
    %dma_wait3A_122 = arith.constant 0 : i32
    %dma_wait3A_123 = tpu.memref_slice %arg9[%dma_wait3A_118, %dma_wait3A_122] : memref<10x128xi32, #tpu.memory_space<vmem>> -> memref<1x128xi32, #tpu.memory_space<vmem>>
    %dma_wait3A_124 = tpu.memref_squeeze %dma_wait3A_123 : memref<1x128xi32, #tpu.memory_space<vmem>> -> memref<128xi32, #tpu.memory_space<vmem>>
    %dma_wait3A_125 = arith.constant 0 : i32
    %dma_wait3A_126 = tpu.memref_slice %arg11[%dma_wait3A_125] : memref<200192xf32, #tpu.memory_space<vmem_shared>> -> memref<200192xf32, #tpu.memory_space<vmem_shared>>
    tpu.wait_indirect_dma semaphore(%arg14 : memref<!tpu.dma_semaphore, #tpu.memory_space<semaphore_mem>>) src(%dma_wait3A_121 : memref<128xf32, #tpu.memory_space<vmem>>) dst(%dma_wait3A_126 : memref<200192xf32, #tpu.memory_space<vmem_shared>>)
    %dma_wait3A_127 = arith.constant 1 : i32
    %dma_wait3A_128 = arith.constant 1 : i32
    %dma_wait3A_129 = arith.constant 0 : i32
    %dma_wait3A_130 = tpu.memref_slice %arg10[%dma_wait3A_127, %dma_wait3A_129] : memref<10x128xf32, #tpu.memory_space<vmem>> -> memref<1x128xf32, #tpu.memory_space<vmem>>
    %dma_wait3A_131 = tpu.memref_squeeze %dma_wait3A_130 : memref<1x128xf32, #tpu.memory_space<vmem>> -> memref<128xf32, #tpu.memory_space<vmem>>
    %dma_wait3A_132 = arith.constant 0 : i32
    %dma_wait3A_133 = tpu.memref_slice %arg9[%dma_wait3A_128, %dma_wait3A_132] : memref<10x128xi32, #tpu.memory_space<vmem>> -> memref<1x128xi32, #tpu.memory_space<vmem>>
    %dma_wait3A_134 = tpu.memref_squeeze %dma_wait3A_133 : memref<1x128xi32, #tpu.memory_space<vmem>> -> memref<128xi32, #tpu.memory_space<vmem>>
    %dma_wait3A_135 = arith.constant 0 : i32
    %dma_wait3A_136 = tpu.memref_slice %arg11[%dma_wait3A_135] : memref<200192xf32, #tpu.memory_space<vmem_shared>> -> memref<200192xf32, #tpu.memory_space<vmem_shared>>
    tpu.wait_indirect_dma semaphore(%arg14 : memref<!tpu.dma_semaphore, #tpu.memory_space<semaphore_mem>>) src(%dma_wait3A_131 : memref<128xf32, #tpu.memory_space<vmem>>) dst(%dma_wait3A_136 : memref<200192xf32, #tpu.memory_space<vmem_shared>>)
    %dma_wait3A_137 = arith.constant 2 : i32
    %dma_wait3A_138 = arith.constant 2 : i32
    %dma_wait3A_139 = arith.constant 0 : i32
    %dma_wait3A_140 = tpu.memref_slice %arg10[%dma_wait3A_137, %dma_wait3A_139] : memref<10x128xf32, #tpu.memory_space<vmem>> -> memref<1x128xf32, #tpu.memory_space<vmem>>
    %dma_wait3A_141 = tpu.memref_squeeze %dma_wait3A_140 : memref<1x128xf32, #tpu.memory_space<vmem>> -> memref<128xf32, #tpu.memory_space<vmem>>
    %dma_wait3A_142 = arith.constant 0 : i32
    %dma_wait3A_143 = tpu.memref_slice %arg9[%dma_wait3A_138, %dma_wait3A_142] : memref<10x128xi32, #tpu.memory_space<vmem>> -> memref<1x128xi32, #tpu.memory_space<vmem>>
    %dma_wait3A_144 = tpu.memref_squeeze %dma_wait3A_143 : memref<1x128xi32, #tpu.memory_space<vmem>> -> memref<128xi32, #tpu.memory_space<vmem>>
    %dma_wait3A_145 = arith.constant 0 : i32
    %dma_wait3A_146 = tpu.memref_slice %arg11[%dma_wait3A_145] : memref<200192xf32, #tpu.memory_space<vmem_shared>> -> memref<200192xf32, #tpu.memory_space<vmem_shared>>
    tpu.wait_indirect_dma semaphore(%arg14 : memref<!tpu.dma_semaphore, #tpu.memory_space<semaphore_mem>>) src(%dma_wait3A_141 : memref<128xf32, #tpu.memory_space<vmem>>) dst(%dma_wait3A_146 : memref<200192xf32, #tpu.memory_space<vmem_shared>>)
    %dma_wait3A_147 = arith.constant 3 : i32
    %dma_wait3A_148 = arith.constant 3 : i32
    %dma_wait3A_149 = arith.constant 0 : i32
    %dma_wait3A_150 = tpu.memref_slice %arg10[%dma_wait3A_147, %dma_wait3A_149] : memref<10x128xf32, #tpu.memory_space<vmem>> -> memref<1x128xf32, #tpu.memory_space<vmem>>
    %dma_wait3A_151 = tpu.memref_squeeze %dma_wait3A_150 : memref<1x128xf32, #tpu.memory_space<vmem>> -> memref<128xf32, #tpu.memory_space<vmem>>
    %dma_wait3A_152 = arith.constant 0 : i32
    %dma_wait3A_153 = tpu.memref_slice %arg9[%dma_wait3A_148, %dma_wait3A_152] : memref<10x128xi32, #tpu.memory_space<vmem>> -> memref<1x128xi32, #tpu.memory_space<vmem>>
    %dma_wait3A_154 = tpu.memref_squeeze %dma_wait3A_153 : memref<1x128xi32, #tpu.memory_space<vmem>> -> memref<128xi32, #tpu.memory_space<vmem>>
    %dma_wait3A_155 = arith.constant 0 : i32
    %dma_wait3A_156 = tpu.memref_slice %arg11[%dma_wait3A_155] : memref<200192xf32, #tpu.memory_space<vmem_shared>> -> memref<200192xf32, #tpu.memory_space<vmem_shared>>
    tpu.wait_indirect_dma semaphore(%arg14 : memref<!tpu.dma_semaphore, #tpu.memory_space<semaphore_mem>>) src(%dma_wait3A_151 : memref<128xf32, #tpu.memory_space<vmem>>) dst(%dma_wait3A_156 : memref<200192xf32, #tpu.memory_space<vmem_shared>>)
    %dma_wait3A_157 = arith.constant 4 : i32
    %dma_wait3A_158 = arith.constant 4 : i32
    %dma_wait3A_159 = arith.constant 0 : i32
    %dma_wait3A_160 = tpu.memref_slice %arg10[%dma_wait3A_157, %dma_wait3A_159] : memref<10x128xf32, #tpu.memory_space<vmem>> -> memref<1x128xf32, #tpu.memory_space<vmem>>
    %dma_wait3A_161 = tpu.memref_squeeze %dma_wait3A_160 : memref<1x128xf32, #tpu.memory_space<vmem>> -> memref<128xf32, #tpu.memory_space<vmem>>
    %dma_wait3A_162 = arith.constant 0 : i32
    %dma_wait3A_163 = tpu.memref_slice %arg9[%dma_wait3A_158, %dma_wait3A_162] : memref<10x128xi32, #tpu.memory_space<vmem>> -> memref<1x128xi32, #tpu.memory_space<vmem>>
    %dma_wait3A_164 = tpu.memref_squeeze %dma_wait3A_163 : memref<1x128xi32, #tpu.memory_space<vmem>> -> memref<128xi32, #tpu.memory_space<vmem>>
    %dma_wait3A_165 = arith.constant 0 : i32
    %dma_wait3A_166 = tpu.memref_slice %arg11[%dma_wait3A_165] : memref<200192xf32, #tpu.memory_space<vmem_shared>> -> memref<200192xf32, #tpu.memory_space<vmem_shared>>
    tpu.wait_indirect_dma semaphore(%arg14 : memref<!tpu.dma_semaphore, #tpu.memory_space<semaphore_mem>>) src(%dma_wait3A_161 : memref<128xf32, #tpu.memory_space<vmem>>) dst(%dma_wait3A_166 : memref<200192xf32, #tpu.memory_space<vmem_shared>>)
    %dma_wait3A_167 = arith.constant 5 : i32
    %dma_wait3A_168 = arith.constant 5 : i32
    %dma_wait3A_169 = arith.constant 0 : i32
    %dma_wait3A_170 = tpu.memref_slice %arg10[%dma_wait3A_167, %dma_wait3A_169] : memref<10x128xf32, #tpu.memory_space<vmem>> -> memref<1x128xf32, #tpu.memory_space<vmem>>
    %dma_wait3A_171 = tpu.memref_squeeze %dma_wait3A_170 : memref<1x128xf32, #tpu.memory_space<vmem>> -> memref<128xf32, #tpu.memory_space<vmem>>
    %dma_wait3A_172 = arith.constant 0 : i32
    %dma_wait3A_173 = tpu.memref_slice %arg9[%dma_wait3A_168, %dma_wait3A_172] : memref<10x128xi32, #tpu.memory_space<vmem>> -> memref<1x128xi32, #tpu.memory_space<vmem>>
    %dma_wait3A_174 = tpu.memref_squeeze %dma_wait3A_173 : memref<1x128xi32, #tpu.memory_space<vmem>> -> memref<128xi32, #tpu.memory_space<vmem>>
    %dma_wait3A_175 = arith.constant 0 : i32
    %dma_wait3A_176 = tpu.memref_slice %arg11[%dma_wait3A_175] : memref<200192xf32, #tpu.memory_space<vmem_shared>> -> memref<200192xf32, #tpu.memory_space<vmem_shared>>
    tpu.wait_indirect_dma semaphore(%arg14 : memref<!tpu.dma_semaphore, #tpu.memory_space<semaphore_mem>>) src(%dma_wait3A_171 : memref<128xf32, #tpu.memory_space<vmem>>) dst(%dma_wait3A_176 : memref<200192xf32, #tpu.memory_space<vmem_shared>>)
    %dma_wait3A_177 = arith.constant 6 : i32
    %dma_wait3A_178 = arith.constant 6 : i32
    %dma_wait3A_179 = arith.constant 0 : i32
    %dma_wait3A_180 = tpu.memref_slice %arg10[%dma_wait3A_177, %dma_wait3A_179] : memref<10x128xf32, #tpu.memory_space<vmem>> -> memref<1x128xf32, #tpu.memory_space<vmem>>
    %dma_wait3A_181 = tpu.memref_squeeze %dma_wait3A_180 : memref<1x128xf32, #tpu.memory_space<vmem>> -> memref<128xf32, #tpu.memory_space<vmem>>
    %dma_wait3A_182 = arith.constant 0 : i32
    %dma_wait3A_183 = tpu.memref_slice %arg9[%dma_wait3A_178, %dma_wait3A_182] : memref<10x128xi32, #tpu.memory_space<vmem>> -> memref<1x128xi32, #tpu.memory_space<vmem>>
    %dma_wait3A_184 = tpu.memref_squeeze %dma_wait3A_183 : memref<1x128xi32, #tpu.memory_space<vmem>> -> memref<128xi32, #tpu.memory_space<vmem>>
    %dma_wait3A_185 = arith.constant 0 : i32
    %dma_wait3A_186 = tpu.memref_slice %arg11[%dma_wait3A_185] : memref<200192xf32, #tpu.memory_space<vmem_shared>> -> memref<200192xf32, #tpu.memory_space<vmem_shared>>
    tpu.wait_indirect_dma semaphore(%arg14 : memref<!tpu.dma_semaphore, #tpu.memory_space<semaphore_mem>>) src(%dma_wait3A_181 : memref<128xf32, #tpu.memory_space<vmem>>) dst(%dma_wait3A_186 : memref<200192xf32, #tpu.memory_space<vmem_shared>>)
    %dma_wait3A_187 = arith.constant 7 : i32
    %dma_wait3A_188 = arith.constant 7 : i32
    %dma_wait3A_189 = arith.constant 0 : i32
    %dma_wait3A_190 = tpu.memref_slice %arg10[%dma_wait3A_187, %dma_wait3A_189] : memref<10x128xf32, #tpu.memory_space<vmem>> -> memref<1x128xf32, #tpu.memory_space<vmem>>
    %dma_wait3A_191 = tpu.memref_squeeze %dma_wait3A_190 : memref<1x128xf32, #tpu.memory_space<vmem>> -> memref<128xf32, #tpu.memory_space<vmem>>
    %dma_wait3A_192 = arith.constant 0 : i32
    %dma_wait3A_193 = tpu.memref_slice %arg9[%dma_wait3A_188, %dma_wait3A_192] : memref<10x128xi32, #tpu.memory_space<vmem>> -> memref<1x128xi32, #tpu.memory_space<vmem>>
    %dma_wait3A_194 = tpu.memref_squeeze %dma_wait3A_193 : memref<1x128xi32, #tpu.memory_space<vmem>> -> memref<128xi32, #tpu.memory_space<vmem>>
    %dma_wait3A_195 = arith.constant 0 : i32
    %dma_wait3A_196 = tpu.memref_slice %arg11[%dma_wait3A_195] : memref<200192xf32, #tpu.memory_space<vmem_shared>> -> memref<200192xf32, #tpu.memory_space<vmem_shared>>
    tpu.wait_indirect_dma semaphore(%arg14 : memref<!tpu.dma_semaphore, #tpu.memory_space<semaphore_mem>>) src(%dma_wait3A_191 : memref<128xf32, #tpu.memory_space<vmem>>) dst(%dma_wait3A_196 : memref<200192xf32, #tpu.memory_space<vmem_shared>>)
    %dma_wait3A_197 = arith.constant 8 : i32
    %dma_wait3A_198 = arith.constant 8 : i32
    %dma_wait3A_199 = arith.constant 0 : i32
    %dma_wait3A_200 = tpu.memref_slice %arg10[%dma_wait3A_197, %dma_wait3A_199] : memref<10x128xf32, #tpu.memory_space<vmem>> -> memref<1x128xf32, #tpu.memory_space<vmem>>
    %dma_wait3A_201 = tpu.memref_squeeze %dma_wait3A_200 : memref<1x128xf32, #tpu.memory_space<vmem>> -> memref<128xf32, #tpu.memory_space<vmem>>
    %dma_wait3A_202 = arith.constant 0 : i32
    %dma_wait3A_203 = tpu.memref_slice %arg9[%dma_wait3A_198, %dma_wait3A_202] : memref<10x128xi32, #tpu.memory_space<vmem>> -> memref<1x128xi32, #tpu.memory_space<vmem>>
    %dma_wait3A_204 = tpu.memref_squeeze %dma_wait3A_203 : memref<1x128xi32, #tpu.memory_space<vmem>> -> memref<128xi32, #tpu.memory_space<vmem>>
    %dma_wait3A_205 = arith.constant 0 : i32
    %dma_wait3A_206 = tpu.memref_slice %arg11[%dma_wait3A_205] : memref<200192xf32, #tpu.memory_space<vmem_shared>> -> memref<200192xf32, #tpu.memory_space<vmem_shared>>
    tpu.wait_indirect_dma semaphore(%arg14 : memref<!tpu.dma_semaphore, #tpu.memory_space<semaphore_mem>>) src(%dma_wait3A_201 : memref<128xf32, #tpu.memory_space<vmem>>) dst(%dma_wait3A_206 : memref<200192xf32, #tpu.memory_space<vmem_shared>>)
    %dma_wait3A_207 = arith.constant 9 : i32
    %dma_wait3A_208 = arith.constant 9 : i32
    %dma_wait3A_209 = arith.constant 0 : i32
    %dma_wait3A_210 = tpu.memref_slice %arg10[%dma_wait3A_207, %dma_wait3A_209] : memref<10x128xf32, #tpu.memory_space<vmem>> -> memref<1x128xf32, #tpu.memory_space<vmem>>
    %dma_wait3A_211 = tpu.memref_squeeze %dma_wait3A_210 : memref<1x128xf32, #tpu.memory_space<vmem>> -> memref<128xf32, #tpu.memory_space<vmem>>
    %dma_wait3A_212 = arith.constant 0 : i32
    %dma_wait3A_213 = tpu.memref_slice %arg9[%dma_wait3A_208, %dma_wait3A_212] : memref<10x128xi32, #tpu.memory_space<vmem>> -> memref<1x128xi32, #tpu.memory_space<vmem>>
    %dma_wait3A_214 = tpu.memref_squeeze %dma_wait3A_213 : memref<1x128xi32, #tpu.memory_space<vmem>> -> memref<128xi32, #tpu.memory_space<vmem>>
    %dma_wait3A_215 = arith.constant 0 : i32
    %dma_wait3A_216 = tpu.memref_slice %arg11[%dma_wait3A_215] : memref<200192xf32, #tpu.memory_space<vmem_shared>> -> memref<200192xf32, #tpu.memory_space<vmem_shared>>
    tpu.wait_indirect_dma semaphore(%arg14 : memref<!tpu.dma_semaphore, #tpu.memory_space<semaphore_mem>>) src(%dma_wait3A_211 : memref<128xf32, #tpu.memory_space<vmem>>) dst(%dma_wait3A_216 : memref<200192xf32, #tpu.memory_space<vmem_shared>>)
    %barrier3A_217 = arith.constant 0 : index
    tpu.barrier barrier_id(%barrier3A_217)
    %eq3A_218 = arith.constant 0 : i32
    %eq3A_219 = arith.cmpi eq, %arg1, %eq3A_218 : i32
    %convert_element_type3A_220 = arith.extui %eq3A_219 : i1 to i32
    %cond3A_221 = arith.constant 0 : i32
    %cond3A_222 = arith.cmpi ne, %convert_element_type3A_220, %cond3A_221 : i32
    scf.if %cond3A_222 {
      %mul3A_223 = arith.constant 2 : i32
      %mul3A_224 = arith.muli %arg0, %mul3A_223 : i32
      %mul3A_225 = arith.constant 100096 : i32
      %mul3A_226 = arith.muli %mul3A_224, %mul3A_225 : i32
      %multiple_of3A_227 = tpu.assume_multiple %mul3A_226, 8 : i32
      "tpu.region"() ({
        %run_scoped3A = tpu.sem_alloc : memref<!tpu.dma_semaphore, #tpu.memory_space<semaphore_mem>>
        %dma_start3A_228 = tpu.memref_slice %arg5[%multiple_of3A_227] : memref<400384xf32, #tpu.memory_space<hbm>> -> memref<200192xf32, #tpu.memory_space<hbm>>
        tpu.enqueue_dma source(%arg11 : memref<200192xf32, #tpu.memory_space<vmem_shared>>) target(%dma_start3A_228 : memref<200192xf32, #tpu.memory_space<hbm>>) target_semaphore(%run_scoped3A : memref<!tpu.dma_semaphore, #tpu.memory_space<semaphore_mem>>)
        %dma_wait3A_229 = tpu.memref_slice %arg5[%multiple_of3A_227] : memref<400384xf32, #tpu.memory_space<hbm>> -> memref<200192xf32, #tpu.memory_space<hbm>>
        tpu.wait_dma2 semaphore(%run_scoped3A : memref<!tpu.dma_semaphore, #tpu.memory_space<semaphore_mem>>) src(%arg11 : memref<200192xf32, #tpu.memory_space<vmem_shared>>) dst(%dma_wait3A_229 : memref<200192xf32, #tpu.memory_space<hbm>>)
        tpu.yield
      }) : () -> ()
    } else {
    }
    return
  }
}

module attributes {stable_mosaic.version = 14 : i64} {
  func.func @_pre_body(%arg0: memref<782x128xf32, #tpu.memory_space<vmem>>, %arg1: memref<782x128xf32, #tpu.memory_space<vmem>>, %arg2: memref<4x782x128xf32, #tpu.memory_space<vmem>>) attributes {dimension_semantics = [], scalar_prefetch = 0 : i64, scratch_operands = 0 : i64, tpu.core_type = #tpu.core_type<tc>} {
    %get3A = arith.constant 0 : index
    %get3A_0 = arith.constant 0 : index
    %get3A_1 = vector.load %arg0[%get3A, %get3A_0] : memref<782x128xf32, #tpu.memory_space<vmem>>, vector<782x128xf32>
    %get3A_2 = arith.constant 0 : index
    %get3A_3 = arith.constant 0 : index
    %get3A_4 = vector.load %arg1[%get3A_2, %get3A_3] : memref<782x128xf32, #tpu.memory_space<vmem>>, vector<782x128xf32>
    %cos3A = math.cos %get3A_1 : vector<782x128xf32>
    %swap3A = arith.constant 0 : index
    %swap3A_5 = arith.constant 0 : index
    %swap3A_6 = arith.constant 0 : index
    %swap3A_7 = vector.load %arg2[%swap3A, %swap3A_5, %swap3A_6] : memref<4x782x128xf32, #tpu.memory_space<vmem>>, vector<1x782x128xf32>
    %swap3A_8 = vector.shape_cast %swap3A_7 : vector<1x782x128xf32> to vector<782x128xf32>
    %swap3A_9 = vector.shape_cast %cos3A : vector<782x128xf32> to vector<1x782x128xf32>
    tpu.vector_store %arg2[%swap3A, %swap3A_5, %swap3A_6], %swap3A_9 {strides = array<i32>} : memref<4x782x128xf32, #tpu.memory_space<vmem>>, vector<1x782x128xf32>,
    %cos3A_10 = math.cos %get3A_4 : vector<782x128xf32>
    %swap3A_11 = arith.constant 1 : index
    %swap3A_12 = arith.constant 0 : index
    %swap3A_13 = arith.constant 0 : index
    %swap3A_14 = vector.load %arg2[%swap3A_11, %swap3A_12, %swap3A_13] : memref<4x782x128xf32, #tpu.memory_space<vmem>>, vector<1x782x128xf32>
    %swap3A_15 = vector.shape_cast %swap3A_14 : vector<1x782x128xf32> to vector<782x128xf32>
    %swap3A_16 = vector.shape_cast %cos3A_10 : vector<782x128xf32> to vector<1x782x128xf32>
    tpu.vector_store %arg2[%swap3A_11, %swap3A_12, %swap3A_13], %swap3A_16 {strides = array<i32>} : memref<4x782x128xf32, #tpu.memory_space<vmem>>, vector<1x782x128xf32>,
    %sin3A = math.sin %get3A_1 : vector<782x128xf32>
    %swap3A_17 = arith.constant 2 : index
    %swap3A_18 = arith.constant 0 : index
    %swap3A_19 = arith.constant 0 : index
    %swap3A_20 = vector.load %arg2[%swap3A_17, %swap3A_18, %swap3A_19] : memref<4x782x128xf32, #tpu.memory_space<vmem>>, vector<1x782x128xf32>
    %swap3A_21 = vector.shape_cast %swap3A_20 : vector<1x782x128xf32> to vector<782x128xf32>
    %swap3A_22 = vector.shape_cast %sin3A : vector<782x128xf32> to vector<1x782x128xf32>
    tpu.vector_store %arg2[%swap3A_17, %swap3A_18, %swap3A_19], %swap3A_22 {strides = array<i32>} : memref<4x782x128xf32, #tpu.memory_space<vmem>>, vector<1x782x128xf32>,
    %sin3A_23 = math.sin %get3A_4 : vector<782x128xf32>
    %swap3A_24 = arith.constant 3 : index
    %swap3A_25 = arith.constant 0 : index
    %swap3A_26 = arith.constant 0 : index
    %swap3A_27 = vector.load %arg2[%swap3A_24, %swap3A_25, %swap3A_26] : memref<4x782x128xf32, #tpu.memory_space<vmem>>, vector<1x782x128xf32>
    %swap3A_28 = vector.shape_cast %swap3A_27 : vector<1x782x128xf32> to vector<782x128xf32>
    %swap3A_29 = vector.shape_cast %sin3A_23 : vector<782x128xf32> to vector<1x782x128xf32>
    tpu.vector_store %arg2[%swap3A_24, %swap3A_25, %swap3A_26], %swap3A_29 {strides = array<i32>} : memref<4x782x128xf32, #tpu.memory_space<vmem>>, vector<1x782x128xf32>,
    return
  }
}

module attributes {stable_mosaic.version = 14 : i64} {
  func.func @_epi_body(%arg0: memref<2x2x782x128xf32, #tpu.memory_space<vmem>>, %arg1: memref<782x128xf32, #tpu.memory_space<vmem>>, %arg2: memref<782x128xf32, #tpu.memory_space<vmem>>, %arg3: memref<782x128xf32, #tpu.memory_space<vmem>>, %arg4: memref<782x128xf32, #tpu.memory_space<vmem>>) attributes {dimension_semantics = [], scalar_prefetch = 0 : i64, scratch_operands = 0 : i64, tpu.core_type = #tpu.core_type<tc>} {
    %get3A = arith.constant 0 : index
    %get3A_0 = arith.constant 0 : index
    %get3A_1 = vector.load %arg1[%get3A, %get3A_0] : memref<782x128xf32, #tpu.memory_space<vmem>>, vector<782x128xf32>
    %cos3A = math.cos %get3A_1 : vector<782x128xf32>
    %sin3A = math.sin %get3A_1 : vector<782x128xf32>
    %get3A_2 = arith.constant 0 : index
    %get3A_3 = arith.constant 0 : index
    %get3A_4 = arith.constant 0 : index
    %get3A_5 = arith.constant 0 : index
    %get3A_6 = vector.load %arg0[%get3A_2, %get3A_3, %get3A_4, %get3A_5] : memref<2x2x782x128xf32, #tpu.memory_space<vmem>>, vector<1x1x782x128xf32>
    %get3A_7 = vector.shape_cast %get3A_6 : vector<1x1x782x128xf32> to vector<782x128xf32>
    %get3A_8 = arith.constant 0 : index
    %get3A_9 = arith.constant 1 : index
    %get3A_10 = arith.constant 0 : index
    %get3A_11 = arith.constant 0 : index
    %get3A_12 = vector.load %arg0[%get3A_8, %get3A_9, %get3A_10, %get3A_11] : memref<2x2x782x128xf32, #tpu.memory_space<vmem>>, vector<1x1x782x128xf32>
    %get3A_13 = vector.shape_cast %get3A_12 : vector<1x1x782x128xf32> to vector<782x128xf32>
    %get3A_14 = arith.constant 1 : index
    %get3A_15 = arith.constant 0 : index
    %get3A_16 = arith.constant 0 : index
    %get3A_17 = arith.constant 0 : index
    %get3A_18 = vector.load %arg0[%get3A_14, %get3A_15, %get3A_16, %get3A_17] : memref<2x2x782x128xf32, #tpu.memory_space<vmem>>, vector<1x1x782x128xf32>
    %get3A_19 = vector.shape_cast %get3A_18 : vector<1x1x782x128xf32> to vector<782x128xf32>
    %get3A_20 = arith.constant 1 : index
    %get3A_21 = arith.constant 1 : index
    %get3A_22 = arith.constant 0 : index
    %get3A_23 = arith.constant 0 : index
    %get3A_24 = vector.load %arg0[%get3A_20, %get3A_21, %get3A_22, %get3A_23] : memref<2x2x782x128xf32, #tpu.memory_space<vmem>>, vector<1x1x782x128xf32>
    %get3A_25 = vector.shape_cast %get3A_24 : vector<1x1x782x128xf32> to vector<782x128xf32>
    %mul3A = arith.mulf %cos3A, %get3A_7 : vector<782x128xf32>
    %mul3A_26 = arith.mulf %sin3A, %get3A_19 : vector<782x128xf32>
    %add3A = arith.addf %mul3A, %mul3A_26 : vector<782x128xf32>
    %mul3A_27 = arith.mulf %cos3A, %get3A_13 : vector<782x128xf32>
    %mul3A_28 = arith.mulf %sin3A, %get3A_25 : vector<782x128xf32>
    %add3A_29 = arith.addf %mul3A_27, %mul3A_28 : vector<782x128xf32>
    %mul3A_30 = arith.mulf %cos3A, %get3A_19 : vector<782x128xf32>
    %mul3A_31 = arith.mulf %sin3A, %get3A_7 : vector<782x128xf32>
    %sub3A = arith.subf %mul3A_30, %mul3A_31 : vector<782x128xf32>
    %mul3A_32 = arith.mulf %cos3A, %get3A_25 : vector<782x128xf32>
    %mul3A_33 = arith.mulf %sin3A, %get3A_13 : vector<782x128xf32>
    %sub3A_34 = arith.subf %mul3A_32, %mul3A_33 : vector<782x128xf32>
    %mul3A_35 = arith.mulf %add3A, %add3A : vector<782x128xf32>
    %mul3A_36 = arith.mulf %add3A_29, %add3A_29 : vector<782x128xf32>
    %add3A_37 = arith.addf %mul3A_35, %mul3A_36 : vector<782x128xf32>
    %mul3A_38 = arith.mulf %sub3A, %sub3A : vector<782x128xf32>
    %add3A_39 = arith.addf %add3A_37, %mul3A_38 : vector<782x128xf32>
    %mul3A_40 = arith.mulf %sub3A_34, %sub3A_34 : vector<782x128xf32>
    %add3A_41 = arith.addf %add3A_39, %mul3A_40 : vector<782x128xf32>
    %sqrt3A = math.sqrt %add3A_41 : vector<782x128xf32>
    %max3A = arith.constant 9.99999996E-13 : f32
    %max3A_42 = vector.broadcast %max3A : f32 to vector<782x128xf32>
    %max3A_43 = arith.maximumf %sqrt3A, %max3A_42 : vector<782x128xf32>
    %div3A = arith.divf %add3A_29, %max3A_43 : vector<782x128xf32>
    %mul3A_44 = arith.constant 1.000000e+00 : f32
    %mul3A_45 = vector.broadcast %mul3A_44 : f32 to vector<782x128xf32>
    %mul3A_46 = arith.mulf %mul3A_45, %div3A : vector<782x128xf32>
    %swap3A = arith.constant 0 : index
    %swap3A_47 = arith.constant 0 : index
    %swap3A_48 = vector.load %arg4[%swap3A, %swap3A_47] : memref<782x128xf32, #tpu.memory_space<vmem>>, vector<782x128xf32>
    tpu.vector_store %arg4[%swap3A, %swap3A_47], %mul3A_46 {strides = array<i32>} : memref<782x128xf32, #tpu.memory_space<vmem>>, vector<782x128xf32>,
    %mul3A_49 = arith.constant 1.000000e+00 : f32
    %mul3A_50 = vector.broadcast %mul3A_49 : f32 to vector<782x128xf32>
    %mul3A_51 = arith.mulf %mul3A_50, %cos3A : vector<782x128xf32>
    %swap3A_52 = arith.constant 0 : index
    %swap3A_53 = arith.constant 0 : index
    %swap3A_54 = vector.load %arg2[%swap3A_52, %swap3A_53] : memref<782x128xf32, #tpu.memory_space<vmem>>, vector<782x128xf32>
    tpu.vector_store %arg2[%swap3A_52, %swap3A_53], %mul3A_51 {strides = array<i32>} : memref<782x128xf32, #tpu.memory_space<vmem>>, vector<782x128xf32>,
    %mul3A_55 = arith.constant 1.000000e+00 : f32
    %mul3A_56 = vector.broadcast %mul3A_55 : f32 to vector<782x128xf32>
    %mul3A_57 = arith.mulf %mul3A_56, %sin3A : vector<782x128xf32>
    %swap3A_58 = arith.constant 0 : index
    %swap3A_59 = arith.constant 0 : index
    %swap3A_60 = vector.load %arg3[%swap3A_58, %swap3A_59] : memref<782x128xf32, #tpu.memory_space<vmem>>, vector<782x128xf32>
    tpu.vector_store %arg3[%swap3A_58, %swap3A_59], %mul3A_57 {strides = array<i32>} : memref<782x128xf32, #tpu.memory_space<vmem>>, vector<782x128xf32>,
    return
  }
}

</mosaic_0001>

<sc_bundles>
// kernel: kernel.5.cloned.1.call-start
scs
__scs_entry_jumppad:
0x0: {  	(pc) =	sbr.rel $0x88, $3  }
0x1: {  	(tag) =	ssettag $0x0;
	lr =	simm.s32 $0x1  }
0x2: {  	[smem:$0x3F9E] =	sst lr;
	_ =	strace $0xD0000000  }
0x3: {  	_ = 	snop  }
0x4: {  	_ = 	snop  }
0x5: {  	_ = 	snop  }
0x6: {  	_ = 	snop  }
0x7: {  	_ = 	snop  }
__scs_overlays_trampoline_lowered:
0x8: {  	[smem:$0x3FAD] =	sst s0  }
0x9: {  	[smem:$0x3FAE] =	sst s1  }
0xa: {  	[smem:$0x3FAF] =	sst s2  }
0xb: {  	[smem:$0x3FB0] =	sst s3  }
0xc: {  	[smem:$0x3FB1] =	sst s4  }
0xd: {  	[smem:$0x3FB2] =	sst s5  }
0xe: {  	[smem:$0x3FB3] =	sst s6  }
0xf: {  	[smem:$0x3FB4] =	sst s7  }
0x10: {  	[smem:$0x3FB5] =	sst s8  }
0x11: {  	[smem:$0x3FB6] =	sst s9;
	s0 =	simm.s32 @!p0 $0x0  }
0x12: {  	s1 =	sld [smem:$0x3F9C];
	s0 =	simm.s32 @p0 $0x1  }
0x13: {  	[smem:$0x3FB7] =	sst s0;
	s0 =	simm.s32 @!p1 $0x0  }
0x14: {  	s2 =	sld [smem:$0x3F9B];
	s0 =	simm.s32 @p1 $0x1  }
0x15: {  	[smem:$0x3FB8] =	sst s0;
	s0 =	simm.s32 @!p2 $0x0  }
0x16: {  	s3 =	sld [smem:$0x3FDB];
	s0 =	simm.s32 @p2 $0x1  }
0x17: {  	s4 =	simm.s32 $0x1BF5;
	[smem:$0x3FBA] =	sst s0  }
0x18: {  	s0 =	sld [smem:$0x3F9D];
	_ =	swait.ge [sflag:s4], $0x0  }
0x19: {  	s7 =	sld [smem:$0x3F9E]  }
0x1a: {  	s8 =	sadd.s32 $0xFFFFE003, lr  }
0x1b: {  	s9 =	sadd.s32 $0xFFFFFEF7, lr;
	s5 =	simm.s32 $0xFFFFFFFF;
	p2 =	slt.u32 s8, $0xFFFFF086  }
0x1c: {  	p1 =	slt.u32 s9, $0xF7A;
	s5 =	simm.s32 @!p2 $0x0  }
0x1d: {  	s5 =	simm.s32 @p1 $0x1;
	p0 =	seq.s32 s7, s2  }
0x1e: {  	s7 =	smul.u32 @!p0 $0xF7A, s2;
	p2 =	seq.s32 @!p0 s5, $0x0  }
0x1f: {  	s9 =	smul.u32 $0xF7A, s1;
	s8 =	simm.s32 @!p0 $0x1BF5;
	p2 =	por !p2, p0  }
0x20: {  	[sflag:s8] =	ssyncset.s32 @!p0 $0xFFFFF086;
	s6 =	sadd.s32 @!p0 s3, s7;
	s7 =	simm.s32 @!p0 $0x108  }
0x21: {  	s3 =	sadd.s32 s3, s9;
	s6 =	sadd.s32 @!p0 $0x88, s6;
	s7 =	simm.s32 @p2 $0x1082  }
0x22: {  	[simem:s7], [sflag:s8] =	dma.local @!p0 [hbm:s6], $0xF7A  }
0x23: {  	s9 =	sor.u32 $0xD0000000, s2;
	s6 =	simm.s32 $0x108;
	_ =	swait.ge @!p0 [sflag:s8], $0x0  }
0x24: {  	s3 =	sadd.s32 $0x88, s3;
	s6 =	simm.s32 @!p1 $0x1082;
	[sflag:s4] =	ssyncset.s32 $0xFFFFF086  }
0x25: {  	[simem:s6], [sflag:s4] =	dma.local [hbm:s3], $0xF7A  }
0x26: {  	[smem:$0x3F9E] =	sst s1;
	(tag) =	ssettag s2;
	_ =	strace s9  }
0x27: {  	s1 =	sld [smem:$0x3FAE]  }
0x28: {  	s2 =	sld [smem:$0x3FAF]  }
0x29: {  	s4 =	sld [smem:$0x3FB1]  }
0x2a: {  	p0 =	seq.s32 s5, $0x0;
	s5 =	sld [smem:$0x3FB2]  }
0x2b: {  	s6 =	sld [smem:$0x3FB3]  }
0x2c: {  	s7 =	sld [smem:$0x3FB4]  }
0x2d: {  	s3 =	simm.s32 $0x108;
	s8 =	sld [smem:$0x3FB5]  }
0x2e: {  	s3 =	simm.s32 @!p0 $0x1082;
	s9 =	sld [smem:$0x3FB6]  }
0x2f: {  	lr =	sadd.s32 s0, s3;
	s0 =	sld [smem:$0x3FAD]  }
0x30: {  	s3 =	sld [smem:$0x3FB0]  }
0x31: {  	[smem:$0x3FB9] =	sst s10  }
0x32: {  	s10 =	sld [smem:$0x3FB7];
	_ =	sdelay $0x3  }
0x33: {  	p0 =	seq.s32 s10, $0x1;
	s10 =	sld [smem:$0x3FB9];
	_ =	sdelay $0x3  }
0x34: {  	[smem:$0x3FB9] =	sst s10  }
0x35: {  	s10 =	sld [smem:$0x3FB8];
	_ =	sdelay $0x3  }
0x36: {  	p1 =	seq.s32 s10, $0x1;
	s10 =	sld [smem:$0x3FB9];
	_ =	sdelay $0x3  }
0x37: {  	[smem:$0x3FB9] =	sst s10  }
0x38: {  	s10 =	sld [smem:$0x3FBA]  }
0x39: {  	_ = 	snop;
	(pc) =	sbr.ind lr, $3  }
0x3a: {  	_ = 	snop  }
0x3b: {  	_ = 	snop  }
0x3c: {  	p2 =	seq.s32 s10, $0x1;
	s10 =	sld [smem:$0x3FB9]  }
0x3d: {  	_ =	shalt  }
0x3e: {  	_ =	shalt  }
0x3f: {  	_ =	shalt  }
0x40: {  	_ =	shalt  }
0x41: {  	_ =	shalt  }
0x42: {  	_ =	shalt  }
0x43: {  	_ =	shalt  }
0x44: {  	_ =	shalt  }
0x45: {  	_ =	shalt  }
0x46: {  	_ =	shalt  }
0x47: {  	_ =	shalt  }
0x48: {  	_ =	shalt  }
0x49: {  	_ =	shalt  }
0x4a: {  	_ =	shalt  }
0x4b: {  	_ =	shalt  }
0x4c: {  	_ =	shalt  }
0x4d: {  	_ =	shalt  }
0x4e: {  	_ =	shalt  }
0x4f: {  	_ =	shalt  }
0x50: {  	_ =	shalt  }
0x51: {  	_ =	shalt  }
0x52: {  	_ =	shalt  }
0x53: {  	_ =	shalt  }
0x54: {  	_ =	shalt  }
0x55: {  	_ =	shalt  }
0x56: {  	_ =	shalt  }
0x57: {  	_ =	shalt  }
0x58: {  	_ =	shalt  }
0x59: {  	_ =	shalt  }
0x5a: {  	_ =	shalt  }
0x5b: {  	_ =	shalt  }
0x5c: {  	_ =	shalt  }
0x5d: {  	_ =	shalt  }
0x5e: {  	_ =	shalt  }
0x5f: {  	_ =	shalt  }
0x60: {  	_ =	shalt  }
0x61: {  	_ =	shalt  }
0x62: {  	_ =	shalt  }
0x63: {  	_ =	shalt  }
0x64: {  	_ =	shalt  }
0x65: {  	_ =	shalt  }
0x66: {  	_ =	shalt  }
0x67: {  	_ =	shalt  }
0x68: {  	_ =	shalt  }
0x69: {  	_ =	shalt  }
0x6a: {  	_ =	shalt  }
0x6b: {  	_ =	shalt  }
0x6c: {  	_ =	shalt  }
0x6d: {  	_ =	shalt  }
0x6e: {  	_ =	shalt  }
0x6f: {  	_ =	shalt  }
0x70: {  	_ =	shalt  }
0x71: {  	_ =	shalt  }
0x72: {  	_ =	shalt  }
0x73: {  	_ =	shalt  }
0x74: {  	_ =	shalt  }
0x75: {  	_ =	shalt  }
0x76: {  	_ =	shalt  }
0x77: {  	_ =	shalt  }
0x78: {  	_ =	shalt  }
0x79: {  	_ =	shalt  }
0x7a: {  	_ =	shalt  }
0x7b: {  	_ =	shalt  }
0x7c: {  	_ =	shalt  }
0x7d: {  	_ =	shalt  }
0x7e: {  	_ =	shalt  }
0x7f: {  	_ =	shalt  }
0x80: {  	_ =	shalt  }
0x81: {  	_ =	shalt  }
0x82: {  	_ =	shalt  }
0x83: {  	_ =	shalt  }
0x84: {  	_ =	shalt  }
0x85: {  	_ =	shalt  }
0x86: {  	_ =	shalt  }
0x87: {  	_ =	shalt  }
.Lfunc_end0:
.L_simem_size_0:
called_computation.1_lowered:
.L_overlay_start_0:
0x88: {  	s2 =	sld [smem:$0x3FD9]  }
0x89: {  	s3 =	sld [smem:$0x3FFE];
	_ =	sdelay $0x1  }
0x8a: {  	s1 =	srdreg.scid  }
0x8b: {  	s0 =	sand.u32 $0x1, s1  }
0x8c: {  	s16 =	sshll.u32 s0, $0xA;
	s2 =	sadd.s32 s3, s2  }
0x8d: {  	s2 =	sadd.s32 s2, s16  }
0x8e: {  	[smem:$0x3FC5] =	sst s2  }
0x8f: {  	_ = 	snop  }
0x90: {  	(tm) =	ssettm $0x1  }
0x91: {  	s17 =	sld [smem:$0x3FFB];
	_ =	sdelay $0x3  }
0x92: {  	_ =	strace s17  }
0x93: {  	s2 =	sld [smem:$0x3FFC];
	_ =	sdelay $0x3  }
0x94: {  	_ =	strace s2  }
0x95: {  	s2 =	sld [smem:$0x3FFD];
	_ =	sdelay $0x3  }
0x96: {  	_ =	strace s2  }
0x97: {  	_ =	strace $0x8FFFFFFF  }
0x98: {  	s18 =	sld [smem:$0x3FDB];
	_ =	sdelay $0x1  }
0x99: {  	s19 =	simm.s32 $_scs_section_size  }
0x9a: {  	s4 =	simm.s32 $_size__tile_overlayer_lowered;
	s5 =	simm.s32 $_tile_overlayer_lowered  }
0x9b: {  	s22 =	simm.s32 $0x1BFF;
	s21 =	sshll.u32 s5, $0x1;
	s2 =	sadd.s32 s19, s18  }
0x9c: {  	s6 =	simm.s32 $0x0;
	s20 =	sshll.u32 s4, $0x1;
	s4 =	sadd.s32 s21, s2  }
0x9d: {  	[timem:s6], [sflag:s22] =	dma.local [hbm:s4], s20  }
0x9e: {  	_ =	swait.ge [sflag:s22], s20  }
0x9f: {  	s3 =	ssub.s32 $0x0, s20;
	[sflag:s22] =	ssyncset.done $0x0  }
0xa0: {  	[sflag:s22] =	ssyncadd.s32 s3;
	_ =	sdelay $0x1  }
0xa1: {  	s23 =	simm.s32 $0x1B8B  }
0xa2: {  	_ =	swait.ge [sflag:s23], $0x1  }
0xa3: {  	[sflag:s23] =	ssyncset.done $0x0  }
0xa4: {  	s25 =	simm.s32 $0x1B8E;
	s24 =	sld [smem:$0x3FFE];
	[sflag:s23] =	ssyncadd.s32 $0xFFFFFFFF  }
0xa5: {  	s26 =	simm.s32 $execute0_lowered;
	[smem:$0x3FD2] =	sst s25  }
0xa6: {  	s4 =	sshll.u32 s26, $0x1;
	_ =	strace $0x80000049;
	[dreg:$0x1] =	wrdreg $0xFFFFFFFF  }
0xa7: {  	s28 =	simm.s32 $_size_execute0_lowered;
	s2 =	sadd.s32 s2, s4;
	[dreg:$0x0] =	wrdreg $0x0  }
0xa8: {  	s4 =	sshll.u32 s28, $0x1;
	[dreg:$0x2] =	wrdreg s2  }
0xa9: {  	[dreg:$0x3] =	wrdreg s4  }
0xaa: {  	[dreg:$0x4] =	wrdreg $0xC0  }
0xab: {  	_ =	task [dreg:s6], $0x5FFFF  }
0xac: {  	[dreg:$0x1] =	wrdreg $0xFFFFFFFF  }
0xad: {  	[dreg:$0x0] =	wrdreg $0x60  }
0xae: {  	[dreg:$0x2] =	wrdreg s24  }
0xaf: {  	[dreg:$0x3] =	wrdreg $0x1AB000  }
0xb0: {  	[dreg:$0x4] =	wrdreg $0x9  }
0xb1: {  	_ =	task.clear_ibuf [dreg:s6], $0x5FFFF;
	_ =	strace $0x90000049  }
0xb2: {  	s29 =	simm.s32 $0x9;
	_ =	strace $0x8000004B  }
0xb3: {  	_ =	swait.ge [sflag:s29], $0x1  }
0xb4: {  	[sflag:s29] =	ssyncadd.s32 $0xFFFFFFFF  }
0xb5: {  	_ =	strace $0x9000004B  }
0xb6: {  	_ =	sfence  }
0xb7: {  	s30 =	sld [smem:$0x0];
	_ =	sdelay $0x2  }
0xb8: {  	s31 =	sshll.u32 s1, $0xD;
	s1 =	sshrl.u32 s1, $0x2  }
0xb9: {  	s3 =	sand.u32 $0x4000, s31;
	s1 =	sadd.s32 s1, s30  }
0xba: {  	s0 =	sor.u32 s3, s0;
	s1 =	sshll.u32 s1, $0x11  }
0xbb: {  	s0 =	sor.u32 s1, s0  }
0xbc: {  	s0 =	sadd.s32 $0x8F2B, s0  }
0xbd: {  	[sflag:s0] =	ssyncadd.remote.s32 $0x1  }
0xbe: {  	_ =	sfence.sel $0xFFFF  }
0xbf: {  	[dreg:$0x0] =	wrdreg $0xFFFFFFFF;
	(pc) =	sbr.abs _section_cstart, $3  }
0xc0: {  	[dreg:$0x1] =	wrdreg $0xFFFFFFFF  }
0xc1: {  	_ =	task.clear_ibuf [dreg:s6], $0x2FFFF;
	_ =	strace $0x9FFFFFFF  }
0xc2: {  	(tm) =	ssettm $0x7FFFFFFF  }
0xc3: {  	_ =	shalt  }
tec
execute0_lowered:
.L_overlay_start_1:
0x0: {  	(tag) =	ssettag $0x1  }
0x1: {  	s0 =	srdreg.scid  }
0x2: {  	s4 =	stileid.u32;
	s3 =	rddreg [dreg:$0x0]  }
0x3: {  	s1 =	rddreg [dreg:$0x1];
	s18 =	simm.s32 $0x1;
	s16 =	simm.s32 $0x1A300  }
0x4: {  	s12 =	simm.s32 $0x19B80;
	s13 =	simm.s32 $0x19C80;
	s15 =	simm.s32 $0x1A480  }
0x5: {  	s17 =	simm.s32 $0x19D00;
	s19 =	simm.s32 $0x1A500;
	s28 =	simm.s32 $0x1A680  }
0x6: {  	s29 =	simm.s32 $0x19F00;
	s30 =	simm.s32 $0x1A700;
	s0 =	sand.u32 $0x1, s0  }
0x7: {  	s31 =	simm.s32 $0x19F80;
	s9 =	sand.u32 $0x7, s4;
	s8 =	smul.u32 $0x61C0, s0  }
0x8: {  	s5 =	sshrl.u32 s4, $0x3;
	s7 =	sadd.s32 $0x200, s3;
	s25 =	smul.u32 $0xC3500, s9  }
0x9: {  	s10 =	sadd.s32 $0x193000, s3;
	p0 =	sne.s32 s4, $0x0;
	s9 =	smul.u32 $0x186A0, s9  }
0xa: {  	s2 =	sshll.u32 s0, $0x1;
	s0 =	ssub.s32 $0x2, s0;
	s11 =	smul.u32 $0x18700, s5  }
0xb: {  	s6 =	sor.u32 s5, s2;
	s2 =	simm.s32 $0x0;
	s26 =	sshrl.u32 s0, $0x1  }
0xc: {  	[smem:$0x7FF] =	sst s2;
	s8 =	sadd.s32 s8, s3;
	s0 =	ssub.s32 s0, s26  }
0xd: {  	_ =	strace $0x8000004A;
	[dreg:$0x3] =	wrdreg s10;
	s21 =	sadd.s32 $0x199200, s8  }
0xe: {  	s5 =	sadd.s32 s7, s9;
	s0 =	smax.u32 s0, $0x1;
	[dreg:$0x8] =	wrdreg s21  }
0xf: {  	s4 =	simm.s32 $0x2;
	s22 =	sadd.s32 $0x10, s5;
	[dreg:$0x9] =	wrdreg s0  }
0x10: {  	s14 =	sshrl.u32 @!p0 s1, $0x3;
	s23 =	sadd.s32 $0x20, s5;
	[dreg:$0xa] =	wrdreg s22  }
0x11: {  	s6 =	smul.u32 $0x30E0, s6;
	s24 =	sadd.s32 $0x30, s5;
	[dreg:$0xb] =	wrdreg s23  }
0x12: {  	s10 =	sshrl.u32 s25, $0x3;
	s25 =	sadd.s32 $0x40, s5;
	[dreg:$0xc] =	wrdreg s24  }
0x13: {  	v0 =	vmov s11;
	s11 =	simm.s32 $0x0;
	s26 =	sadd.s32 $0x50, s5;
	[dreg:$0xd] =	wrdreg s25  }
0x14: {  	s8 =	simm.s32 $0x1A400;
	s6 =	sadd.s32 s6, s3;
	[dreg:$0xe] =	wrdreg s26  }
0x15: {  	s22 =	simm.s32 $0x19B00;
	s21 =	simm.s32 $0x19D80;
	s6 =	sadd.s32 $0x186C00, s6  }
0x16: {  	s23 =	simm.s32 $0x1A580;
	[dreg:$0x4] =	wrdreg s6;
	s6 =	sadd.s32 s7, s10  }
.Ltmp0:
0x17: {  	s24 =	simm.s32 $0x19E00;
	s7 =	sadd.s32 $0xC3500, s6;
	(pc) =	sbr.rel .LBB2_1-.Ltmp0, $4  }
0x18: {  	s25 =	simm.s32 $0x1A600;
	s20 =	sadd.s32 $0xA0, s6;
	[dreg:$0x5] =	wrdreg s7  }
0x19: {  	s26 =	simm.s32 $0x19E80;
	s6 =	sadd.s32 $0xC35A0, s6;
	[dreg:$0x6] =	wrdreg s20  }
0x1a: {  	s0 =	simm.s32 $0x1A780;
	s3 =	simm.s32 $0x3;
	[dreg:$0x7] =	wrdreg s6  }
0x1b: {  	s20 =	simm.s32 $0x80;
	s6 =	simm.s32 $0x1A380;
	s7 =	simm.s32 $0x19C00  }
.LBB2_4:
0x1c: {  	_ =	swait.ge [sflag:s3], $0x80  }
0x1d: {  	[sflag:s3] =	ssyncset.done $0x0  }
0x1e: {  	[sflag:s3] =	ssyncadd.s32 $0xFFFFFF80  }
0x1f: {  	_ =	swait.ge [sflag:s3], $0x80  }
0x20: {  	[sflag:s3] =	ssyncset.done $0x0  }
0x21: {  	[sflag:s3] =	ssyncadd.s32 $0xFFFFFF80  }
0x22: {  	_ =	swait.ge [sflag:s3], $0x80  }
0x23: {  	[sflag:s3] =	ssyncset.done $0x0  }
0x24: {  	[sflag:s3] =	ssyncadd.s32 $0xFFFFFF80  }
0x25: {  	_ =	swait.ge [sflag:s3], $0x80  }
0x26: {  	[sflag:s3] =	ssyncset.done $0x0  }
0x27: {  	[sflag:s3] =	ssyncadd.s32 $0xFFFFFF80  }
0x28: {  	_ =	swait.ge [sflag:s3], $0x80  }
0x29: {  	[sflag:s3] =	ssyncset.done $0x0  }
0x2a: {  	[sflag:s3] =	ssyncadd.s32 $0xFFFFFF80  }
0x2b: {  	_ =	swait.ge [sflag:s3], $0x80  }
0x2c: {  	[sflag:s3] =	ssyncset.done $0x0  }
0x2d: {  	[sflag:s3] =	ssyncadd.s32 $0xFFFFFF80  }
0x2e: {  	_ =	swait.ge [sflag:s3], $0x80  }
0x2f: {  	[sflag:s3] =	ssyncset.done $0x0  }
0x30: {  	[sflag:s3] =	ssyncadd.s32 $0xFFFFFF80  }
0x31: {  	_ =	swait.ge [sflag:s3], $0x80  }
0x32: {  	[sflag:s3] =	ssyncset.done $0x0  }
0x33: {  	[sflag:s3] =	ssyncadd.s32 $0xFFFFFF80  }
0x34: {  	_ =	swait.ge [sflag:s3], $0x80  }
0x35: {  	[sflag:s3] =	ssyncset.done $0x0  }
0x36: {  	[sflag:s3] =	ssyncadd.s32 $0xFFFFFF80  }
0x37: {  	_ =	swait.ge [sflag:s3], $0x80  }
0x38: {  	[sflag:s3] =	ssyncset.done $0x0  }
0x39: {  	[sflag:s3] =	ssyncadd.s32 $0xFFFFFF80  }
0x3a: {  	[bflag:$0x0] =	sbarrier.arrive $0xFFFF  }
0x3b: {  	s9 =	simm.s32 @!p0 $0x1C04;
	s10 =	rddreg [dreg:$0x8]  }
0x3c: {  	[hbm:s10], [sflag:s9] =	dma.local @!p0 [spmem:s14], $0x61C0  }
0x3d: {  	s9 =	simm.s32 @!p0 $0x4  }
0x3e: {  	_ =	swait.ge @!p0 [sflag:s9], $0x61C0  }
0x3f: {  	s11 =	rddreg [dreg:$0xf]  }
0x40: {  	s10 =	rddreg [dreg:$0x9];
	s11 =	sadd.s32 $0x1, s11  }
0x41: {  	p1 =	sne.s32 s11, s10  }
.Ltmp1:
0x42: {  	_ = 	snop;
	(pc) =	sbr.rel @!p1 .LBB2_5-.Ltmp1, $3  }
0x43: {  	_ =	sdelay $0x1  }
0x44: {  	[sflag:s9] =	ssyncset.done @!p0 $0x0  }
0x45: {  	[sflag:s9] =	ssyncadd.s32 @!p0 $0xFFFF9E40  }
.LBB2_1:
0x46: {  	[dreg:$0xf] =	wrdreg s11  }
0x47: {  	s9 =	rddreg [dreg:$0x4];
	s10 =	simm.s32 $0x4  }
0x48: {  	[tilespmem:s2], [sflag:$0x4] =	stream.linear.gather [hbm4b:s9+s2], $0x18700, $0x38;
	[tilespmem:$0x1DBE0] =	vst v63  }
0x49: {  	_ =	swait.ge [sflag:s10], $0x18700  }
0x4a: {  	[sflag:s10] =	ssyncset.done $0x0  }
0x4b: {  	s9 =	simm.s32 @!p0 $0x1C04;
	[sflag:s10] =	ssyncadd.s32 $0xFFFE7900;
	s10 =	rddreg [dreg:$0x3]  }
0x4c: {  	[spmem:s14], [sflag:s9] =	dma.local @!p0 [hbm:s10], $0x61C0  }
0x4d: {  	s9 =	simm.s32 @!p0 $0x4  }
0x4e: {  	_ =	swait.ge @!p0 [sflag:s9], $0x61C0  }
0x4f: {  	[sflag:s9] =	ssyncset.done @!p0 $0x0  }
0x50: {  	[sflag:s9] =	ssyncadd.s32 @!p0 $0xFFFF9E40  }
0x51: {  	s11 =	simm.s32 $0x18700;
	[bflag:$0x0] =	sbarrier.arrive $0xFFFF  }
0x52: {  	[tilespmem:s11], [sflag:$0x1] =	stream.linear.gather [hbm4b:s5+s2], $0x80, $0x38;
	[tilespmem:$0x1DBE0] =	vst v63  }
0x53: {  	s10 =	rddreg [dreg:$0xa];
	s11 =	simm.s32 $0x18800  }
0x54: {  	[tilespmem:s11], [sflag:$0x1] =	stream.linear.gather [hbm4b:s10+s2], $0x80, $0x38;
	[tilespmem:$0x1DBE0] =	vst v63  }
0x55: {  	s10 =	rddreg [dreg:$0xb];
	s11 =	simm.s32 $0x18900  }
0x56: {  	[tilespmem:s11], [sflag:$0x1] =	stream.linear.gather [hbm4b:s10+s2], $0x80, $0x38;
	[tilespmem:$0x1DBE0] =	vst v63  }
0x57: {  	s10 =	rddreg [dreg:$0xc];
	s11 =	simm.s32 $0x18A00  }
0x58: {  	[tilespmem:s11], [sflag:$0x1] =	stream.linear.gather [hbm4b:s10+s2], $0x80, $0x38;
	[tilespmem:$0x1DBE0] =	vst v63  }
0x59: {  	s10 =	rddreg [dreg:$0xd];
	s11 =	simm.s32 $0x18B00  }
0x5a: {  	[tilespmem:s11], [sflag:$0x1] =	stream.linear.gather [hbm4b:s10+s2], $0x80, $0x38;
	[tilespmem:$0x1DBE0] =	vst v63  }
0x5b: {  	s10 =	rddreg [dreg:$0xe];
	s11 =	simm.s32 $0x18C00  }
0x5c: {  	[tilespmem:s11], [sflag:$0x1] =	stream.linear.gather [hbm4b:s10+s2], $0x80, $0x38;
	[tilespmem:$0x1DBE0] =	vst v63  }
0x5d: {  	s10 =	sadd.s32 $0x60, s5;
	s11 =	simm.s32 $0x18D00  }
0x5e: {  	[tilespmem:s11], [sflag:$0x1] =	stream.linear.gather [hbm4b:s10+s2], $0x80, $0x38;
	[tilespmem:$0x1DBE0] =	vst v63  }
0x5f: {  	s10 =	sadd.s32 $0x70, s5;
	s11 =	simm.s32 $0x18E00  }
0x60: {  	[tilespmem:s11], [sflag:$0x1] =	stream.linear.gather [hbm4b:s10+s2], $0x80, $0x38;
	[tilespmem:$0x1DBE0] =	vst v63  }
0x61: {  	s10 =	sadd.s32 $0x80, s5;
	s11 =	simm.s32 $0x18F00  }
0x62: {  	[tilespmem:s11], [sflag:$0x1] =	stream.linear.gather [hbm4b:s10+s2], $0x80, $0x38;
	[tilespmem:$0x1DBE0] =	vst v63  }
0x63: {  	s10 =	sadd.s32 $0x90, s5;
	s11 =	simm.s32 $0x19000  }
0x64: {  	[tilespmem:s11], [sflag:$0x1] =	stream.linear.gather [hbm4b:s10+s2], $0x80, $0x38;
	[tilespmem:$0x1DBE0] =	vst v63  }
0x65: {  	s10 =	rddreg [dreg:$0x5];
	s11 =	simm.s32 $0x19100  }
0x66: {  	[tilespmem:s11], [sflag:$0x1] =	stream.linear.gather [hbm4b:s10+s2], $0x80, $0x38;
	[tilespmem:$0x1DBE0] =	vst v63  }
0x67: {  	s9 =	sadd.s32 $0x10, s10;
	s11 =	simm.s32 $0x19200  }
0x68: {  	[tilespmem:s11], [sflag:$0x1] =	stream.linear.gather [hbm4b:s9+s2], $0x80, $0x38;
	[tilespmem:$0x1DBE0] =	vst v63  }
0x69: {  	s9 =	sadd.s32 $0x20, s10;
	s11 =	simm.s32 $0x19300  }
0x6a: {  	[tilespmem:s11], [sflag:$0x1] =	stream.linear.gather [hbm4b:s9+s2], $0x80, $0x38;
	[tilespmem:$0x1DBE0] =	vst v63  }
0x6b: {  	s9 =	sadd.s32 $0x30, s10;
	s11 =	simm.s32 $0x19400  }
0x6c: {  	[tilespmem:s11], [sflag:$0x1] =	stream.linear.gather [hbm4b:s9+s2], $0x80, $0x38;
	[tilespmem:$0x1DBE0] =	vst v63  }
0x6d: {  	s9 =	sadd.s32 $0x40, s10;
	s11 =	simm.s32 $0x19500  }
0x6e: {  	[tilespmem:s11], [sflag:$0x1] =	stream.linear.gather [hbm4b:s9+s2], $0x80, $0x38;
	[tilespmem:$0x1DBE0] =	vst v63  }
0x6f: {  	s9 =	sadd.s32 $0x50, s10;
	s11 =	simm.s32 $0x19600  }
0x70: {  	[tilespmem:s11], [sflag:$0x1] =	stream.linear.gather [hbm4b:s9+s2], $0x80, $0x38;
	[tilespmem:$0x1DBE0] =	vst v63  }
0x71: {  	s9 =	sadd.s32 $0x60, s10;
	s11 =	simm.s32 $0x19700  }
0x72: {  	[tilespmem:s11], [sflag:$0x1] =	stream.linear.gather [hbm4b:s9+s2], $0x80, $0x38;
	[tilespmem:$0x1DBE0] =	vst v63  }
0x73: {  	s9 =	sadd.s32 $0x70, s10;
	s11 =	simm.s32 $0x19800  }
0x74: {  	[tilespmem:s11], [sflag:$0x1] =	stream.linear.gather [hbm4b:s9+s2], $0x80, $0x38;
	[tilespmem:$0x1DBE0] =	vst v63  }
0x75: {  	s9 =	sadd.s32 $0x80, s10;
	s11 =	simm.s32 $0x19900  }
0x76: {  	[tilespmem:s11], [sflag:$0x1] =	stream.linear.gather [hbm4b:s9+s2], $0x80, $0x38;
	[tilespmem:$0x1DBE0] =	vst v63  }
0x77: {  	s10 =	sadd.s32 $0x90, s10;
	s11 =	simm.s32 $0x19A00  }
0x78: {  	[tilespmem:s11], [sflag:$0x1] =	stream.linear.gather [hbm4b:s10+s2], $0x80, $0x38;
	[tilespmem:$0x1DBE0] =	vst v63  }
0x79: {  	s10 =	rddreg [dreg:$0x6];
	s11 =	simm.s32 $0x18780  }
0x7a: {  	[tilespmem:s11], [sflag:$0x2] =	stream.linear.gather [hbm4b:s10+s2], $0x80, $0x38;
	[tilespmem:$0x1DBE0] =	vst v63  }
0x7b: {  	s9 =	sadd.s32 $0x10, s10;
	s11 =	simm.s32 $0x18880  }
0x7c: {  	[tilespmem:s11], [sflag:$0x2] =	stream.linear.gather [hbm4b:s9+s2], $0x80, $0x38;
	[tilespmem:$0x1DBE0] =	vst v63  }
0x7d: {  	s9 =	sadd.s32 $0x20, s10;
	s11 =	simm.s32 $0x18980  }
0x7e: {  	[tilespmem:s11], [sflag:$0x2] =	stream.linear.gather [hbm4b:s9+s2], $0x80, $0x38;
	[tilespmem:$0x1DBE0] =	vst v63  }
0x7f: {  	s9 =	sadd.s32 $0x30, s10;
	s11 =	simm.s32 $0x18A80  }
0x80: {  	[tilespmem:s11], [sflag:$0x2] =	stream.linear.gather [hbm4b:s9+s2], $0x80, $0x38;
	[tilespmem:$0x1DBE0] =	vst v63  }
0x81: {  	s9 =	sadd.s32 $0x40, s10;
	s11 =	simm.s32 $0x18B80  }
0x82: {  	[tilespmem:s11], [sflag:$0x2] =	stream.linear.gather [hbm4b:s9+s2], $0x80, $0x38;
	[tilespmem:$0x1DBE0] =	vst v63  }
0x83: {  	s9 =	sadd.s32 $0x50, s10;
	s11 =	simm.s32 $0x18C80  }
0x84: {  	[tilespmem:s11], [sflag:$0x2] =	stream.linear.gather [hbm4b:s9+s2], $0x80, $0x38;
	[tilespmem:$0x1DBE0] =	vst v63  }
0x85: {  	s9 =	sadd.s32 $0x60, s10;
	s11 =	simm.s32 $0x18D80  }
0x86: {  	[tilespmem:s11], [sflag:$0x2] =	stream.linear.gather [hbm4b:s9+s2], $0x80, $0x38;
	[tilespmem:$0x1DBE0] =	vst v63  }
0x87: {  	s9 =	sadd.s32 $0x70, s10;
	s11 =	simm.s32 $0x18E80  }
0x88: {  	[tilespmem:s11], [sflag:$0x2] =	stream.linear.gather [hbm4b:s9+s2], $0x80, $0x38;
	[tilespmem:$0x1DBE0] =	vst v63  }
0x89: {  	s9 =	sadd.s32 $0x80, s10;
	s11 =	simm.s32 $0x18F80  }
0x8a: {  	[tilespmem:s11], [sflag:$0x2] =	stream.linear.gather [hbm4b:s9+s2], $0x80, $0x38;
	[tilespmem:$0x1DBE0] =	vst v63  }
0x8b: {  	s10 =	sadd.s32 $0x90, s10;
	s11 =	simm.s32 $0x19080  }
0x8c: {  	[tilespmem:s11], [sflag:$0x2] =	stream.linear.gather [hbm4b:s10+s2], $0x80, $0x38;
	[tilespmem:$0x1DBE0] =	vst v63  }
0x8d: {  	s10 =	rddreg [dreg:$0x7];
	s11 =	simm.s32 $0x19180  }
0x8e: {  	[tilespmem:s11], [sflag:$0x2] =	stream.linear.gather [hbm4b:s10+s2], $0x80, $0x38;
	[tilespmem:$0x1DBE0] =	vst v63  }
0x8f: {  	s9 =	sadd.s32 $0x10, s10;
	s11 =	simm.s32 $0x19280  }
0x90: {  	[tilespmem:s11], [sflag:$0x2] =	stream.linear.gather [hbm4b:s9+s2], $0x80, $0x38;
	[tilespmem:$0x1DBE0] =	vst v63  }
0x91: {  	s9 =	sadd.s32 $0x20, s10;
	s11 =	simm.s32 $0x19380  }
0x92: {  	[tilespmem:s11], [sflag:$0x2] =	stream.linear.gather [hbm4b:s9+s2], $0x80, $0x38;
	[tilespmem:$0x1DBE0] =	vst v63  }
0x93: {  	s9 =	sadd.s32 $0x30, s10;
	s11 =	simm.s32 $0x19480  }
0x94: {  	[tilespmem:s11], [sflag:$0x2] =	stream.linear.gather [hbm4b:s9+s2], $0x80, $0x38;
	[tilespmem:$0x1DBE0] =	vst v63  }
0x95: {  	s9 =	sadd.s32 $0x40, s10;
	s11 =	simm.s32 $0x19580  }
0x96: {  	[tilespmem:s11], [sflag:$0x2] =	stream.linear.gather [hbm4b:s9+s2], $0x80, $0x38;
	[tilespmem:$0x1DBE0] =	vst v63  }
0x97: {  	s9 =	sadd.s32 $0x50, s10;
	s11 =	simm.s32 $0x19680  }
0x98: {  	[tilespmem:s11], [sflag:$0x2] =	stream.linear.gather [hbm4b:s9+s2], $0x80, $0x38;
	[tilespmem:$0x1DBE0] =	vst v63  }
0x99: {  	s9 =	sadd.s32 $0x60, s10;
	s11 =	simm.s32 $0x19780  }
0x9a: {  	[tilespmem:s11], [sflag:$0x2] =	stream.linear.gather [hbm4b:s9+s2], $0x80, $0x38;
	[tilespmem:$0x1DBE0] =	vst v63  }
0x9b: {  	s9 =	sadd.s32 $0x70, s10;
	s11 =	simm.s32 $0x19880  }
0x9c: {  	[tilespmem:s11], [sflag:$0x2] =	stream.linear.gather [hbm4b:s9+s2], $0x80, $0x38;
	[tilespmem:$0x1DBE0] =	vst v63  }
0x9d: {  	s9 =	sadd.s32 $0x80, s10;
	s11 =	simm.s32 $0x19980  }
0x9e: {  	[tilespmem:s11], [sflag:$0x2] =	stream.linear.gather [hbm4b:s9+s2], $0x80, $0x38;
	[tilespmem:$0x1DBE0] =	vst v63  }
0x9f: {  	s10 =	sadd.s32 $0x90, s10;
	s11 =	simm.s32 $0x19A80;
	s9 =	simm.s32 $0x0  }
0xa0: {  	[tilespmem:s11], [sflag:$0x2] =	stream.linear.gather [hbm4b:s10+s2], $0x80, $0x38;
	[tilespmem:$0x1DBE0] =	vst v63  }
.LBB2_2:
0xa1: {  	_ =	swait.ge [sflag:s18], $0x500  }
0xa2: {  	[sflag:s18] =	ssyncset.done $0x0  }
0xa3: {  	[sflag:s18] =	ssyncadd.s32 $0xFFFFFB00  }
0xa4: {  	_ =	swait.ge [sflag:s18], $0x500  }
0xa5: {  	p1 =	seq.s32 s9, $0x0;
	[sflag:s18] =	ssyncset.done $0x0  }
0xa6: {  	s10 =	simm.s32 @!p1 $0x3;
	[sflag:s18] =	ssyncadd.s32 $0xFFFFFB00  }
0xa7: {  	_ =	swait.ge @!p1 [sflag:s10], $0x80  }
0xa8: {  	[sflag:s10] =	ssyncset.done @!p1 $0x0  }
0xa9: {  	[sflag:s10] =	ssyncadd.s32 @!p1 $0xFFFFFF80  }
0xaa: {  	_ =	swait.ge @!p1 [sflag:s10], $0x80  }
0xab: {  	[sflag:s10] =	ssyncset.done @!p1 $0x0  }
0xac: {  	[sflag:s10] =	ssyncadd.s32 @!p1 $0xFFFFFF80  }
0xad: {  	_ =	swait.ge @!p1 [sflag:s10], $0x80  }
0xae: {  	[sflag:s10] =	ssyncset.done @!p1 $0x0  }
0xaf: {  	[sflag:s10] =	ssyncadd.s32 @!p1 $0xFFFFFF80  }
0xb0: {  	_ =	swait.ge @!p1 [sflag:s10], $0x80  }
0xb1: {  	[sflag:s10] =	ssyncset.done @!p1 $0x0  }
0xb2: {  	[sflag:s10] =	ssyncadd.s32 @!p1 $0xFFFFFF80  }
0xb3: {  	_ =	swait.ge @!p1 [sflag:s10], $0x80  }
0xb4: {  	[sflag:s10] =	ssyncset.done @!p1 $0x0  }
0xb5: {  	[sflag:s10] =	ssyncadd.s32 @!p1 $0xFFFFFF80  }
0xb6: {  	_ =	swait.ge @!p1 [sflag:s10], $0x80  }
0xb7: {  	[sflag:s10] =	ssyncset.done @!p1 $0x0  }
0xb8: {  	[sflag:s10] =	ssyncadd.s32 @!p1 $0xFFFFFF80  }
0xb9: {  	_ =	swait.ge @!p1 [sflag:s10], $0x80  }
0xba: {  	[sflag:s10] =	ssyncset.done @!p1 $0x0  }
0xbb: {  	[sflag:s10] =	ssyncadd.s32 @!p1 $0xFFFFFF80  }
0xbc: {  	_ =	swait.ge @!p1 [sflag:s10], $0x80  }
0xbd: {  	[sflag:s10] =	ssyncset.done @!p1 $0x0  }
0xbe: {  	[sflag:s10] =	ssyncadd.s32 @!p1 $0xFFFFFF80  }
0xbf: {  	_ =	swait.ge @!p1 [sflag:s10], $0x80  }
0xc0: {  	[sflag:s10] =	ssyncset.done @!p1 $0x0  }
0xc1: {  	[sflag:s10] =	ssyncadd.s32 @!p1 $0xFFFFFF80  }
0xc2: {  	_ =	swait.ge @!p1 [sflag:s10], $0x80  }
0xc3: {  	[sflag:s10] =	ssyncset.done @!p1 $0x0  }
0xc4: {  	[sflag:s10] =	ssyncadd.s32 @!p1 $0xFFFFFF80  }
0xc5: {  	v1 =	vld [tilespmem:$0x18700]  }
0xc6: {  	v2 =	vld [tilespmem:$0x19100];
	_ =	sdelay $0x4  }
0xc7: {  	v3 =	vld [tilespmem:$0x19110];
	v2 =	vadd.s32 v0, v2  }
0xc8: {  	[tilespmem:$0x19B00] =	vst v2;
	v2 =	vld [tilespmem:$0x18710]  }
0xc9: {  	v1 =	vld.idx.msk [tilespmem:v1+s2+$0x0], $0xffff;
	_ =	sdelay $0x4  }
0xca: {  	[tilespmem:$0x1A300] =	vst v1;
	v1 =	vadd.s32 v0, v3  }
0xcb: {  	[tilespmem:$0x19B10] =	vst v1  }
0xcc: {  	v1 =	vld.idx.msk [tilespmem:v2+s2+$0x0], $0xffff  }
0xcd: {  	v2 =	vld [tilespmem:$0x18720]  }
0xce: {  	v3 =	vld [tilespmem:$0x19120];
	_ =	sdelay $0x4  }
0xcf: {  	[tilespmem:$0x1A310] =	vst v1;
	v1 =	vadd.s32 v0, v3  }
0xd0: {  	[tilespmem:$0x19B20] =	vst v1  }
0xd1: {  	v1 =	vld.idx.msk [tilespmem:v2+s2+$0x0], $0xffff  }
0xd2: {  	v2 =	vld [tilespmem:$0x18730]  }
0xd3: {  	v3 =	vld [tilespmem:$0x19130];
	_ =	sdelay $0x4  }
0xd4: {  	[tilespmem:$0x1A320] =	vst v1;
	v1 =	vadd.s32 v0, v3  }
0xd5: {  	[tilespmem:$0x19B30] =	vst v1  }
0xd6: {  	v1 =	vld.idx.msk [tilespmem:v2+s2+$0x0], $0xffff  }
0xd7: {  	v2 =	vld [tilespmem:$0x18740]  }
0xd8: {  	v3 =	vld [tilespmem:$0x19140];
	_ =	sdelay $0x4  }
0xd9: {  	[tilespmem:$0x1A330] =	vst v1;
	v1 =	vadd.s32 v0, v3  }
0xda: {  	[tilespmem:$0x19B40] =	vst v1  }
0xdb: {  	v1 =	vld.idx.msk [tilespmem:v2+s2+$0x0], $0xffff  }
0xdc: {  	v2 =	vld [tilespmem:$0x18750]  }
0xdd: {  	v3 =	vld [tilespmem:$0x19150];
	_ =	sdelay $0x4  }
0xde: {  	[tilespmem:$0x1A340] =	vst v1;
	v1 =	vadd.s32 v0, v3  }
0xdf: {  	[tilespmem:$0x19B50] =	vst v1  }
0xe0: {  	v1 =	vld.idx.msk [tilespmem:v2+s2+$0x0], $0xffff  }
0xe1: {  	v2 =	vld [tilespmem:$0x18760]  }
0xe2: {  	v3 =	vld [tilespmem:$0x19160];
	_ =	sdelay $0x4  }
0xe3: {  	[tilespmem:$0x1A350] =	vst v1;
	v1 =	vadd.s32 v0, v3  }
0xe4: {  	[tilespmem:$0x19B60] =	vst v1  }
0xe5: {  	v1 =	vld.idx.msk [tilespmem:v2+s2+$0x0], $0xffff  }
0xe6: {  	v2 =	vld [tilespmem:$0x18770]  }
0xe7: {  	v3 =	vld [tilespmem:$0x19170];
	_ =	sdelay $0x4  }
0xe8: {  	[tilespmem:$0x1A360] =	vst v1;
	v1 =	vadd.s32 v0, v3  }
0xe9: {  	[tilespmem:$0x19B70] =	vst v1  }
0xea: {  	v1 =	vld.idx.msk [tilespmem:v2+s2+$0x0], $0xffff;
	_ =	sdelay $0x4  }
0xeb: {  	[tilespmem:$0x1A370] =	vst v1  }
0xec: {  	[spmem:s1] =	stream.indirect.scatter.add.f32 [tilespmem:s16], [sflag:$0x3], $0x1, s22, s20, $0xb8;
	[tilespmem:$0x1DBE0] =	vst v63  }
0xed: {  	v1 =	vld [tilespmem:$0x18800]  }
0xee: {  	v2 =	vld [tilespmem:$0x19200];
	_ =	sdelay $0x4  }
0xef: {  	v3 =	vld [tilespmem:$0x19210];
	v2 =	vadd.s32 v0, v2  }
0xf0: {  	[tilespmem:$0x19B80] =	vst v2;
	v2 =	vld [tilespmem:$0x18810]  }
0xf1: {  	v1 =	vld.idx.msk [tilespmem:v1+s2+$0x0], $0xffff;
	_ =	sdelay $0x4  }
0xf2: {  	[tilespmem:$0x1A380] =	vst v1;
	v1 =	vadd.s32 v0, v3  }
0xf3: {  	[tilespmem:$0x19B90] =	vst v1  }
0xf4: {  	v1 =	vld.idx.msk [tilespmem:v2+s2+$0x0], $0xffff  }
0xf5: {  	v2 =	vld [tilespmem:$0x18820]  }
0xf6: {  	v3 =	vld [tilespmem:$0x19220];
	_ =	sdelay $0x4  }
0xf7: {  	[tilespmem:$0x1A390] =	vst v1;
	v1 =	vadd.s32 v0, v3  }
0xf8: {  	[tilespmem:$0x19BA0] =	vst v1  }
0xf9: {  	v1 =	vld.idx.msk [tilespmem:v2+s2+$0x0], $0xffff  }
0xfa: {  	v2 =	vld [tilespmem:$0x18830]  }
0xfb: {  	v3 =	vld [tilespmem:$0x19230];
	_ =	sdelay $0x4  }
0xfc: {  	[tilespmem:$0x1A3A0] =	vst v1;
	v1 =	vadd.s32 v0, v3  }
0xfd: {  	[tilespmem:$0x19BB0] =	vst v1  }
0xfe: {  	v1 =	vld.idx.msk [tilespmem:v2+s2+$0x0], $0xffff  }
0xff: {  	v2 =	vld [tilespmem:$0x18840]  }
0x100: {  	v3 =	vld [tilespmem:$0x19240];
	_ =	sdelay $0x4  }
0x101: {  	[tilespmem:$0x1A3B0] =	vst v1;
	v1 =	vadd.s32 v0, v3  }
0x102: {  	[tilespmem:$0x19BC0] =	vst v1  }
0x103: {  	v1 =	vld.idx.msk [tilespmem:v2+s2+$0x0], $0xffff  }
0x104: {  	v2 =	vld [tilespmem:$0x18850]  }
0x105: {  	v3 =	vld [tilespmem:$0x19250];
	_ =	sdelay $0x4  }
0x106: {  	[tilespmem:$0x1A3C0] =	vst v1;
	v1 =	vadd.s32 v0, v3  }
0x107: {  	[tilespmem:$0x19BD0] =	vst v1  }
0x108: {  	v1 =	vld.idx.msk [tilespmem:v2+s2+$0x0], $0xffff  }
0x109: {  	v2 =	vld [tilespmem:$0x18860]  }
0x10a: {  	v3 =	vld [tilespmem:$0x19260];
	_ =	sdelay $0x4  }
0x10b: {  	[tilespmem:$0x1A3D0] =	vst v1;
	v1 =	vadd.s32 v0, v3  }
0x10c: {  	[tilespmem:$0x19BE0] =	vst v1  }
0x10d: {  	v1 =	vld.idx.msk [tilespmem:v2+s2+$0x0], $0xffff  }
0x10e: {  	v2 =	vld [tilespmem:$0x18870]  }
0x10f: {  	v3 =	vld [tilespmem:$0x19270];
	_ =	sdelay $0x4  }
0x110: {  	[tilespmem:$0x1A3E0] =	vst v1;
	v1 =	vadd.s32 v0, v3  }
0x111: {  	[tilespmem:$0x19BF0] =	vst v1  }
0x112: {  	v1 =	vld.idx.msk [tilespmem:v2+s2+$0x0], $0xffff;
	_ =	sdelay $0x4  }
0x113: {  	[tilespmem:$0x1A3F0] =	vst v1  }
0x114: {  	[spmem:s1] =	stream.indirect.scatter.add.f32 [tilespmem:s6], [sflag:$0x3], $0x1, s12, s20, $0xb8;
	[tilespmem:$0x1DBE0] =	vst v63  }
0x115: {  	v1 =	vld [tilespmem:$0x18900]  }
0x116: {  	v2 =	vld [tilespmem:$0x19300];
	_ =	sdelay $0x4  }
0x117: {  	v3 =	vld [tilespmem:$0x19310];
	v2 =	vadd.s32 v0, v2  }
0x118: {  	[tilespmem:$0x19C00] =	vst v2;
	v2 =	vld [tilespmem:$0x18910]  }
0x119: {  	v1 =	vld.idx.msk [tilespmem:v1+s2+$0x0], $0xffff;
	_ =	sdelay $0x4  }
0x11a: {  	[tilespmem:$0x1A400] =	vst v1;
	v1 =	vadd.s32 v0, v3  }
0x11b: {  	[tilespmem:$0x19C10] =	vst v1  }
0x11c: {  	v1 =	vld.idx.msk [tilespmem:v2+s2+$0x0], $0xffff  }
0x11d: {  	v2 =	vld [tilespmem:$0x18920]  }
0x11e: {  	v3 =	vld [tilespmem:$0x19320];
	_ =	sdelay $0x4  }
0x11f: {  	[tilespmem:$0x1A410] =	vst v1;
	v1 =	vadd.s32 v0, v3  }
0x120: {  	[tilespmem:$0x19C20] =	vst v1  }
0x121: {  	v1 =	vld.idx.msk [tilespmem:v2+s2+$0x0], $0xffff  }
0x122: {  	v2 =	vld [tilespmem:$0x18930]  }
0x123: {  	v3 =	vld [tilespmem:$0x19330];
	_ =	sdelay $0x4  }
0x124: {  	[tilespmem:$0x1A420] =	vst v1;
	v1 =	vadd.s32 v0, v3  }
0x125: {  	[tilespmem:$0x19C30] =	vst v1  }
0x126: {  	v1 =	vld.idx.msk [tilespmem:v2+s2+$0x0], $0xffff  }
0x127: {  	v2 =	vld [tilespmem:$0x18940]  }
0x128: {  	v3 =	vld [tilespmem:$0x19340];
	_ =	sdelay $0x4  }
0x129: {  	[tilespmem:$0x1A430] =	vst v1;
	v1 =	vadd.s32 v0, v3  }
0x12a: {  	[tilespmem:$0x19C40] =	vst v1  }
0x12b: {  	v1 =	vld.idx.msk [tilespmem:v2+s2+$0x0], $0xffff  }
0x12c: {  	v2 =	vld [tilespmem:$0x18950]  }
0x12d: {  	v3 =	vld [tilespmem:$0x19350];
	_ =	sdelay $0x4  }
0x12e: {  	[tilespmem:$0x1A440] =	vst v1;
	v1 =	vadd.s32 v0, v3  }
0x12f: {  	[tilespmem:$0x19C50] =	vst v1  }
0x130: {  	v1 =	vld.idx.msk [tilespmem:v2+s2+$0x0], $0xffff  }
0x131: {  	v2 =	vld [tilespmem:$0x18960]  }
0x132: {  	v3 =	vld [tilespmem:$0x19360];
	_ =	sdelay $0x4  }
0x133: {  	[tilespmem:$0x1A450] =	vst v1;
	v1 =	vadd.s32 v0, v3  }
0x134: {  	[tilespmem:$0x19C60] =	vst v1  }
0x135: {  	v1 =	vld.idx.msk [tilespmem:v2+s2+$0x0], $0xffff  }
0x136: {  	v2 =	vld [tilespmem:$0x18970]  }
0x137: {  	v3 =	vld [tilespmem:$0x19370];
	_ =	sdelay $0x4  }
0x138: {  	[tilespmem:$0x1A460] =	vst v1;
	v1 =	vadd.s32 v0, v3  }
0x139: {  	[tilespmem:$0x19C70] =	vst v1  }
0x13a: {  	v1 =	vld.idx.msk [tilespmem:v2+s2+$0x0], $0xffff;
	_ =	sdelay $0x4  }
0x13b: {  	[tilespmem:$0x1A470] =	vst v1  }
0x13c: {  	[spmem:s1] =	stream.indirect.scatter.add.f32 [tilespmem:s8], [sflag:$0x3], $0x1, s7, s20, $0xb8;
	[tilespmem:$0x1DBE0] =	vst v63  }
0x13d: {  	v1 =	vld [tilespmem:$0x18A00]  }
0x13e: {  	v2 =	vld [tilespmem:$0x19400];
	_ =	sdelay $0x4  }
0x13f: {  	v3 =	vld [tilespmem:$0x19410];
	v2 =	vadd.s32 v0, v2  }
0x140: {  	[tilespmem:$0x19C80] =	vst v2;
	v2 =	vld [tilespmem:$0x18A10]  }
0x141: {  	v1 =	vld.idx.msk [tilespmem:v1+s2+$0x0], $0xffff;
	_ =	sdelay $0x4  }
0x142: {  	[tilespmem:$0x1A480] =	vst v1;
	v1 =	vadd.s32 v0, v3  }
0x143: {  	[tilespmem:$0x19C90] =	vst v1  }
0x144: {  	v1 =	vld.idx.msk [tilespmem:v2+s2+$0x0], $0xffff  }
0x145: {  	v2 =	vld [tilespmem:$0x18A20]  }
0x146: {  	v3 =	vld [tilespmem:$0x19420];
	_ =	sdelay $0x4  }
0x147: {  	[tilespmem:$0x1A490] =	vst v1;
	v1 =	vadd.s32 v0, v3  }
0x148: {  	[tilespmem:$0x19CA0] =	vst v1  }
0x149: {  	v1 =	vld.idx.msk [tilespmem:v2+s2+$0x0], $0xffff  }
0x14a: {  	v2 =	vld [tilespmem:$0x18A30]  }
0x14b: {  	v3 =	vld [tilespmem:$0x19430];
	_ =	sdelay $0x4  }
0x14c: {  	[tilespmem:$0x1A4A0] =	vst v1;
	v1 =	vadd.s32 v0, v3  }
0x14d: {  	[tilespmem:$0x19CB0] =	vst v1  }
0x14e: {  	v1 =	vld.idx.msk [tilespmem:v2+s2+$0x0], $0xffff  }
0x14f: {  	v2 =	vld [tilespmem:$0x18A40]  }
0x150: {  	v3 =	vld [tilespmem:$0x19440];
	_ =	sdelay $0x4  }
0x151: {  	[tilespmem:$0x1A4B0] =	vst v1;
	v1 =	vadd.s32 v0, v3  }
0x152: {  	[tilespmem:$0x19CC0] =	vst v1  }
0x153: {  	v1 =	vld.idx.msk [tilespmem:v2+s2+$0x0], $0xffff  }
0x154: {  	v2 =	vld [tilespmem:$0x18A50]  }
0x155: {  	v3 =	vld [tilespmem:$0x19450];
	_ =	sdelay $0x4  }
0x156: {  	[tilespmem:$0x1A4C0] =	vst v1;
	v1 =	vadd.s32 v0, v3  }
0x157: {  	[tilespmem:$0x19CD0] =	vst v1  }
0x158: {  	v1 =	vld.idx.msk [tilespmem:v2+s2+$0x0], $0xffff  }
0x159: {  	v2 =	vld [tilespmem:$0x18A60]  }
0x15a: {  	v3 =	vld [tilespmem:$0x19460];
	_ =	sdelay $0x4  }
0x15b: {  	[tilespmem:$0x1A4D0] =	vst v1;
	v1 =	vadd.s32 v0, v3  }
0x15c: {  	[tilespmem:$0x19CE0] =	vst v1  }
0x15d: {  	v1 =	vld.idx.msk [tilespmem:v2+s2+$0x0], $0xffff  }
0x15e: {  	v2 =	vld [tilespmem:$0x18A70]  }
0x15f: {  	v3 =	vld [tilespmem:$0x19470];
	_ =	sdelay $0x4  }
0x160: {  	[tilespmem:$0x1A4E0] =	vst v1;
	v1 =	vadd.s32 v0, v3  }
0x161: {  	[tilespmem:$0x19CF0] =	vst v1  }
0x162: {  	v1 =	vld.idx.msk [tilespmem:v2+s2+$0x0], $0xffff;
	_ =	sdelay $0x4  }
0x163: {  	[tilespmem:$0x1A4F0] =	vst v1  }
0x164: {  	[spmem:s1] =	stream.indirect.scatter.add.f32 [tilespmem:s15], [sflag:$0x3], $0x1, s13, s20, $0xb8;
	[tilespmem:$0x1DBE0] =	vst v63  }
0x165: {  	v1 =	vld [tilespmem:$0x18B00]  }
0x166: {  	v2 =	vld [tilespmem:$0x19500];
	_ =	sdelay $0x4  }
0x167: {  	v3 =	vld [tilespmem:$0x19510];
	v2 =	vadd.s32 v0, v2  }
0x168: {  	[tilespmem:$0x19D00] =	vst v2;
	v2 =	vld [tilespmem:$0x18B10]  }
0x169: {  	v1 =	vld.idx.msk [tilespmem:v1+s2+$0x0], $0xffff;
	_ =	sdelay $0x4  }
0x16a: {  	[tilespmem:$0x1A500] =	vst v1;
	v1 =	vadd.s32 v0, v3  }
0x16b: {  	[tilespmem:$0x19D10] =	vst v1  }
0x16c: {  	v1 =	vld.idx.msk [tilespmem:v2+s2+$0x0], $0xffff  }
0x16d: {  	v2 =	vld [tilespmem:$0x18B20]  }
0x16e: {  	v3 =	vld [tilespmem:$0x19520];
	_ =	sdelay $0x4  }
0x16f: {  	[tilespmem:$0x1A510] =	vst v1;
	v1 =	vadd.s32 v0, v3  }
0x170: {  	[tilespmem:$0x19D20] =	vst v1  }
0x171: {  	v1 =	vld.idx.msk [tilespmem:v2+s2+$0x0], $0xffff  }
0x172: {  	v2 =	vld [tilespmem:$0x18B30]  }
0x173: {  	v3 =	vld [tilespmem:$0x19530];
	_ =	sdelay $0x4  }
0x174: {  	[tilespmem:$0x1A520] =	vst v1;
	v1 =	vadd.s32 v0, v3  }
0x175: {  	[tilespmem:$0x19D30] =	vst v1  }
0x176: {  	v1 =	vld.idx.msk [tilespmem:v2+s2+$0x0], $0xffff  }
0x177: {  	v2 =	vld [tilespmem:$0x18B40]  }
0x178: {  	v3 =	vld [tilespmem:$0x19540];
	_ =	sdelay $0x4  }
0x179: {  	[tilespmem:$0x1A530] =	vst v1;
	v1 =	vadd.s32 v0, v3  }
0x17a: {  	[tilespmem:$0x19D40] =	vst v1  }
0x17b: {  	v1 =	vld.idx.msk [tilespmem:v2+s2+$0x0], $0xffff  }
0x17c: {  	v2 =	vld [tilespmem:$0x18B50]  }
0x17d: {  	v3 =	vld [tilespmem:$0x19550];
	_ =	sdelay $0x4  }
0x17e: {  	[tilespmem:$0x1A540] =	vst v1;
	v1 =	vadd.s32 v0, v3  }
0x17f: {  	[tilespmem:$0x19D50] =	vst v1  }
0x180: {  	v1 =	vld.idx.msk [tilespmem:v2+s2+$0x0], $0xffff  }
0x181: {  	v2 =	vld [tilespmem:$0x18B60]  }
0x182: {  	v3 =	vld [tilespmem:$0x19560];
	_ =	sdelay $0x4  }
0x183: {  	[tilespmem:$0x1A550] =	vst v1;
	v1 =	vadd.s32 v0, v3  }
0x184: {  	[tilespmem:$0x19D60] =	vst v1  }
0x185: {  	v1 =	vld.idx.msk [tilespmem:v2+s2+$0x0], $0xffff  }
0x186: {  	v2 =	vld [tilespmem:$0x18B70]  }
0x187: {  	v3 =	vld [tilespmem:$0x19570];
	_ =	sdelay $0x4  }
0x188: {  	[tilespmem:$0x1A560] =	vst v1;
	v1 =	vadd.s32 v0, v3  }
0x189: {  	[tilespmem:$0x19D70] =	vst v1  }
0x18a: {  	v1 =	vld.idx.msk [tilespmem:v2+s2+$0x0], $0xffff;
	_ =	sdelay $0x4  }
0x18b: {  	[tilespmem:$0x1A570] =	vst v1  }
0x18c: {  	[spmem:s1] =	stream.indirect.scatter.add.f32 [tilespmem:s19], [sflag:$0x3], $0x1, s17, s20, $0xb8;
	[tilespmem:$0x1DBE0] =	vst v63  }
0x18d: {  	v1 =	vld [tilespmem:$0x18C00]  }
0x18e: {  	v2 =	vld [tilespmem:$0x19600];
	_ =	sdelay $0x4  }
0x18f: {  	v3 =	vld [tilespmem:$0x19610];
	v2 =	vadd.s32 v0, v2  }
0x190: {  	[tilespmem:$0x19D80] =	vst v2;
	v2 =	vld [tilespmem:$0x18C10]  }
0x191: {  	v1 =	vld.idx.msk [tilespmem:v1+s2+$0x0], $0xffff;
	_ =	sdelay $0x4  }
0x192: {  	[tilespmem:$0x1A580] =	vst v1;
	v1 =	vadd.s32 v0, v3  }
0x193: {  	[tilespmem:$0x19D90] =	vst v1  }
0x194: {  	v1 =	vld.idx.msk [tilespmem:v2+s2+$0x0], $0xffff  }
0x195: {  	v2 =	vld [tilespmem:$0x18C20]  }
0x196: {  	v3 =	vld [tilespmem:$0x19620];
	_ =	sdelay $0x4  }
0x197: {  	[tilespmem:$0x1A590] =	vst v1;
	v1 =	vadd.s32 v0, v3  }
0x198: {  	[tilespmem:$0x19DA0] =	vst v1  }
0x199: {  	v1 =	vld.idx.msk [tilespmem:v2+s2+$0x0], $0xffff  }
0x19a: {  	v2 =	vld [tilespmem:$0x18C30]  }
0x19b: {  	v3 =	vld [tilespmem:$0x19630];
	_ =	sdelay $0x4  }
0x19c: {  	[tilespmem:$0x1A5A0] =	vst v1;
	v1 =	vadd.s32 v0, v3  }
0x19d: {  	[tilespmem:$0x19DB0] =	vst v1  }
0x19e: {  	v1 =	vld.idx.msk [tilespmem:v2+s2+$0x0], $0xffff  }
0x19f: {  	v2 =	vld [tilespmem:$0x18C40]  }
0x1a0: {  	v3 =	vld [tilespmem:$0x19640];
	_ =	sdelay $0x4  }
0x1a1: {  	[tilespmem:$0x1A5B0] =	vst v1;
	v1 =	vadd.s32 v0, v3  }
0x1a2: {  	[tilespmem:$0x19DC0] =	vst v1  }
0x1a3: {  	v1 =	vld.idx.msk [tilespmem:v2+s2+$0x0], $0xffff  }
0x1a4: {  	v2 =	vld [tilespmem:$0x18C50]  }
0x1a5: {  	v3 =	vld [tilespmem:$0x19650];
	_ =	sdelay $0x4  }
0x1a6: {  	[tilespmem:$0x1A5C0] =	vst v1;
	v1 =	vadd.s32 v0, v3  }
0x1a7: {  	[tilespmem:$0x19DD0] =	vst v1  }
0x1a8: {  	v1 =	vld.idx.msk [tilespmem:v2+s2+$0x0], $0xffff  }
0x1a9: {  	v2 =	vld [tilespmem:$0x18C60]  }
0x1aa: {  	v3 =	vld [tilespmem:$0x19660];
	_ =	sdelay $0x4  }
0x1ab: {  	[tilespmem:$0x1A5D0] =	vst v1;
	v1 =	vadd.s32 v0, v3  }
0x1ac: {  	[tilespmem:$0x19DE0] =	vst v1  }
0x1ad: {  	v1 =	vld.idx.msk [tilespmem:v2+s2+$0x0], $0xffff  }
0x1ae: {  	v2 =	vld [tilespmem:$0x18C70]  }
0x1af: {  	v3 =	vld [tilespmem:$0x19670];
	_ =	sdelay $0x4  }
0x1b0: {  	[tilespmem:$0x1A5E0] =	vst v1;
	v1 =	vadd.s32 v0, v3  }
0x1b1: {  	[tilespmem:$0x19DF0] =	vst v1  }
0x1b2: {  	v1 =	vld.idx.msk [tilespmem:v2+s2+$0x0], $0xffff;
	_ =	sdelay $0x4  }
0x1b3: {  	[tilespmem:$0x1A5F0] =	vst v1  }
0x1b4: {  	[spmem:s1] =	stream.indirect.scatter.add.f32 [tilespmem:s23], [sflag:$0x3], $0x1, s21, s20, $0xb8;
	[tilespmem:$0x1DBE0] =	vst v63  }
0x1b5: {  	v1 =	vld [tilespmem:$0x18D00]  }
0x1b6: {  	v2 =	vld [tilespmem:$0x19700];
	_ =	sdelay $0x4  }
0x1b7: {  	v3 =	vld [tilespmem:$0x19710];
	v2 =	vadd.s32 v0, v2  }
0x1b8: {  	[tilespmem:$0x19E00] =	vst v2;
	v2 =	vld [tilespmem:$0x18D10]  }
0x1b9: {  	v1 =	vld.idx.msk [tilespmem:v1+s2+$0x0], $0xffff;
	_ =	sdelay $0x4  }
0x1ba: {  	[tilespmem:$0x1A600] =	vst v1;
	v1 =	vadd.s32 v0, v3  }
0x1bb: {  	[tilespmem:$0x19E10] =	vst v1  }
0x1bc: {  	v1 =	vld.idx.msk [tilespmem:v2+s2+$0x0], $0xffff  }
0x1bd: {  	v2 =	vld [tilespmem:$0x18D20]  }
0x1be: {  	v3 =	vld [tilespmem:$0x19720];
	_ =	sdelay $0x4  }
0x1bf: {  	[tilespmem:$0x1A610] =	vst v1;
	v1 =	vadd.s32 v0, v3  }
0x1c0: {  	[tilespmem:$0x19E20] =	vst v1  }
0x1c1: {  	v1 =	vld.idx.msk [tilespmem:v2+s2+$0x0], $0xffff  }
0x1c2: {  	v2 =	vld [tilespmem:$0x18D30]  }
0x1c3: {  	v3 =	vld [tilespmem:$0x19730];
	_ =	sdelay $0x4  }
0x1c4: {  	[tilespmem:$0x1A620] =	vst v1;
	v1 =	vadd.s32 v0, v3  }
0x1c5: {  	[tilespmem:$0x19E30] =	vst v1  }
0x1c6: {  	v1 =	vld.idx.msk [tilespmem:v2+s2+$0x0], $0xffff  }
0x1c7: {  	v2 =	vld [tilespmem:$0x18D40]  }
0x1c8: {  	v3 =	vld [tilespmem:$0x19740];
	_ =	sdelay $0x4  }
0x1c9: {  	[tilespmem:$0x1A630] =	vst v1;
	v1 =	vadd.s32 v0, v3  }
0x1ca: {  	[tilespmem:$0x19E40] =	vst v1  }
0x1cb: {  	v1 =	vld.idx.msk [tilespmem:v2+s2+$0x0], $0xffff  }
0x1cc: {  	v2 =	vld [tilespmem:$0x18D50]  }
0x1cd: {  	v3 =	vld [tilespmem:$0x19750];
	_ =	sdelay $0x4  }
0x1ce: {  	[tilespmem:$0x1A640] =	vst v1;
	v1 =	vadd.s32 v0, v3  }
0x1cf: {  	[tilespmem:$0x19E50] =	vst v1  }
0x1d0: {  	v1 =	vld.idx.msk [tilespmem:v2+s2+$0x0], $0xffff  }
0x1d1: {  	v2 =	vld [tilespmem:$0x18D60]  }
0x1d2: {  	v3 =	vld [tilespmem:$0x19760];
	_ =	sdelay $0x4  }
0x1d3: {  	[tilespmem:$0x1A650] =	vst v1;
	v1 =	vadd.s32 v0, v3  }
0x1d4: {  	[tilespmem:$0x19E60] =	vst v1  }
0x1d5: {  	v1 =	vld.idx.msk [tilespmem:v2+s2+$0x0], $0xffff  }
0x1d6: {  	v2 =	vld [tilespmem:$0x18D70]  }
0x1d7: {  	v3 =	vld [tilespmem:$0x19770];
	_ =	sdelay $0x4  }
0x1d8: {  	[tilespmem:$0x1A660] =	vst v1;
	v1 =	vadd.s32 v0, v3  }
0x1d9: {  	[tilespmem:$0x19E70] =	vst v1  }
0x1da: {  	v1 =	vld.idx.msk [tilespmem:v2+s2+$0x0], $0xffff;
	_ =	sdelay $0x4  }
0x1db: {  	[tilespmem:$0x1A670] =	vst v1  }
0x1dc: {  	[spmem:s1] =	stream.indirect.scatter.add.f32 [tilespmem:s25], [sflag:$0x3], $0x1, s24, s20, $0xb8;
	[tilespmem:$0x1DBE0] =	vst v63  }
0x1dd: {  	v1 =	vld [tilespmem:$0x18E00]  }
0x1de: {  	v2 =	vld [tilespmem:$0x19800];
	_ =	sdelay $0x4  }
0x1df: {  	v3 =	vld [tilespmem:$0x19810];
	v2 =	vadd.s32 v0, v2  }
0x1e0: {  	[tilespmem:$0x19E80] =	vst v2;
	v2 =	vld [tilespmem:$0x18E10]  }
0x1e1: {  	v1 =	vld.idx.msk [tilespmem:v1+s2+$0x0], $0xffff;
	_ =	sdelay $0x4  }
0x1e2: {  	[tilespmem:$0x1A680] =	vst v1;
	v1 =	vadd.s32 v0, v3  }
0x1e3: {  	[tilespmem:$0x19E90] =	vst v1  }
0x1e4: {  	v1 =	vld.idx.msk [tilespmem:v2+s2+$0x0], $0xffff  }
0x1e5: {  	v2 =	vld [tilespmem:$0x18E20]  }
0x1e6: {  	v3 =	vld [tilespmem:$0x19820];
	_ =	sdelay $0x4  }
0x1e7: {  	[tilespmem:$0x1A690] =	vst v1;
	v1 =	vadd.s32 v0, v3  }
0x1e8: {  	[tilespmem:$0x19EA0] =	vst v1  }
0x1e9: {  	v1 =	vld.idx.msk [tilespmem:v2+s2+$0x0], $0xffff  }
0x1ea: {  	v2 =	vld [tilespmem:$0x18E30]  }
0x1eb: {  	v3 =	vld [tilespmem:$0x19830];
	_ =	sdelay $0x4  }
0x1ec: {  	[tilespmem:$0x1A6A0] =	vst v1;
	v1 =	vadd.s32 v0, v3  }
0x1ed: {  	[tilespmem:$0x19EB0] =	vst v1  }
0x1ee: {  	v1 =	vld.idx.msk [tilespmem:v2+s2+$0x0], $0xffff  }
0x1ef: {  	v2 =	vld [tilespmem:$0x18E40]  }
0x1f0: {  	v3 =	vld [tilespmem:$0x19840];
	_ =	sdelay $0x4  }
0x1f1: {  	[tilespmem:$0x1A6B0] =	vst v1;
	v1 =	vadd.s32 v0, v3  }
0x1f2: {  	[tilespmem:$0x19EC0] =	vst v1  }
0x1f3: {  	v1 =	vld.idx.msk [tilespmem:v2+s2+$0x0], $0xffff  }
0x1f4: {  	v2 =	vld [tilespmem:$0x18E50]  }
0x1f5: {  	v3 =	vld [tilespmem:$0x19850];
	_ =	sdelay $0x4  }
0x1f6: {  	[tilespmem:$0x1A6C0] =	vst v1;
	v1 =	vadd.s32 v0, v3  }
0x1f7: {  	[tilespmem:$0x19ED0] =	vst v1  }
0x1f8: {  	v1 =	vld.idx.msk [tilespmem:v2+s2+$0x0], $0xffff  }
0x1f9: {  	v2 =	vld [tilespmem:$0x18E60]  }
0x1fa: {  	v3 =	vld [tilespmem:$0x19860];
	_ =	sdelay $0x4  }
0x1fb: {  	[tilespmem:$0x1A6D0] =	vst v1;
	v1 =	vadd.s32 v0, v3  }
0x1fc: {  	[tilespmem:$0x19EE0] =	vst v1  }
0x1fd: {  	v1 =	vld.idx.msk [tilespmem:v2+s2+$0x0], $0xffff  }
0x1fe: {  	v2 =	vld [tilespmem:$0x18E70]  }
0x1ff: {  	v3 =	vld [tilespmem:$0x19870];
	_ =	sdelay $0x4  }
0x200: {  	[tilespmem:$0x1A6E0] =	vst v1;
	v1 =	vadd.s32 v0, v3  }
0x201: {  	[tilespmem:$0x19EF0] =	vst v1  }
0x202: {  	v1 =	vld.idx.msk [tilespmem:v2+s2+$0x0], $0xffff;
	_ =	sdelay $0x4  }
0x203: {  	[tilespmem:$0x1A6F0] =	vst v1  }
0x204: {  	[spmem:s1] =	stream.indirect.scatter.add.f32 [tilespmem:s28], [sflag:$0x3], $0x1, s26, s20, $0xb8;
	[tilespmem:$0x1DBE0] =	vst v63  }
0x205: {  	v1 =	vld [tilespmem:$0x18F00]  }
0x206: {  	v2 =	vld [tilespmem:$0x19900];
	_ =	sdelay $0x4  }
0x207: {  	v3 =	vld [tilespmem:$0x19910];
	v2 =	vadd.s32 v0, v2  }
0x208: {  	[tilespmem:$0x19F00] =	vst v2;
	v2 =	vld [tilespmem:$0x18F10]  }
0x209: {  	v1 =	vld.idx.msk [tilespmem:v1+s2+$0x0], $0xffff;
	_ =	sdelay $0x4  }
0x20a: {  	[tilespmem:$0x1A700] =	vst v1;
	v1 =	vadd.s32 v0, v3  }
0x20b: {  	[tilespmem:$0x19F10] =	vst v1  }
0x20c: {  	v1 =	vld.idx.msk [tilespmem:v2+s2+$0x0], $0xffff  }
0x20d: {  	v2 =	vld [tilespmem:$0x18F20]  }
0x20e: {  	v3 =	vld [tilespmem:$0x19920];
	_ =	sdelay $0x4  }
0x20f: {  	[tilespmem:$0x1A710] =	vst v1;
	v1 =	vadd.s32 v0, v3  }
0x210: {  	[tilespmem:$0x19F20] =	vst v1  }
0x211: {  	v1 =	vld.idx.msk [tilespmem:v2+s2+$0x0], $0xffff  }
0x212: {  	v2 =	vld [tilespmem:$0x18F30]  }
0x213: {  	v3 =	vld [tilespmem:$0x19930];
	_ =	sdelay $0x4  }
0x214: {  	[tilespmem:$0x1A720] =	vst v1;
	v1 =	vadd.s32 v0, v3  }
0x215: {  	[tilespmem:$0x19F30] =	vst v1  }
0x216: {  	v1 =	vld.idx.msk [tilespmem:v2+s2+$0x0], $0xffff  }
0x217: {  	v2 =	vld [tilespmem:$0x18F40]  }
0x218: {  	v3 =	vld [tilespmem:$0x19940];
	_ =	sdelay $0x4  }
0x219: {  	[tilespmem:$0x1A730] =	vst v1;
	v1 =	vadd.s32 v0, v3  }
0x21a: {  	[tilespmem:$0x19F40] =	vst v1  }
0x21b: {  	v1 =	vld.idx.msk [tilespmem:v2+s2+$0x0], $0xffff  }
0x21c: {  	v2 =	vld [tilespmem:$0x18F50]  }
0x21d: {  	v3 =	vld [tilespmem:$0x19950];
	_ =	sdelay $0x4  }
0x21e: {  	[tilespmem:$0x1A740] =	vst v1;
	v1 =	vadd.s32 v0, v3  }
0x21f: {  	[tilespmem:$0x19F50] =	vst v1  }
0x220: {  	v1 =	vld.idx.msk [tilespmem:v2+s2+$0x0], $0xffff  }
0x221: {  	v2 =	vld [tilespmem:$0x18F60]  }
0x222: {  	v3 =	vld [tilespmem:$0x19960];
	_ =	sdelay $0x4  }
0x223: {  	[tilespmem:$0x1A750] =	vst v1;
	v1 =	vadd.s32 v0, v3  }
0x224: {  	[tilespmem:$0x19F60] =	vst v1  }
0x225: {  	v1 =	vld.idx.msk [tilespmem:v2+s2+$0x0], $0xffff  }
0x226: {  	v2 =	vld [tilespmem:$0x18F70]  }
0x227: {  	v3 =	vld [tilespmem:$0x19970];
	_ =	sdelay $0x4  }
0x228: {  	[tilespmem:$0x1A760] =	vst v1;
	v1 =	vadd.s32 v0, v3  }
0x229: {  	[tilespmem:$0x19F70] =	vst v1  }
0x22a: {  	v1 =	vld.idx.msk [tilespmem:v2+s2+$0x0], $0xffff;
	_ =	sdelay $0x4  }
0x22b: {  	[tilespmem:$0x1A770] =	vst v1  }
0x22c: {  	[spmem:s1] =	stream.indirect.scatter.add.f32 [tilespmem:s30], [sflag:$0x3], $0x1, s29, s20, $0xb8;
	[tilespmem:$0x1DBE0] =	vst v63  }
0x22d: {  	v1 =	vld [tilespmem:$0x19000]  }
0x22e: {  	v2 =	vld [tilespmem:$0x19A00];
	_ =	sdelay $0x4  }
0x22f: {  	v3 =	vld [tilespmem:$0x19A10];
	v2 =	vadd.s32 v0, v2  }
0x230: {  	[tilespmem:$0x19F80] =	vst v2;
	v2 =	vld [tilespmem:$0x19010]  }
0x231: {  	v1 =	vld.idx.msk [tilespmem:v1+s2+$0x0], $0xffff;
	_ =	sdelay $0x4  }
0x232: {  	[tilespmem:$0x1A780] =	vst v1;
	v1 =	vadd.s32 v0, v3  }
0x233: {  	[tilespmem:$0x19F90] =	vst v1  }
0x234: {  	v1 =	vld.idx.msk [tilespmem:v2+s2+$0x0], $0xffff  }
0x235: {  	v2 =	vld [tilespmem:$0x19020]  }
0x236: {  	v3 =	vld [tilespmem:$0x19A20];
	_ =	sdelay $0x4  }
0x237: {  	[tilespmem:$0x1A790] =	vst v1;
	v1 =	vadd.s32 v0, v3  }
0x238: {  	[tilespmem:$0x19FA0] =	vst v1  }
0x239: {  	v1 =	vld.idx.msk [tilespmem:v2+s2+$0x0], $0xffff  }
0x23a: {  	v2 =	vld [tilespmem:$0x19030]  }
0x23b: {  	v3 =	vld [tilespmem:$0x19A30];
	_ =	sdelay $0x4  }
0x23c: {  	[tilespmem:$0x1A7A0] =	vst v1;
	v1 =	vadd.s32 v0, v3  }
0x23d: {  	[tilespmem:$0x19FB0] =	vst v1  }
0x23e: {  	v1 =	vld.idx.msk [tilespmem:v2+s2+$0x0], $0xffff  }
0x23f: {  	v2 =	vld [tilespmem:$0x19040]  }
0x240: {  	v3 =	vld [tilespmem:$0x19A40];
	_ =	sdelay $0x4  }
0x241: {  	[tilespmem:$0x1A7B0] =	vst v1;
	v1 =	vadd.s32 v0, v3  }
0x242: {  	[tilespmem:$0x19FC0] =	vst v1  }
0x243: {  	v1 =	vld.idx.msk [tilespmem:v2+s2+$0x0], $0xffff  }
0x244: {  	v2 =	vld [tilespmem:$0x19050]  }
0x245: {  	v3 =	vld [tilespmem:$0x19A50];
	_ =	sdelay $0x4  }
0x246: {  	[tilespmem:$0x1A7C0] =	vst v1;
	v1 =	vadd.s32 v0, v3  }
0x247: {  	[tilespmem:$0x19FD0] =	vst v1  }
0x248: {  	v1 =	vld.idx.msk [tilespmem:v2+s2+$0x0], $0xffff  }
0x249: {  	v2 =	vld [tilespmem:$0x19060]  }
0x24a: {  	v3 =	vld [tilespmem:$0x19A60];
	_ =	sdelay $0x4  }
0x24b: {  	[tilespmem:$0x1A7D0] =	vst v1;
	v1 =	vadd.s32 v0, v3  }
0x24c: {  	[tilespmem:$0x19FE0] =	vst v1  }
0x24d: {  	v1 =	vld.idx.msk [tilespmem:v2+s2+$0x0], $0xffff  }
0x24e: {  	v2 =	vld [tilespmem:$0x19070]  }
0x24f: {  	v3 =	vld [tilespmem:$0x19A70];
	_ =	sdelay $0x4  }
0x250: {  	[tilespmem:$0x1A7E0] =	vst v1;
	v1 =	vadd.s32 v0, v3  }
0x251: {  	[tilespmem:$0x19FF0] =	vst v1  }
0x252: {  	v1 =	vld.idx.msk [tilespmem:v2+s2+$0x0], $0xffff  }
0x253: {  	p1 =	seq.s32 s9, $0x18600  }
.Ltmp2:
0x254: {  	_ = 	snop;
	(pc) =	sbr.rel @p1 .LBB2_4-.Ltmp2, $3  }
0x255: {  	_ =	sdelay $0x1  }
0x256: {  	[tilespmem:$0x1A7F0] =	vst v1  }
0x257: {  	[spmem:s1] =	stream.indirect.scatter.add.f32 [tilespmem:s0], [sflag:$0x3], $0x1, s31, s20, $0xb8;
	[tilespmem:$0x1DBE0] =	vst v63  }
0x258: {  	s10 =	sadd.s32 s9, s5  }
0x259: {  	s11 =	smov.u32 s14;
	s16 =	simm.s32 $0x18700;
	s14 =	sadd.s32 $0x140, s10  }
0x25a: {  	[tilespmem:s16], [sflag:$0x1] =	stream.linear.gather [hbm4b:s14+s2], $0x80, $0x38;
	[tilespmem:$0x1DBE0] =	vst v63  }
0x25b: {  	s14 =	sadd.s32 $0x150, s10;
	s16 =	simm.s32 $0x18800  }
0x25c: {  	[tilespmem:s16], [sflag:$0x1] =	stream.linear.gather [hbm4b:s14+s2], $0x80, $0x38;
	[tilespmem:$0x1DBE0] =	vst v63  }
0x25d: {  	s14 =	sadd.s32 $0x160, s10;
	s16 =	simm.s32 $0x18900  }
0x25e: {  	[tilespmem:s16], [sflag:$0x1] =	stream.linear.gather [hbm4b:s14+s2], $0x80, $0x38;
	[tilespmem:$0x1DBE0] =	vst v63  }
0x25f: {  	s14 =	sadd.s32 $0x170, s10;
	s16 =	simm.s32 $0x18A00  }
0x260: {  	[tilespmem:s16], [sflag:$0x1] =	stream.linear.gather [hbm4b:s14+s2], $0x80, $0x38;
	[tilespmem:$0x1DBE0] =	vst v63  }
0x261: {  	s14 =	sadd.s32 $0x180, s10;
	s16 =	simm.s32 $0x18B00  }
0x262: {  	[tilespmem:s16], [sflag:$0x1] =	stream.linear.gather [hbm4b:s14+s2], $0x80, $0x38;
	[tilespmem:$0x1DBE0] =	vst v63  }
0x263: {  	s14 =	sadd.s32 $0x190, s10;
	s16 =	simm.s32 $0x18C00  }
0x264: {  	[tilespmem:s16], [sflag:$0x1] =	stream.linear.gather [hbm4b:s14+s2], $0x80, $0x38;
	[tilespmem:$0x1DBE0] =	vst v63  }
0x265: {  	s14 =	sadd.s32 $0x1A0, s10;
	s16 =	simm.s32 $0x18D00  }
0x266: {  	[tilespmem:s16], [sflag:$0x1] =	stream.linear.gather [hbm4b:s14+s2], $0x80, $0x38;
	[tilespmem:$0x1DBE0] =	vst v63  }
0x267: {  	s14 =	sadd.s32 $0x1B0, s10;
	s16 =	simm.s32 $0x18E00  }
0x268: {  	[tilespmem:s16], [sflag:$0x1] =	stream.linear.gather [hbm4b:s14+s2], $0x80, $0x38;
	[tilespmem:$0x1DBE0] =	vst v63  }
0x269: {  	s14 =	sadd.s32 $0x1C0, s10;
	s16 =	simm.s32 $0x18F00  }
0x26a: {  	[tilespmem:s16], [sflag:$0x1] =	stream.linear.gather [hbm4b:s14+s2], $0x80, $0x38;
	[tilespmem:$0x1DBE0] =	vst v63  }
0x26b: {  	s14 =	sadd.s32 $0x1D0, s10;
	s16 =	simm.s32 $0x19000  }
0x26c: {  	[tilespmem:s16], [sflag:$0x1] =	stream.linear.gather [hbm4b:s14+s2], $0x80, $0x38;
	[tilespmem:$0x1DBE0] =	vst v63  }
0x26d: {  	s10 =	sadd.s32 $0xC3640, s10;
	s16 =	simm.s32 $0x19100  }
0x26e: {  	[tilespmem:s16], [sflag:$0x1] =	stream.linear.gather [hbm4b:s10+s2], $0x80, $0x38;
	[tilespmem:$0x1DBE0] =	vst v63  }
0x26f: {  	s14 =	sadd.s32 $0x10, s10;
	s16 =	simm.s32 $0x19200  }
0x270: {  	[tilespmem:s16], [sflag:$0x1] =	stream.linear.gather [hbm4b:s14+s2], $0x80, $0x38;
	[tilespmem:$0x1DBE0] =	vst v63  }
0x271: {  	s14 =	sadd.s32 $0x20, s10;
	s16 =	simm.s32 $0x19300  }
0x272: {  	[tilespmem:s16], [sflag:$0x1] =	stream.linear.gather [hbm4b:s14+s2], $0x80, $0x38;
	[tilespmem:$0x1DBE0] =	vst v63  }
0x273: {  	s14 =	sadd.s32 $0x30, s10;
	s16 =	simm.s32 $0x19400  }
0x274: {  	[tilespmem:s16], [sflag:$0x1] =	stream.linear.gather [hbm4b:s14+s2], $0x80, $0x38;
	[tilespmem:$0x1DBE0] =	vst v63  }
0x275: {  	s14 =	sadd.s32 $0x40, s10;
	s16 =	simm.s32 $0x19500  }
0x276: {  	[tilespmem:s16], [sflag:$0x1] =	stream.linear.gather [hbm4b:s14+s2], $0x80, $0x38;
	[tilespmem:$0x1DBE0] =	vst v63  }
0x277: {  	s14 =	sadd.s32 $0x50, s10;
	s16 =	simm.s32 $0x19600  }
0x278: {  	[tilespmem:s16], [sflag:$0x1] =	stream.linear.gather [hbm4b:s14+s2], $0x80, $0x38;
	[tilespmem:$0x1DBE0] =	vst v63  }
0x279: {  	s14 =	sadd.s32 $0x60, s10;
	s16 =	simm.s32 $0x19700  }
0x27a: {  	[tilespmem:s16], [sflag:$0x1] =	stream.linear.gather [hbm4b:s14+s2], $0x80, $0x38;
	[tilespmem:$0x1DBE0] =	vst v63  }
0x27b: {  	s14 =	sadd.s32 $0x70, s10;
	s16 =	simm.s32 $0x19800  }
0x27c: {  	[tilespmem:s16], [sflag:$0x1] =	stream.linear.gather [hbm4b:s14+s2], $0x80, $0x38;
	[tilespmem:$0x1DBE0] =	vst v63  }
0x27d: {  	s14 =	sadd.s32 $0x80, s10;
	s16 =	simm.s32 $0x19900  }
0x27e: {  	[tilespmem:s16], [sflag:$0x1] =	stream.linear.gather [hbm4b:s14+s2], $0x80, $0x38;
	[tilespmem:$0x1DBE0] =	vst v63  }
0x27f: {  	s10 =	sadd.s32 $0x90, s10;
	s16 =	simm.s32 $0x19A00  }
0x280: {  	[tilespmem:s16], [sflag:$0x1] =	stream.linear.gather [hbm4b:s10+s2], $0x80, $0x38;
	[tilespmem:$0x1DBE0] =	vst v63  }
0x281: {  	_ =	swait.ge [sflag:s4], $0x500  }
0x282: {  	[sflag:s4] =	ssyncset.done $0x0  }
0x283: {  	[sflag:s4] =	ssyncadd.s32 $0xFFFFFB00  }
0x284: {  	_ =	swait.ge [sflag:s4], $0x500  }
0x285: {  	[sflag:s4] =	ssyncset.done $0x0  }
0x286: {  	[sflag:s4] =	ssyncadd.s32 $0xFFFFFB00  }
0x287: {  	_ =	swait.ge [sflag:s3], $0x80  }
0x288: {  	[sflag:s3] =	ssyncset.done $0x0  }
0x289: {  	[sflag:s3] =	ssyncadd.s32 $0xFFFFFF80  }
0x28a: {  	_ =	swait.ge [sflag:s3], $0x80  }
0x28b: {  	[sflag:s3] =	ssyncset.done $0x0  }
0x28c: {  	[sflag:s3] =	ssyncadd.s32 $0xFFFFFF80  }
0x28d: {  	_ =	swait.ge [sflag:s3], $0x80  }
0x28e: {  	[sflag:s3] =	ssyncset.done $0x0  }
0x28f: {  	[sflag:s3] =	ssyncadd.s32 $0xFFFFFF80  }
0x290: {  	_ =	swait.ge [sflag:s3], $0x80  }
0x291: {  	[sflag:s3] =	ssyncset.done $0x0  }
0x292: {  	[sflag:s3] =	ssyncadd.s32 $0xFFFFFF80  }
0x293: {  	_ =	swait.ge [sflag:s3], $0x80  }
0x294: {  	[sflag:s3] =	ssyncset.done $0x0  }
0x295: {  	[sflag:s3] =	ssyncadd.s32 $0xFFFFFF80  }
0x296: {  	_ =	swait.ge [sflag:s3], $0x80  }
0x297: {  	[sflag:s3] =	ssyncset.done $0x0  }
0x298: {  	[sflag:s3] =	ssyncadd.s32 $0xFFFFFF80  }
0x299: {  	_ =	swait.ge [sflag:s3], $0x80  }
0x29a: {  	[sflag:s3] =	ssyncset.done $0x0  }
0x29b: {  	[sflag:s3] =	ssyncadd.s32 $0xFFFFFF80  }
0x29c: {  	_ =	swait.ge [sflag:s3], $0x80  }
0x29d: {  	[sflag:s3] =	ssyncset.done $0x0  }
0x29e: {  	[sflag:s3] =	ssyncadd.s32 $0xFFFFFF80  }
0x29f: {  	_ =	swait.ge [sflag:s3], $0x80  }
0x2a0: {  	[sflag:s3] =	ssyncset.done $0x0  }
0x2a1: {  	[sflag:s3] =	ssyncadd.s32 $0xFFFFFF80  }
0x2a2: {  	_ =	swait.ge [sflag:s3], $0x80  }
0x2a3: {  	[sflag:s3] =	ssyncset.done $0x0  }
0x2a4: {  	[sflag:s3] =	ssyncadd.s32 $0xFFFFFF80  }
0x2a5: {  	v1 =	vld [tilespmem:$0x18780]  }
0x2a6: {  	v2 =	vld [tilespmem:$0x19180];
	_ =	sdelay $0x4  }
0x2a7: {  	v3 =	vld [tilespmem:$0x19190];
	v2 =	vadd.s32 v0, v2  }
0x2a8: {  	[tilespmem:$0x19B00] =	vst v2;
	v2 =	vld [tilespmem:$0x18790]  }
0x2a9: {  	v1 =	vld.idx.msk [tilespmem:v1+s2+$0x0], $0xffff;
	_ =	sdelay $0x4  }
0x2aa: {  	[tilespmem:$0x1A300] =	vst v1;
	v1 =	vadd.s32 v0, v3  }
0x2ab: {  	[tilespmem:$0x19B10] =	vst v1  }
0x2ac: {  	v1 =	vld.idx.msk [tilespmem:v2+s2+$0x0], $0xffff  }
0x2ad: {  	v2 =	vld [tilespmem:$0x187A0]  }
0x2ae: {  	v3 =	vld [tilespmem:$0x191A0];
	_ =	sdelay $0x4  }
0x2af: {  	[tilespmem:$0x1A310] =	vst v1;
	v1 =	vadd.s32 v0, v3  }
0x2b0: {  	[tilespmem:$0x19B20] =	vst v1  }
0x2b1: {  	v1 =	vld.idx.msk [tilespmem:v2+s2+$0x0], $0xffff  }
0x2b2: {  	v2 =	vld [tilespmem:$0x187B0]  }
0x2b3: {  	v3 =	vld [tilespmem:$0x191B0];
	_ =	sdelay $0x4  }
0x2b4: {  	[tilespmem:$0x1A320] =	vst v1;
	v1 =	vadd.s32 v0, v3  }
0x2b5: {  	[tilespmem:$0x19B30] =	vst v1  }
0x2b6: {  	v1 =	vld.idx.msk [tilespmem:v2+s2+$0x0], $0xffff  }
0x2b7: {  	v2 =	vld [tilespmem:$0x187C0]  }
0x2b8: {  	v3 =	vld [tilespmem:$0x191C0];
	_ =	sdelay $0x4  }
0x2b9: {  	[tilespmem:$0x1A330] =	vst v1;
	v1 =	vadd.s32 v0, v3  }
0x2ba: {  	[tilespmem:$0x19B40] =	vst v1  }
0x2bb: {  	v1 =	vld.idx.msk [tilespmem:v2+s2+$0x0], $0xffff  }
0x2bc: {  	v2 =	vld [tilespmem:$0x187D0]  }
0x2bd: {  	v3 =	vld [tilespmem:$0x191D0];
	_ =	sdelay $0x4  }
0x2be: {  	[tilespmem:$0x1A340] =	vst v1;
	v1 =	vadd.s32 v0, v3  }
0x2bf: {  	[tilespmem:$0x19B50] =	vst v1  }
0x2c0: {  	v1 =	vld.idx.msk [tilespmem:v2+s2+$0x0], $0xffff  }
0x2c1: {  	v2 =	vld [tilespmem:$0x187E0]  }
0x2c2: {  	v3 =	vld [tilespmem:$0x191E0];
	_ =	sdelay $0x4  }
0x2c3: {  	[tilespmem:$0x1A350] =	vst v1;
	v1 =	vadd.s32 v0, v3  }
0x2c4: {  	[tilespmem:$0x19B60] =	vst v1  }
0x2c5: {  	v1 =	vld.idx.msk [tilespmem:v2+s2+$0x0], $0xffff  }
0x2c6: {  	v2 =	vld [tilespmem:$0x187F0]  }
0x2c7: {  	v3 =	vld [tilespmem:$0x191F0];
	_ =	sdelay $0x4  }
0x2c8: {  	[tilespmem:$0x1A360] =	vst v1;
	v1 =	vadd.s32 v0, v3  }
0x2c9: {  	[tilespmem:$0x19B70] =	vst v1  }
0x2ca: {  	v1 =	vld.idx.msk [tilespmem:v2+s2+$0x0], $0xffff;
	_ =	sdelay $0x4  }
0x2cb: {  	s12 =	simm.s32 $0x1A300;
	[tilespmem:$0x1A370] =	vst v1  }
0x2cc: {  	[spmem:s1] =	stream.indirect.scatter.add.f32 [tilespmem:s12], [sflag:$0x3], $0x1, s22, s20, $0xb8;
	[tilespmem:$0x1DBE0] =	vst v63  }
0x2cd: {  	v1 =	vld [tilespmem:$0x18880]  }
0x2ce: {  	v2 =	vld [tilespmem:$0x19280];
	_ =	sdelay $0x4  }
0x2cf: {  	v3 =	vld [tilespmem:$0x19290];
	v2 =	vadd.s32 v0, v2  }
0x2d0: {  	[tilespmem:$0x19B80] =	vst v2;
	v2 =	vld [tilespmem:$0x18890]  }
0x2d1: {  	v1 =	vld.idx.msk [tilespmem:v1+s2+$0x0], $0xffff;
	_ =	sdelay $0x4  }
0x2d2: {  	[tilespmem:$0x1A380] =	vst v1;
	v1 =	vadd.s32 v0, v3  }
0x2d3: {  	[tilespmem:$0x19B90] =	vst v1  }
0x2d4: {  	v1 =	vld.idx.msk [tilespmem:v2+s2+$0x0], $0xffff  }
0x2d5: {  	v2 =	vld [tilespmem:$0x188A0]  }
0x2d6: {  	v3 =	vld [tilespmem:$0x192A0];
	_ =	sdelay $0x4  }
0x2d7: {  	[tilespmem:$0x1A390] =	vst v1;
	v1 =	vadd.s32 v0, v3  }
0x2d8: {  	[tilespmem:$0x19BA0] =	vst v1  }
0x2d9: {  	v1 =	vld.idx.msk [tilespmem:v2+s2+$0x0], $0xffff  }
0x2da: {  	v2 =	vld [tilespmem:$0x188B0]  }
0x2db: {  	v3 =	vld [tilespmem:$0x192B0];
	_ =	sdelay $0x4  }
0x2dc: {  	[tilespmem:$0x1A3A0] =	vst v1;
	v1 =	vadd.s32 v0, v3  }
0x2dd: {  	[tilespmem:$0x19BB0] =	vst v1  }
0x2de: {  	v1 =	vld.idx.msk [tilespmem:v2+s2+$0x0], $0xffff  }
0x2df: {  	v2 =	vld [tilespmem:$0x188C0]  }
0x2e0: {  	v3 =	vld [tilespmem:$0x192C0];
	_ =	sdelay $0x4  }
0x2e1: {  	[tilespmem:$0x1A3B0] =	vst v1;
	v1 =	vadd.s32 v0, v3  }
0x2e2: {  	[tilespmem:$0x19BC0] =	vst v1  }
0x2e3: {  	v1 =	vld.idx.msk [tilespmem:v2+s2+$0x0], $0xffff  }
0x2e4: {  	v2 =	vld [tilespmem:$0x188D0]  }
0x2e5: {  	v3 =	vld [tilespmem:$0x192D0];
	_ =	sdelay $0x4  }
0x2e6: {  	[tilespmem:$0x1A3C0] =	vst v1;
	v1 =	vadd.s32 v0, v3  }
0x2e7: {  	[tilespmem:$0x19BD0] =	vst v1  }
0x2e8: {  	v1 =	vld.idx.msk [tilespmem:v2+s2+$0x0], $0xffff  }
0x2e9: {  	v2 =	vld [tilespmem:$0x188E0]  }
0x2ea: {  	v3 =	vld [tilespmem:$0x192E0];
	_ =	sdelay $0x4  }
0x2eb: {  	[tilespmem:$0x1A3D0] =	vst v1;
	v1 =	vadd.s32 v0, v3  }
0x2ec: {  	[tilespmem:$0x19BE0] =	vst v1  }
0x2ed: {  	v1 =	vld.idx.msk [tilespmem:v2+s2+$0x0], $0xffff  }
0x2ee: {  	v2 =	vld [tilespmem:$0x188F0]  }
0x2ef: {  	v3 =	vld [tilespmem:$0x192F0];
	_ =	sdelay $0x4  }
0x2f0: {  	[tilespmem:$0x1A3E0] =	vst v1;
	v1 =	vadd.s32 v0, v3  }
0x2f1: {  	[tilespmem:$0x19BF0] =	vst v1  }
0x2f2: {  	v1 =	vld.idx.msk [tilespmem:v2+s2+$0x0], $0xffff;
	_ =	sdelay $0x4  }
0x2f3: {  	s12 =	simm.s32 $0x19B80;
	[tilespmem:$0x1A3F0] =	vst v1  }
0x2f4: {  	[spmem:s1] =	stream.indirect.scatter.add.f32 [tilespmem:s6], [sflag:$0x3], $0x1, s12, s20, $0xb8;
	[tilespmem:$0x1DBE0] =	vst v63  }
0x2f5: {  	v1 =	vld [tilespmem:$0x18980]  }
0x2f6: {  	v2 =	vld [tilespmem:$0x19380];
	_ =	sdelay $0x4  }
0x2f7: {  	v3 =	vld [tilespmem:$0x19390];
	v2 =	vadd.s32 v0, v2  }
0x2f8: {  	[tilespmem:$0x19C00] =	vst v2;
	v2 =	vld [tilespmem:$0x18990]  }
0x2f9: {  	v1 =	vld.idx.msk [tilespmem:v1+s2+$0x0], $0xffff;
	_ =	sdelay $0x4  }
0x2fa: {  	[tilespmem:$0x1A400] =	vst v1;
	v1 =	vadd.s32 v0, v3  }
0x2fb: {  	[tilespmem:$0x19C10] =	vst v1  }
0x2fc: {  	v1 =	vld.idx.msk [tilespmem:v2+s2+$0x0], $0xffff  }
0x2fd: {  	v2 =	vld [tilespmem:$0x189A0]  }
0x2fe: {  	v3 =	vld [tilespmem:$0x193A0];
	_ =	sdelay $0x4  }
0x2ff: {  	[tilespmem:$0x1A410] =	vst v1;
	v1 =	vadd.s32 v0, v3  }
0x300: {  	[tilespmem:$0x19C20] =	vst v1  }
0x301: {  	v1 =	vld.idx.msk [tilespmem:v2+s2+$0x0], $0xffff  }
0x302: {  	v2 =	vld [tilespmem:$0x189B0]  }
0x303: {  	v3 =	vld [tilespmem:$0x193B0];
	_ =	sdelay $0x4  }
0x304: {  	[tilespmem:$0x1A420] =	vst v1;
	v1 =	vadd.s32 v0, v3  }
0x305: {  	[tilespmem:$0x19C30] =	vst v1  }
0x306: {  	v1 =	vld.idx.msk [tilespmem:v2+s2+$0x0], $0xffff  }
0x307: {  	v2 =	vld [tilespmem:$0x189C0]  }
0x308: {  	v3 =	vld [tilespmem:$0x193C0];
	_ =	sdelay $0x4  }
0x309: {  	[tilespmem:$0x1A430] =	vst v1;
	v1 =	vadd.s32 v0, v3  }
0x30a: {  	[tilespmem:$0x19C40] =	vst v1  }
0x30b: {  	v1 =	vld.idx.msk [tilespmem:v2+s2+$0x0], $0xffff  }
0x30c: {  	v2 =	vld [tilespmem:$0x189D0]  }
0x30d: {  	v3 =	vld [tilespmem:$0x193D0];
	_ =	sdelay $0x4  }
0x30e: {  	[tilespmem:$0x1A440] =	vst v1;
	v1 =	vadd.s32 v0, v3  }
0x30f: {  	[tilespmem:$0x19C50] =	vst v1  }
0x310: {  	v1 =	vld.idx.msk [tilespmem:v2+s2+$0x0], $0xffff  }
0x311: {  	v2 =	vld [tilespmem:$0x189E0]  }
0x312: {  	v3 =	vld [tilespmem:$0x193E0];
	_ =	sdelay $0x4  }
0x313: {  	[tilespmem:$0x1A450] =	vst v1;
	v1 =	vadd.s32 v0, v3  }
0x314: {  	[tilespmem:$0x19C60] =	vst v1  }
0x315: {  	v1 =	vld.idx.msk [tilespmem:v2+s2+$0x0], $0xffff  }
0x316: {  	v2 =	vld [tilespmem:$0x189F0]  }
0x317: {  	v3 =	vld [tilespmem:$0x193F0];
	_ =	sdelay $0x4  }
0x318: {  	[tilespmem:$0x1A460] =	vst v1;
	v1 =	vadd.s32 v0, v3  }
0x319: {  	[tilespmem:$0x19C70] =	vst v1  }
0x31a: {  	v1 =	vld.idx.msk [tilespmem:v2+s2+$0x0], $0xffff;
	_ =	sdelay $0x4  }
0x31b: {  	[tilespmem:$0x1A470] =	vst v1  }
0x31c: {  	[spmem:s1] =	stream.indirect.scatter.add.f32 [tilespmem:s8], [sflag:$0x3], $0x1, s7, s20, $0xb8;
	[tilespmem:$0x1DBE0] =	vst v63  }
0x31d: {  	v1 =	vld [tilespmem:$0x18A80]  }
0x31e: {  	v2 =	vld [tilespmem:$0x19480];
	_ =	sdelay $0x4  }
0x31f: {  	v3 =	vld [tilespmem:$0x19490];
	v2 =	vadd.s32 v0, v2  }
0x320: {  	[tilespmem:$0x19C80] =	vst v2;
	v2 =	vld [tilespmem:$0x18A90]  }
0x321: {  	v1 =	vld.idx.msk [tilespmem:v1+s2+$0x0], $0xffff;
	_ =	sdelay $0x4  }
0x322: {  	[tilespmem:$0x1A480] =	vst v1;
	v1 =	vadd.s32 v0, v3  }
0x323: {  	[tilespmem:$0x19C90] =	vst v1  }
0x324: {  	v1 =	vld.idx.msk [tilespmem:v2+s2+$0x0], $0xffff  }
0x325: {  	v2 =	vld [tilespmem:$0x18AA0]  }
0x326: {  	v3 =	vld [tilespmem:$0x194A0];
	_ =	sdelay $0x4  }
0x327: {  	[tilespmem:$0x1A490] =	vst v1;
	v1 =	vadd.s32 v0, v3  }
0x328: {  	[tilespmem:$0x19CA0] =	vst v1  }
0x329: {  	v1 =	vld.idx.msk [tilespmem:v2+s2+$0x0], $0xffff  }
0x32a: {  	v2 =	vld [tilespmem:$0x18AB0]  }
0x32b: {  	v3 =	vld [tilespmem:$0x194B0];
	_ =	sdelay $0x4  }
0x32c: {  	[tilespmem:$0x1A4A0] =	vst v1;
	v1 =	vadd.s32 v0, v3  }
0x32d: {  	[tilespmem:$0x19CB0] =	vst v1  }
0x32e: {  	v1 =	vld.idx.msk [tilespmem:v2+s2+$0x0], $0xffff  }
0x32f: {  	v2 =	vld [tilespmem:$0x18AC0]  }
0x330: {  	v3 =	vld [tilespmem:$0x194C0];
	_ =	sdelay $0x4  }
0x331: {  	[tilespmem:$0x1A4B0] =	vst v1;
	v1 =	vadd.s32 v0, v3  }
0x332: {  	[tilespmem:$0x19CC0] =	vst v1  }
0x333: {  	v1 =	vld.idx.msk [tilespmem:v2+s2+$0x0], $0xffff  }
0x334: {  	v2 =	vld [tilespmem:$0x18AD0]  }
0x335: {  	v3 =	vld [tilespmem:$0x194D0];
	_ =	sdelay $0x4  }
0x336: {  	[tilespmem:$0x1A4C0] =	vst v1;
	v1 =	vadd.s32 v0, v3  }
0x337: {  	[tilespmem:$0x19CD0] =	vst v1  }
0x338: {  	v1 =	vld.idx.msk [tilespmem:v2+s2+$0x0], $0xffff  }
0x339: {  	v2 =	vld [tilespmem:$0x18AE0]  }
0x33a: {  	v3 =	vld [tilespmem:$0x194E0];
	_ =	sdelay $0x4  }
0x33b: {  	[tilespmem:$0x1A4D0] =	vst v1;
	v1 =	vadd.s32 v0, v3  }
0x33c: {  	[tilespmem:$0x19CE0] =	vst v1  }
0x33d: {  	v1 =	vld.idx.msk [tilespmem:v2+s2+$0x0], $0xffff  }
0x33e: {  	v2 =	vld [tilespmem:$0x18AF0]  }
0x33f: {  	v3 =	vld [tilespmem:$0x194F0];
	_ =	sdelay $0x4  }
0x340: {  	[tilespmem:$0x1A4E0] =	vst v1;
	v1 =	vadd.s32 v0, v3  }
0x341: {  	[tilespmem:$0x19CF0] =	vst v1  }
0x342: {  	v1 =	vld.idx.msk [tilespmem:v2+s2+$0x0], $0xffff;
	_ =	sdelay $0x4  }
0x343: {  	[tilespmem:$0x1A4F0] =	vst v1  }
0x344: {  	[spmem:s1] =	stream.indirect.scatter.add.f32 [tilespmem:s15], [sflag:$0x3], $0x1, s13, s20, $0xb8;
	[tilespmem:$0x1DBE0] =	vst v63  }
0x345: {  	v1 =	vld [tilespmem:$0x18B80]  }
0x346: {  	v2 =	vld [tilespmem:$0x19580];
	_ =	sdelay $0x4  }
0x347: {  	v3 =	vld [tilespmem:$0x19590];
	v2 =	vadd.s32 v0, v2  }
0x348: {  	[tilespmem:$0x19D00] =	vst v2;
	v2 =	vld [tilespmem:$0x18B90]  }
0x349: {  	v1 =	vld.idx.msk [tilespmem:v1+s2+$0x0], $0xffff;
	_ =	sdelay $0x4  }
0x34a: {  	[tilespmem:$0x1A500] =	vst v1;
	v1 =	vadd.s32 v0, v3  }
0x34b: {  	[tilespmem:$0x19D10] =	vst v1  }
0x34c: {  	v1 =	vld.idx.msk [tilespmem:v2+s2+$0x0], $0xffff  }
0x34d: {  	v2 =	vld [tilespmem:$0x18BA0]  }
0x34e: {  	v3 =	vld [tilespmem:$0x195A0];
	_ =	sdelay $0x4  }
0x34f: {  	[tilespmem:$0x1A510] =	vst v1;
	v1 =	vadd.s32 v0, v3  }
0x350: {  	[tilespmem:$0x19D20] =	vst v1  }
0x351: {  	v1 =	vld.idx.msk [tilespmem:v2+s2+$0x0], $0xffff  }
0x352: {  	v2 =	vld [tilespmem:$0x18BB0]  }
0x353: {  	v3 =	vld [tilespmem:$0x195B0];
	_ =	sdelay $0x4  }
0x354: {  	[tilespmem:$0x1A520] =	vst v1;
	v1 =	vadd.s32 v0, v3  }
0x355: {  	[tilespmem:$0x19D30] =	vst v1  }
0x356: {  	v1 =	vld.idx.msk [tilespmem:v2+s2+$0x0], $0xffff  }
0x357: {  	v2 =	vld [tilespmem:$0x18BC0]  }
0x358: {  	v3 =	vld [tilespmem:$0x195C0];
	_ =	sdelay $0x4  }
0x359: {  	[tilespmem:$0x1A530] =	vst v1;
	v1 =	vadd.s32 v0, v3  }
0x35a: {  	[tilespmem:$0x19D40] =	vst v1  }
0x35b: {  	v1 =	vld.idx.msk [tilespmem:v2+s2+$0x0], $0xffff  }
0x35c: {  	v2 =	vld [tilespmem:$0x18BD0]  }
0x35d: {  	v3 =	vld [tilespmem:$0x195D0];
	_ =	sdelay $0x4  }
0x35e: {  	[tilespmem:$0x1A540] =	vst v1;
	v1 =	vadd.s32 v0, v3  }
0x35f: {  	[tilespmem:$0x19D50] =	vst v1  }
0x360: {  	v1 =	vld.idx.msk [tilespmem:v2+s2+$0x0], $0xffff  }
0x361: {  	v2 =	vld [tilespmem:$0x18BE0]  }
0x362: {  	v3 =	vld [tilespmem:$0x195E0];
	_ =	sdelay $0x4  }
0x363: {  	[tilespmem:$0x1A550] =	vst v1;
	v1 =	vadd.s32 v0, v3  }
0x364: {  	[tilespmem:$0x19D60] =	vst v1  }
0x365: {  	v1 =	vld.idx.msk [tilespmem:v2+s2+$0x0], $0xffff  }
0x366: {  	v2 =	vld [tilespmem:$0x18BF0]  }
0x367: {  	v3 =	vld [tilespmem:$0x195F0];
	_ =	sdelay $0x4  }
0x368: {  	[tilespmem:$0x1A560] =	vst v1;
	v1 =	vadd.s32 v0, v3  }
0x369: {  	[tilespmem:$0x19D70] =	vst v1  }
0x36a: {  	v1 =	vld.idx.msk [tilespmem:v2+s2+$0x0], $0xffff;
	_ =	sdelay $0x4  }
0x36b: {  	[tilespmem:$0x1A570] =	vst v1  }
0x36c: {  	[spmem:s1] =	stream.indirect.scatter.add.f32 [tilespmem:s19], [sflag:$0x3], $0x1, s17, s20, $0xb8;
	[tilespmem:$0x1DBE0] =	vst v63  }
0x36d: {  	v1 =	vld [tilespmem:$0x18C80]  }
0x36e: {  	v2 =	vld [tilespmem:$0x19680];
	_ =	sdelay $0x4  }
0x36f: {  	v3 =	vld [tilespmem:$0x19690];
	v2 =	vadd.s32 v0, v2  }
0x370: {  	[tilespmem:$0x19D80] =	vst v2;
	v2 =	vld [tilespmem:$0x18C90]  }
0x371: {  	v1 =	vld.idx.msk [tilespmem:v1+s2+$0x0], $0xffff;
	_ =	sdelay $0x4  }
0x372: {  	[tilespmem:$0x1A580] =	vst v1;
	v1 =	vadd.s32 v0, v3  }
0x373: {  	[tilespmem:$0x19D90] =	vst v1  }
0x374: {  	v1 =	vld.idx.msk [tilespmem:v2+s2+$0x0], $0xffff  }
0x375: {  	v2 =	vld [tilespmem:$0x18CA0]  }
0x376: {  	v3 =	vld [tilespmem:$0x196A0];
	_ =	sdelay $0x4  }
0x377: {  	[tilespmem:$0x1A590] =	vst v1;
	v1 =	vadd.s32 v0, v3  }
0x378: {  	[tilespmem:$0x19DA0] =	vst v1  }
0x379: {  	v1 =	vld.idx.msk [tilespmem:v2+s2+$0x0], $0xffff  }
0x37a: {  	v2 =	vld [tilespmem:$0x18CB0]  }
0x37b: {  	v3 =	vld [tilespmem:$0x196B0];
	_ =	sdelay $0x4  }
0x37c: {  	[tilespmem:$0x1A5A0] =	vst v1;
	v1 =	vadd.s32 v0, v3  }
0x37d: {  	[tilespmem:$0x19DB0] =	vst v1  }
0x37e: {  	v1 =	vld.idx.msk [tilespmem:v2+s2+$0x0], $0xffff  }
0x37f: {  	v2 =	vld [tilespmem:$0x18CC0]  }
0x380: {  	v3 =	vld [tilespmem:$0x196C0];
	_ =	sdelay $0x4  }
0x381: {  	[tilespmem:$0x1A5B0] =	vst v1;
	v1 =	vadd.s32 v0, v3  }
0x382: {  	[tilespmem:$0x19DC0] =	vst v1  }
0x383: {  	v1 =	vld.idx.msk [tilespmem:v2+s2+$0x0], $0xffff  }
0x384: {  	v2 =	vld [tilespmem:$0x18CD0]  }
0x385: {  	v3 =	vld [tilespmem:$0x196D0];
	_ =	sdelay $0x4  }
0x386: {  	[tilespmem:$0x1A5C0] =	vst v1;
	v1 =	vadd.s32 v0, v3  }
0x387: {  	[tilespmem:$0x19DD0] =	vst v1  }
0x388: {  	v1 =	vld.idx.msk [tilespmem:v2+s2+$0x0], $0xffff  }
0x389: {  	v2 =	vld [tilespmem:$0x18CE0]  }
0x38a: {  	v3 =	vld [tilespmem:$0x196E0];
	_ =	sdelay $0x4  }
0x38b: {  	[tilespmem:$0x1A5D0] =	vst v1;
	v1 =	vadd.s32 v0, v3  }
0x38c: {  	[tilespmem:$0x19DE0] =	vst v1  }
0x38d: {  	v1 =	vld.idx.msk [tilespmem:v2+s2+$0x0], $0xffff  }
0x38e: {  	v2 =	vld [tilespmem:$0x18CF0]  }
0x38f: {  	v3 =	vld [tilespmem:$0x196F0];
	_ =	sdelay $0x4  }
0x390: {  	[tilespmem:$0x1A5E0] =	vst v1;
	v1 =	vadd.s32 v0, v3  }
0x391: {  	[tilespmem:$0x19DF0] =	vst v1  }
0x392: {  	v1 =	vld.idx.msk [tilespmem:v2+s2+$0x0], $0xffff;
	_ =	sdelay $0x4  }
0x393: {  	[tilespmem:$0x1A5F0] =	vst v1  }
0x394: {  	[spmem:s1] =	stream.indirect.scatter.add.f32 [tilespmem:s23], [sflag:$0x3], $0x1, s21, s20, $0xb8;
	[tilespmem:$0x1DBE0] =	vst v63  }
0x395: {  	v1 =	vld [tilespmem:$0x18D80]  }
0x396: {  	v2 =	vld [tilespmem:$0x19780];
	_ =	sdelay $0x4  }
0x397: {  	v3 =	vld [tilespmem:$0x19790];
	v2 =	vadd.s32 v0, v2  }
0x398: {  	[tilespmem:$0x19E00] =	vst v2;
	v2 =	vld [tilespmem:$0x18D90]  }
0x399: {  	v1 =	vld.idx.msk [tilespmem:v1+s2+$0x0], $0xffff;
	_ =	sdelay $0x4  }
0x39a: {  	[tilespmem:$0x1A600] =	vst v1;
	v1 =	vadd.s32 v0, v3  }
0x39b: {  	[tilespmem:$0x19E10] =	vst v1  }
0x39c: {  	v1 =	vld.idx.msk [tilespmem:v2+s2+$0x0], $0xffff  }
0x39d: {  	v2 =	vld [tilespmem:$0x18DA0]  }
0x39e: {  	v3 =	vld [tilespmem:$0x197A0];
	_ =	sdelay $0x4  }
0x39f: {  	[tilespmem:$0x1A610] =	vst v1;
	v1 =	vadd.s32 v0, v3  }
0x3a0: {  	[tilespmem:$0x19E20] =	vst v1  }
0x3a1: {  	v1 =	vld.idx.msk [tilespmem:v2+s2+$0x0], $0xffff  }
0x3a2: {  	v2 =	vld [tilespmem:$0x18DB0]  }
0x3a3: {  	v3 =	vld [tilespmem:$0x197B0];
	_ =	sdelay $0x4  }
0x3a4: {  	[tilespmem:$0x1A620] =	vst v1;
	v1 =	vadd.s32 v0, v3  }
0x3a5: {  	[tilespmem:$0x19E30] =	vst v1  }
0x3a6: {  	v1 =	vld.idx.msk [tilespmem:v2+s2+$0x0], $0xffff  }
0x3a7: {  	v2 =	vld [tilespmem:$0x18DC0]  }
0x3a8: {  	v3 =	vld [tilespmem:$0x197C0];
	_ =	sdelay $0x4  }
0x3a9: {  	[tilespmem:$0x1A630] =	vst v1;
	v1 =	vadd.s32 v0, v3  }
0x3aa: {  	[tilespmem:$0x19E40] =	vst v1  }
0x3ab: {  	v1 =	vld.idx.msk [tilespmem:v2+s2+$0x0], $0xffff  }
0x3ac: {  	v2 =	vld [tilespmem:$0x18DD0]  }
0x3ad: {  	v3 =	vld [tilespmem:$0x197D0];
	_ =	sdelay $0x4  }
0x3ae: {  	[tilespmem:$0x1A640] =	vst v1;
	v1 =	vadd.s32 v0, v3  }
0x3af: {  	[tilespmem:$0x19E50] =	vst v1  }
0x3b0: {  	v1 =	vld.idx.msk [tilespmem:v2+s2+$0x0], $0xffff  }
0x3b1: {  	v2 =	vld [tilespmem:$0x18DE0]  }
0x3b2: {  	v3 =	vld [tilespmem:$0x197E0];
	_ =	sdelay $0x4  }
0x3b3: {  	[tilespmem:$0x1A650] =	vst v1;
	v1 =	vadd.s32 v0, v3  }
0x3b4: {  	[tilespmem:$0x19E60] =	vst v1  }
0x3b5: {  	v1 =	vld.idx.msk [tilespmem:v2+s2+$0x0], $0xffff  }
0x3b6: {  	v2 =	vld [tilespmem:$0x18DF0]  }
0x3b7: {  	v3 =	vld [tilespmem:$0x197F0];
	_ =	sdelay $0x4  }
0x3b8: {  	[tilespmem:$0x1A660] =	vst v1;
	v1 =	vadd.s32 v0, v3  }
0x3b9: {  	[tilespmem:$0x19E70] =	vst v1  }
0x3ba: {  	v1 =	vld.idx.msk [tilespmem:v2+s2+$0x0], $0xffff;
	_ =	sdelay $0x4  }
0x3bb: {  	[tilespmem:$0x1A670] =	vst v1  }
0x3bc: {  	[spmem:s1] =	stream.indirect.scatter.add.f32 [tilespmem:s25], [sflag:$0x3], $0x1, s24, s20, $0xb8;
	[tilespmem:$0x1DBE0] =	vst v63  }
0x3bd: {  	v1 =	vld [tilespmem:$0x18E80]  }
0x3be: {  	v2 =	vld [tilespmem:$0x19880];
	_ =	sdelay $0x4  }
0x3bf: {  	v3 =	vld [tilespmem:$0x19890];
	v2 =	vadd.s32 v0, v2  }
0x3c0: {  	[tilespmem:$0x19E80] =	vst v2;
	v2 =	vld [tilespmem:$0x18E90]  }
0x3c1: {  	v1 =	vld.idx.msk [tilespmem:v1+s2+$0x0], $0xffff;
	_ =	sdelay $0x4  }
0x3c2: {  	[tilespmem:$0x1A680] =	vst v1;
	v1 =	vadd.s32 v0, v3  }
0x3c3: {  	[tilespmem:$0x19E90] =	vst v1  }
0x3c4: {  	v1 =	vld.idx.msk [tilespmem:v2+s2+$0x0], $0xffff  }
0x3c5: {  	v2 =	vld [tilespmem:$0x18EA0]  }
0x3c6: {  	v3 =	vld [tilespmem:$0x198A0];
	_ =	sdelay $0x4  }
0x3c7: {  	[tilespmem:$0x1A690] =	vst v1;
	v1 =	vadd.s32 v0, v3  }
0x3c8: {  	[tilespmem:$0x19EA0] =	vst v1  }
0x3c9: {  	v1 =	vld.idx.msk [tilespmem:v2+s2+$0x0], $0xffff  }
0x3ca: {  	v2 =	vld [tilespmem:$0x18EB0]  }
0x3cb: {  	v3 =	vld [tilespmem:$0x198B0];
	_ =	sdelay $0x4  }
0x3cc: {  	[tilespmem:$0x1A6A0] =	vst v1;
	v1 =	vadd.s32 v0, v3  }
0x3cd: {  	[tilespmem:$0x19EB0] =	vst v1  }
0x3ce: {  	v1 =	vld.idx.msk [tilespmem:v2+s2+$0x0], $0xffff  }
0x3cf: {  	v2 =	vld [tilespmem:$0x18EC0]  }
0x3d0: {  	v3 =	vld [tilespmem:$0x198C0];
	_ =	sdelay $0x4  }
0x3d1: {  	[tilespmem:$0x1A6B0] =	vst v1;
	v1 =	vadd.s32 v0, v3  }
0x3d2: {  	[tilespmem:$0x19EC0] =	vst v1  }
0x3d3: {  	v1 =	vld.idx.msk [tilespmem:v2+s2+$0x0], $0xffff  }
0x3d4: {  	v2 =	vld [tilespmem:$0x18ED0]  }
0x3d5: {  	v3 =	vld [tilespmem:$0x198D0];
	_ =	sdelay $0x4  }
0x3d6: {  	[tilespmem:$0x1A6C0] =	vst v1;
	v1 =	vadd.s32 v0, v3  }
0x3d7: {  	[tilespmem:$0x19ED0] =	vst v1  }
0x3d8: {  	v1 =	vld.idx.msk [tilespmem:v2+s2+$0x0], $0xffff  }
0x3d9: {  	v2 =	vld [tilespmem:$0x18EE0]  }
0x3da: {  	v3 =	vld [tilespmem:$0x198E0];
	_ =	sdelay $0x4  }
0x3db: {  	[tilespmem:$0x1A6D0] =	vst v1;
	v1 =	vadd.s32 v0, v3  }
0x3dc: {  	[tilespmem:$0x19EE0] =	vst v1  }
0x3dd: {  	v1 =	vld.idx.msk [tilespmem:v2+s2+$0x0], $0xffff  }
0x3de: {  	v2 =	vld [tilespmem:$0x18EF0]  }
0x3df: {  	v3 =	vld [tilespmem:$0x198F0];
	_ =	sdelay $0x4  }
0x3e0: {  	[tilespmem:$0x1A6E0] =	vst v1;
	v1 =	vadd.s32 v0, v3  }
0x3e1: {  	[tilespmem:$0x19EF0] =	vst v1  }
0x3e2: {  	v1 =	vld.idx.msk [tilespmem:v2+s2+$0x0], $0xffff;
	_ =	sdelay $0x4  }
0x3e3: {  	[tilespmem:$0x1A6F0] =	vst v1  }
0x3e4: {  	[spmem:s1] =	stream.indirect.scatter.add.f32 [tilespmem:s28], [sflag:$0x3], $0x1, s26, s20, $0xb8;
	[tilespmem:$0x1DBE0] =	vst v63  }
0x3e5: {  	v1 =	vld [tilespmem:$0x18F80]  }
0x3e6: {  	v2 =	vld [tilespmem:$0x19980];
	_ =	sdelay $0x4  }
0x3e7: {  	v3 =	vld [tilespmem:$0x19990];
	v2 =	vadd.s32 v0, v2  }
0x3e8: {  	[tilespmem:$0x19F00] =	vst v2;
	v2 =	vld [tilespmem:$0x18F90]  }
0x3e9: {  	v1 =	vld.idx.msk [tilespmem:v1+s2+$0x0], $0xffff;
	_ =	sdelay $0x4  }
0x3ea: {  	[tilespmem:$0x1A700] =	vst v1;
	v1 =	vadd.s32 v0, v3  }
0x3eb: {  	[tilespmem:$0x19F10] =	vst v1  }
0x3ec: {  	v1 =	vld.idx.msk [tilespmem:v2+s2+$0x0], $0xffff  }
0x3ed: {  	v2 =	vld [tilespmem:$0x18FA0]  }
0x3ee: {  	v3 =	vld [tilespmem:$0x199A0];
	_ =	sdelay $0x4  }
0x3ef: {  	[tilespmem:$0x1A710] =	vst v1;
	v1 =	vadd.s32 v0, v3  }
0x3f0: {  	[tilespmem:$0x19F20] =	vst v1  }
0x3f1: {  	v1 =	vld.idx.msk [tilespmem:v2+s2+$0x0], $0xffff  }
0x3f2: {  	v2 =	vld [tilespmem:$0x18FB0]  }
0x3f3: {  	v3 =	vld [tilespmem:$0x199B0];
	_ =	sdelay $0x4  }
0x3f4: {  	[tilespmem:$0x1A720] =	vst v1;
	v1 =	vadd.s32 v0, v3  }
0x3f5: {  	[tilespmem:$0x19F30] =	vst v1  }
0x3f6: {  	v1 =	vld.idx.msk [tilespmem:v2+s2+$0x0], $0xffff  }
0x3f7: {  	v2 =	vld [tilespmem:$0x18FC0]  }
0x3f8: {  	v3 =	vld [tilespmem:$0x199C0];
	_ =	sdelay $0x4  }
0x3f9: {  	[tilespmem:$0x1A730] =	vst v1;
	v1 =	vadd.s32 v0, v3  }
0x3fa: {  	[tilespmem:$0x19F40] =	vst v1  }
0x3fb: {  	v1 =	vld.idx.msk [tilespmem:v2+s2+$0x0], $0xffff  }
0x3fc: {  	v2 =	vld [tilespmem:$0x18FD0]  }
0x3fd: {  	v3 =	vld [tilespmem:$0x199D0];
	_ =	sdelay $0x4  }
0x3fe: {  	[tilespmem:$0x1A740] =	vst v1;
	v1 =	vadd.s32 v0, v3  }
0x3ff: {  	[tilespmem:$0x19F50] =	vst v1  }
0x400: {  	v1 =	vld.idx.msk [tilespmem:v2+s2+$0x0], $0xffff  }
0x401: {  	v2 =	vld [tilespmem:$0x18FE0]  }
0x402: {  	v3 =	vld [tilespmem:$0x199E0];
	_ =	sdelay $0x4  }
0x403: {  	[tilespmem:$0x1A750] =	vst v1;
	v1 =	vadd.s32 v0, v3  }
0x404: {  	[tilespmem:$0x19F60] =	vst v1  }
0x405: {  	v1 =	vld.idx.msk [tilespmem:v2+s2+$0x0], $0xffff  }
0x406: {  	v2 =	vld [tilespmem:$0x18FF0]  }
0x407: {  	v3 =	vld [tilespmem:$0x199F0];
	_ =	sdelay $0x4  }
0x408: {  	[tilespmem:$0x1A760] =	vst v1;
	v1 =	vadd.s32 v0, v3  }
0x409: {  	[tilespmem:$0x19F70] =	vst v1  }
0x40a: {  	v1 =	vld.idx.msk [tilespmem:v2+s2+$0x0], $0xffff;
	_ =	sdelay $0x4  }
0x40b: {  	[tilespmem:$0x1A770] =	vst v1  }
0x40c: {  	[spmem:s1] =	stream.indirect.scatter.add.f32 [tilespmem:s30], [sflag:$0x3], $0x1, s29, s20, $0xb8;
	[tilespmem:$0x1DBE0] =	vst v63  }
0x40d: {  	v1 =	vld [tilespmem:$0x19080]  }
0x40e: {  	v2 =	vld [tilespmem:$0x19A80];
	_ =	sdelay $0x4  }
0x40f: {  	v3 =	vld [tilespmem:$0x19A90];
	v2 =	vadd.s32 v0, v2  }
0x410: {  	[tilespmem:$0x19F80] =	vst v2;
	v2 =	vld [tilespmem:$0x19090]  }
0x411: {  	v1 =	vld.idx.msk [tilespmem:v1+s2+$0x0], $0xffff;
	_ =	sdelay $0x4  }
0x412: {  	[tilespmem:$0x1A780] =	vst v1;
	v1 =	vadd.s32 v0, v3  }
0x413: {  	[tilespmem:$0x19F90] =	vst v1  }
0x414: {  	v1 =	vld.idx.msk [tilespmem:v2+s2+$0x0], $0xffff  }
0x415: {  	v2 =	vld [tilespmem:$0x190A0]  }
0x416: {  	v3 =	vld [tilespmem:$0x19AA0];
	_ =	sdelay $0x4  }
0x417: {  	[tilespmem:$0x1A790] =	vst v1;
	v1 =	vadd.s32 v0, v3  }
0x418: {  	[tilespmem:$0x19FA0] =	vst v1  }
0x419: {  	v1 =	vld.idx.msk [tilespmem:v2+s2+$0x0], $0xffff  }
0x41a: {  	v2 =	vld [tilespmem:$0x190B0]  }
0x41b: {  	v3 =	vld [tilespmem:$0x19AB0];
	_ =	sdelay $0x4  }
0x41c: {  	[tilespmem:$0x1A7A0] =	vst v1;
	v1 =	vadd.s32 v0, v3  }
0x41d: {  	[tilespmem:$0x19FB0] =	vst v1  }
0x41e: {  	v1 =	vld.idx.msk [tilespmem:v2+s2+$0x0], $0xffff  }
0x41f: {  	v2 =	vld [tilespmem:$0x190C0]  }
0x420: {  	v3 =	vld [tilespmem:$0x19AC0];
	_ =	sdelay $0x4  }
0x421: {  	[tilespmem:$0x1A7B0] =	vst v1;
	v1 =	vadd.s32 v0, v3  }
0x422: {  	[tilespmem:$0x19FC0] =	vst v1  }
0x423: {  	v1 =	vld.idx.msk [tilespmem:v2+s2+$0x0], $0xffff  }
0x424: {  	v2 =	vld [tilespmem:$0x190D0]  }
0x425: {  	v3 =	vld [tilespmem:$0x19AD0];
	_ =	sdelay $0x4  }
0x426: {  	[tilespmem:$0x1A7C0] =	vst v1;
	v1 =	vadd.s32 v0, v3  }
0x427: {  	[tilespmem:$0x19FD0] =	vst v1  }
0x428: {  	v1 =	vld.idx.msk [tilespmem:v2+s2+$0x0], $0xffff  }
0x429: {  	v2 =	vld [tilespmem:$0x190E0]  }
0x42a: {  	v3 =	vld [tilespmem:$0x19AE0];
	_ =	sdelay $0x4  }
0x42b: {  	[tilespmem:$0x1A7D0] =	vst v1;
	v1 =	vadd.s32 v0, v3  }
0x42c: {  	[tilespmem:$0x19FE0] =	vst v1  }
0x42d: {  	v1 =	vld.idx.msk [tilespmem:v2+s2+$0x0], $0xffff  }
0x42e: {  	v2 =	vld [tilespmem:$0x190F0]  }
0x42f: {  	v3 =	vld [tilespmem:$0x19AF0];
	_ =	sdelay $0x4  }
0x430: {  	[tilespmem:$0x1A7E0] =	vst v1;
	v1 =	vadd.s32 v0, v3  }
0x431: {  	[tilespmem:$0x19FF0] =	vst v1  }
0x432: {  	v1 =	vld.idx.msk [tilespmem:v2+s2+$0x0], $0xffff;
	_ =	sdelay $0x3  }
0x433: {  	p1 =	seq.s32 s9, $0x184C0  }
0x434: {  	s10 =	sadd.s32 @!p1 s9, s5;
	[tilespmem:$0x1A7F0] =	vst v1  }
0x435: {  	[spmem:s1] =	stream.indirect.scatter.add.f32 [tilespmem:s0], [sflag:$0x3], $0x1, s31, s20, $0xb8;
	[tilespmem:$0x1DBE0] =	vst v63  }
0x436: {  	s16 =	simm.s32 @!p1 $0x0;
	s14 =	sadd.s32 @!p1 $0x1E0, s10;
	s22 =	simm.s32 @!p1 $0x18780  }
0x437: {  	[tilespmem:s22], [sflag:$0x2] =	stream.linear.gather @!p1 [hbm4b:s14+s16], $0x80, $0x38;
	[tilespmem:$0x1DBE0] =	vst v63  }
0x438: {  	s14 =	sadd.s32 @!p1 $0x1F0, s10;
	s22 =	simm.s32 @!p1 $0x18880  }
0x439: {  	[tilespmem:s22], [sflag:$0x2] =	stream.linear.gather @!p1 [hbm4b:s14+s16], $0x80, $0x38;
	[tilespmem:$0x1DBE0] =	vst v63  }
0x43a: {  	s14 =	sadd.s32 @!p1 $0x200, s10;
	s22 =	simm.s32 @!p1 $0x18980  }
0x43b: {  	[tilespmem:s22], [sflag:$0x2] =	stream.linear.gather @!p1 [hbm4b:s14+s16], $0x80, $0x38;
	[tilespmem:$0x1DBE0] =	vst v63  }
0x43c: {  	s14 =	sadd.s32 @!p1 $0x210, s10;
	s22 =	simm.s32 @!p1 $0x18A80  }
0x43d: {  	[tilespmem:s22], [sflag:$0x2] =	stream.linear.gather @!p1 [hbm4b:s14+s16], $0x80, $0x38;
	[tilespmem:$0x1DBE0] =	vst v63  }
0x43e: {  	s14 =	sadd.s32 @!p1 $0x220, s10;
	s22 =	simm.s32 @!p1 $0x18B80  }
0x43f: {  	[tilespmem:s22], [sflag:$0x2] =	stream.linear.gather @!p1 [hbm4b:s14+s16], $0x80, $0x38;
	[tilespmem:$0x1DBE0] =	vst v63  }
0x440: {  	s14 =	sadd.s32 @!p1 $0x230, s10;
	s22 =	simm.s32 @!p1 $0x18C80  }
0x441: {  	[tilespmem:s22], [sflag:$0x2] =	stream.linear.gather @!p1 [hbm4b:s14+s16], $0x80, $0x38;
	[tilespmem:$0x1DBE0] =	vst v63  }
0x442: {  	s14 =	sadd.s32 @!p1 $0x240, s10;
	s22 =	simm.s32 @!p1 $0x18D80  }
0x443: {  	[tilespmem:s22], [sflag:$0x2] =	stream.linear.gather @!p1 [hbm4b:s14+s16], $0x80, $0x38;
	[tilespmem:$0x1DBE0] =	vst v63  }
0x444: {  	s14 =	sadd.s32 @!p1 $0x250, s10;
	s22 =	simm.s32 @!p1 $0x18E80  }
0x445: {  	[tilespmem:s22], [sflag:$0x2] =	stream.linear.gather @!p1 [hbm4b:s14+s16], $0x80, $0x38;
	[tilespmem:$0x1DBE0] =	vst v63  }
0x446: {  	s14 =	sadd.s32 @!p1 $0x260, s10;
	s22 =	simm.s32 @!p1 $0x18F80  }
0x447: {  	[tilespmem:s22], [sflag:$0x2] =	stream.linear.gather @!p1 [hbm4b:s14+s16], $0x80, $0x38;
	[tilespmem:$0x1DBE0] =	vst v63  }
0x448: {  	s14 =	sadd.s32 @!p1 $0x270, s10;
	s22 =	simm.s32 @!p1 $0x19080  }
0x449: {  	[tilespmem:s22], [sflag:$0x2] =	stream.linear.gather @!p1 [hbm4b:s14+s16], $0x80, $0x38;
	[tilespmem:$0x1DBE0] =	vst v63  }
0x44a: {  	s10 =	sadd.s32 @!p1 $0xC36E0, s10;
	s14 =	simm.s32 @!p1 $0x19180  }
0x44b: {  	[tilespmem:s14], [sflag:$0x2] =	stream.linear.gather @!p1 [hbm4b:s10+s16], $0x80, $0x38;
	[tilespmem:$0x1DBE0] =	vst v63  }
0x44c: {  	s22 =	simm.s32 @!p1 $0x19280;
	s14 =	sadd.s32 @!p1 $0x10, s10  }
0x44d: {  	[tilespmem:s22], [sflag:$0x2] =	stream.linear.gather @!p1 [hbm4b:s14+s16], $0x80, $0x38;
	[tilespmem:$0x1DBE0] =	vst v63  }
0x44e: {  	s14 =	sadd.s32 @!p1 $0x20, s10;
	s22 =	simm.s32 @!p1 $0x19380  }
0x44f: {  	[tilespmem:s22], [sflag:$0x2] =	stream.linear.gather @!p1 [hbm4b:s14+s16], $0x80, $0x38;
	[tilespmem:$0x1DBE0] =	vst v63  }
0x450: {  	s14 =	sadd.s32 @!p1 $0x30, s10;
	s22 =	simm.s32 @!p1 $0x19480  }
0x451: {  	[tilespmem:s22], [sflag:$0x2] =	stream.linear.gather @!p1 [hbm4b:s14+s16], $0x80, $0x38;
	[tilespmem:$0x1DBE0] =	vst v63  }
0x452: {  	s14 =	sadd.s32 @!p1 $0x40, s10;
	s22 =	simm.s32 @!p1 $0x19580  }
0x453: {  	[tilespmem:s22], [sflag:$0x2] =	stream.linear.gather @!p1 [hbm4b:s14+s16], $0x80, $0x38;
	[tilespmem:$0x1DBE0] =	vst v63  }
0x454: {  	s14 =	sadd.s32 @!p1 $0x50, s10;
	s22 =	simm.s32 @!p1 $0x19680  }
0x455: {  	[tilespmem:s22], [sflag:$0x2] =	stream.linear.gather @!p1 [hbm4b:s14+s16], $0x80, $0x38;
	[tilespmem:$0x1DBE0] =	vst v63  }
0x456: {  	s14 =	sadd.s32 @!p1 $0x60, s10;
	s22 =	simm.s32 @!p1 $0x19780  }
0x457: {  	[tilespmem:s22], [sflag:$0x2] =	stream.linear.gather @!p1 [hbm4b:s14+s16], $0x80, $0x38;
	[tilespmem:$0x1DBE0] =	vst v63  }
0x458: {  	s14 =	sadd.s32 @!p1 $0x70, s10;
	s22 =	simm.s32 @!p1 $0x19880  }
0x459: {  	[tilespmem:s22], [sflag:$0x2] =	stream.linear.gather @!p1 [hbm4b:s14+s16], $0x80, $0x38;
	[tilespmem:$0x1DBE0] =	vst v63  }
.Ltmp3:
0x45a: {  	s14 =	sadd.s32 @!p1 $0x80, s10;
	s22 =	simm.s32 @!p1 $0x19980;
	(pc) =	sbr.rel .LBB2_2-.Ltmp3, $4  }
0x45b: {  	[tilespmem:s22], [sflag:$0x2] =	stream.linear.gather @!p1 [hbm4b:s14+s16], $0x80, $0x38;
	[tilespmem:$0x1DBE0] =	vst v63  }
0x45c: {  	s9 =	sadd.s32 $0x140, s9;
	s10 =	sadd.s32 @!p1 $0x90, s10;
	s14 =	simm.s32 @!p1 $0x19A80  }
0x45d: {  	[tilespmem:s14], [sflag:$0x2] =	stream.linear.gather @!p1 [hbm4b:s10+s16], $0x80, $0x38;
	[tilespmem:$0x1DBE0] =	vst v63  }
0x45e: {  	s22 =	simm.s32 $0x19B00;
	s16 =	simm.s32 $0x1A300;
	s14 =	smov.u32 s11  }
.LBB2_5:
0x45f: {  	_ =	sfence.sel $0x180000  }
0x460: {  	[bflag:$0x0] =	sbarrier.arrive $0xFFFF  }
0x461: {  	_ =	strace $0x9000004A  }
0x462: {  	[bflag:$0x2] =	sbarrier.arrive $0xFFFF  }
0x463: {  	s0 =	rddreg [dreg:$0x2]  }
0x464: {  	s0 =	sadd.s32 @!p0 $0x100000, s0  }
0x465: {  	[sflag:s0] =	ssyncadd.tile.s32 @!p0 $0x1;
	_ =	shalt  }
.Lfunc_end2:
_tile_overlayer_lowered:
.L_overlay_start_2:
0x466: {  	(tag) =	ssettag $0x2  }
0x467: {  	s0 =	rddreg [dreg:$0x0];
	s2 =	stileid.u32  }
0x468: {  	s1 =	rddreg [dreg:$0x1];
	p0 =	sne.s32 s2, $0x0  }
0x469: {  	s3 =	rddreg [dreg:$0x2];
	[bflag:$0x3] =	sbarrier.arrive $0xFFFF;
	s2 =	simm.s32 @!p0 $0x1C04  }
0x46a: {  	[timem:s3], [sflag:s2] =	dma.local @!p0 [hbm:s0], s1  }
0x46b: {  	s0 =	simm.s32 @!p0 $0x4  }
0x46c: {  	_ =	swait.ge @!p0 [sflag:s0], s1  }
0x46d: {  	s1 =	ssub.s32 @!p0 $0x0, s1;
	[sflag:s0] =	ssyncset.done @!p0 $0x0  }
0x46e: {  	[sflag:s0] =	ssyncadd.s32 @!p0 s1  }
0x46f: {  	[bflag:$0x3] =	sbarrier.arrive $0xFFFF  }
0x470: {  	_ =	shalt  }

// kernel: sparse-core-data-format-call.cloned.1.call-start
scs
called_computation_lowered:
.L_overlay_start_0:
0x0: {  	s2 =	sld [smem:$0x3FD9]  }
0x1: {  	s3 =	sld [smem:$0x3FFE];
	_ =	sdelay $0x1  }
0x2: {  	s1 =	srdreg.scid  }
0x3: {  	s0 =	sand.u32 $0x1, s1  }
0x4: {  	s18 =	sshll.u32 s0, $0xA;
	s2 =	sadd.s32 s3, s2  }
0x5: {  	s2 =	sadd.s32 s2, s18  }
0x6: {  	[smem:$0x3FC5] =	sst s2  }
0x7: {  	_ = 	snop  }
0x8: {  	s2 =	sld [smem:$0x3FC7];
	(tm) =	ssettm $0x1  }
0x9: {  	s19 =	sld [smem:$0x3FFB];
	_ =	sdelay $0x3  }
0xa: {  	_ =	strace s19  }
0xb: {  	s3 =	sld [smem:$0x3FFC];
	_ =	sdelay $0x3  }
0xc: {  	_ =	strace s3  }
0xd: {  	s3 =	sld [smem:$0x3FFD];
	_ =	sdelay $0x3  }
0xe: {  	_ =	strace s3  }
0xf: {  	_ =	strace $0x8FFFFFFF  }
0x10: {  	s20 =	sld [smem:$0x3FDB];
	_ =	sdelay $0x1  }
0x11: {  	s4 =	simm.s32 $_scs_section_size  }
0x12: {  	s5 =	simm.s32 $_size__tile_overlayer_lowered;
	s6 =	simm.s32 $_tile_overlayer_lowered  }
0x13: {  	s23 =	simm.s32 $0x1BFF;
	s22 =	sshll.u32 s6, $0x1;
	s3 =	sadd.s32 s4, s20  }
0x14: {  	s7 =	simm.s32 $0x0;
	s21 =	sshll.u32 s5, $0x1;
	s5 =	sadd.s32 s22, s3  }
0x15: {  	[timem:s7], [sflag:s23] =	dma.local [hbm:s5], s21  }
0x16: {  	_ =	swait.ge [sflag:s23], s21  }
0x17: {  	s4 =	ssub.s32 $0x0, s21;
	[sflag:s23] =	ssyncset.done $0x0  }
0x18: {  	[sflag:s23] =	ssyncadd.s32 s4;
	_ =	sdelay $0x1  }
0x19: {  	s24 =	simm.s32 $0x1B8B  }
0x1a: {  	_ =	swait.ge [sflag:s24], $0x1  }
0x1b: {  	[sflag:s24] =	ssyncset.done $0x0  }
0x1c: {  	s26 =	simm.s32 $0x1B8E;
	s25 =	sld [smem:$0x3FFE];
	[sflag:s24] =	ssyncadd.s32 $0xFFFFFFFF  }
0x1d: {  	s27 =	simm.s32 $execute0_lowered;
	[smem:$0x3FD2] =	sst s26  }
0x1e: {  	s5 =	sshll.u32 s27, $0x1;
	_ =	strace $0x80000046;
	[dreg:$0x1] =	wrdreg $0xFFFFFFFF  }
0x1f: {  	s28 =	simm.s32 $_size_execute0_lowered;
	s3 =	sadd.s32 s3, s5;
	[dreg:$0x0] =	wrdreg $0x0  }
0x20: {  	s5 =	sshll.u32 s28, $0x1;
	[dreg:$0x2] =	wrdreg s3  }
0x21: {  	[dreg:$0x3] =	wrdreg s5  }
0x22: {  	[dreg:$0x4] =	wrdreg $0xC0  }
0x23: {  	_ =	task [dreg:s7], $0x5FFFF  }
0x24: {  	[dreg:$0x1] =	wrdreg $0xFFFFFFFF  }
0x25: {  	[dreg:$0x0] =	wrdreg $0x60  }
0x26: {  	[dreg:$0x2] =	wrdreg s2  }
0x27: {  	[dreg:$0x3] =	wrdreg s25  }
0x28: {  	[dreg:$0x4] =	wrdreg $0x9  }
0x29: {  	_ =	task.clear_ibuf [dreg:s7], $0x5FFFF;
	_ =	strace $0x90000046  }
0x2a: {  	s29 =	simm.s32 $0x9;
	_ =	strace $0x80000048  }
0x2b: {  	_ =	swait.ge [sflag:s29], $0x1  }
0x2c: {  	[sflag:s29] =	ssyncadd.s32 $0xFFFFFFFF  }
0x2d: {  	_ =	strace $0x90000048  }
0x2e: {  	_ =	sfence  }
0x2f: {  	s30 =	sld [smem:$0x0];
	_ =	sdelay $0x2  }
0x30: {  	s31 =	sshll.u32 s1, $0xD;
	s1 =	sshrl.u32 s1, $0x2  }
0x31: {  	s3 =	sand.u32 $0x4000, s31;
	s1 =	sadd.s32 s1, s30  }
0x32: {  	s0 =	sor.u32 s3, s0;
	s1 =	sshll.u32 s1, $0x11  }
0x33: {  	s0 =	sor.u32 s1, s0  }
0x34: {  	s0 =	sadd.s32 $0x8F2B, s0  }
0x35: {  	[sflag:s0] =	ssyncadd.remote.s32 $0x1  }
0x36: {  	_ =	sfence.sel $0xFFFF  }
0x37: {  	[dreg:$0x0] =	wrdreg $0xFFFFFFFF;
	(pc) =	sbr.abs _section_cstart, $3  }
0x38: {  	[dreg:$0x1] =	wrdreg $0xFFFFFFFF  }
0x39: {  	_ =	task.clear_ibuf [dreg:s7], $0x2FFFF;
	_ =	strace $0x9FFFFFFF  }
0x3a: {  	(tm) =	ssettm $0x7FFFFFFF  }
0x3b: {  	_ =	shalt  }
tec
execute0_lowered:
.L_overlay_start_1:
0x0: {  	(tag) =	ssettag $0x1  }
0x1: {  	s0 =	stileid.u32;
	s7 =	rddreg [dreg:$0x0]  }
0x2: {  	s1 =	srdreg.scid;
	s4 =	rddreg [dreg:$0x1]  }
0x3: {  	s30 =	simm.s32 $0x2;
	s10 =	simm.s32 $0x0;
	s14 =	simm.s32 $0x0  }
0x4: {  	s15 =	simm.s32 $0x0;
	s11 =	simm.s32 $0x0;
	s13 =	simm.s32 $0x0  }
0x5: {  	s2 =	sand.u32 $0x1, s1;
	s3 =	sshll.u32 s0, $0x7;
	s1 =	rddreg [dreg:$0x2]  }
0x6: {  	_ =	strace $0x80000047;
	s5 =	ssub.s32 $0xC300, s3;
	s6 =	ssub.s32 $0x2, s2  }
.Ltmp0:
0x7: {  	s5 =	sshrl.u32 s5, $0xB;
	s8 =	sshrl.u32 s6, $0x1;
	(pc) =	sbr.rel .LBB1_1-.Ltmp0, $4  }
0x8: {  	s4 =	sadd.s32 $0x200, s4;
	s9 =	sadd.s32 $0x1, s5;
	s6 =	ssub.s32 s6, s8  }
0x9: {  	s31 =	sshll.u32 s2, $0x4;
	s5 =	simm.s32 $0x1;
	s6 =	smul.u32 s9, s6  }
0xa: {  	s12 =	smov.u32 s3;
	s7 =	sadd.s32 s7, s31;
	[sflag:s5] =	ssyncpa.u1 $0x0  }
0xb: {  	s9 =	simm.s32 $0x0;
	[sflag:s30] =	ssyncpa.u1 $0x0;
	s8 =	sadd.s32 $0x1, s6  }
.LBB1_4:
0xc: {  	s21 =	simm.s32 $0x0  }
.LBB1_8:
0xd: {  	_ =	sdelay $0x3  }
0xe: {  	v6 =	vld [tilespmem:s18+$0xFFFFFFC0];
	[tilespmem:v0+s20+$0x30 ss:$0x1] =	vst.idx.msk @p0 $0xffff, v2  }
0xf: {  	v58 =	vld [tilespmem:s18+$0xFFFFFFD0];
	[tilespmem:v0+s20+$0x40 ss:$0x1] =	vst.idx.msk @p0 $0xffff, v3;
	s21 =	sadd.s32 @p0 $0x80, s21  }
0x10: {  	v59 =	vld [tilespmem:s18+$0xFFFFFFE0];
	[tilespmem:v0+s20+$0x50 ss:$0x1] =	vst.idx.msk @p0 $0xffff, v5;
	s19 =	smov.u32 @p0 s21  }
0x11: {  	v60 =	vld [tilespmem:s18+$0xFFFFFFF0];
	[tilespmem:v0+s20+$0x60 ss:$0x1] =	vst.idx.msk @p0 $0xffff, v4;
	s19 =	sand.u32 $0x3F80, s19  }
0x12: {  	v61 =	vld [tilespmem:s18+$0x0];
	[tilespmem:v0+s19+$0x70 ss:$0x1] =	vst.idx.msk $0xffff, v1  }
0x13: {  	v62 =	vld [tilespmem:s18+$0x10];
	[tilespmem:v0+s19+$0x0 ss:$0x1] =	vst.idx.msk $0xffff, v6  }
0x14: {  	v63 =	vld [tilespmem:s18+$0x20];
	[tilespmem:v0+s19+$0x10 ss:$0x1] =	vst.idx.msk $0xffff, v58  }
0x15: {  	[tilespmem:v0+s19+$0x20 ss:$0x1] =	vst.idx.msk $0xffff, v59  }
0x16: {  	[tilespmem:v0+s19+$0x30 ss:$0x1] =	vst.idx.msk $0xffff, v60  }
0x17: {  	[tilespmem:v0+s19+$0x40 ss:$0x1] =	vst.idx.msk $0xffff, v61  }
0x18: {  	[tilespmem:v0+s19+$0x50 ss:$0x1] =	vst.idx.msk $0xffff, v62  }
0x19: {  	[tilespmem:v0+s19+$0x60 ss:$0x1] =	vst.idx.msk $0xffff, v63  }
.LBB1_9:
0x1a: {  	s18 =	sand.u32 $0x1FFFFFF, s11  }
0x1b: {  	s19 =	smulhi.u32 $0x14F8B59, s18;
	_ =	sdelay $0x1  }
0x1c: {  	s19 =	sshrl.u32 s19, $0x8  }
0x1d: {  	s19 =	smul.u32 $0xC350, s19  }
0x1e: {  	s15 =	smul.u32 $0xC3500, s15  }
0x1f: {  	s18 =	ssub.s32 s18, s19  }
0x20: {  	s15 =	sadd.s32 s4, s15;
	s18 =	sshll.u32 s18, $0x4  }
0x21: {  	s15 =	sadd.s32 s18, s15  }
0x22: {  	[hbm4b:s15+s9] =	stream.linear.scatter [tilespmem:s17], [sflag:$0x2], s16, $0x38;
	[tilespmem:$0x10000] =	vst v63  }
.LBB1_10:
0x23: {  	p0 =	slt.u32 s13, $0x2  }
0x24: {  	p1 =	sgt.s32 @!p0 s14, $0xC2D0  }
0x25: {  	s15 =	smov.u32 s14;
	s16 =	sshra.s32 @!p0 s14, $0x1F;
	p1 =	por !p1, p0  }
0x26: {  	s14 =	sand.u32 @!p0 s16, s14;
	s15 =	simm.s32 @p1 $0xC2D0  }
0x27: {  	s14 =	ssub.s32 @!p0 s15, s14  }
0x28: {  	s14 =	sadd.s32 @!p0 $0xFFFF3D30, s14  }
0x29: {  	s15 =	sshll.u32 @!p0 s14, $0x7  }
0x2a: {  	p1 =	sgt.s32 @!p0 s14, $0x7F;
	s14 =	ssub.s32 @!p0 $0x4000, s15  }
0x2b: {  	s16 =	sadd.s32 $0x800, s12;
	p1 =	por !p1, p0;
	s14 =	sand.u32 @!p0 $0x3FFFFF80, s14  }
0x2c: {  	s14 =	simm.s32 @!p1 $0x0;
	p1 =	sgt.s32 s16, $0xC34F  }
0x2d: {  	s16 =	smov.u32 @p1 s3;
	p1 =	sne.s32 s13, s8  }
.Ltmp1:
0x2e: {  	_ = 	snop;
	(pc) =	sbr.rel @!p1 .LBB1_11-.Ltmp1, $4  }
0x2f: {  	s10 =	sadd.s32 $0x4000, s10;
	s15 =	simm.s32 @!p0 $0x2  }
0x30: {  	_ =	swait.ge @!p0 [sflag:s15], s14;
	s17 =	ssub.s32 @!p0 $0x0, s14;
	s14 =	smov.u32 s11  }
0x31: {  	s13 =	sadd.s32 $0x1, s13;
	s11 =	smov.u32 s12;
	[sflag:s15] =	ssyncset.done @!p0 $0x0  }
0x32: {  	s12 =	smov.u32 s16;
	[sflag:s15] =	ssyncadd.s32 @!p0 s17;
	s15 =	smov.u32 s2  }
.LBB1_1:
0x33: {  	p0 =	sge.u32 s13, s6  }
0x34: {  	p1 =	sgt.s32 @!p0 s12, $0xC2D0  }
0x35: {  	s16 =	smov.u32 s12;
	s17 =	sshra.s32 @!p0 s12, $0x1F;
	p1 =	por !p1, p0  }
0x36: {  	s17 =	sand.u32 @!p0 s17, s12;
	s16 =	simm.s32 @p1 $0xC2D0  }
0x37: {  	s16 =	ssub.s32 @!p0 s16, s17  }
0x38: {  	s31 =	sadd.s32 $0xFFFFFFFF, s13;
	s18 =	sxor.u32 @!p0 $0xFFFFFFFF, s13;
	s16 =	sadd.s32 @!p0 $0xFFFF3D30, s16  }
0x39: {  	s19 =	simm.s32 @!p0 $0x80;
	s20 =	simm.s32 @!p0 $0x100;
	s17 =	sshll.u32 @!p0 s16, $0x7  }
0x3a: {  	p1 =	sgt.s32 @!p0 s16, $0x7F;
	s16 =	ssub.s32 @!p0 $0x4000, s17;
	s17 =	sshll.u32 @!p0 s18, $0xE  }
0x3b: {  	p1 =	por !p1, p0;
	s18 =	sshll.u32 @!p0 s12, $0x5;
	s16 =	sand.u32 @!p0 $0x3FFFFF80, s16  }
0x3c: {  	s17 =	sand.u32 @!p0 $0x4000, s17;
	s18 =	sadd.s32 @!p0 s18, s7;
	s16 =	simm.s32 @!p1 $0x0  }
0x3d: {  	[tilespmem:s17], [sflag:$0x1] =	stream.strided.gather @!p0 [hbm4b:s18+s19], s16, s20, s19, $0x38;
	[tilespmem:$0x10000] =	vst v63  }
0x3e: {  	p0 =	sge.u32 s31, s6  }
.Ltmp2:
0x3f: {  	_ = 	snop;
	(pc) =	sbr.rel @p0 .LBB1_10-.Ltmp2, $1  }
0x40: {  	_ =	sdelay $0x3  }
0x41: {  	p0 =	sgt.s32 s11, $0xC2D0;
	s16 =	smov.u32 s11;
	s17 =	sshra.s32 s11, $0x1F  }
0x42: {  	s16 =	simm.s32 @!p0 $0xC2D0;
	s17 =	sand.u32 s17, s11  }
0x43: {  	s16 =	ssub.s32 s16, s17  }
0x44: {  	s16 =	sadd.s32 $0xFFFF3D30, s16  }
0x45: {  	s30 =	sshll.u32 s16, $0x7  }
0x46: {  	s17 =	ssub.s32 $0x4000, s30  }
0x47: {  	p0 =	sgt.s32 s16, $0x7F;
	s16 =	sand.u32 $0x3FFFFF80, s17;
	s17 =	sadd.s32 $0x80, s11  }
0x48: {  	s16 =	simm.s32 @p0 $0x0;
	p0 =	slt.s32 s17, $0xC350  }
0x49: {  	s17 =	simm.s32 @!p0 $0xC350  }
0x4a: {  	s20 =	ssub.s32 s17, s11  }
0x4b: {  	p0 =	slt.s32 s20, $0x1  }
.Ltmp3:
0x4c: {  	_ = 	snop;
	(pc) =	sbr.rel @p0 .LBB1_9-.Ltmp3, $4  }
0x4d: {  	_ = 	snop  }
0x4e: {  	s19 =	sshll.u32 s13, $0xE;
	_ =	swait.ge [sflag:s5], s16  }
0x4f: {  	s31 =	sand.u32 $0x4000, s19;
	s18 =	ssub.s32 $0x0, s16;
	[sflag:s5] =	ssyncset.done $0x0  }
0x50: {  	s17 =	sor.u32 $0x8000, s31;
	[sflag:s5] =	ssyncadd.s32 s18  }
0x51: {  	p1 =	sne.s32 s20, $0x1  }
.Ltmp4:
0x52: {  	v0 =	vmov s17;
	(pc) =	sbr.rel @!p1 .LBB1_4-.Ltmp4, $4  }
0x53: {  	_ = 	snop  }
0x54: {  	s18 =	sand.u32 $0x4000, s10  }
0x55: {  	s18 =	sor.u32 $0x40, s18  }
0x56: {  	s19 =	simm.s32 $0x0;
	s21 =	sadd.s32 $0xFFFFFFFF, s20;
	p0 =	por $0x0, $0x0;
	v1 =	vld [tilespmem:s18+$0x30]  }
0x57: {  	v4 =	vld [tilespmem:s18+$0xFFFFFFC0]  }
0x58: {  	v6 =	vld [tilespmem:s18+$0xFFFFFFD0]  }
0x59: {  	v7 =	vld [tilespmem:s18+$0xFFFFFFE0];
	p1 =	sne.s32 s21, $0x1  }
.Ltmp5:
0x5a: {  	v2 =	vld [tilespmem:s18+$0xFFFFFFF0];
	s20 =	sand.u32 $0x3F80, s19;
	(pc) =	sbr.rel @!p1 .LBB1_6-.Ltmp5, $4  }
0x5b: {  	v3 =	vld [tilespmem:s18+$0x0];
	[tilespmem:v0+s20+$0x70 ss:$0x1] =	vst.idx.msk $0xffff, v1  }
0x5c: {  	v5 =	vld [tilespmem:s18+$0x10];
	[tilespmem:v0+s20+$0x0 ss:$0x1] =	vst.idx.msk $0xffff, v4  }
0x5d: {  	v4 =	vld [tilespmem:s18+$0x20];
	[tilespmem:v0+s20+$0x10 ss:$0x1] =	vst.idx.msk $0xffff, v6;
	s18 =	sadd.s32 $0x80, s18  }
0x5e: {  	s22 =	sadd.s32 $0xFFFFFFFF, s21;
	p0 =	por $0x1, $0x1;
	s21 =	simm.s32 $0x0;
	[tilespmem:v0+s20+$0x20 ss:$0x1] =	vst.idx.msk $0xffff, v7;
	v1 =	vld [tilespmem:s18+$0x30]  }
.LBB1_7:
0x5f: {  	p1 =	sne.s32 s22, $0x1;
	v6 =	vld [tilespmem:s18+$0xFFFFFFC0];
	[tilespmem:v0+s20+$0x30 ss:$0x1] =	vst.idx.msk $0xffff, v2  }
0x60: {  	v7 =	vld [tilespmem:s18+$0xFFFFFFD0];
	[tilespmem:v0+s20+$0x40 ss:$0x1] =	vst.idx.msk $0xffff, v3  }
0x61: {  	s21 =	sadd.s32 $0x80, s21;
	v8 =	vld [tilespmem:s18+$0xFFFFFFE0];
	[tilespmem:v0+s20+$0x50 ss:$0x1] =	vst.idx.msk $0xffff, v5  }
.Ltmp6:
0x62: {  	v2 =	vld [tilespmem:s18+$0xFFFFFFF0];
	[tilespmem:v0+s20+$0x60 ss:$0x1] =	vst.idx.msk $0xffff, v4;
	s20 =	sand.u32 $0x3F80, s21;
	(pc) =	sbr.rel @p1 .LBB1_7-.Ltmp6, $4  }
0x63: {  	v3 =	vld [tilespmem:s18+$0x0];
	[tilespmem:v0+s20+$0x70 ss:$0x1] =	vst.idx.msk $0xffff, v1  }
0x64: {  	[tilespmem:v0+s20+$0x0 ss:$0x1] =	vst.idx.msk $0xffff, v6;
	v5 =	vld [tilespmem:s18+$0x10]  }
0x65: {  	[tilespmem:v0+s20+$0x10 ss:$0x1] =	vst.idx.msk $0xffff, v7;
	v4 =	vld [tilespmem:s18+$0x20];
	s18 =	sadd.s32 $0x80, s18  }
0x66: {  	s22 =	sadd.s32 $0xFFFFFFFF, s22;
	v1 =	vld [tilespmem:s18+$0x30];
	[tilespmem:v0+s20+$0x20 ss:$0x1] =	vst.idx.msk $0xffff, v8  }
.Ltmp7:
0x67: {  	_ = 	snop;
	(pc) =	sbr.rel .LBB1_8-.Ltmp7, $1  }
0x68: {  	_ =	sdelay $0x3  }
.LBB1_6:
.Ltmp8:
0x69: {  	(pc) =	sbr.rel .LBB1_8-.Ltmp8, $2  }
0x6a: {  	_ =	sdelay $0x2  }
0x6b: {  	s21 =	simm.s32 $0x0  }
.LBB1_11:
0x6c: {  	_ =	sfence.sel $0x180000  }
0x6d: {  	s2 =	simm.s32 $0x1;
	[bflag:$0x0] =	sbarrier.arrive $0xFFFF  }
0x6e: {  	s31 =	simm.s32 $0x2;
	[sflag:s2] =	ssyncpa.u1 $0x1  }
0x6f: {  	[sflag:s31] =	ssyncpa.u1 $0x1  }
0x70: {  	p0 =	sne.s32 s0, $0x0;
	_ =	strace $0x90000047  }
0x71: {  	s0 =	sadd.s32 @!p0 $0x100000, s1;
	[bflag:$0x2] =	sbarrier.arrive $0xFFFF  }
0x72: {  	[sflag:s0] =	ssyncadd.tile.s32 @!p0 $0x1;
	_ =	shalt  }
.Lfunc_end1:
_tile_overlayer_lowered:
.L_overlay_start_2:
0x73: {  	(tag) =	ssettag $0x2  }
0x74: {  	s0 =	rddreg [dreg:$0x0];
	s2 =	stileid.u32  }
0x75: {  	s1 =	rddreg [dreg:$0x1];
	p0 =	sne.s32 s2, $0x0  }
0x76: {  	s3 =	rddreg [dreg:$0x2];
	[bflag:$0x3] =	sbarrier.arrive $0xFFFF;
	s2 =	simm.s32 @!p0 $0x1C01  }
0x77: {  	[timem:s3], [sflag:s2] =	dma.local @!p0 [hbm:s0], s1  }
0x78: {  	s0 =	simm.s32 @!p0 $0x1  }
0x79: {  	_ =	swait.ge @!p0 [sflag:s0], s1  }
0x7a: {  	s1 =	ssub.s32 @!p0 $0x0, s1;
	[sflag:s0] =	ssyncset.done @!p0 $0x0  }
0x7b: {  	[sflag:s0] =	ssyncadd.s32 @!p0 s1  }
0x7c: {  	[bflag:$0x3] =	sbarrier.arrive $0xFFFF  }
0x7d: {  	_ =	shalt  }

</sc_bundles>
